<compile_context>
chip_gen: v7x
topology: tpu7x:2x2x1
jax: 0.10.2.dev20260603
libtpu: 0.0.44.dev20260713+nightly
codegen_flags: <defaults>
</compile_context>

<pallas_src>
import functools

import jax
import jax.numpy as jnp
from jax import lax
from jax.experimental import pallas as pl
from jax.experimental.pallas import tpu as pltpu
from jax.experimental.pallas import tpu_sc as plsc

B, L, K, H, S, V, TG = 8, 2048, 512, 128, 8, 100000, 64
NT = B * L
NPAIR = B * S
_LANES = 16

_NC = 2
_NS = 16
_NW = _NC * _NS



_GCH = 128


def _make_sc_gather(nt):
    tok_per_w = nt // _NW
    ngch = tok_per_w // _GCH

    def body(embed_hbm, hist_hbm, post_hbm, auth_hbm, act_hbm,
             x0, x1, x2, x3, idx_v, rows_v, sem0, sem1, sem2, sem3):
        sems = (sem0, sem1, sem2, sem3)
        nbuf = len(sems)
        wid = lax.axis_index("s") * _NC + lax.axis_index("c")
        base = wid * tok_per_w
        srcs = ((hist_hbm, x0), (post_hbm, x1), (auth_hbm, x2), (act_hbm, x3))
        for t, (idx_hbm, _) in enumerate(srcs):
            pltpu.sync_copy(idx_hbm.at[pl.ds(base, tok_per_w)], idx_v.at[t])
        jobs = [(t, c) for t in range(len(srcs)) for c in range(ngch)]

        def fire(i):
            t, c = jobs[i]
            pltpu.async_copy(
                embed_hbm.at[idx_v.at[t, pl.ds(c * _GCH, _GCH)]],
                rows_v.at[i % nbuf], sems[i % nbuf])

        def drain(i):
            t, c = jobs[i]
            pltpu.make_async_copy(
                embed_hbm.at[idx_v.at[t, pl.ds(c * _GCH, _GCH)]],
                rows_v.at[i % nbuf], sems[i % nbuf]).wait()
            pltpu.sync_copy(rows_v.at[i % nbuf],
                            srcs[t][1].at[pl.ds(base + c * _GCH, _GCH)])

        for i in range(nbuf - 1):
            fire(i)
        for i in range(len(jobs)):
            if i + nbuf - 1 < len(jobs):
                fire(i + nbuf - 1)
            drain(i)

    mesh = plsc.VectorSubcoreMesh(core_axis_name="c", subcore_axis_name="s")
    xt = jax.ShapeDtypeStruct((nt, H), jnp.float32)
    return functools.partial(
        pl.kernel, mesh=mesh,
        out_type=[xt, xt, xt, xt],
        compiler_params=pltpu.CompilerParams(needs_layout_passes=False),
        scratch_types=[
            pltpu.VMEM((4, tok_per_w), jnp.int32),
            pltpu.VMEM((4, _GCH, H), jnp.float32),
            pltpu.SemaphoreType.DMA,
            pltpu.SemaphoreType.DMA,
            pltpu.SemaphoreType.DMA,
            pltpu.SemaphoreType.DMA,
        ],
    )(body)



_BT = 2048


def _tc_mlp_body(x0, x1, x2, x3, gap, tgp, gamma, beta, w1, b1, w2, b2, out):
    oh = jnp.where(gap[...] == lax.broadcasted_iota(jnp.int32, (_BT, H), 1),
                   1.0, 0.0)
    x4 = jnp.dot(oh, tgp[...], preferred_element_type=jnp.float32,
                 precision=lax.Precision.HIGHEST)
    x = jnp.concatenate(
        [x0[...], x1[...], x2[...], x3[...], x4], axis=1)
    mu = jnp.mean(x, axis=-1, keepdims=True)
    var = jnp.mean((x - mu) ** 2, axis=-1, keepdims=True)
    xn = (x - mu) * lax.rsqrt(var + 1e-5) * gamma[...] + beta[...]
    h1 = jnp.dot(xn, w1[...], preferred_element_type=jnp.float32) + b1[...]
    h1 = h1 * jax.nn.sigmoid(h1)
    ev = jnp.dot(h1, w2[...], preferred_element_type=jnp.float32) + b2[...]
    out[...] = ev


def _tc_mlp(xs, gap2d, tgpad, ln_gamma, ln_beta, W1, b1, W2, b2, nt=NT):
    D5 = 5 * H
    D4 = 4 * H
    grid = (nt // _BT,)
    xspec = pl.BlockSpec((_BT, H), lambda i: (i, 0))

    def full(shape):
        return pl.BlockSpec(shape, lambda i: tuple(0 for _ in shape))

    return pl.pallas_call(
        _tc_mlp_body,
        grid=grid,
        in_specs=[xspec] * 4 + [pl.BlockSpec((_BT, 1), lambda i: (i, 0)),
                                full((H, H)), full((1, D5)), full((1, D5)),
                                full((D5, D4)), full((1, D4)),
                                full((D4, H)), full((1, H))],
        out_specs=pl.BlockSpec((_BT, H), lambda i: (i, 0)),
        out_shape=jax.ShapeDtypeStruct((nt, H), jnp.float32),
    )(*xs, gap2d, tgpad, ln_gamma.reshape(1, D5), ln_beta.reshape(1, D5),
      W1, b1.reshape(1, D4), W2, b2.reshape(1, H))



_PCH = 128
_NPCH = K // _PCH
_NVL = L // _LANES
_PAIRS_PER_W = NPAIR // _NW


def _sc_pack_body(gid_hbm, msk_hbm, event_hbm, emp_hbm,
                  states_hbm, mout_hbm,
                  ids_v, msk_v, idxl_v, chunk_v, emp_v, mko_v, sem):
    wid = lax.axis_index("s") * _NC + lax.axis_index("c")
    iota = lax.iota(jnp.int32, _LANES)
    zero16 = jnp.zeros((_LANES,), jnp.int32)

    for p in range(_PAIRS_PER_W):
        pair = wid + p * _NW
        b = pair // S
        s = pair % S
        pltpu.sync_copy(gid_hbm.at[b], ids_v)
        pltpu.sync_copy(msk_hbm.at[b], msk_v)
        pltpu.sync_copy(emp_hbm.at[s], emp_v)

        sval = s + 1

        def count_body(j, c):
            ids16 = ids_v[pl.ds(j * _LANES, _LANES)]
            mk16 = msk_v[pl.ds(j * _LANES, _LANES)]
            m = (ids16 == sval) & (mk16 != 0)
            return c + jnp.sum(jnp.where(m, 1, 0))

        count = lax.fori_loop(0, _NVL, count_body, jnp.int32(0), unroll=4)
        start = jnp.maximum(count - K, 0)
        n = count - start

        def zidx_body(j, _):
            idxl_v[pl.ds(j * _LANES, _LANES)] = j * _LANES + iota
            return 0

        lax.fori_loop(0, K // _LANES, zidx_body, 0)

        def rank_body(j, c):
            ids16 = ids_v[pl.ds(j * _LANES, _LANES)]
            mk16 = msk_v[pl.ds(j * _LANES, _LANES)]
            m = (ids16 == sval) & (mk16 != 0)
            mi = jnp.where(m, 1, 0)
            rank = plsc.cumsum(mi) + c - 1
            slot = rank - start
            wm = m & (slot >= 0)
            slot_c = jnp.maximum(slot, 0)
            gidx = b * L + j * _LANES + iota
            plsc.store_scatter(idxl_v, [slot_c], gidx, mask=wm)
            return c + jnp.sum(mi)

        lax.fori_loop(0, _NVL, rank_body, jnp.int32(0), unroll=2)

        for c4 in range(_NPCH):
            k0 = c4 * _PCH

            @pl.when(k0 < n)
            def _(c4=c4, k0=k0):
                pltpu.async_copy(event_hbm.at[idxl_v.at[pl.ds(k0, _PCH)]],
                                 chunk_v.at[c4], sem)

        for c4 in range(_NPCH):
            k0 = c4 * _PCH

            @pl.when(k0 < n)
            def _(c4=c4, k0=k0):
                pltpu.make_async_copy(
                    event_hbm.at[idxl_v.at[pl.ds(k0, _PCH)]],
                    chunk_v.at[c4], sem).wait()

            if c4 == 0:
                @pl.when(n == 0)
                def _():
                    for j2 in range(H // _LANES):
                        sl = pl.ds(j2 * _LANES, _LANES)
                        chunk_v[0, 0, sl] = emp_v[sl]

                pltpu.sync_copy(chunk_v.at[0],
                                states_hbm.at[pl.ds(pair * K, _PCH)])
            else:
                @pl.when(k0 < n)
                def _(c4=c4, k0=k0):
                    pltpu.sync_copy(chunk_v.at[c4],
                                    states_hbm.at[pl.ds(pair * K + k0, _PCH)])

        def mk_body(j, _):
            k16 = j * _LANES + iota
            mv = (k16 < n) | ((k16 == 0) & (n == 0))
            mko_v[pl.ds(j * _LANES, _LANES)] = jnp.where(mv, 1, 0)
            return 0

        lax.fori_loop(0, K // _LANES, mk_body, 0)
        pltpu.sync_copy(mko_v, mout_hbm.at[pair])


def _sc_pack(gid, maskI, event, empty_tokens):
    mesh = plsc.VectorSubcoreMesh(core_axis_name="c", subcore_axis_name="s")
    fn = functools.partial(
        pl.kernel, mesh=mesh,
        out_type=[jax.ShapeDtypeStruct((NPAIR * K, H), jnp.float32),
                  jax.ShapeDtypeStruct((NPAIR, K), jnp.int32)],
        compiler_params=pltpu.CompilerParams(needs_layout_passes=False),
        scratch_types=[
            pltpu.VMEM((L,), jnp.int32),
            pltpu.VMEM((L,), jnp.int32),
            pltpu.VMEM((K,), jnp.int32),
            pltpu.VMEM((_NPCH, _PCH, H), jnp.float32),
            pltpu.VMEM((H,), jnp.float32),
            pltpu.VMEM((K,), jnp.int32),
            pltpu.SemaphoreType.DMA,
        ],
    )(_sc_pack_body)
    return fn(gid, maskI, event, empty_tokens)




def _tc_final_body(raw, maskf, pos, sid, out):
    x = raw[0]
    m = maskf[0]
    val = x + pos[...][None, :, :] + sid[...][:, None, :]
    out[0] = jnp.where(m > 0.0, val, 0.0)


def _tc_final(raw, maskf, pos_table, sid_rows):
    return pl.pallas_call(
        _tc_final_body,
        grid=(B,),
        in_specs=[
            pl.BlockSpec((1, S, K, H), lambda i: (i, 0, 0, 0)),
            pl.BlockSpec((1, S, K, 1), lambda i: (i, 0, 0, 0)),
            pl.BlockSpec((K, H), lambda i: (0, 0)),
            pl.BlockSpec((S, H), lambda i: (0, 0)),
        ],
        out_specs=pl.BlockSpec((1, S, K, H), lambda i: (i, 0, 0, 0)),
        out_shape=jax.ShapeDtypeStruct((B, S, K, H), jnp.float32),
    )(raw, maskf, pos_table, sid_rows)



def kernel(history_tokens, history_post_tokens, history_author_tokens,
           history_action_tokens, history_time_gap, history_group_ids,
           history_mask, embed_table, time_gap_table, seq_id_table, pos_table,
           ln_gamma, ln_beta, W1, b1, W2, b2, empty_tokens):
    hist = history_tokens.reshape(NT).astype(jnp.int32)
    post = history_post_tokens.reshape(NT).astype(jnp.int32)
    auth = history_author_tokens.reshape(NT).astype(jnp.int32)
    act = history_action_tokens.reshape(NT).astype(jnp.int32)
    gap = history_time_gap.reshape(NT).astype(jnp.int32)
    gid = history_group_ids.astype(jnp.int32)
    maskI = history_mask.astype(jnp.int32)

    tgpad = jnp.zeros((H, H), jnp.float32).at[:TG + 1].set(time_gap_table)
    xs = _make_sc_gather(NT)(embed_table, hist, post, auth, act)
    event = _tc_mlp(xs, gap.reshape(NT, 1), tgpad,
                    ln_gamma, ln_beta, W1, b1, W2, b2)
    sid_rows = seq_id_table[1:S + 1]
    raw, mout = _sc_pack(gid, maskI, event, empty_tokens)
    maskf = mout.astype(jnp.float32).reshape(B, S, K, 1)
    states = _tc_final(raw.reshape(B, S, K, H), maskf, pos_table, sid_rows)
    seq_mask = (mout != 0).reshape(B, S, K)
    return states, seq_mask

# --- scband reference (transcript-rebuilt; emitter-appended) ---
"""Pipeline reference for scband-multi-sequence-event-tokenizer-15410342658357 (READ-ONLY COPY).

The authoritative reference and input builder live on the scoring server;
editing this copy changes nothing except your own understanding.
"""

import jax, jax.numpy as jnp
import numpy as np

B, L, K, H, S, V, TG = 8, 2048, 512, 128, 8, 100000, 64


def setup_inputs(seed: int = 0) -> dict:
    key = jax.random.key(seed)
    ks = jax.random.split(key, 16)
    inp = {}
    inp["history_tokens"] = jax.random.randint(ks[0], (B, L), 0, V)
    inp["history_post_tokens"] = jax.random.randint(ks[1], (B, L), 0, V)
    inp["history_author_tokens"] = jax.random.randint(ks[2], (B, L), 0, V)
    inp["history_action_tokens"] = jax.random.randint(ks[3], (B, L), 0, V)
    inp["history_time_gap"] = jax.random.randint(ks[4], (B, L), 0, TG + 1)
    inp["history_group_ids"] = jax.random.randint(ks[5], (B, L), 0, S + 1)
    inp["history_mask"] = jax.random.randint(ks[6], (B, L), 0, 2).astype(bool)
    inp["embed_table"] = jax.random.normal(ks[7], (V, H), jnp.float32) * 0.02
    tg = jax.random.normal(ks[8], (TG + 1, H), jnp.float32) * 0.02
    inp["time_gap_table"] = tg.at[0].set(0.0)
    inp["seq_id_table"] = jax.random.normal(ks[9], (S + 1, H), jnp.float32) * 0.02
    inp["pos_table"] = jax.random.normal(ks[10], (K, H), jnp.float32) * 0.02
    inp["ln_gamma"] = jnp.ones((5 * H,), jnp.float32)
    inp["ln_beta"] = jnp.zeros((5 * H,), jnp.float32)
    inp["W1"] = jax.random.normal(ks[11], (5 * H, 4 * H), jnp.float32) * (1.0 / np.sqrt(5 * H))
    inp["b1"] = jnp.zeros((4 * H,), jnp.float32)
    inp["W2"] = jax.random.normal(ks[12], (4 * H, H), jnp.float32) * (1.0 / np.sqrt(4 * H))
    inp["b2"] = jnp.zeros((H,), jnp.float32)
    inp["empty_tokens"] = jax.random.normal(ks[13], (S, H), jnp.float32) * 0.02
    return inp


def _forward(history_tokens, history_post_tokens, history_author_tokens, history_action_tokens,
             history_time_gap, history_group_ids, history_mask,
             embed_table, time_gap_table, seq_id_table, pos_table,
             ln_gamma, ln_beta, W1, b1, W2, b2, empty_tokens):
    h_hist = jnp.take(embed_table, history_tokens, axis=0)
    h_post = jnp.take(embed_table, history_post_tokens, axis=0)
    h_auth = jnp.take(embed_table, history_author_tokens, axis=0)
    h_act = jnp.take(embed_table, history_action_tokens, axis=0)
    gap_idx = jnp.clip(history_time_gap, 0, TG)
    h_gap = jnp.take(time_gap_table, gap_idx, axis=0)
    x = jnp.concatenate([h_hist, h_post, h_auth, h_act, h_gap], axis=-1)
    mu = jnp.mean(x, axis=-1, keepdims=True)
    var = jnp.mean((x - mu) ** 2, axis=-1, keepdims=True)
    xn = (x - mu) / jnp.sqrt(var + 1e-5) * ln_gamma + ln_beta
    h1 = xn @ W1 + b1
    h1 = h1 * jax.nn.sigmoid(h1)  # SiLU; dropout is identity in eval
    event = h1 @ W2 + b2  # [B, L, H]
    # pack last-K valid events per (batch, sequence) -- static-shape version of the torch loops
    seq_ids = jnp.arange(1, S + 1)
    valid = history_mask[:, None, :] & (history_group_ids[:, None, :] == seq_ids[None, :, None])  # [B,S,L]
    cum = jnp.cumsum(valid.astype(jnp.int32), axis=-1)
    count = cum[:, :, -1]  # [B,S]
    rank = cum - 1
    start = jnp.maximum(count - K, 0)
    slot = rank - start[:, :, None]
    take = valid & (slot >= 0) & (slot < K)
    slot_c = jnp.where(take, slot, K)  # dump slot K for untaken entries
    b_idx = jnp.broadcast_to(jnp.arange(B)[:, None, None], (B, S, L))
    s_idx = jnp.broadcast_to(jnp.arange(S)[None, :, None], (B, S, L))
    ev_b = jnp.broadcast_to(event[:, None, :, :], (B, S, L, H))
    buf = jnp.zeros((B, S, K + 1, H), event.dtype)
    buf = buf.at[b_idx, s_idx, slot_c].set(ev_b)
    states = buf[:, :, :K, :]
    mbuf = jnp.zeros((B, S, K + 1), bool)
    mbuf = mbuf.at[b_idx, s_idx, slot_c].set(take)
    seq_mask = mbuf[:, :, :K]
    empty = count == 0
    row0 = jnp.where(empty[:, :, None], empty_tokens[None, :, :], states[:, :, 0, :])
    states = states.at[:, :, 0, :].set(row0)
    seq_mask = seq_mask.at[:, :, 0].set(seq_mask[:, :, 0] | empty)
    pos = pos_table[None, None, :, :]
    sid = jnp.take(seq_id_table, seq_ids, axis=0)[None, :, None, :]
    states = (states + pos + sid) * seq_mask[..., None].astype(states.dtype)
    return states, seq_mask


def reference(history_tokens, history_post_tokens, history_author_tokens, history_action_tokens,
              history_time_gap, history_group_ids, history_mask,
              embed_table, time_gap_table, seq_id_table, pos_table,
              ln_gamma, ln_beta, W1, b1, W2, b2, empty_tokens):
    return _forward(history_tokens, history_post_tokens, history_author_tokens, history_action_tokens,
                    history_time_gap, history_group_ids, history_mask,
                    embed_table, time_gap_table, seq_id_table, pos_table,
                    ln_gamma, ln_beta, W1, b1, W2, b2, empty_tokens)

if __name__ == "__main__":
    import jax
    _d = setup_inputs()
    print(jax.jit(kernel)(*tuple(_d.values())))

</pallas_src>

<mosaic_0001>
#map = affine_map<(d0, d1) -> (0, 0)>
#map1 = affine_map<(d0, d1) -> (0)>
module attributes {stable_mosaic.version = 14 : i64} {
  func.func @body(%arg0: i32, %arg1: i32, %arg2: memref<100000x128xf32, #tpu.memory_space<hbm>>, %arg3: memref<16384xi32, #tpu.memory_space<hbm>>, %arg4: memref<16384xi32, #tpu.memory_space<hbm>>, %arg5: memref<16384xi32, #tpu.memory_space<hbm>>, %arg6: memref<16384xi32, #tpu.memory_space<hbm>>, %arg7: memref<16384x128xf32, #tpu.memory_space<hbm>>, %arg8: memref<16384x128xf32, #tpu.memory_space<hbm>>, %arg9: memref<16384x128xf32, #tpu.memory_space<hbm>>, %arg10: memref<16384x128xf32, #tpu.memory_space<hbm>>, %arg11: memref<4x512xi32, #tpu.memory_space<vmem>>, %arg12: memref<4x128x128xf32, #tpu.memory_space<vmem>>, %arg13: memref<!tpu.dma_semaphore, #tpu.memory_space<semaphore_mem>>, %arg14: memref<!tpu.dma_semaphore, #tpu.memory_space<semaphore_mem>>, %arg15: memref<!tpu.dma_semaphore, #tpu.memory_space<semaphore_mem>>, %arg16: memref<!tpu.dma_semaphore, #tpu.memory_space<semaphore_mem>>) attributes {dimension_semantics = [#tpu.dimension_semantics<core_parallel>, #tpu.dimension_semantics<subcore_parallel>], iteration_bounds = array<i64: 2, 16>, scalar_prefetch = 0 : i64, scratch_operands = 6 : i64, tpu.core_type = #tpu.core_type<sc_vector_subcore>, window_params = [{transform_indices = #map}, {transform_indices = #map1}, {transform_indices = #map1}, {transform_indices = #map1}, {transform_indices = #map1}, {transform_indices = #map}, {transform_indices = #map}, {transform_indices = #map}, {transform_indices = #map}]} {
    %mul3A = arith.constant 2 : i32
    %mul3A_0 = arith.muli %arg1, %mul3A : i32
    %add3A = arith.addi %mul3A_0, %arg0 : i32
    %mul3A_1 = arith.constant 512 : i32
    %mul3A_2 = arith.muli %add3A, %mul3A_1 : i32
    %run_scoped3A = arith.constant 0 : i32
    "tpu.region"() ({
      %run_scoped3A_436 = tpu.sem_alloc : memref<!tpu.dma_semaphore, #tpu.memory_space<semaphore_mem>>
      %dma_start3A_437 = arith.constant 0 : i32
      %dma_start3A_438 = tpu.memref_slice %arg11[%run_scoped3A, %dma_start3A_437] : memref<4x512xi32, #tpu.memory_space<vmem>> -> memref<1x512xi32, #tpu.memory_space<vmem>>
      %dma_start3A_439 = tpu.memref_squeeze %dma_start3A_438 : memref<1x512xi32, #tpu.memory_space<vmem>> -> memref<512xi32, #tpu.memory_space<vmem>>
      %dma_start3A_440 = tpu.memref_slice %arg3[%mul3A_2] : memref<16384xi32, #tpu.memory_space<hbm>> -> memref<512xi32, #tpu.memory_space<hbm>>
      %dma_start3A_441 = arith.constant 0 : i32
      %dma_start3A_442 = tpu.memref_slice %arg11[%run_scoped3A, %dma_start3A_441] : memref<4x512xi32, #tpu.memory_space<vmem>> -> memref<1x512xi32, #tpu.memory_space<vmem>>
      %dma_start3A_443 = tpu.memref_squeeze %dma_start3A_442 : memref<1x512xi32, #tpu.memory_space<vmem>> -> memref<512xi32, #tpu.memory_space<vmem>>
      %dma_start3A_444 = tpu.memref_slice %arg3[%mul3A_2] : memref<16384xi32, #tpu.memory_space<hbm>> -> memref<512xi32, #tpu.memory_space<hbm>>
      tpu.enqueue_dma source(%dma_start3A_444 : memref<512xi32, #tpu.memory_space<hbm>>) target(%dma_start3A_443 : memref<512xi32, #tpu.memory_space<vmem>>) target_semaphore(%run_scoped3A_436 : memref<!tpu.dma_semaphore, #tpu.memory_space<semaphore_mem>>)
      %dma_wait3A_445 = arith.constant 0 : i32
      %dma_wait3A_446 = tpu.memref_slice %arg11[%run_scoped3A, %dma_wait3A_445] : memref<4x512xi32, #tpu.memory_space<vmem>> -> memref<1x512xi32, #tpu.memory_space<vmem>>
      %dma_wait3A_447 = tpu.memref_squeeze %dma_wait3A_446 : memref<1x512xi32, #tpu.memory_space<vmem>> -> memref<512xi32, #tpu.memory_space<vmem>>
      %dma_wait3A_448 = tpu.memref_slice %arg3[%mul3A_2] : memref<16384xi32, #tpu.memory_space<hbm>> -> memref<512xi32, #tpu.memory_space<hbm>>
      %dma_wait3A_449 = arith.constant 0 : i32
      %dma_wait3A_450 = tpu.memref_slice %arg11[%run_scoped3A, %dma_wait3A_449] : memref<4x512xi32, #tpu.memory_space<vmem>> -> memref<1x512xi32, #tpu.memory_space<vmem>>
      %dma_wait3A_451 = tpu.memref_squeeze %dma_wait3A_450 : memref<1x512xi32, #tpu.memory_space<vmem>> -> memref<512xi32, #tpu.memory_space<vmem>>
      %dma_wait3A_452 = tpu.memref_slice %arg3[%mul3A_2] : memref<16384xi32, #tpu.memory_space<hbm>> -> memref<512xi32, #tpu.memory_space<hbm>>
      tpu.wait_dma2 semaphore(%run_scoped3A_436 : memref<!tpu.dma_semaphore, #tpu.memory_space<semaphore_mem>>) src(%dma_wait3A_452 : memref<512xi32, #tpu.memory_space<hbm>>) dst(%dma_wait3A_451 : memref<512xi32, #tpu.memory_space<vmem>>)
      tpu.yield
    }) : () -> ()
    %run_scoped3A_3 = arith.constant 1 : i32
    "tpu.region"() ({
      %run_scoped3A_436 = tpu.sem_alloc : memref<!tpu.dma_semaphore, #tpu.memory_space<semaphore_mem>>
      %dma_start3A_437 = arith.constant 0 : i32
      %dma_start3A_438 = tpu.memref_slice %arg11[%run_scoped3A_3, %dma_start3A_437] : memref<4x512xi32, #tpu.memory_space<vmem>> -> memref<1x512xi32, #tpu.memory_space<vmem>>
      %dma_start3A_439 = tpu.memref_squeeze %dma_start3A_438 : memref<1x512xi32, #tpu.memory_space<vmem>> -> memref<512xi32, #tpu.memory_space<vmem>>
      %dma_start3A_440 = tpu.memref_slice %arg4[%mul3A_2] : memref<16384xi32, #tpu.memory_space<hbm>> -> memref<512xi32, #tpu.memory_space<hbm>>
      %dma_start3A_441 = arith.constant 0 : i32
      %dma_start3A_442 = tpu.memref_slice %arg11[%run_scoped3A_3, %dma_start3A_441] : memref<4x512xi32, #tpu.memory_space<vmem>> -> memref<1x512xi32, #tpu.memory_space<vmem>>
      %dma_start3A_443 = tpu.memref_squeeze %dma_start3A_442 : memref<1x512xi32, #tpu.memory_space<vmem>> -> memref<512xi32, #tpu.memory_space<vmem>>
      %dma_start3A_444 = tpu.memref_slice %arg4[%mul3A_2] : memref<16384xi32, #tpu.memory_space<hbm>> -> memref<512xi32, #tpu.memory_space<hbm>>
      tpu.enqueue_dma source(%dma_start3A_444 : memref<512xi32, #tpu.memory_space<hbm>>) target(%dma_start3A_443 : memref<512xi32, #tpu.memory_space<vmem>>) target_semaphore(%run_scoped3A_436 : memref<!tpu.dma_semaphore, #tpu.memory_space<semaphore_mem>>)
      %dma_wait3A_445 = arith.constant 0 : i32
      %dma_wait3A_446 = tpu.memref_slice %arg11[%run_scoped3A_3, %dma_wait3A_445] : memref<4x512xi32, #tpu.memory_space<vmem>> -> memref<1x512xi32, #tpu.memory_space<vmem>>
      %dma_wait3A_447 = tpu.memref_squeeze %dma_wait3A_446 : memref<1x512xi32, #tpu.memory_space<vmem>> -> memref<512xi32, #tpu.memory_space<vmem>>
      %dma_wait3A_448 = tpu.memref_slice %arg4[%mul3A_2] : memref<16384xi32, #tpu.memory_space<hbm>> -> memref<512xi32, #tpu.memory_space<hbm>>
      %dma_wait3A_449 = arith.constant 0 : i32
      %dma_wait3A_450 = tpu.memref_slice %arg11[%run_scoped3A_3, %dma_wait3A_449] : memref<4x512xi32, #tpu.memory_space<vmem>> -> memref<1x512xi32, #tpu.memory_space<vmem>>
      %dma_wait3A_451 = tpu.memref_squeeze %dma_wait3A_450 : memref<1x512xi32, #tpu.memory_space<vmem>> -> memref<512xi32, #tpu.memory_space<vmem>>
      %dma_wait3A_452 = tpu.memref_slice %arg4[%mul3A_2] : memref<16384xi32, #tpu.memory_space<hbm>> -> memref<512xi32, #tpu.memory_space<hbm>>
      tpu.wait_dma2 semaphore(%run_scoped3A_436 : memref<!tpu.dma_semaphore, #tpu.memory_space<semaphore_mem>>) src(%dma_wait3A_452 : memref<512xi32, #tpu.memory_space<hbm>>) dst(%dma_wait3A_451 : memref<512xi32, #tpu.memory_space<vmem>>)
      tpu.yield
    }) : () -> ()
    %run_scoped3A_4 = arith.constant 2 : i32
    "tpu.region"() ({
      %run_scoped3A_436 = tpu.sem_alloc : memref<!tpu.dma_semaphore, #tpu.memory_space<semaphore_mem>>
      %dma_start3A_437 = arith.constant 0 : i32
      %dma_start3A_438 = tpu.memref_slice %arg11[%run_scoped3A_4, %dma_start3A_437] : memref<4x512xi32, #tpu.memory_space<vmem>> -> memref<1x512xi32, #tpu.memory_space<vmem>>
      %dma_start3A_439 = tpu.memref_squeeze %dma_start3A_438 : memref<1x512xi32, #tpu.memory_space<vmem>> -> memref<512xi32, #tpu.memory_space<vmem>>
      %dma_start3A_440 = tpu.memref_slice %arg5[%mul3A_2] : memref<16384xi32, #tpu.memory_space<hbm>> -> memref<512xi32, #tpu.memory_space<hbm>>
      %dma_start3A_441 = arith.constant 0 : i32
      %dma_start3A_442 = tpu.memref_slice %arg11[%run_scoped3A_4, %dma_start3A_441] : memref<4x512xi32, #tpu.memory_space<vmem>> -> memref<1x512xi32, #tpu.memory_space<vmem>>
      %dma_start3A_443 = tpu.memref_squeeze %dma_start3A_442 : memref<1x512xi32, #tpu.memory_space<vmem>> -> memref<512xi32, #tpu.memory_space<vmem>>
      %dma_start3A_444 = tpu.memref_slice %arg5[%mul3A_2] : memref<16384xi32, #tpu.memory_space<hbm>> -> memref<512xi32, #tpu.memory_space<hbm>>
      tpu.enqueue_dma source(%dma_start3A_444 : memref<512xi32, #tpu.memory_space<hbm>>) target(%dma_start3A_443 : memref<512xi32, #tpu.memory_space<vmem>>) target_semaphore(%run_scoped3A_436 : memref<!tpu.dma_semaphore, #tpu.memory_space<semaphore_mem>>)
      %dma_wait3A_445 = arith.constant 0 : i32
      %dma_wait3A_446 = tpu.memref_slice %arg11[%run_scoped3A_4, %dma_wait3A_445] : memref<4x512xi32, #tpu.memory_space<vmem>> -> memref<1x512xi32, #tpu.memory_space<vmem>>
      %dma_wait3A_447 = tpu.memref_squeeze %dma_wait3A_446 : memref<1x512xi32, #tpu.memory_space<vmem>> -> memref<512xi32, #tpu.memory_space<vmem>>
      %dma_wait3A_448 = tpu.memref_slice %arg5[%mul3A_2] : memref<16384xi32, #tpu.memory_space<hbm>> -> memref<512xi32, #tpu.memory_space<hbm>>
      %dma_wait3A_449 = arith.constant 0 : i32
      %dma_wait3A_450 = tpu.memref_slice %arg11[%run_scoped3A_4, %dma_wait3A_449] : memref<4x512xi32, #tpu.memory_space<vmem>> -> memref<1x512xi32, #tpu.memory_space<vmem>>
      %dma_wait3A_451 = tpu.memref_squeeze %dma_wait3A_450 : memref<1x512xi32, #tpu.memory_space<vmem>> -> memref<512xi32, #tpu.memory_space<vmem>>
      %dma_wait3A_452 = tpu.memref_slice %arg5[%mul3A_2] : memref<16384xi32, #tpu.memory_space<hbm>> -> memref<512xi32, #tpu.memory_space<hbm>>
      tpu.wait_dma2 semaphore(%run_scoped3A_436 : memref<!tpu.dma_semaphore, #tpu.memory_space<semaphore_mem>>) src(%dma_wait3A_452 : memref<512xi32, #tpu.memory_space<hbm>>) dst(%dma_wait3A_451 : memref<512xi32, #tpu.memory_space<vmem>>)
      tpu.yield
    }) : () -> ()
    %run_scoped3A_5 = arith.constant 3 : i32
    "tpu.region"() ({
      %run_scoped3A_436 = tpu.sem_alloc : memref<!tpu.dma_semaphore, #tpu.memory_space<semaphore_mem>>
      %dma_start3A_437 = arith.constant 0 : i32
      %dma_start3A_438 = tpu.memref_slice %arg11[%run_scoped3A_5, %dma_start3A_437] : memref<4x512xi32, #tpu.memory_space<vmem>> -> memref<1x512xi32, #tpu.memory_space<vmem>>
      %dma_start3A_439 = tpu.memref_squeeze %dma_start3A_438 : memref<1x512xi32, #tpu.memory_space<vmem>> -> memref<512xi32, #tpu.memory_space<vmem>>
      %dma_start3A_440 = tpu.memref_slice %arg6[%mul3A_2] : memref<16384xi32, #tpu.memory_space<hbm>> -> memref<512xi32, #tpu.memory_space<hbm>>
      %dma_start3A_441 = arith.constant 0 : i32
      %dma_start3A_442 = tpu.memref_slice %arg11[%run_scoped3A_5, %dma_start3A_441] : memref<4x512xi32, #tpu.memory_space<vmem>> -> memref<1x512xi32, #tpu.memory_space<vmem>>
      %dma_start3A_443 = tpu.memref_squeeze %dma_start3A_442 : memref<1x512xi32, #tpu.memory_space<vmem>> -> memref<512xi32, #tpu.memory_space<vmem>>
      %dma_start3A_444 = tpu.memref_slice %arg6[%mul3A_2] : memref<16384xi32, #tpu.memory_space<hbm>> -> memref<512xi32, #tpu.memory_space<hbm>>
      tpu.enqueue_dma source(%dma_start3A_444 : memref<512xi32, #tpu.memory_space<hbm>>) target(%dma_start3A_443 : memref<512xi32, #tpu.memory_space<vmem>>) target_semaphore(%run_scoped3A_436 : memref<!tpu.dma_semaphore, #tpu.memory_space<semaphore_mem>>)
      %dma_wait3A_445 = arith.constant 0 : i32
      %dma_wait3A_446 = tpu.memref_slice %arg11[%run_scoped3A_5, %dma_wait3A_445] : memref<4x512xi32, #tpu.memory_space<vmem>> -> memref<1x512xi32, #tpu.memory_space<vmem>>
      %dma_wait3A_447 = tpu.memref_squeeze %dma_wait3A_446 : memref<1x512xi32, #tpu.memory_space<vmem>> -> memref<512xi32, #tpu.memory_space<vmem>>
      %dma_wait3A_448 = tpu.memref_slice %arg6[%mul3A_2] : memref<16384xi32, #tpu.memory_space<hbm>> -> memref<512xi32, #tpu.memory_space<hbm>>
      %dma_wait3A_449 = arith.constant 0 : i32
      %dma_wait3A_450 = tpu.memref_slice %arg11[%run_scoped3A_5, %dma_wait3A_449] : memref<4x512xi32, #tpu.memory_space<vmem>> -> memref<1x512xi32, #tpu.memory_space<vmem>>
      %dma_wait3A_451 = tpu.memref_squeeze %dma_wait3A_450 : memref<1x512xi32, #tpu.memory_space<vmem>> -> memref<512xi32, #tpu.memory_space<vmem>>
      %dma_wait3A_452 = tpu.memref_slice %arg6[%mul3A_2] : memref<16384xi32, #tpu.memory_space<hbm>> -> memref<512xi32, #tpu.memory_space<hbm>>
      tpu.wait_dma2 semaphore(%run_scoped3A_436 : memref<!tpu.dma_semaphore, #tpu.memory_space<semaphore_mem>>) src(%dma_wait3A_452 : memref<512xi32, #tpu.memory_space<hbm>>) dst(%dma_wait3A_451 : memref<512xi32, #tpu.memory_space<vmem>>)
      tpu.yield
    }) : () -> ()
    %dma_start3A = arith.constant 0 : i32
    %dma_start3A_6 = arith.constant 0 : i32
    %dma_start3A_7 = arith.constant 0 : i32
    %dma_start3A_8 = arith.constant 0 : i32
    %dma_start3A_9 = tpu.memref_slice %arg12[%dma_start3A_6, %dma_start3A_7, %dma_start3A_8] : memref<4x128x128xf32, #tpu.memory_space<vmem>> -> memref<1x128x128xf32, #tpu.memory_space<vmem>>
    %dma_start3A_10 = tpu.memref_squeeze %dma_start3A_9 : memref<1x128x128xf32, #tpu.memory_space<vmem>> -> memref<128x128xf32, #tpu.memory_space<vmem>>
    %dma_start3A_11 = arith.constant 0 : i32
    %dma_start3A_12 = tpu.memref_slice %arg11[%dma_start3A, %dma_start3A_11] : memref<4x512xi32, #tpu.memory_space<vmem>> -> memref<1x128xi32, #tpu.memory_space<vmem>>
    %dma_start3A_13 = tpu.memref_squeeze %dma_start3A_12 : memref<1x128xi32, #tpu.memory_space<vmem>> -> memref<128xi32, #tpu.memory_space<vmem>>
    %dma_start3A_14 = arith.constant 0 : i32
    %dma_start3A_15 = arith.constant 0 : i32
    %dma_start3A_16 = tpu.memref_slice %arg2[%dma_start3A_14, %dma_start3A_15] : memref<100000x128xf32, #tpu.memory_space<hbm>> -> memref<100000x128xf32, #tpu.memory_space<hbm>>
    tpu.enqueue_indirect_dma source(%dma_start3A_16 : memref<100000x128xf32, #tpu.memory_space<hbm>>) target(%dma_start3A_10 : memref<128x128xf32, #tpu.memory_space<vmem>>) offsets(%dma_start3A_13 : memref<128xi32, #tpu.memory_space<vmem>>) semaphore(%arg13 : memref<!tpu.dma_semaphore, #tpu.memory_space<semaphore_mem>>)
    %dma_start3A_17 = arith.constant 0 : i32
    %dma_start3A_18 = arith.constant 1 : i32
    %dma_start3A_19 = arith.constant 0 : i32
    %dma_start3A_20 = arith.constant 0 : i32
    %dma_start3A_21 = tpu.memref_slice %arg12[%dma_start3A_18, %dma_start3A_19, %dma_start3A_20] : memref<4x128x128xf32, #tpu.memory_space<vmem>> -> memref<1x128x128xf32, #tpu.memory_space<vmem>>
    %dma_start3A_22 = tpu.memref_squeeze %dma_start3A_21 : memref<1x128x128xf32, #tpu.memory_space<vmem>> -> memref<128x128xf32, #tpu.memory_space<vmem>>
    %dma_start3A_23 = arith.constant 128 : i32
    %dma_start3A_24 = tpu.memref_slice %arg11[%dma_start3A_17, %dma_start3A_23] : memref<4x512xi32, #tpu.memory_space<vmem>> -> memref<1x128xi32, #tpu.memory_space<vmem>>
    %dma_start3A_25 = tpu.memref_squeeze %dma_start3A_24 : memref<1x128xi32, #tpu.memory_space<vmem>> -> memref<128xi32, #tpu.memory_space<vmem>>
    %dma_start3A_26 = arith.constant 0 : i32
    %dma_start3A_27 = arith.constant 0 : i32
    %dma_start3A_28 = tpu.memref_slice %arg2[%dma_start3A_26, %dma_start3A_27] : memref<100000x128xf32, #tpu.memory_space<hbm>> -> memref<100000x128xf32, #tpu.memory_space<hbm>>
    tpu.enqueue_indirect_dma source(%dma_start3A_28 : memref<100000x128xf32, #tpu.memory_space<hbm>>) target(%dma_start3A_22 : memref<128x128xf32, #tpu.memory_space<vmem>>) offsets(%dma_start3A_25 : memref<128xi32, #tpu.memory_space<vmem>>) semaphore(%arg14 : memref<!tpu.dma_semaphore, #tpu.memory_space<semaphore_mem>>)
    %dma_start3A_29 = arith.constant 0 : i32
    %dma_start3A_30 = arith.constant 2 : i32
    %dma_start3A_31 = arith.constant 0 : i32
    %dma_start3A_32 = arith.constant 0 : i32
    %dma_start3A_33 = tpu.memref_slice %arg12[%dma_start3A_30, %dma_start3A_31, %dma_start3A_32] : memref<4x128x128xf32, #tpu.memory_space<vmem>> -> memref<1x128x128xf32, #tpu.memory_space<vmem>>
    %dma_start3A_34 = tpu.memref_squeeze %dma_start3A_33 : memref<1x128x128xf32, #tpu.memory_space<vmem>> -> memref<128x128xf32, #tpu.memory_space<vmem>>
    %dma_start3A_35 = arith.constant 256 : i32
    %dma_start3A_36 = tpu.memref_slice %arg11[%dma_start3A_29, %dma_start3A_35] : memref<4x512xi32, #tpu.memory_space<vmem>> -> memref<1x128xi32, #tpu.memory_space<vmem>>
    %dma_start3A_37 = tpu.memref_squeeze %dma_start3A_36 : memref<1x128xi32, #tpu.memory_space<vmem>> -> memref<128xi32, #tpu.memory_space<vmem>>
    %dma_start3A_38 = arith.constant 0 : i32
    %dma_start3A_39 = arith.constant 0 : i32
    %dma_start3A_40 = tpu.memref_slice %arg2[%dma_start3A_38, %dma_start3A_39] : memref<100000x128xf32, #tpu.memory_space<hbm>> -> memref<100000x128xf32, #tpu.memory_space<hbm>>
    tpu.enqueue_indirect_dma source(%dma_start3A_40 : memref<100000x128xf32, #tpu.memory_space<hbm>>) target(%dma_start3A_34 : memref<128x128xf32, #tpu.memory_space<vmem>>) offsets(%dma_start3A_37 : memref<128xi32, #tpu.memory_space<vmem>>) semaphore(%arg15 : memref<!tpu.dma_semaphore, #tpu.memory_space<semaphore_mem>>)
    %dma_start3A_41 = arith.constant 0 : i32
    %dma_start3A_42 = arith.constant 3 : i32
    %dma_start3A_43 = arith.constant 0 : i32
    %dma_start3A_44 = arith.constant 0 : i32
    %dma_start3A_45 = tpu.memref_slice %arg12[%dma_start3A_42, %dma_start3A_43, %dma_start3A_44] : memref<4x128x128xf32, #tpu.memory_space<vmem>> -> memref<1x128x128xf32, #tpu.memory_space<vmem>>
    %dma_start3A_46 = tpu.memref_squeeze %dma_start3A_45 : memref<1x128x128xf32, #tpu.memory_space<vmem>> -> memref<128x128xf32, #tpu.memory_space<vmem>>
    %dma_start3A_47 = arith.constant 384 : i32
    %dma_start3A_48 = tpu.memref_slice %arg11[%dma_start3A_41, %dma_start3A_47] : memref<4x512xi32, #tpu.memory_space<vmem>> -> memref<1x128xi32, #tpu.memory_space<vmem>>
    %dma_start3A_49 = tpu.memref_squeeze %dma_start3A_48 : memref<1x128xi32, #tpu.memory_space<vmem>> -> memref<128xi32, #tpu.memory_space<vmem>>
    %dma_start3A_50 = arith.constant 0 : i32
    %dma_start3A_51 = arith.constant 0 : i32
    %dma_start3A_52 = tpu.memref_slice %arg2[%dma_start3A_50, %dma_start3A_51] : memref<100000x128xf32, #tpu.memory_space<hbm>> -> memref<100000x128xf32, #tpu.memory_space<hbm>>
    tpu.enqueue_indirect_dma source(%dma_start3A_52 : memref<100000x128xf32, #tpu.memory_space<hbm>>) target(%dma_start3A_46 : memref<128x128xf32, #tpu.memory_space<vmem>>) offsets(%dma_start3A_49 : memref<128xi32, #tpu.memory_space<vmem>>) semaphore(%arg16 : memref<!tpu.dma_semaphore, #tpu.memory_space<semaphore_mem>>)
    %dma_wait3A = arith.constant 0 : i32
    %dma_wait3A_53 = arith.constant 0 : i32
    %dma_wait3A_54 = arith.constant 0 : i32
    %dma_wait3A_55 = arith.constant 0 : i32
    %dma_wait3A_56 = tpu.memref_slice %arg12[%dma_wait3A_53, %dma_wait3A_54, %dma_wait3A_55] : memref<4x128x128xf32, #tpu.memory_space<vmem>> -> memref<1x128x128xf32, #tpu.memory_space<vmem>>
    %dma_wait3A_57 = tpu.memref_squeeze %dma_wait3A_56 : memref<1x128x128xf32, #tpu.memory_space<vmem>> -> memref<128x128xf32, #tpu.memory_space<vmem>>
    %dma_wait3A_58 = arith.constant 0 : i32
    %dma_wait3A_59 = tpu.memref_slice %arg11[%dma_wait3A, %dma_wait3A_58] : memref<4x512xi32, #tpu.memory_space<vmem>> -> memref<1x128xi32, #tpu.memory_space<vmem>>
    %dma_wait3A_60 = tpu.memref_squeeze %dma_wait3A_59 : memref<1x128xi32, #tpu.memory_space<vmem>> -> memref<128xi32, #tpu.memory_space<vmem>>
    %dma_wait3A_61 = arith.constant 0 : i32
    %dma_wait3A_62 = arith.constant 0 : i32
    %dma_wait3A_63 = tpu.memref_slice %arg2[%dma_wait3A_61, %dma_wait3A_62] : memref<100000x128xf32, #tpu.memory_space<hbm>> -> memref<100000x128xf32, #tpu.memory_space<hbm>>
    tpu.wait_indirect_dma semaphore(%arg13 : memref<!tpu.dma_semaphore, #tpu.memory_space<semaphore_mem>>) src(%dma_wait3A_63 : memref<100000x128xf32, #tpu.memory_space<hbm>>) dst(%dma_wait3A_57 : memref<128x128xf32, #tpu.memory_space<vmem>>)
    %add3A_64 = arith.constant 0 : i32
    %add3A_65 = arith.addi %mul3A_2, %add3A_64 : i32
    %run_scoped3A_66 = arith.constant 0 : i32
    "tpu.region"() ({
      %run_scoped3A_436 = tpu.sem_alloc : memref<!tpu.dma_semaphore, #tpu.memory_space<semaphore_mem>>
      %dma_start3A_437 = arith.constant 0 : i32
      %dma_start3A_438 = arith.constant 0 : i32
      %dma_start3A_439 = tpu.memref_slice %arg12[%run_scoped3A_66, %dma_start3A_437, %dma_start3A_438] : memref<4x128x128xf32, #tpu.memory_space<vmem>> -> memref<1x128x128xf32, #tpu.memory_space<vmem>>
      %dma_start3A_440 = tpu.memref_squeeze %dma_start3A_439 : memref<1x128x128xf32, #tpu.memory_space<vmem>> -> memref<128x128xf32, #tpu.memory_space<vmem>>
      %dma_start3A_441 = arith.constant 0 : i32
      %dma_start3A_442 = tpu.memref_slice %arg7[%add3A_65, %dma_start3A_441] : memref<16384x128xf32, #tpu.memory_space<hbm>> -> memref<128x128xf32, #tpu.memory_space<hbm>>
      %dma_start3A_443 = arith.constant 0 : i32
      %dma_start3A_444 = tpu.memref_slice %arg7[%add3A_65, %dma_start3A_443] : memref<16384x128xf32, #tpu.memory_space<hbm>> -> memref<128x128xf32, #tpu.memory_space<hbm>>
      %dma_start3A_445 = arith.constant 0 : i32
      %dma_start3A_446 = arith.constant 0 : i32
      %dma_start3A_447 = tpu.memref_slice %arg12[%run_scoped3A_66, %dma_start3A_445, %dma_start3A_446] : memref<4x128x128xf32, #tpu.memory_space<vmem>> -> memref<1x128x128xf32, #tpu.memory_space<vmem>>
      %dma_start3A_448 = tpu.memref_squeeze %dma_start3A_447 : memref<1x128x128xf32, #tpu.memory_space<vmem>> -> memref<128x128xf32, #tpu.memory_space<vmem>>
      tpu.enqueue_dma source(%dma_start3A_448 : memref<128x128xf32, #tpu.memory_space<vmem>>) target(%dma_start3A_444 : memref<128x128xf32, #tpu.memory_space<hbm>>) target_semaphore(%run_scoped3A_436 : memref<!tpu.dma_semaphore, #tpu.memory_space<semaphore_mem>>)
      %dma_wait3A_449 = arith.constant 0 : i32
      %dma_wait3A_450 = arith.constant 0 : i32
      %dma_wait3A_451 = tpu.memref_slice %arg12[%run_scoped3A_66, %dma_wait3A_449, %dma_wait3A_450] : memref<4x128x128xf32, #tpu.memory_space<vmem>> -> memref<1x128x128xf32, #tpu.memory_space<vmem>>
      %dma_wait3A_452 = tpu.memref_squeeze %dma_wait3A_451 : memref<1x128x128xf32, #tpu.memory_space<vmem>> -> memref<128x128xf32, #tpu.memory_space<vmem>>
      %dma_wait3A_453 = arith.constant 0 : i32
      %dma_wait3A_454 = tpu.memref_slice %arg7[%add3A_65, %dma_wait3A_453] : memref<16384x128xf32, #tpu.memory_space<hbm>> -> memref<128x128xf32, #tpu.memory_space<hbm>>
      %dma_wait3A_455 = arith.constant 0 : i32
      %dma_wait3A_456 = tpu.memref_slice %arg7[%add3A_65, %dma_wait3A_455] : memref<16384x128xf32, #tpu.memory_space<hbm>> -> memref<128x128xf32, #tpu.memory_space<hbm>>
      %dma_wait3A_457 = arith.constant 0 : i32
      %dma_wait3A_458 = arith.constant 0 : i32
      %dma_wait3A_459 = tpu.memref_slice %arg12[%run_scoped3A_66, %dma_wait3A_457, %dma_wait3A_458] : memref<4x128x128xf32, #tpu.memory_space<vmem>> -> memref<1x128x128xf32, #tpu.memory_space<vmem>>
      %dma_wait3A_460 = tpu.memref_squeeze %dma_wait3A_459 : memref<1x128x128xf32, #tpu.memory_space<vmem>> -> memref<128x128xf32, #tpu.memory_space<vmem>>
      tpu.wait_dma2 semaphore(%run_scoped3A_436 : memref<!tpu.dma_semaphore, #tpu.memory_space<semaphore_mem>>) src(%dma_wait3A_460 : memref<128x128xf32, #tpu.memory_space<vmem>>) dst(%dma_wait3A_456 : memref<128x128xf32, #tpu.memory_space<hbm>>)
      tpu.yield
    }) : () -> ()
    %dma_start3A_67 = arith.constant 1 : i32
    %dma_start3A_68 = arith.constant 0 : i32
    %dma_start3A_69 = arith.constant 0 : i32
    %dma_start3A_70 = arith.constant 0 : i32
    %dma_start3A_71 = tpu.memref_slice %arg12[%dma_start3A_68, %dma_start3A_69, %dma_start3A_70] : memref<4x128x128xf32, #tpu.memory_space<vmem>> -> memref<1x128x128xf32, #tpu.memory_space<vmem>>
    %dma_start3A_72 = tpu.memref_squeeze %dma_start3A_71 : memref<1x128x128xf32, #tpu.memory_space<vmem>> -> memref<128x128xf32, #tpu.memory_space<vmem>>
    %dma_start3A_73 = arith.constant 0 : i32
    %dma_start3A_74 = tpu.memref_slice %arg11[%dma_start3A_67, %dma_start3A_73] : memref<4x512xi32, #tpu.memory_space<vmem>> -> memref<1x128xi32, #tpu.memory_space<vmem>>
    %dma_start3A_75 = tpu.memref_squeeze %dma_start3A_74 : memref<1x128xi32, #tpu.memory_space<vmem>> -> memref<128xi32, #tpu.memory_space<vmem>>
    %dma_start3A_76 = arith.constant 0 : i32
    %dma_start3A_77 = arith.constant 0 : i32
    %dma_start3A_78 = tpu.memref_slice %arg2[%dma_start3A_76, %dma_start3A_77] : memref<100000x128xf32, #tpu.memory_space<hbm>> -> memref<100000x128xf32, #tpu.memory_space<hbm>>
    tpu.enqueue_indirect_dma source(%dma_start3A_78 : memref<100000x128xf32, #tpu.memory_space<hbm>>) target(%dma_start3A_72 : memref<128x128xf32, #tpu.memory_space<vmem>>) offsets(%dma_start3A_75 : memref<128xi32, #tpu.memory_space<vmem>>) semaphore(%arg13 : memref<!tpu.dma_semaphore, #tpu.memory_space<semaphore_mem>>)
    %dma_wait3A_79 = arith.constant 0 : i32
    %dma_wait3A_80 = arith.constant 1 : i32
    %dma_wait3A_81 = arith.constant 0 : i32
    %dma_wait3A_82 = arith.constant 0 : i32
    %dma_wait3A_83 = tpu.memref_slice %arg12[%dma_wait3A_80, %dma_wait3A_81, %dma_wait3A_82] : memref<4x128x128xf32, #tpu.memory_space<vmem>> -> memref<1x128x128xf32, #tpu.memory_space<vmem>>
    %dma_wait3A_84 = tpu.memref_squeeze %dma_wait3A_83 : memref<1x128x128xf32, #tpu.memory_space<vmem>> -> memref<128x128xf32, #tpu.memory_space<vmem>>
    %dma_wait3A_85 = arith.constant 128 : i32
    %dma_wait3A_86 = tpu.memref_slice %arg11[%dma_wait3A_79, %dma_wait3A_85] : memref<4x512xi32, #tpu.memory_space<vmem>> -> memref<1x128xi32, #tpu.memory_space<vmem>>
    %dma_wait3A_87 = tpu.memref_squeeze %dma_wait3A_86 : memref<1x128xi32, #tpu.memory_space<vmem>> -> memref<128xi32, #tpu.memory_space<vmem>>
    %dma_wait3A_88 = arith.constant 0 : i32
    %dma_wait3A_89 = arith.constant 0 : i32
    %dma_wait3A_90 = tpu.memref_slice %arg2[%dma_wait3A_88, %dma_wait3A_89] : memref<100000x128xf32, #tpu.memory_space<hbm>> -> memref<100000x128xf32, #tpu.memory_space<hbm>>
    tpu.wait_indirect_dma semaphore(%arg14 : memref<!tpu.dma_semaphore, #tpu.memory_space<semaphore_mem>>) src(%dma_wait3A_90 : memref<100000x128xf32, #tpu.memory_space<hbm>>) dst(%dma_wait3A_84 : memref<128x128xf32, #tpu.memory_space<vmem>>)
    %add3A_91 = arith.constant 128 : i32
    %add3A_92 = arith.addi %mul3A_2, %add3A_91 : i32
    %run_scoped3A_93 = arith.constant 1 : i32
    "tpu.region"() ({
      %run_scoped3A_436 = tpu.sem_alloc : memref<!tpu.dma_semaphore, #tpu.memory_space<semaphore_mem>>
      %dma_start3A_437 = arith.constant 0 : i32
      %dma_start3A_438 = arith.constant 0 : i32
      %dma_start3A_439 = tpu.memref_slice %arg12[%run_scoped3A_93, %dma_start3A_437, %dma_start3A_438] : memref<4x128x128xf32, #tpu.memory_space<vmem>> -> memref<1x128x128xf32, #tpu.memory_space<vmem>>
      %dma_start3A_440 = tpu.memref_squeeze %dma_start3A_439 : memref<1x128x128xf32, #tpu.memory_space<vmem>> -> memref<128x128xf32, #tpu.memory_space<vmem>>
      %dma_start3A_441 = arith.constant 0 : i32
      %dma_start3A_442 = tpu.memref_slice %arg7[%add3A_92, %dma_start3A_441] : memref<16384x128xf32, #tpu.memory_space<hbm>> -> memref<128x128xf32, #tpu.memory_space<hbm>>
      %dma_start3A_443 = arith.constant 0 : i32
      %dma_start3A_444 = tpu.memref_slice %arg7[%add3A_92, %dma_start3A_443] : memref<16384x128xf32, #tpu.memory_space<hbm>> -> memref<128x128xf32, #tpu.memory_space<hbm>>
      %dma_start3A_445 = arith.constant 0 : i32
      %dma_start3A_446 = arith.constant 0 : i32
      %dma_start3A_447 = tpu.memref_slice %arg12[%run_scoped3A_93, %dma_start3A_445, %dma_start3A_446] : memref<4x128x128xf32, #tpu.memory_space<vmem>> -> memref<1x128x128xf32, #tpu.memory_space<vmem>>
      %dma_start3A_448 = tpu.memref_squeeze %dma_start3A_447 : memref<1x128x128xf32, #tpu.memory_space<vmem>> -> memref<128x128xf32, #tpu.memory_space<vmem>>
      tpu.enqueue_dma source(%dma_start3A_448 : memref<128x128xf32, #tpu.memory_space<vmem>>) target(%dma_start3A_444 : memref<128x128xf32, #tpu.memory_space<hbm>>) target_semaphore(%run_scoped3A_436 : memref<!tpu.dma_semaphore, #tpu.memory_space<semaphore_mem>>)
      %dma_wait3A_449 = arith.constant 0 : i32
      %dma_wait3A_450 = arith.constant 0 : i32
      %dma_wait3A_451 = tpu.memref_slice %arg12[%run_scoped3A_93, %dma_wait3A_449, %dma_wait3A_450] : memref<4x128x128xf32, #tpu.memory_space<vmem>> -> memref<1x128x128xf32, #tpu.memory_space<vmem>>
      %dma_wait3A_452 = tpu.memref_squeeze %dma_wait3A_451 : memref<1x128x128xf32, #tpu.memory_space<vmem>> -> memref<128x128xf32, #tpu.memory_space<vmem>>
      %dma_wait3A_453 = arith.constant 0 : i32
      %dma_wait3A_454 = tpu.memref_slice %arg7[%add3A_92, %dma_wait3A_453] : memref<16384x128xf32, #tpu.memory_space<hbm>> -> memref<128x128xf32, #tpu.memory_space<hbm>>
      %dma_wait3A_455 = arith.constant 0 : i32
      %dma_wait3A_456 = tpu.memref_slice %arg7[%add3A_92, %dma_wait3A_455] : memref<16384x128xf32, #tpu.memory_space<hbm>> -> memref<128x128xf32, #tpu.memory_space<hbm>>
      %dma_wait3A_457 = arith.constant 0 : i32
      %dma_wait3A_458 = arith.constant 0 : i32
      %dma_wait3A_459 = tpu.memref_slice %arg12[%run_scoped3A_93, %dma_wait3A_457, %dma_wait3A_458] : memref<4x128x128xf32, #tpu.memory_space<vmem>> -> memref<1x128x128xf32, #tpu.memory_space<vmem>>
      %dma_wait3A_460 = tpu.memref_squeeze %dma_wait3A_459 : memref<1x128x128xf32, #tpu.memory_space<vmem>> -> memref<128x128xf32, #tpu.memory_space<vmem>>
      tpu.wait_dma2 semaphore(%run_scoped3A_436 : memref<!tpu.dma_semaphore, #tpu.memory_space<semaphore_mem>>) src(%dma_wait3A_460 : memref<128x128xf32, #tpu.memory_space<vmem>>) dst(%dma_wait3A_456 : memref<128x128xf32, #tpu.memory_space<hbm>>)
      tpu.yield
    }) : () -> ()
    %dma_start3A_94 = arith.constant 1 : i32
    %dma_start3A_95 = arith.constant 1 : i32
    %dma_start3A_96 = arith.constant 0 : i32
    %dma_start3A_97 = arith.constant 0 : i32
    %dma_start3A_98 = tpu.memref_slice %arg12[%dma_start3A_95, %dma_start3A_96, %dma_start3A_97] : memref<4x128x128xf32, #tpu.memory_space<vmem>> -> memref<1x128x128xf32, #tpu.memory_space<vmem>>
    %dma_start3A_99 = tpu.memref_squeeze %dma_start3A_98 : memref<1x128x128xf32, #tpu.memory_space<vmem>> -> memref<128x128xf32, #tpu.memory_space<vmem>>
    %dma_start3A_100 = arith.constant 128 : i32
    %dma_start3A_101 = tpu.memref_slice %arg11[%dma_start3A_94, %dma_start3A_100] : memref<4x512xi32, #tpu.memory_space<vmem>> -> memref<1x128xi32, #tpu.memory_space<vmem>>
    %dma_start3A_102 = tpu.memref_squeeze %dma_start3A_101 : memref<1x128xi32, #tpu.memory_space<vmem>> -> memref<128xi32, #tpu.memory_space<vmem>>
    %dma_start3A_103 = arith.constant 0 : i32
    %dma_start3A_104 = arith.constant 0 : i32
    %dma_start3A_105 = tpu.memref_slice %arg2[%dma_start3A_103, %dma_start3A_104] : memref<100000x128xf32, #tpu.memory_space<hbm>> -> memref<100000x128xf32, #tpu.memory_space<hbm>>
    tpu.enqueue_indirect_dma source(%dma_start3A_105 : memref<100000x128xf32, #tpu.memory_space<hbm>>) target(%dma_start3A_99 : memref<128x128xf32, #tpu.memory_space<vmem>>) offsets(%dma_start3A_102 : memref<128xi32, #tpu.memory_space<vmem>>) semaphore(%arg14 : memref<!tpu.dma_semaphore, #tpu.memory_space<semaphore_mem>>)
    %dma_wait3A_106 = arith.constant 0 : i32
    %dma_wait3A_107 = arith.constant 2 : i32
    %dma_wait3A_108 = arith.constant 0 : i32
    %dma_wait3A_109 = arith.constant 0 : i32
    %dma_wait3A_110 = tpu.memref_slice %arg12[%dma_wait3A_107, %dma_wait3A_108, %dma_wait3A_109] : memref<4x128x128xf32, #tpu.memory_space<vmem>> -> memref<1x128x128xf32, #tpu.memory_space<vmem>>
    %dma_wait3A_111 = tpu.memref_squeeze %dma_wait3A_110 : memref<1x128x128xf32, #tpu.memory_space<vmem>> -> memref<128x128xf32, #tpu.memory_space<vmem>>
    %dma_wait3A_112 = arith.constant 256 : i32
    %dma_wait3A_113 = tpu.memref_slice %arg11[%dma_wait3A_106, %dma_wait3A_112] : memref<4x512xi32, #tpu.memory_space<vmem>> -> memref<1x128xi32, #tpu.memory_space<vmem>>
    %dma_wait3A_114 = tpu.memref_squeeze %dma_wait3A_113 : memref<1x128xi32, #tpu.memory_space<vmem>> -> memref<128xi32, #tpu.memory_space<vmem>>
    %dma_wait3A_115 = arith.constant 0 : i32
    %dma_wait3A_116 = arith.constant 0 : i32
    %dma_wait3A_117 = tpu.memref_slice %arg2[%dma_wait3A_115, %dma_wait3A_116] : memref<100000x128xf32, #tpu.memory_space<hbm>> -> memref<100000x128xf32, #tpu.memory_space<hbm>>
    tpu.wait_indirect_dma semaphore(%arg15 : memref<!tpu.dma_semaphore, #tpu.memory_space<semaphore_mem>>) src(%dma_wait3A_117 : memref<100000x128xf32, #tpu.memory_space<hbm>>) dst(%dma_wait3A_111 : memref<128x128xf32, #tpu.memory_space<vmem>>)
    %add3A_118 = arith.constant 256 : i32
    %add3A_119 = arith.addi %mul3A_2, %add3A_118 : i32
    %run_scoped3A_120 = arith.constant 2 : i32
    "tpu.region"() ({
      %run_scoped3A_436 = tpu.sem_alloc : memref<!tpu.dma_semaphore, #tpu.memory_space<semaphore_mem>>
      %dma_start3A_437 = arith.constant 0 : i32
      %dma_start3A_438 = arith.constant 0 : i32
      %dma_start3A_439 = tpu.memref_slice %arg12[%run_scoped3A_120, %dma_start3A_437, %dma_start3A_438] : memref<4x128x128xf32, #tpu.memory_space<vmem>> -> memref<1x128x128xf32, #tpu.memory_space<vmem>>
      %dma_start3A_440 = tpu.memref_squeeze %dma_start3A_439 : memref<1x128x128xf32, #tpu.memory_space<vmem>> -> memref<128x128xf32, #tpu.memory_space<vmem>>
      %dma_start3A_441 = arith.constant 0 : i32
      %dma_start3A_442 = tpu.memref_slice %arg7[%add3A_119, %dma_start3A_441] : memref<16384x128xf32, #tpu.memory_space<hbm>> -> memref<128x128xf32, #tpu.memory_space<hbm>>
      %dma_start3A_443 = arith.constant 0 : i32
      %dma_start3A_444 = tpu.memref_slice %arg7[%add3A_119, %dma_start3A_443] : memref<16384x128xf32, #tpu.memory_space<hbm>> -> memref<128x128xf32, #tpu.memory_space<hbm>>
      %dma_start3A_445 = arith.constant 0 : i32
      %dma_start3A_446 = arith.constant 0 : i32
      %dma_start3A_447 = tpu.memref_slice %arg12[%run_scoped3A_120, %dma_start3A_445, %dma_start3A_446] : memref<4x128x128xf32, #tpu.memory_space<vmem>> -> memref<1x128x128xf32, #tpu.memory_space<vmem>>
      %dma_start3A_448 = tpu.memref_squeeze %dma_start3A_447 : memref<1x128x128xf32, #tpu.memory_space<vmem>> -> memref<128x128xf32, #tpu.memory_space<vmem>>
      tpu.enqueue_dma source(%dma_start3A_448 : memref<128x128xf32, #tpu.memory_space<vmem>>) target(%dma_start3A_444 : memref<128x128xf32, #tpu.memory_space<hbm>>) target_semaphore(%run_scoped3A_436 : memref<!tpu.dma_semaphore, #tpu.memory_space<semaphore_mem>>)
      %dma_wait3A_449 = arith.constant 0 : i32
      %dma_wait3A_450 = arith.constant 0 : i32
      %dma_wait3A_451 = tpu.memref_slice %arg12[%run_scoped3A_120, %dma_wait3A_449, %dma_wait3A_450] : memref<4x128x128xf32, #tpu.memory_space<vmem>> -> memref<1x128x128xf32, #tpu.memory_space<vmem>>
      %dma_wait3A_452 = tpu.memref_squeeze %dma_wait3A_451 : memref<1x128x128xf32, #tpu.memory_space<vmem>> -> memref<128x128xf32, #tpu.memory_space<vmem>>
      %dma_wait3A_453 = arith.constant 0 : i32
      %dma_wait3A_454 = tpu.memref_slice %arg7[%add3A_119, %dma_wait3A_453] : memref<16384x128xf32, #tpu.memory_space<hbm>> -> memref<128x128xf32, #tpu.memory_space<hbm>>
      %dma_wait3A_455 = arith.constant 0 : i32
      %dma_wait3A_456 = tpu.memref_slice %arg7[%add3A_119, %dma_wait3A_455] : memref<16384x128xf32, #tpu.memory_space<hbm>> -> memref<128x128xf32, #tpu.memory_space<hbm>>
      %dma_wait3A_457 = arith.constant 0 : i32
      %dma_wait3A_458 = arith.constant 0 : i32
      %dma_wait3A_459 = tpu.memref_slice %arg12[%run_scoped3A_120, %dma_wait3A_457, %dma_wait3A_458] : memref<4x128x128xf32, #tpu.memory_space<vmem>> -> memref<1x128x128xf32, #tpu.memory_space<vmem>>
      %dma_wait3A_460 = tpu.memref_squeeze %dma_wait3A_459 : memref<1x128x128xf32, #tpu.memory_space<vmem>> -> memref<128x128xf32, #tpu.memory_space<vmem>>
      tpu.wait_dma2 semaphore(%run_scoped3A_436 : memref<!tpu.dma_semaphore, #tpu.memory_space<semaphore_mem>>) src(%dma_wait3A_460 : memref<128x128xf32, #tpu.memory_space<vmem>>) dst(%dma_wait3A_456 : memref<128x128xf32, #tpu.memory_space<hbm>>)
      tpu.yield
    }) : () -> ()
    %dma_start3A_121 = arith.constant 1 : i32
    %dma_start3A_122 = arith.constant 2 : i32
    %dma_start3A_123 = arith.constant 0 : i32
    %dma_start3A_124 = arith.constant 0 : i32
    %dma_start3A_125 = tpu.memref_slice %arg12[%dma_start3A_122, %dma_start3A_123, %dma_start3A_124] : memref<4x128x128xf32, #tpu.memory_space<vmem>> -> memref<1x128x128xf32, #tpu.memory_space<vmem>>
    %dma_start3A_126 = tpu.memref_squeeze %dma_start3A_125 : memref<1x128x128xf32, #tpu.memory_space<vmem>> -> memref<128x128xf32, #tpu.memory_space<vmem>>
    %dma_start3A_127 = arith.constant 256 : i32
    %dma_start3A_128 = tpu.memref_slice %arg11[%dma_start3A_121, %dma_start3A_127] : memref<4x512xi32, #tpu.memory_space<vmem>> -> memref<1x128xi32, #tpu.memory_space<vmem>>
    %dma_start3A_129 = tpu.memref_squeeze %dma_start3A_128 : memref<1x128xi32, #tpu.memory_space<vmem>> -> memref<128xi32, #tpu.memory_space<vmem>>
    %dma_start3A_130 = arith.constant 0 : i32
    %dma_start3A_131 = arith.constant 0 : i32
    %dma_start3A_132 = tpu.memref_slice %arg2[%dma_start3A_130, %dma_start3A_131] : memref<100000x128xf32, #tpu.memory_space<hbm>> -> memref<100000x128xf32, #tpu.memory_space<hbm>>
    tpu.enqueue_indirect_dma source(%dma_start3A_132 : memref<100000x128xf32, #tpu.memory_space<hbm>>) target(%dma_start3A_126 : memref<128x128xf32, #tpu.memory_space<vmem>>) offsets(%dma_start3A_129 : memref<128xi32, #tpu.memory_space<vmem>>) semaphore(%arg15 : memref<!tpu.dma_semaphore, #tpu.memory_space<semaphore_mem>>)
    %dma_wait3A_133 = arith.constant 0 : i32
    %dma_wait3A_134 = arith.constant 3 : i32
    %dma_wait3A_135 = arith.constant 0 : i32
    %dma_wait3A_136 = arith.constant 0 : i32
    %dma_wait3A_137 = tpu.memref_slice %arg12[%dma_wait3A_134, %dma_wait3A_135, %dma_wait3A_136] : memref<4x128x128xf32, #tpu.memory_space<vmem>> -> memref<1x128x128xf32, #tpu.memory_space<vmem>>
    %dma_wait3A_138 = tpu.memref_squeeze %dma_wait3A_137 : memref<1x128x128xf32, #tpu.memory_space<vmem>> -> memref<128x128xf32, #tpu.memory_space<vmem>>
    %dma_wait3A_139 = arith.constant 384 : i32
    %dma_wait3A_140 = tpu.memref_slice %arg11[%dma_wait3A_133, %dma_wait3A_139] : memref<4x512xi32, #tpu.memory_space<vmem>> -> memref<1x128xi32, #tpu.memory_space<vmem>>
    %dma_wait3A_141 = tpu.memref_squeeze %dma_wait3A_140 : memref<1x128xi32, #tpu.memory_space<vmem>> -> memref<128xi32, #tpu.memory_space<vmem>>
    %dma_wait3A_142 = arith.constant 0 : i32
    %dma_wait3A_143 = arith.constant 0 : i32
    %dma_wait3A_144 = tpu.memref_slice %arg2[%dma_wait3A_142, %dma_wait3A_143] : memref<100000x128xf32, #tpu.memory_space<hbm>> -> memref<100000x128xf32, #tpu.memory_space<hbm>>
    tpu.wait_indirect_dma semaphore(%arg16 : memref<!tpu.dma_semaphore, #tpu.memory_space<semaphore_mem>>) src(%dma_wait3A_144 : memref<100000x128xf32, #tpu.memory_space<hbm>>) dst(%dma_wait3A_138 : memref<128x128xf32, #tpu.memory_space<vmem>>)
    %add3A_145 = arith.constant 384 : i32
    %add3A_146 = arith.addi %mul3A_2, %add3A_145 : i32
    %run_scoped3A_147 = arith.constant 3 : i32
    "tpu.region"() ({
      %run_scoped3A_436 = tpu.sem_alloc : memref<!tpu.dma_semaphore, #tpu.memory_space<semaphore_mem>>
      %dma_start3A_437 = arith.constant 0 : i32
      %dma_start3A_438 = arith.constant 0 : i32
      %dma_start3A_439 = tpu.memref_slice %arg12[%run_scoped3A_147, %dma_start3A_437, %dma_start3A_438] : memref<4x128x128xf32, #tpu.memory_space<vmem>> -> memref<1x128x128xf32, #tpu.memory_space<vmem>>
      %dma_start3A_440 = tpu.memref_squeeze %dma_start3A_439 : memref<1x128x128xf32, #tpu.memory_space<vmem>> -> memref<128x128xf32, #tpu.memory_space<vmem>>
      %dma_start3A_441 = arith.constant 0 : i32
      %dma_start3A_442 = tpu.memref_slice %arg7[%add3A_146, %dma_start3A_441] : memref<16384x128xf32, #tpu.memory_space<hbm>> -> memref<128x128xf32, #tpu.memory_space<hbm>>
      %dma_start3A_443 = arith.constant 0 : i32
      %dma_start3A_444 = tpu.memref_slice %arg7[%add3A_146, %dma_start3A_443] : memref<16384x128xf32, #tpu.memory_space<hbm>> -> memref<128x128xf32, #tpu.memory_space<hbm>>
      %dma_start3A_445 = arith.constant 0 : i32
      %dma_start3A_446 = arith.constant 0 : i32
      %dma_start3A_447 = tpu.memref_slice %arg12[%run_scoped3A_147, %dma_start3A_445, %dma_start3A_446] : memref<4x128x128xf32, #tpu.memory_space<vmem>> -> memref<1x128x128xf32, #tpu.memory_space<vmem>>
      %dma_start3A_448 = tpu.memref_squeeze %dma_start3A_447 : memref<1x128x128xf32, #tpu.memory_space<vmem>> -> memref<128x128xf32, #tpu.memory_space<vmem>>
      tpu.enqueue_dma source(%dma_start3A_448 : memref<128x128xf32, #tpu.memory_space<vmem>>) target(%dma_start3A_444 : memref<128x128xf32, #tpu.memory_space<hbm>>) target_semaphore(%run_scoped3A_436 : memref<!tpu.dma_semaphore, #tpu.memory_space<semaphore_mem>>)
      %dma_wait3A_449 = arith.constant 0 : i32
      %dma_wait3A_450 = arith.constant 0 : i32
      %dma_wait3A_451 = tpu.memref_slice %arg12[%run_scoped3A_147, %dma_wait3A_449, %dma_wait3A_450] : memref<4x128x128xf32, #tpu.memory_space<vmem>> -> memref<1x128x128xf32, #tpu.memory_space<vmem>>
      %dma_wait3A_452 = tpu.memref_squeeze %dma_wait3A_451 : memref<1x128x128xf32, #tpu.memory_space<vmem>> -> memref<128x128xf32, #tpu.memory_space<vmem>>
      %dma_wait3A_453 = arith.constant 0 : i32
      %dma_wait3A_454 = tpu.memref_slice %arg7[%add3A_146, %dma_wait3A_453] : memref<16384x128xf32, #tpu.memory_space<hbm>> -> memref<128x128xf32, #tpu.memory_space<hbm>>
      %dma_wait3A_455 = arith.constant 0 : i32
      %dma_wait3A_456 = tpu.memref_slice %arg7[%add3A_146, %dma_wait3A_455] : memref<16384x128xf32, #tpu.memory_space<hbm>> -> memref<128x128xf32, #tpu.memory_space<hbm>>
      %dma_wait3A_457 = arith.constant 0 : i32
      %dma_wait3A_458 = arith.constant 0 : i32
      %dma_wait3A_459 = tpu.memref_slice %arg12[%run_scoped3A_147, %dma_wait3A_457, %dma_wait3A_458] : memref<4x128x128xf32, #tpu.memory_space<vmem>> -> memref<1x128x128xf32, #tpu.memory_space<vmem>>
      %dma_wait3A_460 = tpu.memref_squeeze %dma_wait3A_459 : memref<1x128x128xf32, #tpu.memory_space<vmem>> -> memref<128x128xf32, #tpu.memory_space<vmem>>
      tpu.wait_dma2 semaphore(%run_scoped3A_436 : memref<!tpu.dma_semaphore, #tpu.memory_space<semaphore_mem>>) src(%dma_wait3A_460 : memref<128x128xf32, #tpu.memory_space<vmem>>) dst(%dma_wait3A_456 : memref<128x128xf32, #tpu.memory_space<hbm>>)
      tpu.yield
    }) : () -> ()
    %dma_start3A_148 = arith.constant 1 : i32
    %dma_start3A_149 = arith.constant 3 : i32
    %dma_start3A_150 = arith.constant 0 : i32
    %dma_start3A_151 = arith.constant 0 : i32
    %dma_start3A_152 = tpu.memref_slice %arg12[%dma_start3A_149, %dma_start3A_150, %dma_start3A_151] : memref<4x128x128xf32, #tpu.memory_space<vmem>> -> memref<1x128x128xf32, #tpu.memory_space<vmem>>
    %dma_start3A_153 = tpu.memref_squeeze %dma_start3A_152 : memref<1x128x128xf32, #tpu.memory_space<vmem>> -> memref<128x128xf32, #tpu.memory_space<vmem>>
    %dma_start3A_154 = arith.constant 384 : i32
    %dma_start3A_155 = tpu.memref_slice %arg11[%dma_start3A_148, %dma_start3A_154] : memref<4x512xi32, #tpu.memory_space<vmem>> -> memref<1x128xi32, #tpu.memory_space<vmem>>
    %dma_start3A_156 = tpu.memref_squeeze %dma_start3A_155 : memref<1x128xi32, #tpu.memory_space<vmem>> -> memref<128xi32, #tpu.memory_space<vmem>>
    %dma_start3A_157 = arith.constant 0 : i32
    %dma_start3A_158 = arith.constant 0 : i32
    %dma_start3A_159 = tpu.memref_slice %arg2[%dma_start3A_157, %dma_start3A_158] : memref<100000x128xf32, #tpu.memory_space<hbm>> -> memref<100000x128xf32, #tpu.memory_space<hbm>>
    tpu.enqueue_indirect_dma source(%dma_start3A_159 : memref<100000x128xf32, #tpu.memory_space<hbm>>) target(%dma_start3A_153 : memref<128x128xf32, #tpu.memory_space<vmem>>) offsets(%dma_start3A_156 : memref<128xi32, #tpu.memory_space<vmem>>) semaphore(%arg16 : memref<!tpu.dma_semaphore, #tpu.memory_space<semaphore_mem>>)
    %dma_wait3A_160 = arith.constant 1 : i32
    %dma_wait3A_161 = arith.constant 0 : i32
    %dma_wait3A_162 = arith.constant 0 : i32
    %dma_wait3A_163 = arith.constant 0 : i32
    %dma_wait3A_164 = tpu.memref_slice %arg12[%dma_wait3A_161, %dma_wait3A_162, %dma_wait3A_163] : memref<4x128x128xf32, #tpu.memory_space<vmem>> -> memref<1x128x128xf32, #tpu.memory_space<vmem>>
    %dma_wait3A_165 = tpu.memref_squeeze %dma_wait3A_164 : memref<1x128x128xf32, #tpu.memory_space<vmem>> -> memref<128x128xf32, #tpu.memory_space<vmem>>
    %dma_wait3A_166 = arith.constant 0 : i32
    %dma_wait3A_167 = tpu.memref_slice %arg11[%dma_wait3A_160, %dma_wait3A_166] : memref<4x512xi32, #tpu.memory_space<vmem>> -> memref<1x128xi32, #tpu.memory_space<vmem>>
    %dma_wait3A_168 = tpu.memref_squeeze %dma_wait3A_167 : memref<1x128xi32, #tpu.memory_space<vmem>> -> memref<128xi32, #tpu.memory_space<vmem>>
    %dma_wait3A_169 = arith.constant 0 : i32
    %dma_wait3A_170 = arith.constant 0 : i32
    %dma_wait3A_171 = tpu.memref_slice %arg2[%dma_wait3A_169, %dma_wait3A_170] : memref<100000x128xf32, #tpu.memory_space<hbm>> -> memref<100000x128xf32, #tpu.memory_space<hbm>>
    tpu.wait_indirect_dma semaphore(%arg13 : memref<!tpu.dma_semaphore, #tpu.memory_space<semaphore_mem>>) src(%dma_wait3A_171 : memref<100000x128xf32, #tpu.memory_space<hbm>>) dst(%dma_wait3A_165 : memref<128x128xf32, #tpu.memory_space<vmem>>)
    %add3A_172 = arith.constant 0 : i32
    %add3A_173 = arith.addi %mul3A_2, %add3A_172 : i32
    %run_scoped3A_174 = arith.constant 0 : i32
    "tpu.region"() ({
      %run_scoped3A_436 = tpu.sem_alloc : memref<!tpu.dma_semaphore, #tpu.memory_space<semaphore_mem>>
      %dma_start3A_437 = arith.constant 0 : i32
      %dma_start3A_438 = arith.constant 0 : i32
      %dma_start3A_439 = tpu.memref_slice %arg12[%run_scoped3A_174, %dma_start3A_437, %dma_start3A_438] : memref<4x128x128xf32, #tpu.memory_space<vmem>> -> memref<1x128x128xf32, #tpu.memory_space<vmem>>
      %dma_start3A_440 = tpu.memref_squeeze %dma_start3A_439 : memref<1x128x128xf32, #tpu.memory_space<vmem>> -> memref<128x128xf32, #tpu.memory_space<vmem>>
      %dma_start3A_441 = arith.constant 0 : i32
      %dma_start3A_442 = tpu.memref_slice %arg8[%add3A_173, %dma_start3A_441] : memref<16384x128xf32, #tpu.memory_space<hbm>> -> memref<128x128xf32, #tpu.memory_space<hbm>>
      %dma_start3A_443 = arith.constant 0 : i32
      %dma_start3A_444 = tpu.memref_slice %arg8[%add3A_173, %dma_start3A_443] : memref<16384x128xf32, #tpu.memory_space<hbm>> -> memref<128x128xf32, #tpu.memory_space<hbm>>
      %dma_start3A_445 = arith.constant 0 : i32
      %dma_start3A_446 = arith.constant 0 : i32
      %dma_start3A_447 = tpu.memref_slice %arg12[%run_scoped3A_174, %dma_start3A_445, %dma_start3A_446] : memref<4x128x128xf32, #tpu.memory_space<vmem>> -> memref<1x128x128xf32, #tpu.memory_space<vmem>>
      %dma_start3A_448 = tpu.memref_squeeze %dma_start3A_447 : memref<1x128x128xf32, #tpu.memory_space<vmem>> -> memref<128x128xf32, #tpu.memory_space<vmem>>
      tpu.enqueue_dma source(%dma_start3A_448 : memref<128x128xf32, #tpu.memory_space<vmem>>) target(%dma_start3A_444 : memref<128x128xf32, #tpu.memory_space<hbm>>) target_semaphore(%run_scoped3A_436 : memref<!tpu.dma_semaphore, #tpu.memory_space<semaphore_mem>>)
      %dma_wait3A_449 = arith.constant 0 : i32
      %dma_wait3A_450 = arith.constant 0 : i32
      %dma_wait3A_451 = tpu.memref_slice %arg12[%run_scoped3A_174, %dma_wait3A_449, %dma_wait3A_450] : memref<4x128x128xf32, #tpu.memory_space<vmem>> -> memref<1x128x128xf32, #tpu.memory_space<vmem>>
      %dma_wait3A_452 = tpu.memref_squeeze %dma_wait3A_451 : memref<1x128x128xf32, #tpu.memory_space<vmem>> -> memref<128x128xf32, #tpu.memory_space<vmem>>
      %dma_wait3A_453 = arith.constant 0 : i32
      %dma_wait3A_454 = tpu.memref_slice %arg8[%add3A_173, %dma_wait3A_453] : memref<16384x128xf32, #tpu.memory_space<hbm>> -> memref<128x128xf32, #tpu.memory_space<hbm>>
      %dma_wait3A_455 = arith.constant 0 : i32
      %dma_wait3A_456 = tpu.memref_slice %arg8[%add3A_173, %dma_wait3A_455] : memref<16384x128xf32, #tpu.memory_space<hbm>> -> memref<128x128xf32, #tpu.memory_space<hbm>>
      %dma_wait3A_457 = arith.constant 0 : i32
      %dma_wait3A_458 = arith.constant 0 : i32
      %dma_wait3A_459 = tpu.memref_slice %arg12[%run_scoped3A_174, %dma_wait3A_457, %dma_wait3A_458] : memref<4x128x128xf32, #tpu.memory_space<vmem>> -> memref<1x128x128xf32, #tpu.memory_space<vmem>>
      %dma_wait3A_460 = tpu.memref_squeeze %dma_wait3A_459 : memref<1x128x128xf32, #tpu.memory_space<vmem>> -> memref<128x128xf32, #tpu.memory_space<vmem>>
      tpu.wait_dma2 semaphore(%run_scoped3A_436 : memref<!tpu.dma_semaphore, #tpu.memory_space<semaphore_mem>>) src(%dma_wait3A_460 : memref<128x128xf32, #tpu.memory_space<vmem>>) dst(%dma_wait3A_456 : memref<128x128xf32, #tpu.memory_space<hbm>>)
      tpu.yield
    }) : () -> ()
    %dma_start3A_175 = arith.constant 2 : i32
    %dma_start3A_176 = arith.constant 0 : i32
    %dma_start3A_177 = arith.constant 0 : i32
    %dma_start3A_178 = arith.constant 0 : i32
    %dma_start3A_179 = tpu.memref_slice %arg12[%dma_start3A_176, %dma_start3A_177, %dma_start3A_178] : memref<4x128x128xf32, #tpu.memory_space<vmem>> -> memref<1x128x128xf32, #tpu.memory_space<vmem>>
    %dma_start3A_180 = tpu.memref_squeeze %dma_start3A_179 : memref<1x128x128xf32, #tpu.memory_space<vmem>> -> memref<128x128xf32, #tpu.memory_space<vmem>>
    %dma_start3A_181 = arith.constant 0 : i32
    %dma_start3A_182 = tpu.memref_slice %arg11[%dma_start3A_175, %dma_start3A_181] : memref<4x512xi32, #tpu.memory_space<vmem>> -> memref<1x128xi32, #tpu.memory_space<vmem>>
    %dma_start3A_183 = tpu.memref_squeeze %dma_start3A_182 : memref<1x128xi32, #tpu.memory_space<vmem>> -> memref<128xi32, #tpu.memory_space<vmem>>
    %dma_start3A_184 = arith.constant 0 : i32
    %dma_start3A_185 = arith.constant 0 : i32
    %dma_start3A_186 = tpu.memref_slice %arg2[%dma_start3A_184, %dma_start3A_185] : memref<100000x128xf32, #tpu.memory_space<hbm>> -> memref<100000x128xf32, #tpu.memory_space<hbm>>
    tpu.enqueue_indirect_dma source(%dma_start3A_186 : memref<100000x128xf32, #tpu.memory_space<hbm>>) target(%dma_start3A_180 : memref<128x128xf32, #tpu.memory_space<vmem>>) offsets(%dma_start3A_183 : memref<128xi32, #tpu.memory_space<vmem>>) semaphore(%arg13 : memref<!tpu.dma_semaphore, #tpu.memory_space<semaphore_mem>>)
    %dma_wait3A_187 = arith.constant 1 : i32
    %dma_wait3A_188 = arith.constant 1 : i32
    %dma_wait3A_189 = arith.constant 0 : i32
    %dma_wait3A_190 = arith.constant 0 : i32
    %dma_wait3A_191 = tpu.memref_slice %arg12[%dma_wait3A_188, %dma_wait3A_189, %dma_wait3A_190] : memref<4x128x128xf32, #tpu.memory_space<vmem>> -> memref<1x128x128xf32, #tpu.memory_space<vmem>>
    %dma_wait3A_192 = tpu.memref_squeeze %dma_wait3A_191 : memref<1x128x128xf32, #tpu.memory_space<vmem>> -> memref<128x128xf32, #tpu.memory_space<vmem>>
    %dma_wait3A_193 = arith.constant 128 : i32
    %dma_wait3A_194 = tpu.memref_slice %arg11[%dma_wait3A_187, %dma_wait3A_193] : memref<4x512xi32, #tpu.memory_space<vmem>> -> memref<1x128xi32, #tpu.memory_space<vmem>>
    %dma_wait3A_195 = tpu.memref_squeeze %dma_wait3A_194 : memref<1x128xi32, #tpu.memory_space<vmem>> -> memref<128xi32, #tpu.memory_space<vmem>>
    %dma_wait3A_196 = arith.constant 0 : i32
    %dma_wait3A_197 = arith.constant 0 : i32
    %dma_wait3A_198 = tpu.memref_slice %arg2[%dma_wait3A_196, %dma_wait3A_197] : memref<100000x128xf32, #tpu.memory_space<hbm>> -> memref<100000x128xf32, #tpu.memory_space<hbm>>
    tpu.wait_indirect_dma semaphore(%arg14 : memref<!tpu.dma_semaphore, #tpu.memory_space<semaphore_mem>>) src(%dma_wait3A_198 : memref<100000x128xf32, #tpu.memory_space<hbm>>) dst(%dma_wait3A_192 : memref<128x128xf32, #tpu.memory_space<vmem>>)
    %add3A_199 = arith.constant 128 : i32
    %add3A_200 = arith.addi %mul3A_2, %add3A_199 : i32
    %run_scoped3A_201 = arith.constant 1 : i32
    "tpu.region"() ({
      %run_scoped3A_436 = tpu.sem_alloc : memref<!tpu.dma_semaphore, #tpu.memory_space<semaphore_mem>>
      %dma_start3A_437 = arith.constant 0 : i32
      %dma_start3A_438 = arith.constant 0 : i32
      %dma_start3A_439 = tpu.memref_slice %arg12[%run_scoped3A_201, %dma_start3A_437, %dma_start3A_438] : memref<4x128x128xf32, #tpu.memory_space<vmem>> -> memref<1x128x128xf32, #tpu.memory_space<vmem>>
      %dma_start3A_440 = tpu.memref_squeeze %dma_start3A_439 : memref<1x128x128xf32, #tpu.memory_space<vmem>> -> memref<128x128xf32, #tpu.memory_space<vmem>>
      %dma_start3A_441 = arith.constant 0 : i32
      %dma_start3A_442 = tpu.memref_slice %arg8[%add3A_200, %dma_start3A_441] : memref<16384x128xf32, #tpu.memory_space<hbm>> -> memref<128x128xf32, #tpu.memory_space<hbm>>
      %dma_start3A_443 = arith.constant 0 : i32
      %dma_start3A_444 = tpu.memref_slice %arg8[%add3A_200, %dma_start3A_443] : memref<16384x128xf32, #tpu.memory_space<hbm>> -> memref<128x128xf32, #tpu.memory_space<hbm>>
      %dma_start3A_445 = arith.constant 0 : i32
      %dma_start3A_446 = arith.constant 0 : i32
      %dma_start3A_447 = tpu.memref_slice %arg12[%run_scoped3A_201, %dma_start3A_445, %dma_start3A_446] : memref<4x128x128xf32, #tpu.memory_space<vmem>> -> memref<1x128x128xf32, #tpu.memory_space<vmem>>
      %dma_start3A_448 = tpu.memref_squeeze %dma_start3A_447 : memref<1x128x128xf32, #tpu.memory_space<vmem>> -> memref<128x128xf32, #tpu.memory_space<vmem>>
      tpu.enqueue_dma source(%dma_start3A_448 : memref<128x128xf32, #tpu.memory_space<vmem>>) target(%dma_start3A_444 : memref<128x128xf32, #tpu.memory_space<hbm>>) target_semaphore(%run_scoped3A_436 : memref<!tpu.dma_semaphore, #tpu.memory_space<semaphore_mem>>)
      %dma_wait3A_449 = arith.constant 0 : i32
      %dma_wait3A_450 = arith.constant 0 : i32
      %dma_wait3A_451 = tpu.memref_slice %arg12[%run_scoped3A_201, %dma_wait3A_449, %dma_wait3A_450] : memref<4x128x128xf32, #tpu.memory_space<vmem>> -> memref<1x128x128xf32, #tpu.memory_space<vmem>>
      %dma_wait3A_452 = tpu.memref_squeeze %dma_wait3A_451 : memref<1x128x128xf32, #tpu.memory_space<vmem>> -> memref<128x128xf32, #tpu.memory_space<vmem>>
      %dma_wait3A_453 = arith.constant 0 : i32
      %dma_wait3A_454 = tpu.memref_slice %arg8[%add3A_200, %dma_wait3A_453] : memref<16384x128xf32, #tpu.memory_space<hbm>> -> memref<128x128xf32, #tpu.memory_space<hbm>>
      %dma_wait3A_455 = arith.constant 0 : i32
      %dma_wait3A_456 = tpu.memref_slice %arg8[%add3A_200, %dma_wait3A_455] : memref<16384x128xf32, #tpu.memory_space<hbm>> -> memref<128x128xf32, #tpu.memory_space<hbm>>
      %dma_wait3A_457 = arith.constant 0 : i32
      %dma_wait3A_458 = arith.constant 0 : i32
      %dma_wait3A_459 = tpu.memref_slice %arg12[%run_scoped3A_201, %dma_wait3A_457, %dma_wait3A_458] : memref<4x128x128xf32, #tpu.memory_space<vmem>> -> memref<1x128x128xf32, #tpu.memory_space<vmem>>
      %dma_wait3A_460 = tpu.memref_squeeze %dma_wait3A_459 : memref<1x128x128xf32, #tpu.memory_space<vmem>> -> memref<128x128xf32, #tpu.memory_space<vmem>>
      tpu.wait_dma2 semaphore(%run_scoped3A_436 : memref<!tpu.dma_semaphore, #tpu.memory_space<semaphore_mem>>) src(%dma_wait3A_460 : memref<128x128xf32, #tpu.memory_space<vmem>>) dst(%dma_wait3A_456 : memref<128x128xf32, #tpu.memory_space<hbm>>)
      tpu.yield
    }) : () -> ()
    %dma_start3A_202 = arith.constant 2 : i32
    %dma_start3A_203 = arith.constant 1 : i32
    %dma_start3A_204 = arith.constant 0 : i32
    %dma_start3A_205 = arith.constant 0 : i32
    %dma_start3A_206 = tpu.memref_slice %arg12[%dma_start3A_203, %dma_start3A_204, %dma_start3A_205] : memref<4x128x128xf32, #tpu.memory_space<vmem>> -> memref<1x128x128xf32, #tpu.memory_space<vmem>>
    %dma_start3A_207 = tpu.memref_squeeze %dma_start3A_206 : memref<1x128x128xf32, #tpu.memory_space<vmem>> -> memref<128x128xf32, #tpu.memory_space<vmem>>
    %dma_start3A_208 = arith.constant 128 : i32
    %dma_start3A_209 = tpu.memref_slice %arg11[%dma_start3A_202, %dma_start3A_208] : memref<4x512xi32, #tpu.memory_space<vmem>> -> memref<1x128xi32, #tpu.memory_space<vmem>>
    %dma_start3A_210 = tpu.memref_squeeze %dma_start3A_209 : memref<1x128xi32, #tpu.memory_space<vmem>> -> memref<128xi32, #tpu.memory_space<vmem>>
    %dma_start3A_211 = arith.constant 0 : i32
    %dma_start3A_212 = arith.constant 0 : i32
    %dma_start3A_213 = tpu.memref_slice %arg2[%dma_start3A_211, %dma_start3A_212] : memref<100000x128xf32, #tpu.memory_space<hbm>> -> memref<100000x128xf32, #tpu.memory_space<hbm>>
    tpu.enqueue_indirect_dma source(%dma_start3A_213 : memref<100000x128xf32, #tpu.memory_space<hbm>>) target(%dma_start3A_207 : memref<128x128xf32, #tpu.memory_space<vmem>>) offsets(%dma_start3A_210 : memref<128xi32, #tpu.memory_space<vmem>>) semaphore(%arg14 : memref<!tpu.dma_semaphore, #tpu.memory_space<semaphore_mem>>)
    %dma_wait3A_214 = arith.constant 1 : i32
    %dma_wait3A_215 = arith.constant 2 : i32
    %dma_wait3A_216 = arith.constant 0 : i32
    %dma_wait3A_217 = arith.constant 0 : i32
    %dma_wait3A_218 = tpu.memref_slice %arg12[%dma_wait3A_215, %dma_wait3A_216, %dma_wait3A_217] : memref<4x128x128xf32, #tpu.memory_space<vmem>> -> memref<1x128x128xf32, #tpu.memory_space<vmem>>
    %dma_wait3A_219 = tpu.memref_squeeze %dma_wait3A_218 : memref<1x128x128xf32, #tpu.memory_space<vmem>> -> memref<128x128xf32, #tpu.memory_space<vmem>>
    %dma_wait3A_220 = arith.constant 256 : i32
    %dma_wait3A_221 = tpu.memref_slice %arg11[%dma_wait3A_214, %dma_wait3A_220] : memref<4x512xi32, #tpu.memory_space<vmem>> -> memref<1x128xi32, #tpu.memory_space<vmem>>
    %dma_wait3A_222 = tpu.memref_squeeze %dma_wait3A_221 : memref<1x128xi32, #tpu.memory_space<vmem>> -> memref<128xi32, #tpu.memory_space<vmem>>
    %dma_wait3A_223 = arith.constant 0 : i32
    %dma_wait3A_224 = arith.constant 0 : i32
    %dma_wait3A_225 = tpu.memref_slice %arg2[%dma_wait3A_223, %dma_wait3A_224] : memref<100000x128xf32, #tpu.memory_space<hbm>> -> memref<100000x128xf32, #tpu.memory_space<hbm>>
    tpu.wait_indirect_dma semaphore(%arg15 : memref<!tpu.dma_semaphore, #tpu.memory_space<semaphore_mem>>) src(%dma_wait3A_225 : memref<100000x128xf32, #tpu.memory_space<hbm>>) dst(%dma_wait3A_219 : memref<128x128xf32, #tpu.memory_space<vmem>>)
    %add3A_226 = arith.constant 256 : i32
    %add3A_227 = arith.addi %mul3A_2, %add3A_226 : i32
    %run_scoped3A_228 = arith.constant 2 : i32
    "tpu.region"() ({
      %run_scoped3A_436 = tpu.sem_alloc : memref<!tpu.dma_semaphore, #tpu.memory_space<semaphore_mem>>
      %dma_start3A_437 = arith.constant 0 : i32
      %dma_start3A_438 = arith.constant 0 : i32
      %dma_start3A_439 = tpu.memref_slice %arg12[%run_scoped3A_228, %dma_start3A_437, %dma_start3A_438] : memref<4x128x128xf32, #tpu.memory_space<vmem>> -> memref<1x128x128xf32, #tpu.memory_space<vmem>>
      %dma_start3A_440 = tpu.memref_squeeze %dma_start3A_439 : memref<1x128x128xf32, #tpu.memory_space<vmem>> -> memref<128x128xf32, #tpu.memory_space<vmem>>
      %dma_start3A_441 = arith.constant 0 : i32
      %dma_start3A_442 = tpu.memref_slice %arg8[%add3A_227, %dma_start3A_441] : memref<16384x128xf32, #tpu.memory_space<hbm>> -> memref<128x128xf32, #tpu.memory_space<hbm>>
      %dma_start3A_443 = arith.constant 0 : i32
      %dma_start3A_444 = tpu.memref_slice %arg8[%add3A_227, %dma_start3A_443] : memref<16384x128xf32, #tpu.memory_space<hbm>> -> memref<128x128xf32, #tpu.memory_space<hbm>>
      %dma_start3A_445 = arith.constant 0 : i32
      %dma_start3A_446 = arith.constant 0 : i32
      %dma_start3A_447 = tpu.memref_slice %arg12[%run_scoped3A_228, %dma_start3A_445, %dma_start3A_446] : memref<4x128x128xf32, #tpu.memory_space<vmem>> -> memref<1x128x128xf32, #tpu.memory_space<vmem>>
      %dma_start3A_448 = tpu.memref_squeeze %dma_start3A_447 : memref<1x128x128xf32, #tpu.memory_space<vmem>> -> memref<128x128xf32, #tpu.memory_space<vmem>>
      tpu.enqueue_dma source(%dma_start3A_448 : memref<128x128xf32, #tpu.memory_space<vmem>>) target(%dma_start3A_444 : memref<128x128xf32, #tpu.memory_space<hbm>>) target_semaphore(%run_scoped3A_436 : memref<!tpu.dma_semaphore, #tpu.memory_space<semaphore_mem>>)
      %dma_wait3A_449 = arith.constant 0 : i32
      %dma_wait3A_450 = arith.constant 0 : i32
      %dma_wait3A_451 = tpu.memref_slice %arg12[%run_scoped3A_228, %dma_wait3A_449, %dma_wait3A_450] : memref<4x128x128xf32, #tpu.memory_space<vmem>> -> memref<1x128x128xf32, #tpu.memory_space<vmem>>
      %dma_wait3A_452 = tpu.memref_squeeze %dma_wait3A_451 : memref<1x128x128xf32, #tpu.memory_space<vmem>> -> memref<128x128xf32, #tpu.memory_space<vmem>>
      %dma_wait3A_453 = arith.constant 0 : i32
      %dma_wait3A_454 = tpu.memref_slice %arg8[%add3A_227, %dma_wait3A_453] : memref<16384x128xf32, #tpu.memory_space<hbm>> -> memref<128x128xf32, #tpu.memory_space<hbm>>
      %dma_wait3A_455 = arith.constant 0 : i32
      %dma_wait3A_456 = tpu.memref_slice %arg8[%add3A_227, %dma_wait3A_455] : memref<16384x128xf32, #tpu.memory_space<hbm>> -> memref<128x128xf32, #tpu.memory_space<hbm>>
      %dma_wait3A_457 = arith.constant 0 : i32
      %dma_wait3A_458 = arith.constant 0 : i32
      %dma_wait3A_459 = tpu.memref_slice %arg12[%run_scoped3A_228, %dma_wait3A_457, %dma_wait3A_458] : memref<4x128x128xf32, #tpu.memory_space<vmem>> -> memref<1x128x128xf32, #tpu.memory_space<vmem>>
      %dma_wait3A_460 = tpu.memref_squeeze %dma_wait3A_459 : memref<1x128x128xf32, #tpu.memory_space<vmem>> -> memref<128x128xf32, #tpu.memory_space<vmem>>
      tpu.wait_dma2 semaphore(%run_scoped3A_436 : memref<!tpu.dma_semaphore, #tpu.memory_space<semaphore_mem>>) src(%dma_wait3A_460 : memref<128x128xf32, #tpu.memory_space<vmem>>) dst(%dma_wait3A_456 : memref<128x128xf32, #tpu.memory_space<hbm>>)
      tpu.yield
    }) : () -> ()
    %dma_start3A_229 = arith.constant 2 : i32
    %dma_start3A_230 = arith.constant 2 : i32
    %dma_start3A_231 = arith.constant 0 : i32
    %dma_start3A_232 = arith.constant 0 : i32
    %dma_start3A_233 = tpu.memref_slice %arg12[%dma_start3A_230, %dma_start3A_231, %dma_start3A_232] : memref<4x128x128xf32, #tpu.memory_space<vmem>> -> memref<1x128x128xf32, #tpu.memory_space<vmem>>
    %dma_start3A_234 = tpu.memref_squeeze %dma_start3A_233 : memref<1x128x128xf32, #tpu.memory_space<vmem>> -> memref<128x128xf32, #tpu.memory_space<vmem>>
    %dma_start3A_235 = arith.constant 256 : i32
    %dma_start3A_236 = tpu.memref_slice %arg11[%dma_start3A_229, %dma_start3A_235] : memref<4x512xi32, #tpu.memory_space<vmem>> -> memref<1x128xi32, #tpu.memory_space<vmem>>
    %dma_start3A_237 = tpu.memref_squeeze %dma_start3A_236 : memref<1x128xi32, #tpu.memory_space<vmem>> -> memref<128xi32, #tpu.memory_space<vmem>>
    %dma_start3A_238 = arith.constant 0 : i32
    %dma_start3A_239 = arith.constant 0 : i32
    %dma_start3A_240 = tpu.memref_slice %arg2[%dma_start3A_238, %dma_start3A_239] : memref<100000x128xf32, #tpu.memory_space<hbm>> -> memref<100000x128xf32, #tpu.memory_space<hbm>>
    tpu.enqueue_indirect_dma source(%dma_start3A_240 : memref<100000x128xf32, #tpu.memory_space<hbm>>) target(%dma_start3A_234 : memref<128x128xf32, #tpu.memory_space<vmem>>) offsets(%dma_start3A_237 : memref<128xi32, #tpu.memory_space<vmem>>) semaphore(%arg15 : memref<!tpu.dma_semaphore, #tpu.memory_space<semaphore_mem>>)
    %dma_wait3A_241 = arith.constant 1 : i32
    %dma_wait3A_242 = arith.constant 3 : i32
    %dma_wait3A_243 = arith.constant 0 : i32
    %dma_wait3A_244 = arith.constant 0 : i32
    %dma_wait3A_245 = tpu.memref_slice %arg12[%dma_wait3A_242, %dma_wait3A_243, %dma_wait3A_244] : memref<4x128x128xf32, #tpu.memory_space<vmem>> -> memref<1x128x128xf32, #tpu.memory_space<vmem>>
    %dma_wait3A_246 = tpu.memref_squeeze %dma_wait3A_245 : memref<1x128x128xf32, #tpu.memory_space<vmem>> -> memref<128x128xf32, #tpu.memory_space<vmem>>
    %dma_wait3A_247 = arith.constant 384 : i32
    %dma_wait3A_248 = tpu.memref_slice %arg11[%dma_wait3A_241, %dma_wait3A_247] : memref<4x512xi32, #tpu.memory_space<vmem>> -> memref<1x128xi32, #tpu.memory_space<vmem>>
    %dma_wait3A_249 = tpu.memref_squeeze %dma_wait3A_248 : memref<1x128xi32, #tpu.memory_space<vmem>> -> memref<128xi32, #tpu.memory_space<vmem>>
    %dma_wait3A_250 = arith.constant 0 : i32
    %dma_wait3A_251 = arith.constant 0 : i32
    %dma_wait3A_252 = tpu.memref_slice %arg2[%dma_wait3A_250, %dma_wait3A_251] : memref<100000x128xf32, #tpu.memory_space<hbm>> -> memref<100000x128xf32, #tpu.memory_space<hbm>>
    tpu.wait_indirect_dma semaphore(%arg16 : memref<!tpu.dma_semaphore, #tpu.memory_space<semaphore_mem>>) src(%dma_wait3A_252 : memref<100000x128xf32, #tpu.memory_space<hbm>>) dst(%dma_wait3A_246 : memref<128x128xf32, #tpu.memory_space<vmem>>)
    %add3A_253 = arith.constant 384 : i32
    %add3A_254 = arith.addi %mul3A_2, %add3A_253 : i32
    %run_scoped3A_255 = arith.constant 3 : i32
    "tpu.region"() ({
      %run_scoped3A_436 = tpu.sem_alloc : memref<!tpu.dma_semaphore, #tpu.memory_space<semaphore_mem>>
      %dma_start3A_437 = arith.constant 0 : i32
      %dma_start3A_438 = arith.constant 0 : i32
      %dma_start3A_439 = tpu.memref_slice %arg12[%run_scoped3A_255, %dma_start3A_437, %dma_start3A_438] : memref<4x128x128xf32, #tpu.memory_space<vmem>> -> memref<1x128x128xf32, #tpu.memory_space<vmem>>
      %dma_start3A_440 = tpu.memref_squeeze %dma_start3A_439 : memref<1x128x128xf32, #tpu.memory_space<vmem>> -> memref<128x128xf32, #tpu.memory_space<vmem>>
      %dma_start3A_441 = arith.constant 0 : i32
      %dma_start3A_442 = tpu.memref_slice %arg8[%add3A_254, %dma_start3A_441] : memref<16384x128xf32, #tpu.memory_space<hbm>> -> memref<128x128xf32, #tpu.memory_space<hbm>>
      %dma_start3A_443 = arith.constant 0 : i32
      %dma_start3A_444 = tpu.memref_slice %arg8[%add3A_254, %dma_start3A_443] : memref<16384x128xf32, #tpu.memory_space<hbm>> -> memref<128x128xf32, #tpu.memory_space<hbm>>
      %dma_start3A_445 = arith.constant 0 : i32
      %dma_start3A_446 = arith.constant 0 : i32
      %dma_start3A_447 = tpu.memref_slice %arg12[%run_scoped3A_255, %dma_start3A_445, %dma_start3A_446] : memref<4x128x128xf32, #tpu.memory_space<vmem>> -> memref<1x128x128xf32, #tpu.memory_space<vmem>>
      %dma_start3A_448 = tpu.memref_squeeze %dma_start3A_447 : memref<1x128x128xf32, #tpu.memory_space<vmem>> -> memref<128x128xf32, #tpu.memory_space<vmem>>
      tpu.enqueue_dma source(%dma_start3A_448 : memref<128x128xf32, #tpu.memory_space<vmem>>) target(%dma_start3A_444 : memref<128x128xf32, #tpu.memory_space<hbm>>) target_semaphore(%run_scoped3A_436 : memref<!tpu.dma_semaphore, #tpu.memory_space<semaphore_mem>>)
      %dma_wait3A_449 = arith.constant 0 : i32
      %dma_wait3A_450 = arith.constant 0 : i32
      %dma_wait3A_451 = tpu.memref_slice %arg12[%run_scoped3A_255, %dma_wait3A_449, %dma_wait3A_450] : memref<4x128x128xf32, #tpu.memory_space<vmem>> -> memref<1x128x128xf32, #tpu.memory_space<vmem>>
      %dma_wait3A_452 = tpu.memref_squeeze %dma_wait3A_451 : memref<1x128x128xf32, #tpu.memory_space<vmem>> -> memref<128x128xf32, #tpu.memory_space<vmem>>
      %dma_wait3A_453 = arith.constant 0 : i32
      %dma_wait3A_454 = tpu.memref_slice %arg8[%add3A_254, %dma_wait3A_453] : memref<16384x128xf32, #tpu.memory_space<hbm>> -> memref<128x128xf32, #tpu.memory_space<hbm>>
      %dma_wait3A_455 = arith.constant 0 : i32
      %dma_wait3A_456 = tpu.memref_slice %arg8[%add3A_254, %dma_wait3A_455] : memref<16384x128xf32, #tpu.memory_space<hbm>> -> memref<128x128xf32, #tpu.memory_space<hbm>>
      %dma_wait3A_457 = arith.constant 0 : i32
      %dma_wait3A_458 = arith.constant 0 : i32
      %dma_wait3A_459 = tpu.memref_slice %arg12[%run_scoped3A_255, %dma_wait3A_457, %dma_wait3A_458] : memref<4x128x128xf32, #tpu.memory_space<vmem>> -> memref<1x128x128xf32, #tpu.memory_space<vmem>>
      %dma_wait3A_460 = tpu.memref_squeeze %dma_wait3A_459 : memref<1x128x128xf32, #tpu.memory_space<vmem>> -> memref<128x128xf32, #tpu.memory_space<vmem>>
      tpu.wait_dma2 semaphore(%run_scoped3A_436 : memref<!tpu.dma_semaphore, #tpu.memory_space<semaphore_mem>>) src(%dma_wait3A_460 : memref<128x128xf32, #tpu.memory_space<vmem>>) dst(%dma_wait3A_456 : memref<128x128xf32, #tpu.memory_space<hbm>>)
      tpu.yield
    }) : () -> ()
    %dma_start3A_256 = arith.constant 2 : i32
    %dma_start3A_257 = arith.constant 3 : i32
    %dma_start3A_258 = arith.constant 0 : i32
    %dma_start3A_259 = arith.constant 0 : i32
    %dma_start3A_260 = tpu.memref_slice %arg12[%dma_start3A_257, %dma_start3A_258, %dma_start3A_259] : memref<4x128x128xf32, #tpu.memory_space<vmem>> -> memref<1x128x128xf32, #tpu.memory_space<vmem>>
    %dma_start3A_261 = tpu.memref_squeeze %dma_start3A_260 : memref<1x128x128xf32, #tpu.memory_space<vmem>> -> memref<128x128xf32, #tpu.memory_space<vmem>>
    %dma_start3A_262 = arith.constant 384 : i32
    %dma_start3A_263 = tpu.memref_slice %arg11[%dma_start3A_256, %dma_start3A_262] : memref<4x512xi32, #tpu.memory_space<vmem>> -> memref<1x128xi32, #tpu.memory_space<vmem>>
    %dma_start3A_264 = tpu.memref_squeeze %dma_start3A_263 : memref<1x128xi32, #tpu.memory_space<vmem>> -> memref<128xi32, #tpu.memory_space<vmem>>
    %dma_start3A_265 = arith.constant 0 : i32
    %dma_start3A_266 = arith.constant 0 : i32
    %dma_start3A_267 = tpu.memref_slice %arg2[%dma_start3A_265, %dma_start3A_266] : memref<100000x128xf32, #tpu.memory_space<hbm>> -> memref<100000x128xf32, #tpu.memory_space<hbm>>
    tpu.enqueue_indirect_dma source(%dma_start3A_267 : memref<100000x128xf32, #tpu.memory_space<hbm>>) target(%dma_start3A_261 : memref<128x128xf32, #tpu.memory_space<vmem>>) offsets(%dma_start3A_264 : memref<128xi32, #tpu.memory_space<vmem>>) semaphore(%arg16 : memref<!tpu.dma_semaphore, #tpu.memory_space<semaphore_mem>>)
    %dma_wait3A_268 = arith.constant 2 : i32
    %dma_wait3A_269 = arith.constant 0 : i32
    %dma_wait3A_270 = arith.constant 0 : i32
    %dma_wait3A_271 = arith.constant 0 : i32
    %dma_wait3A_272 = tpu.memref_slice %arg12[%dma_wait3A_269, %dma_wait3A_270, %dma_wait3A_271] : memref<4x128x128xf32, #tpu.memory_space<vmem>> -> memref<1x128x128xf32, #tpu.memory_space<vmem>>
    %dma_wait3A_273 = tpu.memref_squeeze %dma_wait3A_272 : memref<1x128x128xf32, #tpu.memory_space<vmem>> -> memref<128x128xf32, #tpu.memory_space<vmem>>
    %dma_wait3A_274 = arith.constant 0 : i32
    %dma_wait3A_275 = tpu.memref_slice %arg11[%dma_wait3A_268, %dma_wait3A_274] : memref<4x512xi32, #tpu.memory_space<vmem>> -> memref<1x128xi32, #tpu.memory_space<vmem>>
    %dma_wait3A_276 = tpu.memref_squeeze %dma_wait3A_275 : memref<1x128xi32, #tpu.memory_space<vmem>> -> memref<128xi32, #tpu.memory_space<vmem>>
    %dma_wait3A_277 = arith.constant 0 : i32
    %dma_wait3A_278 = arith.constant 0 : i32
    %dma_wait3A_279 = tpu.memref_slice %arg2[%dma_wait3A_277, %dma_wait3A_278] : memref<100000x128xf32, #tpu.memory_space<hbm>> -> memref<100000x128xf32, #tpu.memory_space<hbm>>
    tpu.wait_indirect_dma semaphore(%arg13 : memref<!tpu.dma_semaphore, #tpu.memory_space<semaphore_mem>>) src(%dma_wait3A_279 : memref<100000x128xf32, #tpu.memory_space<hbm>>) dst(%dma_wait3A_273 : memref<128x128xf32, #tpu.memory_space<vmem>>)
    %add3A_280 = arith.constant 0 : i32
    %add3A_281 = arith.addi %mul3A_2, %add3A_280 : i32
    %run_scoped3A_282 = arith.constant 0 : i32
    "tpu.region"() ({
      %run_scoped3A_436 = tpu.sem_alloc : memref<!tpu.dma_semaphore, #tpu.memory_space<semaphore_mem>>
      %dma_start3A_437 = arith.constant 0 : i32
      %dma_start3A_438 = arith.constant 0 : i32
      %dma_start3A_439 = tpu.memref_slice %arg12[%run_scoped3A_282, %dma_start3A_437, %dma_start3A_438] : memref<4x128x128xf32, #tpu.memory_space<vmem>> -> memref<1x128x128xf32, #tpu.memory_space<vmem>>
      %dma_start3A_440 = tpu.memref_squeeze %dma_start3A_439 : memref<1x128x128xf32, #tpu.memory_space<vmem>> -> memref<128x128xf32, #tpu.memory_space<vmem>>
      %dma_start3A_441 = arith.constant 0 : i32
      %dma_start3A_442 = tpu.memref_slice %arg9[%add3A_281, %dma_start3A_441] : memref<16384x128xf32, #tpu.memory_space<hbm>> -> memref<128x128xf32, #tpu.memory_space<hbm>>
      %dma_start3A_443 = arith.constant 0 : i32
      %dma_start3A_444 = tpu.memref_slice %arg9[%add3A_281, %dma_start3A_443] : memref<16384x128xf32, #tpu.memory_space<hbm>> -> memref<128x128xf32, #tpu.memory_space<hbm>>
      %dma_start3A_445 = arith.constant 0 : i32
      %dma_start3A_446 = arith.constant 0 : i32
      %dma_start3A_447 = tpu.memref_slice %arg12[%run_scoped3A_282, %dma_start3A_445, %dma_start3A_446] : memref<4x128x128xf32, #tpu.memory_space<vmem>> -> memref<1x128x128xf32, #tpu.memory_space<vmem>>
      %dma_start3A_448 = tpu.memref_squeeze %dma_start3A_447 : memref<1x128x128xf32, #tpu.memory_space<vmem>> -> memref<128x128xf32, #tpu.memory_space<vmem>>
      tpu.enqueue_dma source(%dma_start3A_448 : memref<128x128xf32, #tpu.memory_space<vmem>>) target(%dma_start3A_444 : memref<128x128xf32, #tpu.memory_space<hbm>>) target_semaphore(%run_scoped3A_436 : memref<!tpu.dma_semaphore, #tpu.memory_space<semaphore_mem>>)
      %dma_wait3A_449 = arith.constant 0 : i32
      %dma_wait3A_450 = arith.constant 0 : i32
      %dma_wait3A_451 = tpu.memref_slice %arg12[%run_scoped3A_282, %dma_wait3A_449, %dma_wait3A_450] : memref<4x128x128xf32, #tpu.memory_space<vmem>> -> memref<1x128x128xf32, #tpu.memory_space<vmem>>
      %dma_wait3A_452 = tpu.memref_squeeze %dma_wait3A_451 : memref<1x128x128xf32, #tpu.memory_space<vmem>> -> memref<128x128xf32, #tpu.memory_space<vmem>>
      %dma_wait3A_453 = arith.constant 0 : i32
      %dma_wait3A_454 = tpu.memref_slice %arg9[%add3A_281, %dma_wait3A_453] : memref<16384x128xf32, #tpu.memory_space<hbm>> -> memref<128x128xf32, #tpu.memory_space<hbm>>
      %dma_wait3A_455 = arith.constant 0 : i32
      %dma_wait3A_456 = tpu.memref_slice %arg9[%add3A_281, %dma_wait3A_455] : memref<16384x128xf32, #tpu.memory_space<hbm>> -> memref<128x128xf32, #tpu.memory_space<hbm>>
      %dma_wait3A_457 = arith.constant 0 : i32
      %dma_wait3A_458 = arith.constant 0 : i32
      %dma_wait3A_459 = tpu.memref_slice %arg12[%run_scoped3A_282, %dma_wait3A_457, %dma_wait3A_458] : memref<4x128x128xf32, #tpu.memory_space<vmem>> -> memref<1x128x128xf32, #tpu.memory_space<vmem>>
      %dma_wait3A_460 = tpu.memref_squeeze %dma_wait3A_459 : memref<1x128x128xf32, #tpu.memory_space<vmem>> -> memref<128x128xf32, #tpu.memory_space<vmem>>
      tpu.wait_dma2 semaphore(%run_scoped3A_436 : memref<!tpu.dma_semaphore, #tpu.memory_space<semaphore_mem>>) src(%dma_wait3A_460 : memref<128x128xf32, #tpu.memory_space<vmem>>) dst(%dma_wait3A_456 : memref<128x128xf32, #tpu.memory_space<hbm>>)
      tpu.yield
    }) : () -> ()
    %dma_start3A_283 = arith.constant 3 : i32
    %dma_start3A_284 = arith.constant 0 : i32
    %dma_start3A_285 = arith.constant 0 : i32
    %dma_start3A_286 = arith.constant 0 : i32
    %dma_start3A_287 = tpu.memref_slice %arg12[%dma_start3A_284, %dma_start3A_285, %dma_start3A_286] : memref<4x128x128xf32, #tpu.memory_space<vmem>> -> memref<1x128x128xf32, #tpu.memory_space<vmem>>
    %dma_start3A_288 = tpu.memref_squeeze %dma_start3A_287 : memref<1x128x128xf32, #tpu.memory_space<vmem>> -> memref<128x128xf32, #tpu.memory_space<vmem>>
    %dma_start3A_289 = arith.constant 0 : i32
    %dma_start3A_290 = tpu.memref_slice %arg11[%dma_start3A_283, %dma_start3A_289] : memref<4x512xi32, #tpu.memory_space<vmem>> -> memref<1x128xi32, #tpu.memory_space<vmem>>
    %dma_start3A_291 = tpu.memref_squeeze %dma_start3A_290 : memref<1x128xi32, #tpu.memory_space<vmem>> -> memref<128xi32, #tpu.memory_space<vmem>>
    %dma_start3A_292 = arith.constant 0 : i32
    %dma_start3A_293 = arith.constant 0 : i32
    %dma_start3A_294 = tpu.memref_slice %arg2[%dma_start3A_292, %dma_start3A_293] : memref<100000x128xf32, #tpu.memory_space<hbm>> -> memref<100000x128xf32, #tpu.memory_space<hbm>>
    tpu.enqueue_indirect_dma source(%dma_start3A_294 : memref<100000x128xf32, #tpu.memory_space<hbm>>) target(%dma_start3A_288 : memref<128x128xf32, #tpu.memory_space<vmem>>) offsets(%dma_start3A_291 : memref<128xi32, #tpu.memory_space<vmem>>) semaphore(%arg13 : memref<!tpu.dma_semaphore, #tpu.memory_space<semaphore_mem>>)
    %dma_wait3A_295 = arith.constant 2 : i32
    %dma_wait3A_296 = arith.constant 1 : i32
    %dma_wait3A_297 = arith.constant 0 : i32
    %dma_wait3A_298 = arith.constant 0 : i32
    %dma_wait3A_299 = tpu.memref_slice %arg12[%dma_wait3A_296, %dma_wait3A_297, %dma_wait3A_298] : memref<4x128x128xf32, #tpu.memory_space<vmem>> -> memref<1x128x128xf32, #tpu.memory_space<vmem>>
    %dma_wait3A_300 = tpu.memref_squeeze %dma_wait3A_299 : memref<1x128x128xf32, #tpu.memory_space<vmem>> -> memref<128x128xf32, #tpu.memory_space<vmem>>
    %dma_wait3A_301 = arith.constant 128 : i32
    %dma_wait3A_302 = tpu.memref_slice %arg11[%dma_wait3A_295, %dma_wait3A_301] : memref<4x512xi32, #tpu.memory_space<vmem>> -> memref<1x128xi32, #tpu.memory_space<vmem>>
    %dma_wait3A_303 = tpu.memref_squeeze %dma_wait3A_302 : memref<1x128xi32, #tpu.memory_space<vmem>> -> memref<128xi32, #tpu.memory_space<vmem>>
    %dma_wait3A_304 = arith.constant 0 : i32
    %dma_wait3A_305 = arith.constant 0 : i32
    %dma_wait3A_306 = tpu.memref_slice %arg2[%dma_wait3A_304, %dma_wait3A_305] : memref<100000x128xf32, #tpu.memory_space<hbm>> -> memref<100000x128xf32, #tpu.memory_space<hbm>>
    tpu.wait_indirect_dma semaphore(%arg14 : memref<!tpu.dma_semaphore, #tpu.memory_space<semaphore_mem>>) src(%dma_wait3A_306 : memref<100000x128xf32, #tpu.memory_space<hbm>>) dst(%dma_wait3A_300 : memref<128x128xf32, #tpu.memory_space<vmem>>)
    %add3A_307 = arith.constant 128 : i32
    %add3A_308 = arith.addi %mul3A_2, %add3A_307 : i32
    %run_scoped3A_309 = arith.constant 1 : i32
    "tpu.region"() ({
      %run_scoped3A_436 = tpu.sem_alloc : memref<!tpu.dma_semaphore, #tpu.memory_space<semaphore_mem>>
      %dma_start3A_437 = arith.constant 0 : i32
      %dma_start3A_438 = arith.constant 0 : i32
      %dma_start3A_439 = tpu.memref_slice %arg12[%run_scoped3A_309, %dma_start3A_437, %dma_start3A_438] : memref<4x128x128xf32, #tpu.memory_space<vmem>> -> memref<1x128x128xf32, #tpu.memory_space<vmem>>
      %dma_start3A_440 = tpu.memref_squeeze %dma_start3A_439 : memref<1x128x128xf32, #tpu.memory_space<vmem>> -> memref<128x128xf32, #tpu.memory_space<vmem>>
      %dma_start3A_441 = arith.constant 0 : i32
      %dma_start3A_442 = tpu.memref_slice %arg9[%add3A_308, %dma_start3A_441] : memref<16384x128xf32, #tpu.memory_space<hbm>> -> memref<128x128xf32, #tpu.memory_space<hbm>>
      %dma_start3A_443 = arith.constant 0 : i32
      %dma_start3A_444 = tpu.memref_slice %arg9[%add3A_308, %dma_start3A_443] : memref<16384x128xf32, #tpu.memory_space<hbm>> -> memref<128x128xf32, #tpu.memory_space<hbm>>
      %dma_start3A_445 = arith.constant 0 : i32
      %dma_start3A_446 = arith.constant 0 : i32
      %dma_start3A_447 = tpu.memref_slice %arg12[%run_scoped3A_309, %dma_start3A_445, %dma_start3A_446] : memref<4x128x128xf32, #tpu.memory_space<vmem>> -> memref<1x128x128xf32, #tpu.memory_space<vmem>>
      %dma_start3A_448 = tpu.memref_squeeze %dma_start3A_447 : memref<1x128x128xf32, #tpu.memory_space<vmem>> -> memref<128x128xf32, #tpu.memory_space<vmem>>
      tpu.enqueue_dma source(%dma_start3A_448 : memref<128x128xf32, #tpu.memory_space<vmem>>) target(%dma_start3A_444 : memref<128x128xf32, #tpu.memory_space<hbm>>) target_semaphore(%run_scoped3A_436 : memref<!tpu.dma_semaphore, #tpu.memory_space<semaphore_mem>>)
      %dma_wait3A_449 = arith.constant 0 : i32
      %dma_wait3A_450 = arith.constant 0 : i32
      %dma_wait3A_451 = tpu.memref_slice %arg12[%run_scoped3A_309, %dma_wait3A_449, %dma_wait3A_450] : memref<4x128x128xf32, #tpu.memory_space<vmem>> -> memref<1x128x128xf32, #tpu.memory_space<vmem>>
      %dma_wait3A_452 = tpu.memref_squeeze %dma_wait3A_451 : memref<1x128x128xf32, #tpu.memory_space<vmem>> -> memref<128x128xf32, #tpu.memory_space<vmem>>
      %dma_wait3A_453 = arith.constant 0 : i32
      %dma_wait3A_454 = tpu.memref_slice %arg9[%add3A_308, %dma_wait3A_453] : memref<16384x128xf32, #tpu.memory_space<hbm>> -> memref<128x128xf32, #tpu.memory_space<hbm>>
      %dma_wait3A_455 = arith.constant 0 : i32
      %dma_wait3A_456 = tpu.memref_slice %arg9[%add3A_308, %dma_wait3A_455] : memref<16384x128xf32, #tpu.memory_space<hbm>> -> memref<128x128xf32, #tpu.memory_space<hbm>>
      %dma_wait3A_457 = arith.constant 0 : i32
      %dma_wait3A_458 = arith.constant 0 : i32
      %dma_wait3A_459 = tpu.memref_slice %arg12[%run_scoped3A_309, %dma_wait3A_457, %dma_wait3A_458] : memref<4x128x128xf32, #tpu.memory_space<vmem>> -> memref<1x128x128xf32, #tpu.memory_space<vmem>>
      %dma_wait3A_460 = tpu.memref_squeeze %dma_wait3A_459 : memref<1x128x128xf32, #tpu.memory_space<vmem>> -> memref<128x128xf32, #tpu.memory_space<vmem>>
      tpu.wait_dma2 semaphore(%run_scoped3A_436 : memref<!tpu.dma_semaphore, #tpu.memory_space<semaphore_mem>>) src(%dma_wait3A_460 : memref<128x128xf32, #tpu.memory_space<vmem>>) dst(%dma_wait3A_456 : memref<128x128xf32, #tpu.memory_space<hbm>>)
      tpu.yield
    }) : () -> ()
    %dma_start3A_310 = arith.constant 3 : i32
    %dma_start3A_311 = arith.constant 1 : i32
    %dma_start3A_312 = arith.constant 0 : i32
    %dma_start3A_313 = arith.constant 0 : i32
    %dma_start3A_314 = tpu.memref_slice %arg12[%dma_start3A_311, %dma_start3A_312, %dma_start3A_313] : memref<4x128x128xf32, #tpu.memory_space<vmem>> -> memref<1x128x128xf32, #tpu.memory_space<vmem>>
    %dma_start3A_315 = tpu.memref_squeeze %dma_start3A_314 : memref<1x128x128xf32, #tpu.memory_space<vmem>> -> memref<128x128xf32, #tpu.memory_space<vmem>>
    %dma_start3A_316 = arith.constant 128 : i32
    %dma_start3A_317 = tpu.memref_slice %arg11[%dma_start3A_310, %dma_start3A_316] : memref<4x512xi32, #tpu.memory_space<vmem>> -> memref<1x128xi32, #tpu.memory_space<vmem>>
    %dma_start3A_318 = tpu.memref_squeeze %dma_start3A_317 : memref<1x128xi32, #tpu.memory_space<vmem>> -> memref<128xi32, #tpu.memory_space<vmem>>
    %dma_start3A_319 = arith.constant 0 : i32
    %dma_start3A_320 = arith.constant 0 : i32
    %dma_start3A_321 = tpu.memref_slice %arg2[%dma_start3A_319, %dma_start3A_320] : memref<100000x128xf32, #tpu.memory_space<hbm>> -> memref<100000x128xf32, #tpu.memory_space<hbm>>
    tpu.enqueue_indirect_dma source(%dma_start3A_321 : memref<100000x128xf32, #tpu.memory_space<hbm>>) target(%dma_start3A_315 : memref<128x128xf32, #tpu.memory_space<vmem>>) offsets(%dma_start3A_318 : memref<128xi32, #tpu.memory_space<vmem>>) semaphore(%arg14 : memref<!tpu.dma_semaphore, #tpu.memory_space<semaphore_mem>>)
    %dma_wait3A_322 = arith.constant 2 : i32
    %dma_wait3A_323 = arith.constant 2 : i32
    %dma_wait3A_324 = arith.constant 0 : i32
    %dma_wait3A_325 = arith.constant 0 : i32
    %dma_wait3A_326 = tpu.memref_slice %arg12[%dma_wait3A_323, %dma_wait3A_324, %dma_wait3A_325] : memref<4x128x128xf32, #tpu.memory_space<vmem>> -> memref<1x128x128xf32, #tpu.memory_space<vmem>>
    %dma_wait3A_327 = tpu.memref_squeeze %dma_wait3A_326 : memref<1x128x128xf32, #tpu.memory_space<vmem>> -> memref<128x128xf32, #tpu.memory_space<vmem>>
    %dma_wait3A_328 = arith.constant 256 : i32
    %dma_wait3A_329 = tpu.memref_slice %arg11[%dma_wait3A_322, %dma_wait3A_328] : memref<4x512xi32, #tpu.memory_space<vmem>> -> memref<1x128xi32, #tpu.memory_space<vmem>>
    %dma_wait3A_330 = tpu.memref_squeeze %dma_wait3A_329 : memref<1x128xi32, #tpu.memory_space<vmem>> -> memref<128xi32, #tpu.memory_space<vmem>>
    %dma_wait3A_331 = arith.constant 0 : i32
    %dma_wait3A_332 = arith.constant 0 : i32
    %dma_wait3A_333 = tpu.memref_slice %arg2[%dma_wait3A_331, %dma_wait3A_332] : memref<100000x128xf32, #tpu.memory_space<hbm>> -> memref<100000x128xf32, #tpu.memory_space<hbm>>
    tpu.wait_indirect_dma semaphore(%arg15 : memref<!tpu.dma_semaphore, #tpu.memory_space<semaphore_mem>>) src(%dma_wait3A_333 : memref<100000x128xf32, #tpu.memory_space<hbm>>) dst(%dma_wait3A_327 : memref<128x128xf32, #tpu.memory_space<vmem>>)
    %add3A_334 = arith.constant 256 : i32
    %add3A_335 = arith.addi %mul3A_2, %add3A_334 : i32
    %run_scoped3A_336 = arith.constant 2 : i32
    "tpu.region"() ({
      %run_scoped3A_436 = tpu.sem_alloc : memref<!tpu.dma_semaphore, #tpu.memory_space<semaphore_mem>>
      %dma_start3A_437 = arith.constant 0 : i32
      %dma_start3A_438 = arith.constant 0 : i32
      %dma_start3A_439 = tpu.memref_slice %arg12[%run_scoped3A_336, %dma_start3A_437, %dma_start3A_438] : memref<4x128x128xf32, #tpu.memory_space<vmem>> -> memref<1x128x128xf32, #tpu.memory_space<vmem>>
      %dma_start3A_440 = tpu.memref_squeeze %dma_start3A_439 : memref<1x128x128xf32, #tpu.memory_space<vmem>> -> memref<128x128xf32, #tpu.memory_space<vmem>>
      %dma_start3A_441 = arith.constant 0 : i32
      %dma_start3A_442 = tpu.memref_slice %arg9[%add3A_335, %dma_start3A_441] : memref<16384x128xf32, #tpu.memory_space<hbm>> -> memref<128x128xf32, #tpu.memory_space<hbm>>
      %dma_start3A_443 = arith.constant 0 : i32
      %dma_start3A_444 = tpu.memref_slice %arg9[%add3A_335, %dma_start3A_443] : memref<16384x128xf32, #tpu.memory_space<hbm>> -> memref<128x128xf32, #tpu.memory_space<hbm>>
      %dma_start3A_445 = arith.constant 0 : i32
      %dma_start3A_446 = arith.constant 0 : i32
      %dma_start3A_447 = tpu.memref_slice %arg12[%run_scoped3A_336, %dma_start3A_445, %dma_start3A_446] : memref<4x128x128xf32, #tpu.memory_space<vmem>> -> memref<1x128x128xf32, #tpu.memory_space<vmem>>
      %dma_start3A_448 = tpu.memref_squeeze %dma_start3A_447 : memref<1x128x128xf32, #tpu.memory_space<vmem>> -> memref<128x128xf32, #tpu.memory_space<vmem>>
      tpu.enqueue_dma source(%dma_start3A_448 : memref<128x128xf32, #tpu.memory_space<vmem>>) target(%dma_start3A_444 : memref<128x128xf32, #tpu.memory_space<hbm>>) target_semaphore(%run_scoped3A_436 : memref<!tpu.dma_semaphore, #tpu.memory_space<semaphore_mem>>)
      %dma_wait3A_449 = arith.constant 0 : i32
      %dma_wait3A_450 = arith.constant 0 : i32
      %dma_wait3A_451 = tpu.memref_slice %arg12[%run_scoped3A_336, %dma_wait3A_449, %dma_wait3A_450] : memref<4x128x128xf32, #tpu.memory_space<vmem>> -> memref<1x128x128xf32, #tpu.memory_space<vmem>>
      %dma_wait3A_452 = tpu.memref_squeeze %dma_wait3A_451 : memref<1x128x128xf32, #tpu.memory_space<vmem>> -> memref<128x128xf32, #tpu.memory_space<vmem>>
      %dma_wait3A_453 = arith.constant 0 : i32
      %dma_wait3A_454 = tpu.memref_slice %arg9[%add3A_335, %dma_wait3A_453] : memref<16384x128xf32, #tpu.memory_space<hbm>> -> memref<128x128xf32, #tpu.memory_space<hbm>>
      %dma_wait3A_455 = arith.constant 0 : i32
      %dma_wait3A_456 = tpu.memref_slice %arg9[%add3A_335, %dma_wait3A_455] : memref<16384x128xf32, #tpu.memory_space<hbm>> -> memref<128x128xf32, #tpu.memory_space<hbm>>
      %dma_wait3A_457 = arith.constant 0 : i32
      %dma_wait3A_458 = arith.constant 0 : i32
      %dma_wait3A_459 = tpu.memref_slice %arg12[%run_scoped3A_336, %dma_wait3A_457, %dma_wait3A_458] : memref<4x128x128xf32, #tpu.memory_space<vmem>> -> memref<1x128x128xf32, #tpu.memory_space<vmem>>
      %dma_wait3A_460 = tpu.memref_squeeze %dma_wait3A_459 : memref<1x128x128xf32, #tpu.memory_space<vmem>> -> memref<128x128xf32, #tpu.memory_space<vmem>>
      tpu.wait_dma2 semaphore(%run_scoped3A_436 : memref<!tpu.dma_semaphore, #tpu.memory_space<semaphore_mem>>) src(%dma_wait3A_460 : memref<128x128xf32, #tpu.memory_space<vmem>>) dst(%dma_wait3A_456 : memref<128x128xf32, #tpu.memory_space<hbm>>)
      tpu.yield
    }) : () -> ()
    %dma_start3A_337 = arith.constant 3 : i32
    %dma_start3A_338 = arith.constant 2 : i32
    %dma_start3A_339 = arith.constant 0 : i32
    %dma_start3A_340 = arith.constant 0 : i32
    %dma_start3A_341 = tpu.memref_slice %arg12[%dma_start3A_338, %dma_start3A_339, %dma_start3A_340] : memref<4x128x128xf32, #tpu.memory_space<vmem>> -> memref<1x128x128xf32, #tpu.memory_space<vmem>>
    %dma_start3A_342 = tpu.memref_squeeze %dma_start3A_341 : memref<1x128x128xf32, #tpu.memory_space<vmem>> -> memref<128x128xf32, #tpu.memory_space<vmem>>
    %dma_start3A_343 = arith.constant 256 : i32
    %dma_start3A_344 = tpu.memref_slice %arg11[%dma_start3A_337, %dma_start3A_343] : memref<4x512xi32, #tpu.memory_space<vmem>> -> memref<1x128xi32, #tpu.memory_space<vmem>>
    %dma_start3A_345 = tpu.memref_squeeze %dma_start3A_344 : memref<1x128xi32, #tpu.memory_space<vmem>> -> memref<128xi32, #tpu.memory_space<vmem>>
    %dma_start3A_346 = arith.constant 0 : i32
    %dma_start3A_347 = arith.constant 0 : i32
    %dma_start3A_348 = tpu.memref_slice %arg2[%dma_start3A_346, %dma_start3A_347] : memref<100000x128xf32, #tpu.memory_space<hbm>> -> memref<100000x128xf32, #tpu.memory_space<hbm>>
    tpu.enqueue_indirect_dma source(%dma_start3A_348 : memref<100000x128xf32, #tpu.memory_space<hbm>>) target(%dma_start3A_342 : memref<128x128xf32, #tpu.memory_space<vmem>>) offsets(%dma_start3A_345 : memref<128xi32, #tpu.memory_space<vmem>>) semaphore(%arg15 : memref<!tpu.dma_semaphore, #tpu.memory_space<semaphore_mem>>)
    %dma_wait3A_349 = arith.constant 2 : i32
    %dma_wait3A_350 = arith.constant 3 : i32
    %dma_wait3A_351 = arith.constant 0 : i32
    %dma_wait3A_352 = arith.constant 0 : i32
    %dma_wait3A_353 = tpu.memref_slice %arg12[%dma_wait3A_350, %dma_wait3A_351, %dma_wait3A_352] : memref<4x128x128xf32, #tpu.memory_space<vmem>> -> memref<1x128x128xf32, #tpu.memory_space<vmem>>
    %dma_wait3A_354 = tpu.memref_squeeze %dma_wait3A_353 : memref<1x128x128xf32, #tpu.memory_space<vmem>> -> memref<128x128xf32, #tpu.memory_space<vmem>>
    %dma_wait3A_355 = arith.constant 384 : i32
    %dma_wait3A_356 = tpu.memref_slice %arg11[%dma_wait3A_349, %dma_wait3A_355] : memref<4x512xi32, #tpu.memory_space<vmem>> -> memref<1x128xi32, #tpu.memory_space<vmem>>
    %dma_wait3A_357 = tpu.memref_squeeze %dma_wait3A_356 : memref<1x128xi32, #tpu.memory_space<vmem>> -> memref<128xi32, #tpu.memory_space<vmem>>
    %dma_wait3A_358 = arith.constant 0 : i32
    %dma_wait3A_359 = arith.constant 0 : i32
    %dma_wait3A_360 = tpu.memref_slice %arg2[%dma_wait3A_358, %dma_wait3A_359] : memref<100000x128xf32, #tpu.memory_space<hbm>> -> memref<100000x128xf32, #tpu.memory_space<hbm>>
    tpu.wait_indirect_dma semaphore(%arg16 : memref<!tpu.dma_semaphore, #tpu.memory_space<semaphore_mem>>) src(%dma_wait3A_360 : memref<100000x128xf32, #tpu.memory_space<hbm>>) dst(%dma_wait3A_354 : memref<128x128xf32, #tpu.memory_space<vmem>>)
    %add3A_361 = arith.constant 384 : i32
    %add3A_362 = arith.addi %mul3A_2, %add3A_361 : i32
    %run_scoped3A_363 = arith.constant 3 : i32
    "tpu.region"() ({
      %run_scoped3A_436 = tpu.sem_alloc : memref<!tpu.dma_semaphore, #tpu.memory_space<semaphore_mem>>
      %dma_start3A_437 = arith.constant 0 : i32
      %dma_start3A_438 = arith.constant 0 : i32
      %dma_start3A_439 = tpu.memref_slice %arg12[%run_scoped3A_363, %dma_start3A_437, %dma_start3A_438] : memref<4x128x128xf32, #tpu.memory_space<vmem>> -> memref<1x128x128xf32, #tpu.memory_space<vmem>>
      %dma_start3A_440 = tpu.memref_squeeze %dma_start3A_439 : memref<1x128x128xf32, #tpu.memory_space<vmem>> -> memref<128x128xf32, #tpu.memory_space<vmem>>
      %dma_start3A_441 = arith.constant 0 : i32
      %dma_start3A_442 = tpu.memref_slice %arg9[%add3A_362, %dma_start3A_441] : memref<16384x128xf32, #tpu.memory_space<hbm>> -> memref<128x128xf32, #tpu.memory_space<hbm>>
      %dma_start3A_443 = arith.constant 0 : i32
      %dma_start3A_444 = tpu.memref_slice %arg9[%add3A_362, %dma_start3A_443] : memref<16384x128xf32, #tpu.memory_space<hbm>> -> memref<128x128xf32, #tpu.memory_space<hbm>>
      %dma_start3A_445 = arith.constant 0 : i32
      %dma_start3A_446 = arith.constant 0 : i32
      %dma_start3A_447 = tpu.memref_slice %arg12[%run_scoped3A_363, %dma_start3A_445, %dma_start3A_446] : memref<4x128x128xf32, #tpu.memory_space<vmem>> -> memref<1x128x128xf32, #tpu.memory_space<vmem>>
      %dma_start3A_448 = tpu.memref_squeeze %dma_start3A_447 : memref<1x128x128xf32, #tpu.memory_space<vmem>> -> memref<128x128xf32, #tpu.memory_space<vmem>>
      tpu.enqueue_dma source(%dma_start3A_448 : memref<128x128xf32, #tpu.memory_space<vmem>>) target(%dma_start3A_444 : memref<128x128xf32, #tpu.memory_space<hbm>>) target_semaphore(%run_scoped3A_436 : memref<!tpu.dma_semaphore, #tpu.memory_space<semaphore_mem>>)
      %dma_wait3A_449 = arith.constant 0 : i32
      %dma_wait3A_450 = arith.constant 0 : i32
      %dma_wait3A_451 = tpu.memref_slice %arg12[%run_scoped3A_363, %dma_wait3A_449, %dma_wait3A_450] : memref<4x128x128xf32, #tpu.memory_space<vmem>> -> memref<1x128x128xf32, #tpu.memory_space<vmem>>
      %dma_wait3A_452 = tpu.memref_squeeze %dma_wait3A_451 : memref<1x128x128xf32, #tpu.memory_space<vmem>> -> memref<128x128xf32, #tpu.memory_space<vmem>>
      %dma_wait3A_453 = arith.constant 0 : i32
      %dma_wait3A_454 = tpu.memref_slice %arg9[%add3A_362, %dma_wait3A_453] : memref<16384x128xf32, #tpu.memory_space<hbm>> -> memref<128x128xf32, #tpu.memory_space<hbm>>
      %dma_wait3A_455 = arith.constant 0 : i32
      %dma_wait3A_456 = tpu.memref_slice %arg9[%add3A_362, %dma_wait3A_455] : memref<16384x128xf32, #tpu.memory_space<hbm>> -> memref<128x128xf32, #tpu.memory_space<hbm>>
      %dma_wait3A_457 = arith.constant 0 : i32
      %dma_wait3A_458 = arith.constant 0 : i32
      %dma_wait3A_459 = tpu.memref_slice %arg12[%run_scoped3A_363, %dma_wait3A_457, %dma_wait3A_458] : memref<4x128x128xf32, #tpu.memory_space<vmem>> -> memref<1x128x128xf32, #tpu.memory_space<vmem>>
      %dma_wait3A_460 = tpu.memref_squeeze %dma_wait3A_459 : memref<1x128x128xf32, #tpu.memory_space<vmem>> -> memref<128x128xf32, #tpu.memory_space<vmem>>
      tpu.wait_dma2 semaphore(%run_scoped3A_436 : memref<!tpu.dma_semaphore, #tpu.memory_space<semaphore_mem>>) src(%dma_wait3A_460 : memref<128x128xf32, #tpu.memory_space<vmem>>) dst(%dma_wait3A_456 : memref<128x128xf32, #tpu.memory_space<hbm>>)
      tpu.yield
    }) : () -> ()
    %dma_start3A_364 = arith.constant 3 : i32
    %dma_start3A_365 = arith.constant 3 : i32
    %dma_start3A_366 = arith.constant 0 : i32
    %dma_start3A_367 = arith.constant 0 : i32
    %dma_start3A_368 = tpu.memref_slice %arg12[%dma_start3A_365, %dma_start3A_366, %dma_start3A_367] : memref<4x128x128xf32, #tpu.memory_space<vmem>> -> memref<1x128x128xf32, #tpu.memory_space<vmem>>
    %dma_start3A_369 = tpu.memref_squeeze %dma_start3A_368 : memref<1x128x128xf32, #tpu.memory_space<vmem>> -> memref<128x128xf32, #tpu.memory_space<vmem>>
    %dma_start3A_370 = arith.constant 384 : i32
    %dma_start3A_371 = tpu.memref_slice %arg11[%dma_start3A_364, %dma_start3A_370] : memref<4x512xi32, #tpu.memory_space<vmem>> -> memref<1x128xi32, #tpu.memory_space<vmem>>
    %dma_start3A_372 = tpu.memref_squeeze %dma_start3A_371 : memref<1x128xi32, #tpu.memory_space<vmem>> -> memref<128xi32, #tpu.memory_space<vmem>>
    %dma_start3A_373 = arith.constant 0 : i32
    %dma_start3A_374 = arith.constant 0 : i32
    %dma_start3A_375 = tpu.memref_slice %arg2[%dma_start3A_373, %dma_start3A_374] : memref<100000x128xf32, #tpu.memory_space<hbm>> -> memref<100000x128xf32, #tpu.memory_space<hbm>>
    tpu.enqueue_indirect_dma source(%dma_start3A_375 : memref<100000x128xf32, #tpu.memory_space<hbm>>) target(%dma_start3A_369 : memref<128x128xf32, #tpu.memory_space<vmem>>) offsets(%dma_start3A_372 : memref<128xi32, #tpu.memory_space<vmem>>) semaphore(%arg16 : memref<!tpu.dma_semaphore, #tpu.memory_space<semaphore_mem>>)
    %dma_wait3A_376 = arith.constant 3 : i32
    %dma_wait3A_377 = arith.constant 0 : i32
    %dma_wait3A_378 = arith.constant 0 : i32
    %dma_wait3A_379 = arith.constant 0 : i32
    %dma_wait3A_380 = tpu.memref_slice %arg12[%dma_wait3A_377, %dma_wait3A_378, %dma_wait3A_379] : memref<4x128x128xf32, #tpu.memory_space<vmem>> -> memref<1x128x128xf32, #tpu.memory_space<vmem>>
    %dma_wait3A_381 = tpu.memref_squeeze %dma_wait3A_380 : memref<1x128x128xf32, #tpu.memory_space<vmem>> -> memref<128x128xf32, #tpu.memory_space<vmem>>
    %dma_wait3A_382 = arith.constant 0 : i32
    %dma_wait3A_383 = tpu.memref_slice %arg11[%dma_wait3A_376, %dma_wait3A_382] : memref<4x512xi32, #tpu.memory_space<vmem>> -> memref<1x128xi32, #tpu.memory_space<vmem>>
    %dma_wait3A_384 = tpu.memref_squeeze %dma_wait3A_383 : memref<1x128xi32, #tpu.memory_space<vmem>> -> memref<128xi32, #tpu.memory_space<vmem>>
    %dma_wait3A_385 = arith.constant 0 : i32
    %dma_wait3A_386 = arith.constant 0 : i32
    %dma_wait3A_387 = tpu.memref_slice %arg2[%dma_wait3A_385, %dma_wait3A_386] : memref<100000x128xf32, #tpu.memory_space<hbm>> -> memref<100000x128xf32, #tpu.memory_space<hbm>>
    tpu.wait_indirect_dma semaphore(%arg13 : memref<!tpu.dma_semaphore, #tpu.memory_space<semaphore_mem>>) src(%dma_wait3A_387 : memref<100000x128xf32, #tpu.memory_space<hbm>>) dst(%dma_wait3A_381 : memref<128x128xf32, #tpu.memory_space<vmem>>)
    %add3A_388 = arith.constant 0 : i32
    %add3A_389 = arith.addi %mul3A_2, %add3A_388 : i32
    %run_scoped3A_390 = arith.constant 0 : i32
    "tpu.region"() ({
      %run_scoped3A_436 = tpu.sem_alloc : memref<!tpu.dma_semaphore, #tpu.memory_space<semaphore_mem>>
      %dma_start3A_437 = arith.constant 0 : i32
      %dma_start3A_438 = arith.constant 0 : i32
      %dma_start3A_439 = tpu.memref_slice %arg12[%run_scoped3A_390, %dma_start3A_437, %dma_start3A_438] : memref<4x128x128xf32, #tpu.memory_space<vmem>> -> memref<1x128x128xf32, #tpu.memory_space<vmem>>
      %dma_start3A_440 = tpu.memref_squeeze %dma_start3A_439 : memref<1x128x128xf32, #tpu.memory_space<vmem>> -> memref<128x128xf32, #tpu.memory_space<vmem>>
      %dma_start3A_441 = arith.constant 0 : i32
      %dma_start3A_442 = tpu.memref_slice %arg10[%add3A_389, %dma_start3A_441] : memref<16384x128xf32, #tpu.memory_space<hbm>> -> memref<128x128xf32, #tpu.memory_space<hbm>>
      %dma_start3A_443 = arith.constant 0 : i32
      %dma_start3A_444 = tpu.memref_slice %arg10[%add3A_389, %dma_start3A_443] : memref<16384x128xf32, #tpu.memory_space<hbm>> -> memref<128x128xf32, #tpu.memory_space<hbm>>
      %dma_start3A_445 = arith.constant 0 : i32
      %dma_start3A_446 = arith.constant 0 : i32
      %dma_start3A_447 = tpu.memref_slice %arg12[%run_scoped3A_390, %dma_start3A_445, %dma_start3A_446] : memref<4x128x128xf32, #tpu.memory_space<vmem>> -> memref<1x128x128xf32, #tpu.memory_space<vmem>>
      %dma_start3A_448 = tpu.memref_squeeze %dma_start3A_447 : memref<1x128x128xf32, #tpu.memory_space<vmem>> -> memref<128x128xf32, #tpu.memory_space<vmem>>
      tpu.enqueue_dma source(%dma_start3A_448 : memref<128x128xf32, #tpu.memory_space<vmem>>) target(%dma_start3A_444 : memref<128x128xf32, #tpu.memory_space<hbm>>) target_semaphore(%run_scoped3A_436 : memref<!tpu.dma_semaphore, #tpu.memory_space<semaphore_mem>>)
      %dma_wait3A_449 = arith.constant 0 : i32
      %dma_wait3A_450 = arith.constant 0 : i32
      %dma_wait3A_451 = tpu.memref_slice %arg12[%run_scoped3A_390, %dma_wait3A_449, %dma_wait3A_450] : memref<4x128x128xf32, #tpu.memory_space<vmem>> -> memref<1x128x128xf32, #tpu.memory_space<vmem>>
      %dma_wait3A_452 = tpu.memref_squeeze %dma_wait3A_451 : memref<1x128x128xf32, #tpu.memory_space<vmem>> -> memref<128x128xf32, #tpu.memory_space<vmem>>
      %dma_wait3A_453 = arith.constant 0 : i32
      %dma_wait3A_454 = tpu.memref_slice %arg10[%add3A_389, %dma_wait3A_453] : memref<16384x128xf32, #tpu.memory_space<hbm>> -> memref<128x128xf32, #tpu.memory_space<hbm>>
      %dma_wait3A_455 = arith.constant 0 : i32
      %dma_wait3A_456 = tpu.memref_slice %arg10[%add3A_389, %dma_wait3A_455] : memref<16384x128xf32, #tpu.memory_space<hbm>> -> memref<128x128xf32, #tpu.memory_space<hbm>>
      %dma_wait3A_457 = arith.constant 0 : i32
      %dma_wait3A_458 = arith.constant 0 : i32
      %dma_wait3A_459 = tpu.memref_slice %arg12[%run_scoped3A_390, %dma_wait3A_457, %dma_wait3A_458] : memref<4x128x128xf32, #tpu.memory_space<vmem>> -> memref<1x128x128xf32, #tpu.memory_space<vmem>>
      %dma_wait3A_460 = tpu.memref_squeeze %dma_wait3A_459 : memref<1x128x128xf32, #tpu.memory_space<vmem>> -> memref<128x128xf32, #tpu.memory_space<vmem>>
      tpu.wait_dma2 semaphore(%run_scoped3A_436 : memref<!tpu.dma_semaphore, #tpu.memory_space<semaphore_mem>>) src(%dma_wait3A_460 : memref<128x128xf32, #tpu.memory_space<vmem>>) dst(%dma_wait3A_456 : memref<128x128xf32, #tpu.memory_space<hbm>>)
      tpu.yield
    }) : () -> ()
    %dma_wait3A_391 = arith.constant 3 : i32
    %dma_wait3A_392 = arith.constant 1 : i32
    %dma_wait3A_393 = arith.constant 0 : i32
    %dma_wait3A_394 = arith.constant 0 : i32
    %dma_wait3A_395 = tpu.memref_slice %arg12[%dma_wait3A_392, %dma_wait3A_393, %dma_wait3A_394] : memref<4x128x128xf32, #tpu.memory_space<vmem>> -> memref<1x128x128xf32, #tpu.memory_space<vmem>>
    %dma_wait3A_396 = tpu.memref_squeeze %dma_wait3A_395 : memref<1x128x128xf32, #tpu.memory_space<vmem>> -> memref<128x128xf32, #tpu.memory_space<vmem>>
    %dma_wait3A_397 = arith.constant 128 : i32
    %dma_wait3A_398 = tpu.memref_slice %arg11[%dma_wait3A_391, %dma_wait3A_397] : memref<4x512xi32, #tpu.memory_space<vmem>> -> memref<1x128xi32, #tpu.memory_space<vmem>>
    %dma_wait3A_399 = tpu.memref_squeeze %dma_wait3A_398 : memref<1x128xi32, #tpu.memory_space<vmem>> -> memref<128xi32, #tpu.memory_space<vmem>>
    %dma_wait3A_400 = arith.constant 0 : i32
    %dma_wait3A_401 = arith.constant 0 : i32
    %dma_wait3A_402 = tpu.memref_slice %arg2[%dma_wait3A_400, %dma_wait3A_401] : memref<100000x128xf32, #tpu.memory_space<hbm>> -> memref<100000x128xf32, #tpu.memory_space<hbm>>
    tpu.wait_indirect_dma semaphore(%arg14 : memref<!tpu.dma_semaphore, #tpu.memory_space<semaphore_mem>>) src(%dma_wait3A_402 : memref<100000x128xf32, #tpu.memory_space<hbm>>) dst(%dma_wait3A_396 : memref<128x128xf32, #tpu.memory_space<vmem>>)
    %add3A_403 = arith.constant 128 : i32
    %add3A_404 = arith.addi %mul3A_2, %add3A_403 : i32
    %run_scoped3A_405 = arith.constant 1 : i32
    "tpu.region"() ({
      %run_scoped3A_436 = tpu.sem_alloc : memref<!tpu.dma_semaphore, #tpu.memory_space<semaphore_mem>>
      %dma_start3A_437 = arith.constant 0 : i32
      %dma_start3A_438 = arith.constant 0 : i32
      %dma_start3A_439 = tpu.memref_slice %arg12[%run_scoped3A_405, %dma_start3A_437, %dma_start3A_438] : memref<4x128x128xf32, #tpu.memory_space<vmem>> -> memref<1x128x128xf32, #tpu.memory_space<vmem>>
      %dma_start3A_440 = tpu.memref_squeeze %dma_start3A_439 : memref<1x128x128xf32, #tpu.memory_space<vmem>> -> memref<128x128xf32, #tpu.memory_space<vmem>>
      %dma_start3A_441 = arith.constant 0 : i32
      %dma_start3A_442 = tpu.memref_slice %arg10[%add3A_404, %dma_start3A_441] : memref<16384x128xf32, #tpu.memory_space<hbm>> -> memref<128x128xf32, #tpu.memory_space<hbm>>
      %dma_start3A_443 = arith.constant 0 : i32
      %dma_start3A_444 = tpu.memref_slice %arg10[%add3A_404, %dma_start3A_443] : memref<16384x128xf32, #tpu.memory_space<hbm>> -> memref<128x128xf32, #tpu.memory_space<hbm>>
      %dma_start3A_445 = arith.constant 0 : i32
      %dma_start3A_446 = arith.constant 0 : i32
      %dma_start3A_447 = tpu.memref_slice %arg12[%run_scoped3A_405, %dma_start3A_445, %dma_start3A_446] : memref<4x128x128xf32, #tpu.memory_space<vmem>> -> memref<1x128x128xf32, #tpu.memory_space<vmem>>
      %dma_start3A_448 = tpu.memref_squeeze %dma_start3A_447 : memref<1x128x128xf32, #tpu.memory_space<vmem>> -> memref<128x128xf32, #tpu.memory_space<vmem>>
      tpu.enqueue_dma source(%dma_start3A_448 : memref<128x128xf32, #tpu.memory_space<vmem>>) target(%dma_start3A_444 : memref<128x128xf32, #tpu.memory_space<hbm>>) target_semaphore(%run_scoped3A_436 : memref<!tpu.dma_semaphore, #tpu.memory_space<semaphore_mem>>)
      %dma_wait3A_449 = arith.constant 0 : i32
      %dma_wait3A_450 = arith.constant 0 : i32
      %dma_wait3A_451 = tpu.memref_slice %arg12[%run_scoped3A_405, %dma_wait3A_449, %dma_wait3A_450] : memref<4x128x128xf32, #tpu.memory_space<vmem>> -> memref<1x128x128xf32, #tpu.memory_space<vmem>>
      %dma_wait3A_452 = tpu.memref_squeeze %dma_wait3A_451 : memref<1x128x128xf32, #tpu.memory_space<vmem>> -> memref<128x128xf32, #tpu.memory_space<vmem>>
      %dma_wait3A_453 = arith.constant 0 : i32
      %dma_wait3A_454 = tpu.memref_slice %arg10[%add3A_404, %dma_wait3A_453] : memref<16384x128xf32, #tpu.memory_space<hbm>> -> memref<128x128xf32, #tpu.memory_space<hbm>>
      %dma_wait3A_455 = arith.constant 0 : i32
      %dma_wait3A_456 = tpu.memref_slice %arg10[%add3A_404, %dma_wait3A_455] : memref<16384x128xf32, #tpu.memory_space<hbm>> -> memref<128x128xf32, #tpu.memory_space<hbm>>
      %dma_wait3A_457 = arith.constant 0 : i32
      %dma_wait3A_458 = arith.constant 0 : i32
      %dma_wait3A_459 = tpu.memref_slice %arg12[%run_scoped3A_405, %dma_wait3A_457, %dma_wait3A_458] : memref<4x128x128xf32, #tpu.memory_space<vmem>> -> memref<1x128x128xf32, #tpu.memory_space<vmem>>
      %dma_wait3A_460 = tpu.memref_squeeze %dma_wait3A_459 : memref<1x128x128xf32, #tpu.memory_space<vmem>> -> memref<128x128xf32, #tpu.memory_space<vmem>>
      tpu.wait_dma2 semaphore(%run_scoped3A_436 : memref<!tpu.dma_semaphore, #tpu.memory_space<semaphore_mem>>) src(%dma_wait3A_460 : memref<128x128xf32, #tpu.memory_space<vmem>>) dst(%dma_wait3A_456 : memref<128x128xf32, #tpu.memory_space<hbm>>)
      tpu.yield
    }) : () -> ()
    %dma_wait3A_406 = arith.constant 3 : i32
    %dma_wait3A_407 = arith.constant 2 : i32
    %dma_wait3A_408 = arith.constant 0 : i32
    %dma_wait3A_409 = arith.constant 0 : i32
    %dma_wait3A_410 = tpu.memref_slice %arg12[%dma_wait3A_407, %dma_wait3A_408, %dma_wait3A_409] : memref<4x128x128xf32, #tpu.memory_space<vmem>> -> memref<1x128x128xf32, #tpu.memory_space<vmem>>
    %dma_wait3A_411 = tpu.memref_squeeze %dma_wait3A_410 : memref<1x128x128xf32, #tpu.memory_space<vmem>> -> memref<128x128xf32, #tpu.memory_space<vmem>>
    %dma_wait3A_412 = arith.constant 256 : i32
    %dma_wait3A_413 = tpu.memref_slice %arg11[%dma_wait3A_406, %dma_wait3A_412] : memref<4x512xi32, #tpu.memory_space<vmem>> -> memref<1x128xi32, #tpu.memory_space<vmem>>
    %dma_wait3A_414 = tpu.memref_squeeze %dma_wait3A_413 : memref<1x128xi32, #tpu.memory_space<vmem>> -> memref<128xi32, #tpu.memory_space<vmem>>
    %dma_wait3A_415 = arith.constant 0 : i32
    %dma_wait3A_416 = arith.constant 0 : i32
    %dma_wait3A_417 = tpu.memref_slice %arg2[%dma_wait3A_415, %dma_wait3A_416] : memref<100000x128xf32, #tpu.memory_space<hbm>> -> memref<100000x128xf32, #tpu.memory_space<hbm>>
    tpu.wait_indirect_dma semaphore(%arg15 : memref<!tpu.dma_semaphore, #tpu.memory_space<semaphore_mem>>) src(%dma_wait3A_417 : memref<100000x128xf32, #tpu.memory_space<hbm>>) dst(%dma_wait3A_411 : memref<128x128xf32, #tpu.memory_space<vmem>>)
    %add3A_418 = arith.constant 256 : i32
    %add3A_419 = arith.addi %mul3A_2, %add3A_418 : i32
    %run_scoped3A_420 = arith.constant 2 : i32
    "tpu.region"() ({
      %run_scoped3A_436 = tpu.sem_alloc : memref<!tpu.dma_semaphore, #tpu.memory_space<semaphore_mem>>
      %dma_start3A_437 = arith.constant 0 : i32
      %dma_start3A_438 = arith.constant 0 : i32
      %dma_start3A_439 = tpu.memref_slice %arg12[%run_scoped3A_420, %dma_start3A_437, %dma_start3A_438] : memref<4x128x128xf32, #tpu.memory_space<vmem>> -> memref<1x128x128xf32, #tpu.memory_space<vmem>>
      %dma_start3A_440 = tpu.memref_squeeze %dma_start3A_439 : memref<1x128x128xf32, #tpu.memory_space<vmem>> -> memref<128x128xf32, #tpu.memory_space<vmem>>
      %dma_start3A_441 = arith.constant 0 : i32
      %dma_start3A_442 = tpu.memref_slice %arg10[%add3A_419, %dma_start3A_441] : memref<16384x128xf32, #tpu.memory_space<hbm>> -> memref<128x128xf32, #tpu.memory_space<hbm>>
      %dma_start3A_443 = arith.constant 0 : i32
      %dma_start3A_444 = tpu.memref_slice %arg10[%add3A_419, %dma_start3A_443] : memref<16384x128xf32, #tpu.memory_space<hbm>> -> memref<128x128xf32, #tpu.memory_space<hbm>>
      %dma_start3A_445 = arith.constant 0 : i32
      %dma_start3A_446 = arith.constant 0 : i32
      %dma_start3A_447 = tpu.memref_slice %arg12[%run_scoped3A_420, %dma_start3A_445, %dma_start3A_446] : memref<4x128x128xf32, #tpu.memory_space<vmem>> -> memref<1x128x128xf32, #tpu.memory_space<vmem>>
      %dma_start3A_448 = tpu.memref_squeeze %dma_start3A_447 : memref<1x128x128xf32, #tpu.memory_space<vmem>> -> memref<128x128xf32, #tpu.memory_space<vmem>>
      tpu.enqueue_dma source(%dma_start3A_448 : memref<128x128xf32, #tpu.memory_space<vmem>>) target(%dma_start3A_444 : memref<128x128xf32, #tpu.memory_space<hbm>>) target_semaphore(%run_scoped3A_436 : memref<!tpu.dma_semaphore, #tpu.memory_space<semaphore_mem>>)
      %dma_wait3A_449 = arith.constant 0 : i32
      %dma_wait3A_450 = arith.constant 0 : i32
      %dma_wait3A_451 = tpu.memref_slice %arg12[%run_scoped3A_420, %dma_wait3A_449, %dma_wait3A_450] : memref<4x128x128xf32, #tpu.memory_space<vmem>> -> memref<1x128x128xf32, #tpu.memory_space<vmem>>
      %dma_wait3A_452 = tpu.memref_squeeze %dma_wait3A_451 : memref<1x128x128xf32, #tpu.memory_space<vmem>> -> memref<128x128xf32, #tpu.memory_space<vmem>>
      %dma_wait3A_453 = arith.constant 0 : i32
      %dma_wait3A_454 = tpu.memref_slice %arg10[%add3A_419, %dma_wait3A_453] : memref<16384x128xf32, #tpu.memory_space<hbm>> -> memref<128x128xf32, #tpu.memory_space<hbm>>
      %dma_wait3A_455 = arith.constant 0 : i32
      %dma_wait3A_456 = tpu.memref_slice %arg10[%add3A_419, %dma_wait3A_455] : memref<16384x128xf32, #tpu.memory_space<hbm>> -> memref<128x128xf32, #tpu.memory_space<hbm>>
      %dma_wait3A_457 = arith.constant 0 : i32
      %dma_wait3A_458 = arith.constant 0 : i32
      %dma_wait3A_459 = tpu.memref_slice %arg12[%run_scoped3A_420, %dma_wait3A_457, %dma_wait3A_458] : memref<4x128x128xf32, #tpu.memory_space<vmem>> -> memref<1x128x128xf32, #tpu.memory_space<vmem>>
      %dma_wait3A_460 = tpu.memref_squeeze %dma_wait3A_459 : memref<1x128x128xf32, #tpu.memory_space<vmem>> -> memref<128x128xf32, #tpu.memory_space<vmem>>
      tpu.wait_dma2 semaphore(%run_scoped3A_436 : memref<!tpu.dma_semaphore, #tpu.memory_space<semaphore_mem>>) src(%dma_wait3A_460 : memref<128x128xf32, #tpu.memory_space<vmem>>) dst(%dma_wait3A_456 : memref<128x128xf32, #tpu.memory_space<hbm>>)
      tpu.yield
    }) : () -> ()
    %dma_wait3A_421 = arith.constant 3 : i32
    %dma_wait3A_422 = arith.constant 3 : i32
    %dma_wait3A_423 = arith.constant 0 : i32
    %dma_wait3A_424 = arith.constant 0 : i32
    %dma_wait3A_425 = tpu.memref_slice %arg12[%dma_wait3A_422, %dma_wait3A_423, %dma_wait3A_424] : memref<4x128x128xf32, #tpu.memory_space<vmem>> -> memref<1x128x128xf32, #tpu.memory_space<vmem>>
    %dma_wait3A_426 = tpu.memref_squeeze %dma_wait3A_425 : memref<1x128x128xf32, #tpu.memory_space<vmem>> -> memref<128x128xf32, #tpu.memory_space<vmem>>
    %dma_wait3A_427 = arith.constant 384 : i32
    %dma_wait3A_428 = tpu.memref_slice %arg11[%dma_wait3A_421, %dma_wait3A_427] : memref<4x512xi32, #tpu.memory_space<vmem>> -> memref<1x128xi32, #tpu.memory_space<vmem>>
    %dma_wait3A_429 = tpu.memref_squeeze %dma_wait3A_428 : memref<1x128xi32, #tpu.memory_space<vmem>> -> memref<128xi32, #tpu.memory_space<vmem>>
    %dma_wait3A_430 = arith.constant 0 : i32
    %dma_wait3A_431 = arith.constant 0 : i32
    %dma_wait3A_432 = tpu.memref_slice %arg2[%dma_wait3A_430, %dma_wait3A_431] : memref<100000x128xf32, #tpu.memory_space<hbm>> -> memref<100000x128xf32, #tpu.memory_space<hbm>>
    tpu.wait_indirect_dma semaphore(%arg16 : memref<!tpu.dma_semaphore, #tpu.memory_space<semaphore_mem>>) src(%dma_wait3A_432 : memref<100000x128xf32, #tpu.memory_space<hbm>>) dst(%dma_wait3A_426 : memref<128x128xf32, #tpu.memory_space<vmem>>)
    %add3A_433 = arith.constant 384 : i32
    %add3A_434 = arith.addi %mul3A_2, %add3A_433 : i32
    %run_scoped3A_435 = arith.constant 3 : i32
    "tpu.region"() ({
      %run_scoped3A_436 = tpu.sem_alloc : memref<!tpu.dma_semaphore, #tpu.memory_space<semaphore_mem>>
      %dma_start3A_437 = arith.constant 0 : i32
      %dma_start3A_438 = arith.constant 0 : i32
      %dma_start3A_439 = tpu.memref_slice %arg12[%run_scoped3A_435, %dma_start3A_437, %dma_start3A_438] : memref<4x128x128xf32, #tpu.memory_space<vmem>> -> memref<1x128x128xf32, #tpu.memory_space<vmem>>
      %dma_start3A_440 = tpu.memref_squeeze %dma_start3A_439 : memref<1x128x128xf32, #tpu.memory_space<vmem>> -> memref<128x128xf32, #tpu.memory_space<vmem>>
      %dma_start3A_441 = arith.constant 0 : i32
      %dma_start3A_442 = tpu.memref_slice %arg10[%add3A_434, %dma_start3A_441] : memref<16384x128xf32, #tpu.memory_space<hbm>> -> memref<128x128xf32, #tpu.memory_space<hbm>>
      %dma_start3A_443 = arith.constant 0 : i32
      %dma_start3A_444 = tpu.memref_slice %arg10[%add3A_434, %dma_start3A_443] : memref<16384x128xf32, #tpu.memory_space<hbm>> -> memref<128x128xf32, #tpu.memory_space<hbm>>
      %dma_start3A_445 = arith.constant 0 : i32
      %dma_start3A_446 = arith.constant 0 : i32
      %dma_start3A_447 = tpu.memref_slice %arg12[%run_scoped3A_435, %dma_start3A_445, %dma_start3A_446] : memref<4x128x128xf32, #tpu.memory_space<vmem>> -> memref<1x128x128xf32, #tpu.memory_space<vmem>>
      %dma_start3A_448 = tpu.memref_squeeze %dma_start3A_447 : memref<1x128x128xf32, #tpu.memory_space<vmem>> -> memref<128x128xf32, #tpu.memory_space<vmem>>
      tpu.enqueue_dma source(%dma_start3A_448 : memref<128x128xf32, #tpu.memory_space<vmem>>) target(%dma_start3A_444 : memref<128x128xf32, #tpu.memory_space<hbm>>) target_semaphore(%run_scoped3A_436 : memref<!tpu.dma_semaphore, #tpu.memory_space<semaphore_mem>>)
      %dma_wait3A_449 = arith.constant 0 : i32
      %dma_wait3A_450 = arith.constant 0 : i32
      %dma_wait3A_451 = tpu.memref_slice %arg12[%run_scoped3A_435, %dma_wait3A_449, %dma_wait3A_450] : memref<4x128x128xf32, #tpu.memory_space<vmem>> -> memref<1x128x128xf32, #tpu.memory_space<vmem>>
      %dma_wait3A_452 = tpu.memref_squeeze %dma_wait3A_451 : memref<1x128x128xf32, #tpu.memory_space<vmem>> -> memref<128x128xf32, #tpu.memory_space<vmem>>
      %dma_wait3A_453 = arith.constant 0 : i32
      %dma_wait3A_454 = tpu.memref_slice %arg10[%add3A_434, %dma_wait3A_453] : memref<16384x128xf32, #tpu.memory_space<hbm>> -> memref<128x128xf32, #tpu.memory_space<hbm>>
      %dma_wait3A_455 = arith.constant 0 : i32
      %dma_wait3A_456 = tpu.memref_slice %arg10[%add3A_434, %dma_wait3A_455] : memref<16384x128xf32, #tpu.memory_space<hbm>> -> memref<128x128xf32, #tpu.memory_space<hbm>>
      %dma_wait3A_457 = arith.constant 0 : i32
      %dma_wait3A_458 = arith.constant 0 : i32
      %dma_wait3A_459 = tpu.memref_slice %arg12[%run_scoped3A_435, %dma_wait3A_457, %dma_wait3A_458] : memref<4x128x128xf32, #tpu.memory_space<vmem>> -> memref<1x128x128xf32, #tpu.memory_space<vmem>>
      %dma_wait3A_460 = tpu.memref_squeeze %dma_wait3A_459 : memref<1x128x128xf32, #tpu.memory_space<vmem>> -> memref<128x128xf32, #tpu.memory_space<vmem>>
      tpu.wait_dma2 semaphore(%run_scoped3A_436 : memref<!tpu.dma_semaphore, #tpu.memory_space<semaphore_mem>>) src(%dma_wait3A_460 : memref<128x128xf32, #tpu.memory_space<vmem>>) dst(%dma_wait3A_456 : memref<128x128xf32, #tpu.memory_space<hbm>>)
      tpu.yield
    }) : () -> ()
    return
  }
}

#map = affine_map<(d0, d1) -> (0, 0)>
module attributes {stable_mosaic.version = 14 : i64} {
  func.func @_sc_pack_body(%arg0: i32, %arg1: i32, %arg2: memref<8x2048xi32, #tpu.memory_space<hbm>>, %arg3: memref<8x2048xi32, #tpu.memory_space<hbm>>, %arg4: memref<16384x128xf32, #tpu.memory_space<hbm>>, %arg5: memref<8x128xf32, #tpu.memory_space<hbm>>, %arg6: memref<32768x128xf32, #tpu.memory_space<hbm>>, %arg7: memref<64x512xi32, #tpu.memory_space<hbm>>, %arg8: memref<2048xi32, #tpu.memory_space<vmem>>, %arg9: memref<2048xi32, #tpu.memory_space<vmem>>, %arg10: memref<512xi32, #tpu.memory_space<vmem>>, %arg11: memref<4x128x128xf32, #tpu.memory_space<vmem>>, %arg12: memref<128xf32, #tpu.memory_space<vmem>>, %arg13: memref<512xi32, #tpu.memory_space<vmem>>, %arg14: memref<!tpu.dma_semaphore, #tpu.memory_space<semaphore_mem>>) attributes {dimension_semantics = [#tpu.dimension_semantics<core_parallel>, #tpu.dimension_semantics<subcore_parallel>], iteration_bounds = array<i64: 2, 16>, scalar_prefetch = 0 : i64, scratch_operands = 7 : i64, tpu.core_type = #tpu.core_type<sc_vector_subcore>, window_params = [{transform_indices = #map}, {transform_indices = #map}, {transform_indices = #map}, {transform_indices = #map}, {transform_indices = #map}, {transform_indices = #map}]} {
    %mul3A = arith.constant 2 : i32
    %mul3A_0 = arith.muli %arg1, %mul3A : i32
    %add3A = arith.addi %mul3A_0, %arg0 : i32
    %iota3A = tpu.iota {dimensions = array<i32: 0>} : vector<16xi32>
    %broadcast_in_dim3A = arith.constant 0 : i32
    %broadcast_in_dim3A_1 = vector.broadcast %broadcast_in_dim3A : i32 to vector<16xi32>
    %add3A_2 = arith.constant 0 : i32
    %add3A_3 = arith.addi %add3A, %add3A_2 : i32
    %jit3A = arith.constant 8 : i32
    %div3A = arith.divsi %add3A_3, %jit3A : i32
    %sign3A = arith.constant 0 : i32
    %sign3A_4 = arith.cmpi sgt, %add3A_3, %sign3A : i32
    %sign3A_5 = arith.extui %sign3A_4 : i1 to i32
    %sign3A_6 = arith.constant 0 : i32
    %sign3A_7 = arith.cmpi slt, %add3A_3, %sign3A_6 : i32
    %sign3A_8 = arith.extui %sign3A_7 : i1 to i32
    %sign3A_9 = arith.subi %sign3A_5, %sign3A_8 : i32
    %sign3A_10 = arith.constant 0 : i32
    %sign3A_11 = arith.cmpi sgt, %jit3A, %sign3A_10 : i32
    %sign3A_12 = arith.extui %sign3A_11 : i1 to i32
    %sign3A_13 = arith.constant 0 : i32
    %sign3A_14 = arith.cmpi slt, %jit3A, %sign3A_13 : i32
    %sign3A_15 = arith.extui %sign3A_14 : i1 to i32
    %sign3A_16 = arith.subi %sign3A_12, %sign3A_15 : i32
    %ne3A = arith.cmpi ne, %sign3A_9, %sign3A_16 : i32
    %rem3A = arith.remsi %add3A_3, %jit3A : i32
    %ne3A_17 = arith.constant 0 : i32
    %ne3A_18 = arith.cmpi ne, %rem3A, %ne3A_17 : i32
    %and3A = arith.andi %ne3A, %ne3A_18 : i1
    %sub3A = arith.constant 1 : i32
    %sub3A_19 = arith.subi %div3A, %sub3A : i32
    %select_n3A = arith.select %and3A, %sub3A_19, %div3A : i32
    %jit3A_20 = arith.constant 8 : i32
    %eq3A = arith.constant 0 : i32
    %eq3A_21 = arith.cmpi eq, %jit3A_20, %eq3A : i32
    %jit3A_22 = arith.constant 1 : i32
    %select_n3A_23 = arith.select %eq3A_21, %jit3A_22, %jit3A_20 : i32
    %rem3A_24 = arith.remsi %add3A_3, %select_n3A_23 : i32
    %ne3A_25 = arith.constant 0 : i32
    %ne3A_26 = arith.cmpi ne, %rem3A_24, %ne3A_25 : i32
    %lt3A = arith.constant 0 : i32
    %lt3A_27 = arith.cmpi slt, %rem3A_24, %lt3A : i32
    %lt3A_28 = arith.constant 0 : i32
    %lt3A_29 = arith.cmpi slt, %select_n3A_23, %lt3A_28 : i32
    %ne3A_30 = arith.xori %lt3A_27, %lt3A_29 : i1
    %and3A_31 = arith.andi %ne3A_30, %ne3A_26 : i1
    %add3A_32 = arith.addi %rem3A_24, %select_n3A_23 : i32
    %select_n3A_33 = arith.select %and3A_31, %add3A_32, %rem3A_24 : i32
    "tpu.region"() ({
      %run_scoped3A_266 = tpu.sem_alloc : memref<!tpu.dma_semaphore, #tpu.memory_space<semaphore_mem>>
      %dma_start3A = arith.constant 0 : i32
      %dma_start3A_267 = tpu.memref_slice %arg2[%select_n3A, %dma_start3A] : memref<8x2048xi32, #tpu.memory_space<hbm>> -> memref<1x2048xi32, #tpu.memory_space<hbm>>
      %dma_start3A_268 = tpu.memref_squeeze %dma_start3A_267 : memref<1x2048xi32, #tpu.memory_space<hbm>> -> memref<2048xi32, #tpu.memory_space<hbm>>
      %dma_start3A_269 = arith.constant 0 : i32
      %dma_start3A_270 = tpu.memref_slice %arg2[%select_n3A, %dma_start3A_269] : memref<8x2048xi32, #tpu.memory_space<hbm>> -> memref<1x2048xi32, #tpu.memory_space<hbm>>
      %dma_start3A_271 = tpu.memref_squeeze %dma_start3A_270 : memref<1x2048xi32, #tpu.memory_space<hbm>> -> memref<2048xi32, #tpu.memory_space<hbm>>
      tpu.enqueue_dma source(%dma_start3A_271 : memref<2048xi32, #tpu.memory_space<hbm>>) target(%arg8 : memref<2048xi32, #tpu.memory_space<vmem>>) target_semaphore(%run_scoped3A_266 : memref<!tpu.dma_semaphore, #tpu.memory_space<semaphore_mem>>)
      %dma_wait3A = arith.constant 0 : i32
      %dma_wait3A_272 = tpu.memref_slice %arg2[%select_n3A, %dma_wait3A] : memref<8x2048xi32, #tpu.memory_space<hbm>> -> memref<1x2048xi32, #tpu.memory_space<hbm>>
      %dma_wait3A_273 = tpu.memref_squeeze %dma_wait3A_272 : memref<1x2048xi32, #tpu.memory_space<hbm>> -> memref<2048xi32, #tpu.memory_space<hbm>>
      %dma_wait3A_274 = arith.constant 0 : i32
      %dma_wait3A_275 = tpu.memref_slice %arg2[%select_n3A, %dma_wait3A_274] : memref<8x2048xi32, #tpu.memory_space<hbm>> -> memref<1x2048xi32, #tpu.memory_space<hbm>>
      %dma_wait3A_276 = tpu.memref_squeeze %dma_wait3A_275 : memref<1x2048xi32, #tpu.memory_space<hbm>> -> memref<2048xi32, #tpu.memory_space<hbm>>
      tpu.wait_dma2 semaphore(%run_scoped3A_266 : memref<!tpu.dma_semaphore, #tpu.memory_space<semaphore_mem>>) src(%dma_wait3A_276 : memref<2048xi32, #tpu.memory_space<hbm>>) dst(%arg8 : memref<2048xi32, #tpu.memory_space<vmem>>)
      tpu.yield
    }) : () -> ()
    "tpu.region"() ({
      %run_scoped3A_266 = tpu.sem_alloc : memref<!tpu.dma_semaphore, #tpu.memory_space<semaphore_mem>>
      %dma_start3A = arith.constant 0 : i32
      %dma_start3A_267 = tpu.memref_slice %arg3[%select_n3A, %dma_start3A] : memref<8x2048xi32, #tpu.memory_space<hbm>> -> memref<1x2048xi32, #tpu.memory_space<hbm>>
      %dma_start3A_268 = tpu.memref_squeeze %dma_start3A_267 : memref<1x2048xi32, #tpu.memory_space<hbm>> -> memref<2048xi32, #tpu.memory_space<hbm>>
      %dma_start3A_269 = arith.constant 0 : i32
      %dma_start3A_270 = tpu.memref_slice %arg3[%select_n3A, %dma_start3A_269] : memref<8x2048xi32, #tpu.memory_space<hbm>> -> memref<1x2048xi32, #tpu.memory_space<hbm>>
      %dma_start3A_271 = tpu.memref_squeeze %dma_start3A_270 : memref<1x2048xi32, #tpu.memory_space<hbm>> -> memref<2048xi32, #tpu.memory_space<hbm>>
      tpu.enqueue_dma source(%dma_start3A_271 : memref<2048xi32, #tpu.memory_space<hbm>>) target(%arg9 : memref<2048xi32, #tpu.memory_space<vmem>>) target_semaphore(%run_scoped3A_266 : memref<!tpu.dma_semaphore, #tpu.memory_space<semaphore_mem>>)
      %dma_wait3A = arith.constant 0 : i32
      %dma_wait3A_272 = tpu.memref_slice %arg3[%select_n3A, %dma_wait3A] : memref<8x2048xi32, #tpu.memory_space<hbm>> -> memref<1x2048xi32, #tpu.memory_space<hbm>>
      %dma_wait3A_273 = tpu.memref_squeeze %dma_wait3A_272 : memref<1x2048xi32, #tpu.memory_space<hbm>> -> memref<2048xi32, #tpu.memory_space<hbm>>
      %dma_wait3A_274 = arith.constant 0 : i32
      %dma_wait3A_275 = tpu.memref_slice %arg3[%select_n3A, %dma_wait3A_274] : memref<8x2048xi32, #tpu.memory_space<hbm>> -> memref<1x2048xi32, #tpu.memory_space<hbm>>
      %dma_wait3A_276 = tpu.memref_squeeze %dma_wait3A_275 : memref<1x2048xi32, #tpu.memory_space<hbm>> -> memref<2048xi32, #tpu.memory_space<hbm>>
      tpu.wait_dma2 semaphore(%run_scoped3A_266 : memref<!tpu.dma_semaphore, #tpu.memory_space<semaphore_mem>>) src(%dma_wait3A_276 : memref<2048xi32, #tpu.memory_space<hbm>>) dst(%arg9 : memref<2048xi32, #tpu.memory_space<vmem>>)
      tpu.yield
    }) : () -> ()
    "tpu.region"() ({
      %run_scoped3A_266 = tpu.sem_alloc : memref<!tpu.dma_semaphore, #tpu.memory_space<semaphore_mem>>
      %dma_start3A = arith.constant 0 : i32
      %dma_start3A_267 = tpu.memref_slice %arg5[%select_n3A_33, %dma_start3A] : memref<8x128xf32, #tpu.memory_space<hbm>> -> memref<1x128xf32, #tpu.memory_space<hbm>>
      %dma_start3A_268 = tpu.memref_squeeze %dma_start3A_267 : memref<1x128xf32, #tpu.memory_space<hbm>> -> memref<128xf32, #tpu.memory_space<hbm>>
      %dma_start3A_269 = arith.constant 0 : i32
      %dma_start3A_270 = tpu.memref_slice %arg5[%select_n3A_33, %dma_start3A_269] : memref<8x128xf32, #tpu.memory_space<hbm>> -> memref<1x128xf32, #tpu.memory_space<hbm>>
      %dma_start3A_271 = tpu.memref_squeeze %dma_start3A_270 : memref<1x128xf32, #tpu.memory_space<hbm>> -> memref<128xf32, #tpu.memory_space<hbm>>
      tpu.enqueue_dma source(%dma_start3A_271 : memref<128xf32, #tpu.memory_space<hbm>>) target(%arg12 : memref<128xf32, #tpu.memory_space<vmem>>) target_semaphore(%run_scoped3A_266 : memref<!tpu.dma_semaphore, #tpu.memory_space<semaphore_mem>>)
      %dma_wait3A = arith.constant 0 : i32
      %dma_wait3A_272 = tpu.memref_slice %arg5[%select_n3A_33, %dma_wait3A] : memref<8x128xf32, #tpu.memory_space<hbm>> -> memref<1x128xf32, #tpu.memory_space<hbm>>
      %dma_wait3A_273 = tpu.memref_squeeze %dma_wait3A_272 : memref<1x128xf32, #tpu.memory_space<hbm>> -> memref<128xf32, #tpu.memory_space<hbm>>
      %dma_wait3A_274 = arith.constant 0 : i32
      %dma_wait3A_275 = tpu.memref_slice %arg5[%select_n3A_33, %dma_wait3A_274] : memref<8x128xf32, #tpu.memory_space<hbm>> -> memref<1x128xf32, #tpu.memory_space<hbm>>
      %dma_wait3A_276 = tpu.memref_squeeze %dma_wait3A_275 : memref<1x128xf32, #tpu.memory_space<hbm>> -> memref<128xf32, #tpu.memory_space<hbm>>
      tpu.wait_dma2 semaphore(%run_scoped3A_266 : memref<!tpu.dma_semaphore, #tpu.memory_space<semaphore_mem>>) src(%dma_wait3A_276 : memref<128xf32, #tpu.memory_space<hbm>>) dst(%arg12 : memref<128xf32, #tpu.memory_space<vmem>>)
      tpu.yield
    }) : () -> ()
    %add3A_34 = arith.constant 1 : i32
    %add3A_35 = arith.addi %select_n3A_33, %add3A_34 : i32
    %scan3A = arith.constant 0 : i32
    %scan3A_36 = arith.constant 0 : i32
    %scan3A_37 = arith.constant 128 : i32
    %scan3A_38 = arith.addi %scan3A_36, %scan3A_37 : i32
    %scan3A_39 = arith.constant 4 : i32
    %scan3A_40 = scf.for %scan3A_266 = %scan3A_36 to %scan3A_38 step %scan3A_39 iter_args(%scan3A_267 = %scan3A) -> (i32)  : i32 {
      %mul3A_268 = arith.constant 16 : i32
      %mul3A_269 = arith.muli %scan3A_266, %mul3A_268 : i32
      %get3A = arith.index_cast %mul3A_269 : i32 to index
      %get3A_270 = tpu.vector_load %arg8[%get3A] {strides = array<i32>} : memref<2048xi32, #tpu.memory_space<vmem>>, vector<16xi32>,
      %mul3A_271 = arith.constant 16 : i32
      %mul3A_272 = arith.muli %scan3A_266, %mul3A_271 : i32
      %get3A_273 = arith.index_cast %mul3A_272 : i32 to index
      %get3A_274 = tpu.vector_load %arg9[%get3A_273] {strides = array<i32>} : memref<2048xi32, #tpu.memory_space<vmem>>, vector<16xi32>,
      %eq3A_275 = vector.broadcast %add3A_35 : i32 to vector<16xi32>
      %eq3A_276 = arith.cmpi eq, %get3A_270, %eq3A_275 : vector<16xi32>
      %ne3A_277 = arith.constant 0 : i32
      %ne3A_278 = vector.broadcast %ne3A_277 : i32 to vector<16xi32>
      %ne3A_279 = arith.cmpi ne, %get3A_274, %ne3A_278 : vector<16xi32>
      %and3A_280 = arith.andi %eq3A_276, %ne3A_279 : vector<16xi1>
      %jit3A_281 = arith.constant 1 : i32
      %jit3A_282 = arith.constant 0 : i32
      %broadcast_in_dim3A_283 = vector.broadcast %jit3A_281 : i32 to vector<16xi32>
      %broadcast_in_dim3A_284 = vector.broadcast %jit3A_282 : i32 to vector<16xi32>
      %select_n3A_285 = arith.select %and3A_280, %broadcast_in_dim3A_283, %broadcast_in_dim3A_284 : vector<16xi1>, vector<16xi32>
      %reduce_sum3A = arith.constant true
      %reduce_sum3A_286 = vector.broadcast %reduce_sum3A : i1 to vector<16xi1>
      %reduce_sum3A_287 = tpu.scan <sum>, %select_n3A_285 masked %reduce_sum3A_286 : vector<16xi32>, vector<16xi1> -> vector<16xi32>
      %reduce_sum3A_288 = vector.extract %reduce_sum3A_287[15] : i32 from vector<16xi32>
      %add3A_289 = arith.addi %scan3A_267, %reduce_sum3A_288 : i32
      %scan3A_290 = arith.constant 1 : i32
      %scan3A_291 = arith.addi %scan3A_266, %scan3A_290 : i32
      %mul3A_292 = arith.constant 16 : i32
      %mul3A_293 = arith.muli %scan3A_291, %mul3A_292 : i32
      %get3A_294 = arith.index_cast %mul3A_293 : i32 to index
      %get3A_295 = tpu.vector_load %arg8[%get3A_294] {strides = array<i32>} : memref<2048xi32, #tpu.memory_space<vmem>>, vector<16xi32>,
      %mul3A_296 = arith.constant 16 : i32
      %mul3A_297 = arith.muli %scan3A_291, %mul3A_296 : i32
      %get3A_298 = arith.index_cast %mul3A_297 : i32 to index
      %get3A_299 = tpu.vector_load %arg9[%get3A_298] {strides = array<i32>} : memref<2048xi32, #tpu.memory_space<vmem>>, vector<16xi32>,
      %eq3A_300 = vector.broadcast %add3A_35 : i32 to vector<16xi32>
      %eq3A_301 = arith.cmpi eq, %get3A_295, %eq3A_300 : vector<16xi32>
      %ne3A_302 = arith.constant 0 : i32
      %ne3A_303 = vector.broadcast %ne3A_302 : i32 to vector<16xi32>
      %ne3A_304 = arith.cmpi ne, %get3A_299, %ne3A_303 : vector<16xi32>
      %and3A_305 = arith.andi %eq3A_301, %ne3A_304 : vector<16xi1>
      %jit3A_306 = arith.constant 1 : i32
      %jit3A_307 = arith.constant 0 : i32
      %broadcast_in_dim3A_308 = vector.broadcast %jit3A_306 : i32 to vector<16xi32>
      %broadcast_in_dim3A_309 = vector.broadcast %jit3A_307 : i32 to vector<16xi32>
      %select_n3A_310 = arith.select %and3A_305, %broadcast_in_dim3A_308, %broadcast_in_dim3A_309 : vector<16xi1>, vector<16xi32>
      %reduce_sum3A_311 = arith.constant true
      %reduce_sum3A_312 = vector.broadcast %reduce_sum3A_311 : i1 to vector<16xi1>
      %reduce_sum3A_313 = tpu.scan <sum>, %select_n3A_310 masked %reduce_sum3A_312 : vector<16xi32>, vector<16xi1> -> vector<16xi32>
      %reduce_sum3A_314 = vector.extract %reduce_sum3A_313[15] : i32 from vector<16xi32>
      %add3A_315 = arith.addi %add3A_289, %reduce_sum3A_314 : i32
      %scan3A_316 = arith.constant 2 : i32
      %scan3A_317 = arith.addi %scan3A_266, %scan3A_316 : i32
      %mul3A_318 = arith.constant 16 : i32
      %mul3A_319 = arith.muli %scan3A_317, %mul3A_318 : i32
      %get3A_320 = arith.index_cast %mul3A_319 : i32 to index
      %get3A_321 = tpu.vector_load %arg8[%get3A_320] {strides = array<i32>} : memref<2048xi32, #tpu.memory_space<vmem>>, vector<16xi32>,
      %mul3A_322 = arith.constant 16 : i32
      %mul3A_323 = arith.muli %scan3A_317, %mul3A_322 : i32
      %get3A_324 = arith.index_cast %mul3A_323 : i32 to index
      %get3A_325 = tpu.vector_load %arg9[%get3A_324] {strides = array<i32>} : memref<2048xi32, #tpu.memory_space<vmem>>, vector<16xi32>,
      %eq3A_326 = vector.broadcast %add3A_35 : i32 to vector<16xi32>
      %eq3A_327 = arith.cmpi eq, %get3A_321, %eq3A_326 : vector<16xi32>
      %ne3A_328 = arith.constant 0 : i32
      %ne3A_329 = vector.broadcast %ne3A_328 : i32 to vector<16xi32>
      %ne3A_330 = arith.cmpi ne, %get3A_325, %ne3A_329 : vector<16xi32>
      %and3A_331 = arith.andi %eq3A_327, %ne3A_330 : vector<16xi1>
      %jit3A_332 = arith.constant 1 : i32
      %jit3A_333 = arith.constant 0 : i32
      %broadcast_in_dim3A_334 = vector.broadcast %jit3A_332 : i32 to vector<16xi32>
      %broadcast_in_dim3A_335 = vector.broadcast %jit3A_333 : i32 to vector<16xi32>
      %select_n3A_336 = arith.select %and3A_331, %broadcast_in_dim3A_334, %broadcast_in_dim3A_335 : vector<16xi1>, vector<16xi32>
      %reduce_sum3A_337 = arith.constant true
      %reduce_sum3A_338 = vector.broadcast %reduce_sum3A_337 : i1 to vector<16xi1>
      %reduce_sum3A_339 = tpu.scan <sum>, %select_n3A_336 masked %reduce_sum3A_338 : vector<16xi32>, vector<16xi1> -> vector<16xi32>
      %reduce_sum3A_340 = vector.extract %reduce_sum3A_339[15] : i32 from vector<16xi32>
      %add3A_341 = arith.addi %add3A_315, %reduce_sum3A_340 : i32
      %scan3A_342 = arith.constant 3 : i32
      %scan3A_343 = arith.addi %scan3A_266, %scan3A_342 : i32
      %mul3A_344 = arith.constant 16 : i32
      %mul3A_345 = arith.muli %scan3A_343, %mul3A_344 : i32
      %get3A_346 = arith.index_cast %mul3A_345 : i32 to index
      %get3A_347 = tpu.vector_load %arg8[%get3A_346] {strides = array<i32>} : memref<2048xi32, #tpu.memory_space<vmem>>, vector<16xi32>,
      %mul3A_348 = arith.constant 16 : i32
      %mul3A_349 = arith.muli %scan3A_343, %mul3A_348 : i32
      %get3A_350 = arith.index_cast %mul3A_349 : i32 to index
      %get3A_351 = tpu.vector_load %arg9[%get3A_350] {strides = array<i32>} : memref<2048xi32, #tpu.memory_space<vmem>>, vector<16xi32>,
      %eq3A_352 = vector.broadcast %add3A_35 : i32 to vector<16xi32>
      %eq3A_353 = arith.cmpi eq, %get3A_347, %eq3A_352 : vector<16xi32>
      %ne3A_354 = arith.constant 0 : i32
      %ne3A_355 = vector.broadcast %ne3A_354 : i32 to vector<16xi32>
      %ne3A_356 = arith.cmpi ne, %get3A_351, %ne3A_355 : vector<16xi32>
      %and3A_357 = arith.andi %eq3A_353, %ne3A_356 : vector<16xi1>
      %jit3A_358 = arith.constant 1 : i32
      %jit3A_359 = arith.constant 0 : i32
      %broadcast_in_dim3A_360 = vector.broadcast %jit3A_358 : i32 to vector<16xi32>
      %broadcast_in_dim3A_361 = vector.broadcast %jit3A_359 : i32 to vector<16xi32>
      %select_n3A_362 = arith.select %and3A_357, %broadcast_in_dim3A_360, %broadcast_in_dim3A_361 : vector<16xi1>, vector<16xi32>
      %reduce_sum3A_363 = arith.constant true
      %reduce_sum3A_364 = vector.broadcast %reduce_sum3A_363 : i1 to vector<16xi1>
      %reduce_sum3A_365 = tpu.scan <sum>, %select_n3A_362 masked %reduce_sum3A_364 : vector<16xi32>, vector<16xi1> -> vector<16xi32>
      %reduce_sum3A_366 = vector.extract %reduce_sum3A_365[15] : i32 from vector<16xi32>
      %add3A_367 = arith.addi %add3A_341, %reduce_sum3A_366 : i32
      scf.yield %add3A_367 : i32
    }
    %scan3A_41 = arith.constant 128 : i32
    %sub3A_42 = arith.constant 512 : i32
    %sub3A_43 = arith.subi %scan3A_40, %sub3A_42 : i32
    %max3A = arith.constant 0 : i32
    %max3A_44 = arith.maxsi %sub3A_43, %max3A : i32
    %sub3A_45 = arith.subi %scan3A_40, %max3A_44 : i32
    %scan3A_46 = arith.constant 0 : i32
    %scan3A_47 = arith.constant 0 : i32
    %scan3A_48 = arith.constant 32 : i32
    %scan3A_49 = arith.addi %scan3A_47, %scan3A_48 : i32
    %scan3A_50 = arith.constant 1 : i32
    %scan3A_51 = scf.for %scan3A_266 = %scan3A_47 to %scan3A_49 step %scan3A_50 iter_args(%scan3A_267 = %scan3A_46) -> (i32)  : i32 {
      %mul3A_268 = arith.constant 16 : i32
      %mul3A_269 = arith.muli %scan3A_266, %mul3A_268 : i32
      %add3A_270 = vector.broadcast %mul3A_269 : i32 to vector<16xi32>
      %add3A_271 = arith.addi %add3A_270, %iota3A : vector<16xi32>
      %mul3A_272 = arith.constant 16 : i32
      %mul3A_273 = arith.muli %scan3A_266, %mul3A_272 : i32
      %swap3A = arith.index_cast %mul3A_273 : i32 to index
      %swap3A_274 = tpu.vector_load %arg10[%swap3A] {strides = array<i32>} : memref<512xi32, #tpu.memory_space<vmem>>, vector<16xi32>,
      tpu.vector_store %arg10[%swap3A], %add3A_271 {strides = array<i32>} : memref<512xi32, #tpu.memory_space<vmem>>, vector<16xi32>,
      %scan3A_275 = arith.constant 0 : i32
      scf.yield %scan3A_275 : i32
    }
    %scan3A_52 = arith.constant 32 : i32
    %scan3A_53 = arith.constant 0 : i32
    %scan3A_54 = arith.constant 0 : i32
    %scan3A_55 = arith.constant 128 : i32
    %scan3A_56 = arith.addi %scan3A_54, %scan3A_55 : i32
    %scan3A_57 = arith.constant 2 : i32
    %scan3A_58 = scf.for %scan3A_266 = %scan3A_54 to %scan3A_56 step %scan3A_57 iter_args(%scan3A_267 = %scan3A_53) -> (i32)  : i32 {
      %mul3A_268 = arith.constant 16 : i32
      %mul3A_269 = arith.muli %scan3A_266, %mul3A_268 : i32
      %get3A = arith.index_cast %mul3A_269 : i32 to index
      %get3A_270 = tpu.vector_load %arg8[%get3A] {strides = array<i32>} : memref<2048xi32, #tpu.memory_space<vmem>>, vector<16xi32>,
      %mul3A_271 = arith.constant 16 : i32
      %mul3A_272 = arith.muli %scan3A_266, %mul3A_271 : i32
      %get3A_273 = arith.index_cast %mul3A_272 : i32 to index
      %get3A_274 = tpu.vector_load %arg9[%get3A_273] {strides = array<i32>} : memref<2048xi32, #tpu.memory_space<vmem>>, vector<16xi32>,
      %eq3A_275 = vector.broadcast %add3A_35 : i32 to vector<16xi32>
      %eq3A_276 = arith.cmpi eq, %get3A_270, %eq3A_275 : vector<16xi32>
      %ne3A_277 = arith.constant 0 : i32
      %ne3A_278 = vector.broadcast %ne3A_277 : i32 to vector<16xi32>
      %ne3A_279 = arith.cmpi ne, %get3A_274, %ne3A_278 : vector<16xi32>
      %and3A_280 = arith.andi %eq3A_276, %ne3A_279 : vector<16xi1>
      %jit3A_281 = arith.constant 1 : i32
      %jit3A_282 = arith.constant 0 : i32
      %broadcast_in_dim3A_283 = vector.broadcast %jit3A_281 : i32 to vector<16xi32>
      %broadcast_in_dim3A_284 = vector.broadcast %jit3A_282 : i32 to vector<16xi32>
      %select_n3A_285 = arith.select %and3A_280, %broadcast_in_dim3A_283, %broadcast_in_dim3A_284 : vector<16xi1>, vector<16xi32>
      %broadcast_in_dim3A_286 = arith.constant true
      %broadcast_in_dim3A_287 = vector.broadcast %broadcast_in_dim3A_286 : i1 to vector<16xi1>
      %masked_cumsum3A = tpu.scan <sum>, %select_n3A_285 masked %broadcast_in_dim3A_287 : vector<16xi32>, vector<16xi1> -> vector<16xi32>
      %add3A_288 = vector.broadcast %scan3A_267 : i32 to vector<16xi32>
      %add3A_289 = arith.addi %masked_cumsum3A, %add3A_288 : vector<16xi32>
      %sub3A_290 = arith.constant 1 : i32
      %sub3A_291 = vector.broadcast %sub3A_290 : i32 to vector<16xi32>
      %sub3A_292 = arith.subi %add3A_289, %sub3A_291 : vector<16xi32>
      %sub3A_293 = vector.broadcast %max3A_44 : i32 to vector<16xi32>
      %sub3A_294 = arith.subi %sub3A_292, %sub3A_293 : vector<16xi32>
      %ge3A = arith.constant 0 : i32
      %ge3A_295 = vector.broadcast %ge3A : i32 to vector<16xi32>
      %ge3A_296 = arith.cmpi sge, %sub3A_294, %ge3A_295 : vector<16xi32>
      %and3A_297 = arith.andi %and3A_280, %ge3A_296 : vector<16xi1>
      %max3A_298 = arith.constant 0 : i32
      %max3A_299 = vector.broadcast %max3A_298 : i32 to vector<16xi32>
      %max3A_300 = arith.maxsi %sub3A_294, %max3A_299 : vector<16xi32>
      %mul3A_301 = arith.constant 2048 : i32
      %mul3A_302 = arith.muli %select_n3A, %mul3A_301 : i32
      %mul3A_303 = arith.constant 16 : i32
      %mul3A_304 = arith.muli %scan3A_266, %mul3A_303 : i32
      %add3A_305 = arith.addi %mul3A_302, %mul3A_304 : i32
      %add3A_306 = vector.broadcast %add3A_305 : i32 to vector<16xi32>
      %add3A_307 = arith.addi %add3A_306, %iota3A : vector<16xi32>
      tpu.vector_store_idx %arg10[%max3A_300], %add3A_307 masked %and3A_297 : memref<512xi32, #tpu.memory_space<vmem>>[vector<16xi32>], vector<16xi32>, vector<16xi1>
      %reduce_sum3A = arith.constant true
      %reduce_sum3A_308 = vector.broadcast %reduce_sum3A : i1 to vector<16xi1>
      %reduce_sum3A_309 = tpu.scan <sum>, %select_n3A_285 masked %reduce_sum3A_308 : vector<16xi32>, vector<16xi1> -> vector<16xi32>
      %reduce_sum3A_310 = vector.extract %reduce_sum3A_309[15] : i32 from vector<16xi32>
      %add3A_311 = arith.addi %scan3A_267, %reduce_sum3A_310 : i32
      %scan3A_312 = arith.constant 1 : i32
      %scan3A_313 = arith.addi %scan3A_266, %scan3A_312 : i32
      %mul3A_314 = arith.constant 16 : i32
      %mul3A_315 = arith.muli %scan3A_313, %mul3A_314 : i32
      %get3A_316 = arith.index_cast %mul3A_315 : i32 to index
      %get3A_317 = tpu.vector_load %arg8[%get3A_316] {strides = array<i32>} : memref<2048xi32, #tpu.memory_space<vmem>>, vector<16xi32>,
      %mul3A_318 = arith.constant 16 : i32
      %mul3A_319 = arith.muli %scan3A_313, %mul3A_318 : i32
      %get3A_320 = arith.index_cast %mul3A_319 : i32 to index
      %get3A_321 = tpu.vector_load %arg9[%get3A_320] {strides = array<i32>} : memref<2048xi32, #tpu.memory_space<vmem>>, vector<16xi32>,
      %eq3A_322 = vector.broadcast %add3A_35 : i32 to vector<16xi32>
      %eq3A_323 = arith.cmpi eq, %get3A_317, %eq3A_322 : vector<16xi32>
      %ne3A_324 = arith.constant 0 : i32
      %ne3A_325 = vector.broadcast %ne3A_324 : i32 to vector<16xi32>
      %ne3A_326 = arith.cmpi ne, %get3A_321, %ne3A_325 : vector<16xi32>
      %and3A_327 = arith.andi %eq3A_323, %ne3A_326 : vector<16xi1>
      %jit3A_328 = arith.constant 1 : i32
      %jit3A_329 = arith.constant 0 : i32
      %broadcast_in_dim3A_330 = vector.broadcast %jit3A_328 : i32 to vector<16xi32>
      %broadcast_in_dim3A_331 = vector.broadcast %jit3A_329 : i32 to vector<16xi32>
      %select_n3A_332 = arith.select %and3A_327, %broadcast_in_dim3A_330, %broadcast_in_dim3A_331 : vector<16xi1>, vector<16xi32>
      %broadcast_in_dim3A_333 = arith.constant true
      %broadcast_in_dim3A_334 = vector.broadcast %broadcast_in_dim3A_333 : i1 to vector<16xi1>
      %masked_cumsum3A_335 = tpu.scan <sum>, %select_n3A_332 masked %broadcast_in_dim3A_334 : vector<16xi32>, vector<16xi1> -> vector<16xi32>
      %add3A_336 = vector.broadcast %add3A_311 : i32 to vector<16xi32>
      %add3A_337 = arith.addi %masked_cumsum3A_335, %add3A_336 : vector<16xi32>
      %sub3A_338 = arith.constant 1 : i32
      %sub3A_339 = vector.broadcast %sub3A_338 : i32 to vector<16xi32>
      %sub3A_340 = arith.subi %add3A_337, %sub3A_339 : vector<16xi32>
      %sub3A_341 = vector.broadcast %max3A_44 : i32 to vector<16xi32>
      %sub3A_342 = arith.subi %sub3A_340, %sub3A_341 : vector<16xi32>
      %ge3A_343 = arith.constant 0 : i32
      %ge3A_344 = vector.broadcast %ge3A_343 : i32 to vector<16xi32>
      %ge3A_345 = arith.cmpi sge, %sub3A_342, %ge3A_344 : vector<16xi32>
      %and3A_346 = arith.andi %and3A_327, %ge3A_345 : vector<16xi1>
      %max3A_347 = arith.constant 0 : i32
      %max3A_348 = vector.broadcast %max3A_347 : i32 to vector<16xi32>
      %max3A_349 = arith.maxsi %sub3A_342, %max3A_348 : vector<16xi32>
      %mul3A_350 = arith.constant 2048 : i32
      %mul3A_351 = arith.muli %select_n3A, %mul3A_350 : i32
      %mul3A_352 = arith.constant 16 : i32
      %mul3A_353 = arith.muli %scan3A_313, %mul3A_352 : i32
      %add3A_354 = arith.addi %mul3A_351, %mul3A_353 : i32
      %add3A_355 = vector.broadcast %add3A_354 : i32 to vector<16xi32>
      %add3A_356 = arith.addi %add3A_355, %iota3A : vector<16xi32>
      tpu.vector_store_idx %arg10[%max3A_349], %add3A_356 masked %and3A_346 : memref<512xi32, #tpu.memory_space<vmem>>[vector<16xi32>], vector<16xi32>, vector<16xi1>
      %reduce_sum3A_357 = arith.constant true
      %reduce_sum3A_358 = vector.broadcast %reduce_sum3A_357 : i1 to vector<16xi1>
      %reduce_sum3A_359 = tpu.scan <sum>, %select_n3A_332 masked %reduce_sum3A_358 : vector<16xi32>, vector<16xi1> -> vector<16xi32>
      %reduce_sum3A_360 = vector.extract %reduce_sum3A_359[15] : i32 from vector<16xi32>
      %add3A_361 = arith.addi %add3A_311, %reduce_sum3A_360 : i32
      scf.yield %add3A_361 : i32
    }
    %scan3A_59 = arith.constant 128 : i32
    %gt3A = arith.constant 0 : i32
    %gt3A_60 = arith.cmpi sgt, %sub3A_45, %gt3A : i32
    %convert_element_type3A = arith.extui %gt3A_60 : i1 to i32
    %cond3A = arith.constant 0 : i32
    %cond3A_61 = arith.cmpi ne, %convert_element_type3A, %cond3A : i32
    scf.if %cond3A_61 {
      %dma_start3A = arith.constant 0 : i32
      %dma_start3A_266 = arith.constant 0 : i32
      %dma_start3A_267 = arith.constant 0 : i32
      %dma_start3A_268 = tpu.memref_slice %arg11[%dma_start3A, %dma_start3A_266, %dma_start3A_267] : memref<4x128x128xf32, #tpu.memory_space<vmem>> -> memref<1x128x128xf32, #tpu.memory_space<vmem>>
      %dma_start3A_269 = tpu.memref_squeeze %dma_start3A_268 : memref<1x128x128xf32, #tpu.memory_space<vmem>> -> memref<128x128xf32, #tpu.memory_space<vmem>>
      %dma_start3A_270 = arith.constant 0 : i32
      %dma_start3A_271 = tpu.memref_slice %arg10[%dma_start3A_270] : memref<512xi32, #tpu.memory_space<vmem>> -> memref<128xi32, #tpu.memory_space<vmem>>
      %dma_start3A_272 = arith.constant 0 : i32
      %dma_start3A_273 = arith.constant 0 : i32
      %dma_start3A_274 = tpu.memref_slice %arg4[%dma_start3A_272, %dma_start3A_273] : memref<16384x128xf32, #tpu.memory_space<hbm>> -> memref<16384x128xf32, #tpu.memory_space<hbm>>
      tpu.enqueue_indirect_dma source(%dma_start3A_274 : memref<16384x128xf32, #tpu.memory_space<hbm>>) target(%dma_start3A_269 : memref<128x128xf32, #tpu.memory_space<vmem>>) offsets(%dma_start3A_271 : memref<128xi32, #tpu.memory_space<vmem>>) semaphore(%arg14 : memref<!tpu.dma_semaphore, #tpu.memory_space<semaphore_mem>>)
    } else {
    }
    %gt3A_62 = arith.constant 128 : i32
    %gt3A_63 = arith.cmpi sgt, %sub3A_45, %gt3A_62 : i32
    %convert_element_type3A_64 = arith.extui %gt3A_63 : i1 to i32
    %cond3A_65 = arith.constant 0 : i32
    %cond3A_66 = arith.cmpi ne, %convert_element_type3A_64, %cond3A_65 : i32
    scf.if %cond3A_66 {
      %dma_start3A = arith.constant 1 : i32
      %dma_start3A_266 = arith.constant 0 : i32
      %dma_start3A_267 = arith.constant 0 : i32
      %dma_start3A_268 = tpu.memref_slice %arg11[%dma_start3A, %dma_start3A_266, %dma_start3A_267] : memref<4x128x128xf32, #tpu.memory_space<vmem>> -> memref<1x128x128xf32, #tpu.memory_space<vmem>>
      %dma_start3A_269 = tpu.memref_squeeze %dma_start3A_268 : memref<1x128x128xf32, #tpu.memory_space<vmem>> -> memref<128x128xf32, #tpu.memory_space<vmem>>
      %dma_start3A_270 = arith.constant 128 : i32
      %dma_start3A_271 = tpu.memref_slice %arg10[%dma_start3A_270] : memref<512xi32, #tpu.memory_space<vmem>> -> memref<128xi32, #tpu.memory_space<vmem>>
      %dma_start3A_272 = arith.constant 0 : i32
      %dma_start3A_273 = arith.constant 0 : i32
      %dma_start3A_274 = tpu.memref_slice %arg4[%dma_start3A_272, %dma_start3A_273] : memref<16384x128xf32, #tpu.memory_space<hbm>> -> memref<16384x128xf32, #tpu.memory_space<hbm>>
      tpu.enqueue_indirect_dma source(%dma_start3A_274 : memref<16384x128xf32, #tpu.memory_space<hbm>>) target(%dma_start3A_269 : memref<128x128xf32, #tpu.memory_space<vmem>>) offsets(%dma_start3A_271 : memref<128xi32, #tpu.memory_space<vmem>>) semaphore(%arg14 : memref<!tpu.dma_semaphore, #tpu.memory_space<semaphore_mem>>)
    } else {
    }
    %gt3A_67 = arith.constant 256 : i32
    %gt3A_68 = arith.cmpi sgt, %sub3A_45, %gt3A_67 : i32
    %convert_element_type3A_69 = arith.extui %gt3A_68 : i1 to i32
    %cond3A_70 = arith.constant 0 : i32
    %cond3A_71 = arith.cmpi ne, %convert_element_type3A_69, %cond3A_70 : i32
    scf.if %cond3A_71 {
      %dma_start3A = arith.constant 2 : i32
      %dma_start3A_266 = arith.constant 0 : i32
      %dma_start3A_267 = arith.constant 0 : i32
      %dma_start3A_268 = tpu.memref_slice %arg11[%dma_start3A, %dma_start3A_266, %dma_start3A_267] : memref<4x128x128xf32, #tpu.memory_space<vmem>> -> memref<1x128x128xf32, #tpu.memory_space<vmem>>
      %dma_start3A_269 = tpu.memref_squeeze %dma_start3A_268 : memref<1x128x128xf32, #tpu.memory_space<vmem>> -> memref<128x128xf32, #tpu.memory_space<vmem>>
      %dma_start3A_270 = arith.constant 256 : i32
      %dma_start3A_271 = tpu.memref_slice %arg10[%dma_start3A_270] : memref<512xi32, #tpu.memory_space<vmem>> -> memref<128xi32, #tpu.memory_space<vmem>>
      %dma_start3A_272 = arith.constant 0 : i32
      %dma_start3A_273 = arith.constant 0 : i32
      %dma_start3A_274 = tpu.memref_slice %arg4[%dma_start3A_272, %dma_start3A_273] : memref<16384x128xf32, #tpu.memory_space<hbm>> -> memref<16384x128xf32, #tpu.memory_space<hbm>>
      tpu.enqueue_indirect_dma source(%dma_start3A_274 : memref<16384x128xf32, #tpu.memory_space<hbm>>) target(%dma_start3A_269 : memref<128x128xf32, #tpu.memory_space<vmem>>) offsets(%dma_start3A_271 : memref<128xi32, #tpu.memory_space<vmem>>) semaphore(%arg14 : memref<!tpu.dma_semaphore, #tpu.memory_space<semaphore_mem>>)
    } else {
    }
    %gt3A_72 = arith.constant 384 : i32
    %gt3A_73 = arith.cmpi sgt, %sub3A_45, %gt3A_72 : i32
    %convert_element_type3A_74 = arith.extui %gt3A_73 : i1 to i32
    %cond3A_75 = arith.constant 0 : i32
    %cond3A_76 = arith.cmpi ne, %convert_element_type3A_74, %cond3A_75 : i32
    scf.if %cond3A_76 {
      %dma_start3A = arith.constant 3 : i32
      %dma_start3A_266 = arith.constant 0 : i32
      %dma_start3A_267 = arith.constant 0 : i32
      %dma_start3A_268 = tpu.memref_slice %arg11[%dma_start3A, %dma_start3A_266, %dma_start3A_267] : memref<4x128x128xf32, #tpu.memory_space<vmem>> -> memref<1x128x128xf32, #tpu.memory_space<vmem>>
      %dma_start3A_269 = tpu.memref_squeeze %dma_start3A_268 : memref<1x128x128xf32, #tpu.memory_space<vmem>> -> memref<128x128xf32, #tpu.memory_space<vmem>>
      %dma_start3A_270 = arith.constant 384 : i32
      %dma_start3A_271 = tpu.memref_slice %arg10[%dma_start3A_270] : memref<512xi32, #tpu.memory_space<vmem>> -> memref<128xi32, #tpu.memory_space<vmem>>
      %dma_start3A_272 = arith.constant 0 : i32
      %dma_start3A_273 = arith.constant 0 : i32
      %dma_start3A_274 = tpu.memref_slice %arg4[%dma_start3A_272, %dma_start3A_273] : memref<16384x128xf32, #tpu.memory_space<hbm>> -> memref<16384x128xf32, #tpu.memory_space<hbm>>
      tpu.enqueue_indirect_dma source(%dma_start3A_274 : memref<16384x128xf32, #tpu.memory_space<hbm>>) target(%dma_start3A_269 : memref<128x128xf32, #tpu.memory_space<vmem>>) offsets(%dma_start3A_271 : memref<128xi32, #tpu.memory_space<vmem>>) semaphore(%arg14 : memref<!tpu.dma_semaphore, #tpu.memory_space<semaphore_mem>>)
    } else {
    }
    %gt3A_77 = arith.constant 0 : i32
    %gt3A_78 = arith.cmpi sgt, %sub3A_45, %gt3A_77 : i32
    %convert_element_type3A_79 = arith.extui %gt3A_78 : i1 to i32
    %cond3A_80 = arith.constant 0 : i32
    %cond3A_81 = arith.cmpi ne, %convert_element_type3A_79, %cond3A_80 : i32
    scf.if %cond3A_81 {
      %dma_wait3A = arith.constant 0 : i32
      %dma_wait3A_266 = arith.constant 0 : i32
      %dma_wait3A_267 = arith.constant 0 : i32
      %dma_wait3A_268 = tpu.memref_slice %arg11[%dma_wait3A, %dma_wait3A_266, %dma_wait3A_267] : memref<4x128x128xf32, #tpu.memory_space<vmem>> -> memref<1x128x128xf32, #tpu.memory_space<vmem>>
      %dma_wait3A_269 = tpu.memref_squeeze %dma_wait3A_268 : memref<1x128x128xf32, #tpu.memory_space<vmem>> -> memref<128x128xf32, #tpu.memory_space<vmem>>
      %dma_wait3A_270 = arith.constant 0 : i32
      %dma_wait3A_271 = tpu.memref_slice %arg10[%dma_wait3A_270] : memref<512xi32, #tpu.memory_space<vmem>> -> memref<128xi32, #tpu.memory_space<vmem>>
      %dma_wait3A_272 = arith.constant 0 : i32
      %dma_wait3A_273 = arith.constant 0 : i32
      %dma_wait3A_274 = tpu.memref_slice %arg4[%dma_wait3A_272, %dma_wait3A_273] : memref<16384x128xf32, #tpu.memory_space<hbm>> -> memref<16384x128xf32, #tpu.memory_space<hbm>>
      tpu.wait_indirect_dma semaphore(%arg14 : memref<!tpu.dma_semaphore, #tpu.memory_space<semaphore_mem>>) src(%dma_wait3A_274 : memref<16384x128xf32, #tpu.memory_space<hbm>>) dst(%dma_wait3A_269 : memref<128x128xf32, #tpu.memory_space<vmem>>)
    } else {
    }
    %eq3A_82 = arith.constant 0 : i32
    %eq3A_83 = arith.cmpi eq, %sub3A_45, %eq3A_82 : i32
    %convert_element_type3A_84 = arith.extui %eq3A_83 : i1 to i32
    %cond3A_85 = arith.constant 0 : i32
    %cond3A_86 = arith.cmpi ne, %convert_element_type3A_84, %cond3A_85 : i32
    scf.if %cond3A_86 {
      %get3A = arith.constant 0 : index
      %get3A_266 = tpu.vector_load %arg12[%get3A] {strides = array<i32>} : memref<128xf32, #tpu.memory_space<vmem>>, vector<16xf32>,
      %swap3A = arith.constant 0 : i32
      %swap3A_267 = arith.constant 0 : i32
      %swap3A_268 = arith.index_cast %swap3A : i32 to index
      %swap3A_269 = arith.index_cast %swap3A_267 : i32 to index
      %swap3A_270 = arith.constant 0 : index
      %swap3A_271 = tpu.vector_load %arg11[%swap3A_268, %swap3A_269, %swap3A_270] {strides = array<i32>} : memref<4x128x128xf32, #tpu.memory_space<vmem>>, vector<16xf32>,
      tpu.vector_store %arg11[%swap3A_268, %swap3A_269, %swap3A_270], %get3A_266 {strides = array<i32>} : memref<4x128x128xf32, #tpu.memory_space<vmem>>, vector<16xf32>,
      %get3A_272 = arith.constant 16 : index
      %get3A_273 = tpu.vector_load %arg12[%get3A_272] {strides = array<i32>} : memref<128xf32, #tpu.memory_space<vmem>>, vector<16xf32>,
      %swap3A_274 = arith.constant 0 : i32
      %swap3A_275 = arith.constant 0 : i32
      %swap3A_276 = arith.index_cast %swap3A_274 : i32 to index
      %swap3A_277 = arith.index_cast %swap3A_275 : i32 to index
      %swap3A_278 = arith.constant 16 : index
      %swap3A_279 = tpu.vector_load %arg11[%swap3A_276, %swap3A_277, %swap3A_278] {strides = array<i32>} : memref<4x128x128xf32, #tpu.memory_space<vmem>>, vector<16xf32>,
      tpu.vector_store %arg11[%swap3A_276, %swap3A_277, %swap3A_278], %get3A_273 {strides = array<i32>} : memref<4x128x128xf32, #tpu.memory_space<vmem>>, vector<16xf32>,
      %get3A_280 = arith.constant 32 : index
      %get3A_281 = tpu.vector_load %arg12[%get3A_280] {strides = array<i32>} : memref<128xf32, #tpu.memory_space<vmem>>, vector<16xf32>,
      %swap3A_282 = arith.constant 0 : i32
      %swap3A_283 = arith.constant 0 : i32
      %swap3A_284 = arith.index_cast %swap3A_282 : i32 to index
      %swap3A_285 = arith.index_cast %swap3A_283 : i32 to index
      %swap3A_286 = arith.constant 32 : index
      %swap3A_287 = tpu.vector_load %arg11[%swap3A_284, %swap3A_285, %swap3A_286] {strides = array<i32>} : memref<4x128x128xf32, #tpu.memory_space<vmem>>, vector<16xf32>,
      tpu.vector_store %arg11[%swap3A_284, %swap3A_285, %swap3A_286], %get3A_281 {strides = array<i32>} : memref<4x128x128xf32, #tpu.memory_space<vmem>>, vector<16xf32>,
      %get3A_288 = arith.constant 48 : index
      %get3A_289 = tpu.vector_load %arg12[%get3A_288] {strides = array<i32>} : memref<128xf32, #tpu.memory_space<vmem>>, vector<16xf32>,
      %swap3A_290 = arith.constant 0 : i32
      %swap3A_291 = arith.constant 0 : i32
      %swap3A_292 = arith.index_cast %swap3A_290 : i32 to index
      %swap3A_293 = arith.index_cast %swap3A_291 : i32 to index
      %swap3A_294 = arith.constant 48 : index
      %swap3A_295 = tpu.vector_load %arg11[%swap3A_292, %swap3A_293, %swap3A_294] {strides = array<i32>} : memref<4x128x128xf32, #tpu.memory_space<vmem>>, vector<16xf32>,
      tpu.vector_store %arg11[%swap3A_292, %swap3A_293, %swap3A_294], %get3A_289 {strides = array<i32>} : memref<4x128x128xf32, #tpu.memory_space<vmem>>, vector<16xf32>,
      %get3A_296 = arith.constant 64 : index
      %get3A_297 = tpu.vector_load %arg12[%get3A_296] {strides = array<i32>} : memref<128xf32, #tpu.memory_space<vmem>>, vector<16xf32>,
      %swap3A_298 = arith.constant 0 : i32
      %swap3A_299 = arith.constant 0 : i32
      %swap3A_300 = arith.index_cast %swap3A_298 : i32 to index
      %swap3A_301 = arith.index_cast %swap3A_299 : i32 to index
      %swap3A_302 = arith.constant 64 : index
      %swap3A_303 = tpu.vector_load %arg11[%swap3A_300, %swap3A_301, %swap3A_302] {strides = array<i32>} : memref<4x128x128xf32, #tpu.memory_space<vmem>>, vector<16xf32>,
      tpu.vector_store %arg11[%swap3A_300, %swap3A_301, %swap3A_302], %get3A_297 {strides = array<i32>} : memref<4x128x128xf32, #tpu.memory_space<vmem>>, vector<16xf32>,
      %get3A_304 = arith.constant 80 : index
      %get3A_305 = tpu.vector_load %arg12[%get3A_304] {strides = array<i32>} : memref<128xf32, #tpu.memory_space<vmem>>, vector<16xf32>,
      %swap3A_306 = arith.constant 0 : i32
      %swap3A_307 = arith.constant 0 : i32
      %swap3A_308 = arith.index_cast %swap3A_306 : i32 to index
      %swap3A_309 = arith.index_cast %swap3A_307 : i32 to index
      %swap3A_310 = arith.constant 80 : index
      %swap3A_311 = tpu.vector_load %arg11[%swap3A_308, %swap3A_309, %swap3A_310] {strides = array<i32>} : memref<4x128x128xf32, #tpu.memory_space<vmem>>, vector<16xf32>,
      tpu.vector_store %arg11[%swap3A_308, %swap3A_309, %swap3A_310], %get3A_305 {strides = array<i32>} : memref<4x128x128xf32, #tpu.memory_space<vmem>>, vector<16xf32>,
      %get3A_312 = arith.constant 96 : index
      %get3A_313 = tpu.vector_load %arg12[%get3A_312] {strides = array<i32>} : memref<128xf32, #tpu.memory_space<vmem>>, vector<16xf32>,
      %swap3A_314 = arith.constant 0 : i32
      %swap3A_315 = arith.constant 0 : i32
      %swap3A_316 = arith.index_cast %swap3A_314 : i32 to index
      %swap3A_317 = arith.index_cast %swap3A_315 : i32 to index
      %swap3A_318 = arith.constant 96 : index
      %swap3A_319 = tpu.vector_load %arg11[%swap3A_316, %swap3A_317, %swap3A_318] {strides = array<i32>} : memref<4x128x128xf32, #tpu.memory_space<vmem>>, vector<16xf32>,
      tpu.vector_store %arg11[%swap3A_316, %swap3A_317, %swap3A_318], %get3A_313 {strides = array<i32>} : memref<4x128x128xf32, #tpu.memory_space<vmem>>, vector<16xf32>,
      %get3A_320 = arith.constant 112 : index
      %get3A_321 = tpu.vector_load %arg12[%get3A_320] {strides = array<i32>} : memref<128xf32, #tpu.memory_space<vmem>>, vector<16xf32>,
      %swap3A_322 = arith.constant 0 : i32
      %swap3A_323 = arith.constant 0 : i32
      %swap3A_324 = arith.index_cast %swap3A_322 : i32 to index
      %swap3A_325 = arith.index_cast %swap3A_323 : i32 to index
      %swap3A_326 = arith.constant 112 : index
      %swap3A_327 = tpu.vector_load %arg11[%swap3A_324, %swap3A_325, %swap3A_326] {strides = array<i32>} : memref<4x128x128xf32, #tpu.memory_space<vmem>>, vector<16xf32>,
      tpu.vector_store %arg11[%swap3A_324, %swap3A_325, %swap3A_326], %get3A_321 {strides = array<i32>} : memref<4x128x128xf32, #tpu.memory_space<vmem>>, vector<16xf32>,
    } else {
    }
    %mul3A_87 = arith.constant 512 : i32
    %mul3A_88 = arith.muli %add3A_3, %mul3A_87 : i32
    %run_scoped3A = arith.constant 0 : i32
    "tpu.region"() ({
      %run_scoped3A_266 = tpu.sem_alloc : memref<!tpu.dma_semaphore, #tpu.memory_space<semaphore_mem>>
      %dma_start3A = arith.constant 0 : i32
      %dma_start3A_267 = arith.constant 0 : i32
      %dma_start3A_268 = tpu.memref_slice %arg11[%run_scoped3A, %dma_start3A, %dma_start3A_267] : memref<4x128x128xf32, #tpu.memory_space<vmem>> -> memref<1x128x128xf32, #tpu.memory_space<vmem>>
      %dma_start3A_269 = tpu.memref_squeeze %dma_start3A_268 : memref<1x128x128xf32, #tpu.memory_space<vmem>> -> memref<128x128xf32, #tpu.memory_space<vmem>>
      %dma_start3A_270 = arith.constant 0 : i32
      %dma_start3A_271 = tpu.memref_slice %arg6[%mul3A_88, %dma_start3A_270] : memref<32768x128xf32, #tpu.memory_space<hbm>> -> memref<128x128xf32, #tpu.memory_space<hbm>>
      %dma_start3A_272 = arith.constant 0 : i32
      %dma_start3A_273 = tpu.memref_slice %arg6[%mul3A_88, %dma_start3A_272] : memref<32768x128xf32, #tpu.memory_space<hbm>> -> memref<128x128xf32, #tpu.memory_space<hbm>>
      %dma_start3A_274 = arith.constant 0 : i32
      %dma_start3A_275 = arith.constant 0 : i32
      %dma_start3A_276 = tpu.memref_slice %arg11[%run_scoped3A, %dma_start3A_274, %dma_start3A_275] : memref<4x128x128xf32, #tpu.memory_space<vmem>> -> memref<1x128x128xf32, #tpu.memory_space<vmem>>
      %dma_start3A_277 = tpu.memref_squeeze %dma_start3A_276 : memref<1x128x128xf32, #tpu.memory_space<vmem>> -> memref<128x128xf32, #tpu.memory_space<vmem>>
      tpu.enqueue_dma source(%dma_start3A_277 : memref<128x128xf32, #tpu.memory_space<vmem>>) target(%dma_start3A_273 : memref<128x128xf32, #tpu.memory_space<hbm>>) target_semaphore(%run_scoped3A_266 : memref<!tpu.dma_semaphore, #tpu.memory_space<semaphore_mem>>)
      %dma_wait3A = arith.constant 0 : i32
      %dma_wait3A_278 = arith.constant 0 : i32
      %dma_wait3A_279 = tpu.memref_slice %arg11[%run_scoped3A, %dma_wait3A, %dma_wait3A_278] : memref<4x128x128xf32, #tpu.memory_space<vmem>> -> memref<1x128x128xf32, #tpu.memory_space<vmem>>
      %dma_wait3A_280 = tpu.memref_squeeze %dma_wait3A_279 : memref<1x128x128xf32, #tpu.memory_space<vmem>> -> memref<128x128xf32, #tpu.memory_space<vmem>>
      %dma_wait3A_281 = arith.constant 0 : i32
      %dma_wait3A_282 = tpu.memref_slice %arg6[%mul3A_88, %dma_wait3A_281] : memref<32768x128xf32, #tpu.memory_space<hbm>> -> memref<128x128xf32, #tpu.memory_space<hbm>>
      %dma_wait3A_283 = arith.constant 0 : i32
      %dma_wait3A_284 = tpu.memref_slice %arg6[%mul3A_88, %dma_wait3A_283] : memref<32768x128xf32, #tpu.memory_space<hbm>> -> memref<128x128xf32, #tpu.memory_space<hbm>>
      %dma_wait3A_285 = arith.constant 0 : i32
      %dma_wait3A_286 = arith.constant 0 : i32
      %dma_wait3A_287 = tpu.memref_slice %arg11[%run_scoped3A, %dma_wait3A_285, %dma_wait3A_286] : memref<4x128x128xf32, #tpu.memory_space<vmem>> -> memref<1x128x128xf32, #tpu.memory_space<vmem>>
      %dma_wait3A_288 = tpu.memref_squeeze %dma_wait3A_287 : memref<1x128x128xf32, #tpu.memory_space<vmem>> -> memref<128x128xf32, #tpu.memory_space<vmem>>
      tpu.wait_dma2 semaphore(%run_scoped3A_266 : memref<!tpu.dma_semaphore, #tpu.memory_space<semaphore_mem>>) src(%dma_wait3A_288 : memref<128x128xf32, #tpu.memory_space<vmem>>) dst(%dma_wait3A_284 : memref<128x128xf32, #tpu.memory_space<hbm>>)
      tpu.yield
    }) : () -> ()
    %gt3A_89 = arith.constant 128 : i32
    %gt3A_90 = arith.cmpi sgt, %sub3A_45, %gt3A_89 : i32
    %convert_element_type3A_91 = arith.extui %gt3A_90 : i1 to i32
    %cond3A_92 = arith.constant 0 : i32
    %cond3A_93 = arith.cmpi ne, %convert_element_type3A_91, %cond3A_92 : i32
    scf.if %cond3A_93 {
      %dma_wait3A = arith.constant 1 : i32
      %dma_wait3A_266 = arith.constant 0 : i32
      %dma_wait3A_267 = arith.constant 0 : i32
      %dma_wait3A_268 = tpu.memref_slice %arg11[%dma_wait3A, %dma_wait3A_266, %dma_wait3A_267] : memref<4x128x128xf32, #tpu.memory_space<vmem>> -> memref<1x128x128xf32, #tpu.memory_space<vmem>>
      %dma_wait3A_269 = tpu.memref_squeeze %dma_wait3A_268 : memref<1x128x128xf32, #tpu.memory_space<vmem>> -> memref<128x128xf32, #tpu.memory_space<vmem>>
      %dma_wait3A_270 = arith.constant 128 : i32
      %dma_wait3A_271 = tpu.memref_slice %arg10[%dma_wait3A_270] : memref<512xi32, #tpu.memory_space<vmem>> -> memref<128xi32, #tpu.memory_space<vmem>>
      %dma_wait3A_272 = arith.constant 0 : i32
      %dma_wait3A_273 = arith.constant 0 : i32
      %dma_wait3A_274 = tpu.memref_slice %arg4[%dma_wait3A_272, %dma_wait3A_273] : memref<16384x128xf32, #tpu.memory_space<hbm>> -> memref<16384x128xf32, #tpu.memory_space<hbm>>
      tpu.wait_indirect_dma semaphore(%arg14 : memref<!tpu.dma_semaphore, #tpu.memory_space<semaphore_mem>>) src(%dma_wait3A_274 : memref<16384x128xf32, #tpu.memory_space<hbm>>) dst(%dma_wait3A_269 : memref<128x128xf32, #tpu.memory_space<vmem>>)
    } else {
    }
    %gt3A_94 = arith.constant 128 : i32
    %gt3A_95 = arith.cmpi sgt, %sub3A_45, %gt3A_94 : i32
    %convert_element_type3A_96 = arith.extui %gt3A_95 : i1 to i32
    %cond3A_97 = arith.constant 0 : i32
    %cond3A_98 = arith.cmpi ne, %convert_element_type3A_96, %cond3A_97 : i32
    scf.if %cond3A_98 {
      %mul3A_266 = arith.constant 512 : i32
      %mul3A_267 = arith.muli %add3A_3, %mul3A_266 : i32
      %add3A_268 = arith.constant 128 : i32
      %add3A_269 = arith.addi %mul3A_267, %add3A_268 : i32
      %run_scoped3A_270 = arith.constant 1 : i32
      "tpu.region"() ({
        %run_scoped3A_271 = tpu.sem_alloc : memref<!tpu.dma_semaphore, #tpu.memory_space<semaphore_mem>>
        %dma_start3A = arith.constant 0 : i32
        %dma_start3A_272 = arith.constant 0 : i32
        %dma_start3A_273 = tpu.memref_slice %arg11[%run_scoped3A_270, %dma_start3A, %dma_start3A_272] : memref<4x128x128xf32, #tpu.memory_space<vmem>> -> memref<1x128x128xf32, #tpu.memory_space<vmem>>
        %dma_start3A_274 = tpu.memref_squeeze %dma_start3A_273 : memref<1x128x128xf32, #tpu.memory_space<vmem>> -> memref<128x128xf32, #tpu.memory_space<vmem>>
        %dma_start3A_275 = arith.constant 0 : i32
        %dma_start3A_276 = tpu.memref_slice %arg6[%add3A_269, %dma_start3A_275] : memref<32768x128xf32, #tpu.memory_space<hbm>> -> memref<128x128xf32, #tpu.memory_space<hbm>>
        %dma_start3A_277 = arith.constant 0 : i32
        %dma_start3A_278 = tpu.memref_slice %arg6[%add3A_269, %dma_start3A_277] : memref<32768x128xf32, #tpu.memory_space<hbm>> -> memref<128x128xf32, #tpu.memory_space<hbm>>
        %dma_start3A_279 = arith.constant 0 : i32
        %dma_start3A_280 = arith.constant 0 : i32
        %dma_start3A_281 = tpu.memref_slice %arg11[%run_scoped3A_270, %dma_start3A_279, %dma_start3A_280] : memref<4x128x128xf32, #tpu.memory_space<vmem>> -> memref<1x128x128xf32, #tpu.memory_space<vmem>>
        %dma_start3A_282 = tpu.memref_squeeze %dma_start3A_281 : memref<1x128x128xf32, #tpu.memory_space<vmem>> -> memref<128x128xf32, #tpu.memory_space<vmem>>
        tpu.enqueue_dma source(%dma_start3A_282 : memref<128x128xf32, #tpu.memory_space<vmem>>) target(%dma_start3A_278 : memref<128x128xf32, #tpu.memory_space<hbm>>) target_semaphore(%run_scoped3A_271 : memref<!tpu.dma_semaphore, #tpu.memory_space<semaphore_mem>>)
        %dma_wait3A = arith.constant 0 : i32
        %dma_wait3A_283 = arith.constant 0 : i32
        %dma_wait3A_284 = tpu.memref_slice %arg11[%run_scoped3A_270, %dma_wait3A, %dma_wait3A_283] : memref<4x128x128xf32, #tpu.memory_space<vmem>> -> memref<1x128x128xf32, #tpu.memory_space<vmem>>
        %dma_wait3A_285 = tpu.memref_squeeze %dma_wait3A_284 : memref<1x128x128xf32, #tpu.memory_space<vmem>> -> memref<128x128xf32, #tpu.memory_space<vmem>>
        %dma_wait3A_286 = arith.constant 0 : i32
        %dma_wait3A_287 = tpu.memref_slice %arg6[%add3A_269, %dma_wait3A_286] : memref<32768x128xf32, #tpu.memory_space<hbm>> -> memref<128x128xf32, #tpu.memory_space<hbm>>
        %dma_wait3A_288 = arith.constant 0 : i32
        %dma_wait3A_289 = tpu.memref_slice %arg6[%add3A_269, %dma_wait3A_288] : memref<32768x128xf32, #tpu.memory_space<hbm>> -> memref<128x128xf32, #tpu.memory_space<hbm>>
        %dma_wait3A_290 = arith.constant 0 : i32
        %dma_wait3A_291 = arith.constant 0 : i32
        %dma_wait3A_292 = tpu.memref_slice %arg11[%run_scoped3A_270, %dma_wait3A_290, %dma_wait3A_291] : memref<4x128x128xf32, #tpu.memory_space<vmem>> -> memref<1x128x128xf32, #tpu.memory_space<vmem>>
        %dma_wait3A_293 = tpu.memref_squeeze %dma_wait3A_292 : memref<1x128x128xf32, #tpu.memory_space<vmem>> -> memref<128x128xf32, #tpu.memory_space<vmem>>
        tpu.wait_dma2 semaphore(%run_scoped3A_271 : memref<!tpu.dma_semaphore, #tpu.memory_space<semaphore_mem>>) src(%dma_wait3A_293 : memref<128x128xf32, #tpu.memory_space<vmem>>) dst(%dma_wait3A_289 : memref<128x128xf32, #tpu.memory_space<hbm>>)
        tpu.yield
      }) : () -> ()
    } else {
    }
    %gt3A_99 = arith.constant 256 : i32
    %gt3A_100 = arith.cmpi sgt, %sub3A_45, %gt3A_99 : i32
    %convert_element_type3A_101 = arith.extui %gt3A_100 : i1 to i32
    %cond3A_102 = arith.constant 0 : i32
    %cond3A_103 = arith.cmpi ne, %convert_element_type3A_101, %cond3A_102 : i32
    scf.if %cond3A_103 {
      %dma_wait3A = arith.constant 2 : i32
      %dma_wait3A_266 = arith.constant 0 : i32
      %dma_wait3A_267 = arith.constant 0 : i32
      %dma_wait3A_268 = tpu.memref_slice %arg11[%dma_wait3A, %dma_wait3A_266, %dma_wait3A_267] : memref<4x128x128xf32, #tpu.memory_space<vmem>> -> memref<1x128x128xf32, #tpu.memory_space<vmem>>
      %dma_wait3A_269 = tpu.memref_squeeze %dma_wait3A_268 : memref<1x128x128xf32, #tpu.memory_space<vmem>> -> memref<128x128xf32, #tpu.memory_space<vmem>>
      %dma_wait3A_270 = arith.constant 256 : i32
      %dma_wait3A_271 = tpu.memref_slice %arg10[%dma_wait3A_270] : memref<512xi32, #tpu.memory_space<vmem>> -> memref<128xi32, #tpu.memory_space<vmem>>
      %dma_wait3A_272 = arith.constant 0 : i32
      %dma_wait3A_273 = arith.constant 0 : i32
      %dma_wait3A_274 = tpu.memref_slice %arg4[%dma_wait3A_272, %dma_wait3A_273] : memref<16384x128xf32, #tpu.memory_space<hbm>> -> memref<16384x128xf32, #tpu.memory_space<hbm>>
      tpu.wait_indirect_dma semaphore(%arg14 : memref<!tpu.dma_semaphore, #tpu.memory_space<semaphore_mem>>) src(%dma_wait3A_274 : memref<16384x128xf32, #tpu.memory_space<hbm>>) dst(%dma_wait3A_269 : memref<128x128xf32, #tpu.memory_space<vmem>>)
    } else {
    }
    %gt3A_104 = arith.constant 256 : i32
    %gt3A_105 = arith.cmpi sgt, %sub3A_45, %gt3A_104 : i32
    %convert_element_type3A_106 = arith.extui %gt3A_105 : i1 to i32
    %cond3A_107 = arith.constant 0 : i32
    %cond3A_108 = arith.cmpi ne, %convert_element_type3A_106, %cond3A_107 : i32
    scf.if %cond3A_108 {
      %mul3A_266 = arith.constant 512 : i32
      %mul3A_267 = arith.muli %add3A_3, %mul3A_266 : i32
      %add3A_268 = arith.constant 256 : i32
      %add3A_269 = arith.addi %mul3A_267, %add3A_268 : i32
      %run_scoped3A_270 = arith.constant 2 : i32
      "tpu.region"() ({
        %run_scoped3A_271 = tpu.sem_alloc : memref<!tpu.dma_semaphore, #tpu.memory_space<semaphore_mem>>
        %dma_start3A = arith.constant 0 : i32
        %dma_start3A_272 = arith.constant 0 : i32
        %dma_start3A_273 = tpu.memref_slice %arg11[%run_scoped3A_270, %dma_start3A, %dma_start3A_272] : memref<4x128x128xf32, #tpu.memory_space<vmem>> -> memref<1x128x128xf32, #tpu.memory_space<vmem>>
        %dma_start3A_274 = tpu.memref_squeeze %dma_start3A_273 : memref<1x128x128xf32, #tpu.memory_space<vmem>> -> memref<128x128xf32, #tpu.memory_space<vmem>>
        %dma_start3A_275 = arith.constant 0 : i32
        %dma_start3A_276 = tpu.memref_slice %arg6[%add3A_269, %dma_start3A_275] : memref<32768x128xf32, #tpu.memory_space<hbm>> -> memref<128x128xf32, #tpu.memory_space<hbm>>
        %dma_start3A_277 = arith.constant 0 : i32
        %dma_start3A_278 = tpu.memref_slice %arg6[%add3A_269, %dma_start3A_277] : memref<32768x128xf32, #tpu.memory_space<hbm>> -> memref<128x128xf32, #tpu.memory_space<hbm>>
        %dma_start3A_279 = arith.constant 0 : i32
        %dma_start3A_280 = arith.constant 0 : i32
        %dma_start3A_281 = tpu.memref_slice %arg11[%run_scoped3A_270, %dma_start3A_279, %dma_start3A_280] : memref<4x128x128xf32, #tpu.memory_space<vmem>> -> memref<1x128x128xf32, #tpu.memory_space<vmem>>
        %dma_start3A_282 = tpu.memref_squeeze %dma_start3A_281 : memref<1x128x128xf32, #tpu.memory_space<vmem>> -> memref<128x128xf32, #tpu.memory_space<vmem>>
        tpu.enqueue_dma source(%dma_start3A_282 : memref<128x128xf32, #tpu.memory_space<vmem>>) target(%dma_start3A_278 : memref<128x128xf32, #tpu.memory_space<hbm>>) target_semaphore(%run_scoped3A_271 : memref<!tpu.dma_semaphore, #tpu.memory_space<semaphore_mem>>)
        %dma_wait3A = arith.constant 0 : i32
        %dma_wait3A_283 = arith.constant 0 : i32
        %dma_wait3A_284 = tpu.memref_slice %arg11[%run_scoped3A_270, %dma_wait3A, %dma_wait3A_283] : memref<4x128x128xf32, #tpu.memory_space<vmem>> -> memref<1x128x128xf32, #tpu.memory_space<vmem>>
        %dma_wait3A_285 = tpu.memref_squeeze %dma_wait3A_284 : memref<1x128x128xf32, #tpu.memory_space<vmem>> -> memref<128x128xf32, #tpu.memory_space<vmem>>
        %dma_wait3A_286 = arith.constant 0 : i32
        %dma_wait3A_287 = tpu.memref_slice %arg6[%add3A_269, %dma_wait3A_286] : memref<32768x128xf32, #tpu.memory_space<hbm>> -> memref<128x128xf32, #tpu.memory_space<hbm>>
        %dma_wait3A_288 = arith.constant 0 : i32
        %dma_wait3A_289 = tpu.memref_slice %arg6[%add3A_269, %dma_wait3A_288] : memref<32768x128xf32, #tpu.memory_space<hbm>> -> memref<128x128xf32, #tpu.memory_space<hbm>>
        %dma_wait3A_290 = arith.constant 0 : i32
        %dma_wait3A_291 = arith.constant 0 : i32
        %dma_wait3A_292 = tpu.memref_slice %arg11[%run_scoped3A_270, %dma_wait3A_290, %dma_wait3A_291] : memref<4x128x128xf32, #tpu.memory_space<vmem>> -> memref<1x128x128xf32, #tpu.memory_space<vmem>>
        %dma_wait3A_293 = tpu.memref_squeeze %dma_wait3A_292 : memref<1x128x128xf32, #tpu.memory_space<vmem>> -> memref<128x128xf32, #tpu.memory_space<vmem>>
        tpu.wait_dma2 semaphore(%run_scoped3A_271 : memref<!tpu.dma_semaphore, #tpu.memory_space<semaphore_mem>>) src(%dma_wait3A_293 : memref<128x128xf32, #tpu.memory_space<vmem>>) dst(%dma_wait3A_289 : memref<128x128xf32, #tpu.memory_space<hbm>>)
        tpu.yield
      }) : () -> ()
    } else {
    }
    %gt3A_109 = arith.constant 384 : i32
    %gt3A_110 = arith.cmpi sgt, %sub3A_45, %gt3A_109 : i32
    %convert_element_type3A_111 = arith.extui %gt3A_110 : i1 to i32
    %cond3A_112 = arith.constant 0 : i32
    %cond3A_113 = arith.cmpi ne, %convert_element_type3A_111, %cond3A_112 : i32
    scf.if %cond3A_113 {
      %dma_wait3A = arith.constant 3 : i32
      %dma_wait3A_266 = arith.constant 0 : i32
      %dma_wait3A_267 = arith.constant 0 : i32
      %dma_wait3A_268 = tpu.memref_slice %arg11[%dma_wait3A, %dma_wait3A_266, %dma_wait3A_267] : memref<4x128x128xf32, #tpu.memory_space<vmem>> -> memref<1x128x128xf32, #tpu.memory_space<vmem>>
      %dma_wait3A_269 = tpu.memref_squeeze %dma_wait3A_268 : memref<1x128x128xf32, #tpu.memory_space<vmem>> -> memref<128x128xf32, #tpu.memory_space<vmem>>
      %dma_wait3A_270 = arith.constant 384 : i32
      %dma_wait3A_271 = tpu.memref_slice %arg10[%dma_wait3A_270] : memref<512xi32, #tpu.memory_space<vmem>> -> memref<128xi32, #tpu.memory_space<vmem>>
      %dma_wait3A_272 = arith.constant 0 : i32
      %dma_wait3A_273 = arith.constant 0 : i32
      %dma_wait3A_274 = tpu.memref_slice %arg4[%dma_wait3A_272, %dma_wait3A_273] : memref<16384x128xf32, #tpu.memory_space<hbm>> -> memref<16384x128xf32, #tpu.memory_space<hbm>>
      tpu.wait_indirect_dma semaphore(%arg14 : memref<!tpu.dma_semaphore, #tpu.memory_space<semaphore_mem>>) src(%dma_wait3A_274 : memref<16384x128xf32, #tpu.memory_space<hbm>>) dst(%dma_wait3A_269 : memref<128x128xf32, #tpu.memory_space<vmem>>)
    } else {
    }
    %gt3A_114 = arith.constant 384 : i32
    %gt3A_115 = arith.cmpi sgt, %sub3A_45, %gt3A_114 : i32
    %convert_element_type3A_116 = arith.extui %gt3A_115 : i1 to i32
    %cond3A_117 = arith.constant 0 : i32
    %cond3A_118 = arith.cmpi ne, %convert_element_type3A_116, %cond3A_117 : i32
    scf.if %cond3A_118 {
      %mul3A_266 = arith.constant 512 : i32
      %mul3A_267 = arith.muli %add3A_3, %mul3A_266 : i32
      %add3A_268 = arith.constant 384 : i32
      %add3A_269 = arith.addi %mul3A_267, %add3A_268 : i32
      %run_scoped3A_270 = arith.constant 3 : i32
      "tpu.region"() ({
        %run_scoped3A_271 = tpu.sem_alloc : memref<!tpu.dma_semaphore, #tpu.memory_space<semaphore_mem>>
        %dma_start3A = arith.constant 0 : i32
        %dma_start3A_272 = arith.constant 0 : i32
        %dma_start3A_273 = tpu.memref_slice %arg11[%run_scoped3A_270, %dma_start3A, %dma_start3A_272] : memref<4x128x128xf32, #tpu.memory_space<vmem>> -> memref<1x128x128xf32, #tpu.memory_space<vmem>>
        %dma_start3A_274 = tpu.memref_squeeze %dma_start3A_273 : memref<1x128x128xf32, #tpu.memory_space<vmem>> -> memref<128x128xf32, #tpu.memory_space<vmem>>
        %dma_start3A_275 = arith.constant 0 : i32
        %dma_start3A_276 = tpu.memref_slice %arg6[%add3A_269, %dma_start3A_275] : memref<32768x128xf32, #tpu.memory_space<hbm>> -> memref<128x128xf32, #tpu.memory_space<hbm>>
        %dma_start3A_277 = arith.constant 0 : i32
        %dma_start3A_278 = tpu.memref_slice %arg6[%add3A_269, %dma_start3A_277] : memref<32768x128xf32, #tpu.memory_space<hbm>> -> memref<128x128xf32, #tpu.memory_space<hbm>>
        %dma_start3A_279 = arith.constant 0 : i32
        %dma_start3A_280 = arith.constant 0 : i32
        %dma_start3A_281 = tpu.memref_slice %arg11[%run_scoped3A_270, %dma_start3A_279, %dma_start3A_280] : memref<4x128x128xf32, #tpu.memory_space<vmem>> -> memref<1x128x128xf32, #tpu.memory_space<vmem>>
        %dma_start3A_282 = tpu.memref_squeeze %dma_start3A_281 : memref<1x128x128xf32, #tpu.memory_space<vmem>> -> memref<128x128xf32, #tpu.memory_space<vmem>>
        tpu.enqueue_dma source(%dma_start3A_282 : memref<128x128xf32, #tpu.memory_space<vmem>>) target(%dma_start3A_278 : memref<128x128xf32, #tpu.memory_space<hbm>>) target_semaphore(%run_scoped3A_271 : memref<!tpu.dma_semaphore, #tpu.memory_space<semaphore_mem>>)
        %dma_wait3A = arith.constant 0 : i32
        %dma_wait3A_283 = arith.constant 0 : i32
        %dma_wait3A_284 = tpu.memref_slice %arg11[%run_scoped3A_270, %dma_wait3A, %dma_wait3A_283] : memref<4x128x128xf32, #tpu.memory_space<vmem>> -> memref<1x128x128xf32, #tpu.memory_space<vmem>>
        %dma_wait3A_285 = tpu.memref_squeeze %dma_wait3A_284 : memref<1x128x128xf32, #tpu.memory_space<vmem>> -> memref<128x128xf32, #tpu.memory_space<vmem>>
        %dma_wait3A_286 = arith.constant 0 : i32
        %dma_wait3A_287 = tpu.memref_slice %arg6[%add3A_269, %dma_wait3A_286] : memref<32768x128xf32, #tpu.memory_space<hbm>> -> memref<128x128xf32, #tpu.memory_space<hbm>>
        %dma_wait3A_288 = arith.constant 0 : i32
        %dma_wait3A_289 = tpu.memref_slice %arg6[%add3A_269, %dma_wait3A_288] : memref<32768x128xf32, #tpu.memory_space<hbm>> -> memref<128x128xf32, #tpu.memory_space<hbm>>
        %dma_wait3A_290 = arith.constant 0 : i32
        %dma_wait3A_291 = arith.constant 0 : i32
        %dma_wait3A_292 = tpu.memref_slice %arg11[%run_scoped3A_270, %dma_wait3A_290, %dma_wait3A_291] : memref<4x128x128xf32, #tpu.memory_space<vmem>> -> memref<1x128x128xf32, #tpu.memory_space<vmem>>
        %dma_wait3A_293 = tpu.memref_squeeze %dma_wait3A_292 : memref<1x128x128xf32, #tpu.memory_space<vmem>> -> memref<128x128xf32, #tpu.memory_space<vmem>>
        tpu.wait_dma2 semaphore(%run_scoped3A_271 : memref<!tpu.dma_semaphore, #tpu.memory_space<semaphore_mem>>) src(%dma_wait3A_293 : memref<128x128xf32, #tpu.memory_space<vmem>>) dst(%dma_wait3A_289 : memref<128x128xf32, #tpu.memory_space<hbm>>)
        tpu.yield
      }) : () -> ()
    } else {
    }
    %scan3A_119 = arith.constant 0 : i32
    %scan3A_120 = arith.constant 0 : i32
    %scan3A_121 = arith.constant 32 : i32
    %scan3A_122 = arith.addi %scan3A_120, %scan3A_121 : i32
    %scan3A_123 = arith.constant 1 : i32
    %scan3A_124 = scf.for %scan3A_266 = %scan3A_120 to %scan3A_122 step %scan3A_123 iter_args(%scan3A_267 = %scan3A_119) -> (i32)  : i32 {
      %mul3A_268 = arith.constant 16 : i32
      %mul3A_269 = arith.muli %scan3A_266, %mul3A_268 : i32
      %add3A_270 = vector.broadcast %mul3A_269 : i32 to vector<16xi32>
      %add3A_271 = arith.addi %add3A_270, %iota3A : vector<16xi32>
      %lt3A_272 = vector.broadcast %sub3A_45 : i32 to vector<16xi32>
      %lt3A_273 = arith.cmpi slt, %add3A_271, %lt3A_272 : vector<16xi32>
      %eq3A_274 = arith.constant 0 : i32
      %eq3A_275 = vector.broadcast %eq3A_274 : i32 to vector<16xi32>
      %eq3A_276 = arith.cmpi eq, %add3A_271, %eq3A_275 : vector<16xi32>
      %eq3A_277 = arith.constant 0 : i32
      %eq3A_278 = arith.cmpi eq, %sub3A_45, %eq3A_277 : i32
      %and3A_279 = vector.broadcast %eq3A_278 : i1 to vector<16xi1>
      %and3A_280 = arith.andi %eq3A_276, %and3A_279 : vector<16xi1>
      %or3A = arith.ori %lt3A_273, %and3A_280 : vector<16xi1>
      %jit3A_281 = arith.constant 1 : i32
      %jit3A_282 = arith.constant 0 : i32
      %broadcast_in_dim3A_283 = vector.broadcast %jit3A_281 : i32 to vector<16xi32>
      %broadcast_in_dim3A_284 = vector.broadcast %jit3A_282 : i32 to vector<16xi32>
      %select_n3A_285 = arith.select %or3A, %broadcast_in_dim3A_283, %broadcast_in_dim3A_284 : vector<16xi1>, vector<16xi32>
      %mul3A_286 = arith.constant 16 : i32
      %mul3A_287 = arith.muli %scan3A_266, %mul3A_286 : i32
      %swap3A = arith.index_cast %mul3A_287 : i32 to index
      %swap3A_288 = tpu.vector_load %arg13[%swap3A] {strides = array<i32>} : memref<512xi32, #tpu.memory_space<vmem>>, vector<16xi32>,
      tpu.vector_store %arg13[%swap3A], %select_n3A_285 {strides = array<i32>} : memref<512xi32, #tpu.memory_space<vmem>>, vector<16xi32>,
      %scan3A_289 = arith.constant 0 : i32
      scf.yield %scan3A_289 : i32
    }
    %scan3A_125 = arith.constant 32 : i32
    "tpu.region"() ({
      %run_scoped3A_266 = tpu.sem_alloc : memref<!tpu.dma_semaphore, #tpu.memory_space<semaphore_mem>>
      %dma_start3A = arith.constant 0 : i32
      %dma_start3A_267 = tpu.memref_slice %arg7[%add3A_3, %dma_start3A] : memref<64x512xi32, #tpu.memory_space<hbm>> -> memref<1x512xi32, #tpu.memory_space<hbm>>
      %dma_start3A_268 = tpu.memref_squeeze %dma_start3A_267 : memref<1x512xi32, #tpu.memory_space<hbm>> -> memref<512xi32, #tpu.memory_space<hbm>>
      %dma_start3A_269 = arith.constant 0 : i32
      %dma_start3A_270 = tpu.memref_slice %arg7[%add3A_3, %dma_start3A_269] : memref<64x512xi32, #tpu.memory_space<hbm>> -> memref<1x512xi32, #tpu.memory_space<hbm>>
      %dma_start3A_271 = tpu.memref_squeeze %dma_start3A_270 : memref<1x512xi32, #tpu.memory_space<hbm>> -> memref<512xi32, #tpu.memory_space<hbm>>
      tpu.enqueue_dma source(%arg13 : memref<512xi32, #tpu.memory_space<vmem>>) target(%dma_start3A_271 : memref<512xi32, #tpu.memory_space<hbm>>) target_semaphore(%run_scoped3A_266 : memref<!tpu.dma_semaphore, #tpu.memory_space<semaphore_mem>>)
      %dma_wait3A = arith.constant 0 : i32
      %dma_wait3A_272 = tpu.memref_slice %arg7[%add3A_3, %dma_wait3A] : memref<64x512xi32, #tpu.memory_space<hbm>> -> memref<1x512xi32, #tpu.memory_space<hbm>>
      %dma_wait3A_273 = tpu.memref_squeeze %dma_wait3A_272 : memref<1x512xi32, #tpu.memory_space<hbm>> -> memref<512xi32, #tpu.memory_space<hbm>>
      %dma_wait3A_274 = arith.constant 0 : i32
      %dma_wait3A_275 = tpu.memref_slice %arg7[%add3A_3, %dma_wait3A_274] : memref<64x512xi32, #tpu.memory_space<hbm>> -> memref<1x512xi32, #tpu.memory_space<hbm>>
      %dma_wait3A_276 = tpu.memref_squeeze %dma_wait3A_275 : memref<1x512xi32, #tpu.memory_space<hbm>> -> memref<512xi32, #tpu.memory_space<hbm>>
      tpu.wait_dma2 semaphore(%run_scoped3A_266 : memref<!tpu.dma_semaphore, #tpu.memory_space<semaphore_mem>>) src(%arg13 : memref<512xi32, #tpu.memory_space<vmem>>) dst(%dma_wait3A_276 : memref<512xi32, #tpu.memory_space<hbm>>)
      tpu.yield
    }) : () -> ()
    %add3A_126 = arith.constant 32 : i32
    %add3A_127 = arith.addi %add3A, %add3A_126 : i32
    %jit3A_128 = arith.constant 8 : i32
    %div3A_129 = arith.divsi %add3A_127, %jit3A_128 : i32
    %sign3A_130 = arith.constant 0 : i32
    %sign3A_131 = arith.cmpi sgt, %add3A_127, %sign3A_130 : i32
    %sign3A_132 = arith.extui %sign3A_131 : i1 to i32
    %sign3A_133 = arith.constant 0 : i32
    %sign3A_134 = arith.cmpi slt, %add3A_127, %sign3A_133 : i32
    %sign3A_135 = arith.extui %sign3A_134 : i1 to i32
    %sign3A_136 = arith.subi %sign3A_132, %sign3A_135 : i32
    %sign3A_137 = arith.constant 0 : i32
    %sign3A_138 = arith.cmpi sgt, %jit3A_128, %sign3A_137 : i32
    %sign3A_139 = arith.extui %sign3A_138 : i1 to i32
    %sign3A_140 = arith.constant 0 : i32
    %sign3A_141 = arith.cmpi slt, %jit3A_128, %sign3A_140 : i32
    %sign3A_142 = arith.extui %sign3A_141 : i1 to i32
    %sign3A_143 = arith.subi %sign3A_139, %sign3A_142 : i32
    %ne3A_144 = arith.cmpi ne, %sign3A_136, %sign3A_143 : i32
    %rem3A_145 = arith.remsi %add3A_127, %jit3A_128 : i32
    %ne3A_146 = arith.constant 0 : i32
    %ne3A_147 = arith.cmpi ne, %rem3A_145, %ne3A_146 : i32
    %and3A_148 = arith.andi %ne3A_144, %ne3A_147 : i1
    %sub3A_149 = arith.constant 1 : i32
    %sub3A_150 = arith.subi %div3A_129, %sub3A_149 : i32
    %select_n3A_151 = arith.select %and3A_148, %sub3A_150, %div3A_129 : i32
    %jit3A_152 = arith.constant 8 : i32
    %eq3A_153 = arith.constant 0 : i32
    %eq3A_154 = arith.cmpi eq, %jit3A_152, %eq3A_153 : i32
    %jit3A_155 = arith.constant 1 : i32
    %select_n3A_156 = arith.select %eq3A_154, %jit3A_155, %jit3A_152 : i32
    %rem3A_157 = arith.remsi %add3A_127, %select_n3A_156 : i32
    %ne3A_158 = arith.constant 0 : i32
    %ne3A_159 = arith.cmpi ne, %rem3A_157, %ne3A_158 : i32
    %lt3A_160 = arith.constant 0 : i32
    %lt3A_161 = arith.cmpi slt, %rem3A_157, %lt3A_160 : i32
    %lt3A_162 = arith.constant 0 : i32
    %lt3A_163 = arith.cmpi slt, %select_n3A_156, %lt3A_162 : i32
    %ne3A_164 = arith.xori %lt3A_161, %lt3A_163 : i1
    %and3A_165 = arith.andi %ne3A_164, %ne3A_159 : i1
    %add3A_166 = arith.addi %rem3A_157, %select_n3A_156 : i32
    %select_n3A_167 = arith.select %and3A_165, %add3A_166, %rem3A_157 : i32
    "tpu.region"() ({
      %run_scoped3A_266 = tpu.sem_alloc : memref<!tpu.dma_semaphore, #tpu.memory_space<semaphore_mem>>
      %dma_start3A = arith.constant 0 : i32
      %dma_start3A_267 = tpu.memref_slice %arg2[%select_n3A_151, %dma_start3A] : memref<8x2048xi32, #tpu.memory_space<hbm>> -> memref<1x2048xi32, #tpu.memory_space<hbm>>
      %dma_start3A_268 = tpu.memref_squeeze %dma_start3A_267 : memref<1x2048xi32, #tpu.memory_space<hbm>> -> memref<2048xi32, #tpu.memory_space<hbm>>
      %dma_start3A_269 = arith.constant 0 : i32
      %dma_start3A_270 = tpu.memref_slice %arg2[%select_n3A_151, %dma_start3A_269] : memref<8x2048xi32, #tpu.memory_space<hbm>> -> memref<1x2048xi32, #tpu.memory_space<hbm>>
      %dma_start3A_271 = tpu.memref_squeeze %dma_start3A_270 : memref<1x2048xi32, #tpu.memory_space<hbm>> -> memref<2048xi32, #tpu.memory_space<hbm>>
      tpu.enqueue_dma source(%dma_start3A_271 : memref<2048xi32, #tpu.memory_space<hbm>>) target(%arg8 : memref<2048xi32, #tpu.memory_space<vmem>>) target_semaphore(%run_scoped3A_266 : memref<!tpu.dma_semaphore, #tpu.memory_space<semaphore_mem>>)
      %dma_wait3A = arith.constant 0 : i32
      %dma_wait3A_272 = tpu.memref_slice %arg2[%select_n3A_151, %dma_wait3A] : memref<8x2048xi32, #tpu.memory_space<hbm>> -> memref<1x2048xi32, #tpu.memory_space<hbm>>
      %dma_wait3A_273 = tpu.memref_squeeze %dma_wait3A_272 : memref<1x2048xi32, #tpu.memory_space<hbm>> -> memref<2048xi32, #tpu.memory_space<hbm>>
      %dma_wait3A_274 = arith.constant 0 : i32
      %dma_wait3A_275 = tpu.memref_slice %arg2[%select_n3A_151, %dma_wait3A_274] : memref<8x2048xi32, #tpu.memory_space<hbm>> -> memref<1x2048xi32, #tpu.memory_space<hbm>>
      %dma_wait3A_276 = tpu.memref_squeeze %dma_wait3A_275 : memref<1x2048xi32, #tpu.memory_space<hbm>> -> memref<2048xi32, #tpu.memory_space<hbm>>
      tpu.wait_dma2 semaphore(%run_scoped3A_266 : memref<!tpu.dma_semaphore, #tpu.memory_space<semaphore_mem>>) src(%dma_wait3A_276 : memref<2048xi32, #tpu.memory_space<hbm>>) dst(%arg8 : memref<2048xi32, #tpu.memory_space<vmem>>)
      tpu.yield
    }) : () -> ()
    "tpu.region"() ({
      %run_scoped3A_266 = tpu.sem_alloc : memref<!tpu.dma_semaphore, #tpu.memory_space<semaphore_mem>>
      %dma_start3A = arith.constant 0 : i32
      %dma_start3A_267 = tpu.memref_slice %arg3[%select_n3A_151, %dma_start3A] : memref<8x2048xi32, #tpu.memory_space<hbm>> -> memref<1x2048xi32, #tpu.memory_space<hbm>>
      %dma_start3A_268 = tpu.memref_squeeze %dma_start3A_267 : memref<1x2048xi32, #tpu.memory_space<hbm>> -> memref<2048xi32, #tpu.memory_space<hbm>>
      %dma_start3A_269 = arith.constant 0 : i32
      %dma_start3A_270 = tpu.memref_slice %arg3[%select_n3A_151, %dma_start3A_269] : memref<8x2048xi32, #tpu.memory_space<hbm>> -> memref<1x2048xi32, #tpu.memory_space<hbm>>
      %dma_start3A_271 = tpu.memref_squeeze %dma_start3A_270 : memref<1x2048xi32, #tpu.memory_space<hbm>> -> memref<2048xi32, #tpu.memory_space<hbm>>
      tpu.enqueue_dma source(%dma_start3A_271 : memref<2048xi32, #tpu.memory_space<hbm>>) target(%arg9 : memref<2048xi32, #tpu.memory_space<vmem>>) target_semaphore(%run_scoped3A_266 : memref<!tpu.dma_semaphore, #tpu.memory_space<semaphore_mem>>)
      %dma_wait3A = arith.constant 0 : i32
      %dma_wait3A_272 = tpu.memref_slice %arg3[%select_n3A_151, %dma_wait3A] : memref<8x2048xi32, #tpu.memory_space<hbm>> -> memref<1x2048xi32, #tpu.memory_space<hbm>>
      %dma_wait3A_273 = tpu.memref_squeeze %dma_wait3A_272 : memref<1x2048xi32, #tpu.memory_space<hbm>> -> memref<2048xi32, #tpu.memory_space<hbm>>
      %dma_wait3A_274 = arith.constant 0 : i32
      %dma_wait3A_275 = tpu.memref_slice %arg3[%select_n3A_151, %dma_wait3A_274] : memref<8x2048xi32, #tpu.memory_space<hbm>> -> memref<1x2048xi32, #tpu.memory_space<hbm>>
      %dma_wait3A_276 = tpu.memref_squeeze %dma_wait3A_275 : memref<1x2048xi32, #tpu.memory_space<hbm>> -> memref<2048xi32, #tpu.memory_space<hbm>>
      tpu.wait_dma2 semaphore(%run_scoped3A_266 : memref<!tpu.dma_semaphore, #tpu.memory_space<semaphore_mem>>) src(%dma_wait3A_276 : memref<2048xi32, #tpu.memory_space<hbm>>) dst(%arg9 : memref<2048xi32, #tpu.memory_space<vmem>>)
      tpu.yield
    }) : () -> ()
    "tpu.region"() ({
      %run_scoped3A_266 = tpu.sem_alloc : memref<!tpu.dma_semaphore, #tpu.memory_space<semaphore_mem>>
      %dma_start3A = arith.constant 0 : i32
      %dma_start3A_267 = tpu.memref_slice %arg5[%select_n3A_167, %dma_start3A] : memref<8x128xf32, #tpu.memory_space<hbm>> -> memref<1x128xf32, #tpu.memory_space<hbm>>
      %dma_start3A_268 = tpu.memref_squeeze %dma_start3A_267 : memref<1x128xf32, #tpu.memory_space<hbm>> -> memref<128xf32, #tpu.memory_space<hbm>>
      %dma_start3A_269 = arith.constant 0 : i32
      %dma_start3A_270 = tpu.memref_slice %arg5[%select_n3A_167, %dma_start3A_269] : memref<8x128xf32, #tpu.memory_space<hbm>> -> memref<1x128xf32, #tpu.memory_space<hbm>>
      %dma_start3A_271 = tpu.memref_squeeze %dma_start3A_270 : memref<1x128xf32, #tpu.memory_space<hbm>> -> memref<128xf32, #tpu.memory_space<hbm>>
      tpu.enqueue_dma source(%dma_start3A_271 : memref<128xf32, #tpu.memory_space<hbm>>) target(%arg12 : memref<128xf32, #tpu.memory_space<vmem>>) target_semaphore(%run_scoped3A_266 : memref<!tpu.dma_semaphore, #tpu.memory_space<semaphore_mem>>)
      %dma_wait3A = arith.constant 0 : i32
      %dma_wait3A_272 = tpu.memref_slice %arg5[%select_n3A_167, %dma_wait3A] : memref<8x128xf32, #tpu.memory_space<hbm>> -> memref<1x128xf32, #tpu.memory_space<hbm>>
      %dma_wait3A_273 = tpu.memref_squeeze %dma_wait3A_272 : memref<1x128xf32, #tpu.memory_space<hbm>> -> memref<128xf32, #tpu.memory_space<hbm>>
      %dma_wait3A_274 = arith.constant 0 : i32
      %dma_wait3A_275 = tpu.memref_slice %arg5[%select_n3A_167, %dma_wait3A_274] : memref<8x128xf32, #tpu.memory_space<hbm>> -> memref<1x128xf32, #tpu.memory_space<hbm>>
      %dma_wait3A_276 = tpu.memref_squeeze %dma_wait3A_275 : memref<1x128xf32, #tpu.memory_space<hbm>> -> memref<128xf32, #tpu.memory_space<hbm>>
      tpu.wait_dma2 semaphore(%run_scoped3A_266 : memref<!tpu.dma_semaphore, #tpu.memory_space<semaphore_mem>>) src(%dma_wait3A_276 : memref<128xf32, #tpu.memory_space<hbm>>) dst(%arg12 : memref<128xf32, #tpu.memory_space<vmem>>)
      tpu.yield
    }) : () -> ()
    %add3A_168 = arith.constant 1 : i32
    %add3A_169 = arith.addi %select_n3A_167, %add3A_168 : i32
    %scan3A_170 = arith.constant 0 : i32
    %scan3A_171 = arith.constant 0 : i32
    %scan3A_172 = arith.constant 128 : i32
    %scan3A_173 = arith.addi %scan3A_171, %scan3A_172 : i32
    %scan3A_174 = arith.constant 4 : i32
    %scan3A_175 = scf.for %scan3A_266 = %scan3A_171 to %scan3A_173 step %scan3A_174 iter_args(%scan3A_267 = %scan3A_170) -> (i32)  : i32 {
      %mul3A_268 = arith.constant 16 : i32
      %mul3A_269 = arith.muli %scan3A_266, %mul3A_268 : i32
      %get3A = arith.index_cast %mul3A_269 : i32 to index
      %get3A_270 = tpu.vector_load %arg8[%get3A] {strides = array<i32>} : memref<2048xi32, #tpu.memory_space<vmem>>, vector<16xi32>,
      %mul3A_271 = arith.constant 16 : i32
      %mul3A_272 = arith.muli %scan3A_266, %mul3A_271 : i32
      %get3A_273 = arith.index_cast %mul3A_272 : i32 to index
      %get3A_274 = tpu.vector_load %arg9[%get3A_273] {strides = array<i32>} : memref<2048xi32, #tpu.memory_space<vmem>>, vector<16xi32>,
      %eq3A_275 = vector.broadcast %add3A_169 : i32 to vector<16xi32>
      %eq3A_276 = arith.cmpi eq, %get3A_270, %eq3A_275 : vector<16xi32>
      %ne3A_277 = arith.constant 0 : i32
      %ne3A_278 = vector.broadcast %ne3A_277 : i32 to vector<16xi32>
      %ne3A_279 = arith.cmpi ne, %get3A_274, %ne3A_278 : vector<16xi32>
      %and3A_280 = arith.andi %eq3A_276, %ne3A_279 : vector<16xi1>
      %jit3A_281 = arith.constant 1 : i32
      %jit3A_282 = arith.constant 0 : i32
      %broadcast_in_dim3A_283 = vector.broadcast %jit3A_281 : i32 to vector<16xi32>
      %broadcast_in_dim3A_284 = vector.broadcast %jit3A_282 : i32 to vector<16xi32>
      %select_n3A_285 = arith.select %and3A_280, %broadcast_in_dim3A_283, %broadcast_in_dim3A_284 : vector<16xi1>, vector<16xi32>
      %reduce_sum3A = arith.constant true
      %reduce_sum3A_286 = vector.broadcast %reduce_sum3A : i1 to vector<16xi1>
      %reduce_sum3A_287 = tpu.scan <sum>, %select_n3A_285 masked %reduce_sum3A_286 : vector<16xi32>, vector<16xi1> -> vector<16xi32>
      %reduce_sum3A_288 = vector.extract %reduce_sum3A_287[15] : i32 from vector<16xi32>
      %add3A_289 = arith.addi %scan3A_267, %reduce_sum3A_288 : i32
      %scan3A_290 = arith.constant 1 : i32
      %scan3A_291 = arith.addi %scan3A_266, %scan3A_290 : i32
      %mul3A_292 = arith.constant 16 : i32
      %mul3A_293 = arith.muli %scan3A_291, %mul3A_292 : i32
      %get3A_294 = arith.index_cast %mul3A_293 : i32 to index
      %get3A_295 = tpu.vector_load %arg8[%get3A_294] {strides = array<i32>} : memref<2048xi32, #tpu.memory_space<vmem>>, vector<16xi32>,
      %mul3A_296 = arith.constant 16 : i32
      %mul3A_297 = arith.muli %scan3A_291, %mul3A_296 : i32
      %get3A_298 = arith.index_cast %mul3A_297 : i32 to index
      %get3A_299 = tpu.vector_load %arg9[%get3A_298] {strides = array<i32>} : memref<2048xi32, #tpu.memory_space<vmem>>, vector<16xi32>,
      %eq3A_300 = vector.broadcast %add3A_169 : i32 to vector<16xi32>
      %eq3A_301 = arith.cmpi eq, %get3A_295, %eq3A_300 : vector<16xi32>
      %ne3A_302 = arith.constant 0 : i32
      %ne3A_303 = vector.broadcast %ne3A_302 : i32 to vector<16xi32>
      %ne3A_304 = arith.cmpi ne, %get3A_299, %ne3A_303 : vector<16xi32>
      %and3A_305 = arith.andi %eq3A_301, %ne3A_304 : vector<16xi1>
      %jit3A_306 = arith.constant 1 : i32
      %jit3A_307 = arith.constant 0 : i32
      %broadcast_in_dim3A_308 = vector.broadcast %jit3A_306 : i32 to vector<16xi32>
      %broadcast_in_dim3A_309 = vector.broadcast %jit3A_307 : i32 to vector<16xi32>
      %select_n3A_310 = arith.select %and3A_305, %broadcast_in_dim3A_308, %broadcast_in_dim3A_309 : vector<16xi1>, vector<16xi32>
      %reduce_sum3A_311 = arith.constant true
      %reduce_sum3A_312 = vector.broadcast %reduce_sum3A_311 : i1 to vector<16xi1>
      %reduce_sum3A_313 = tpu.scan <sum>, %select_n3A_310 masked %reduce_sum3A_312 : vector<16xi32>, vector<16xi1> -> vector<16xi32>
      %reduce_sum3A_314 = vector.extract %reduce_sum3A_313[15] : i32 from vector<16xi32>
      %add3A_315 = arith.addi %add3A_289, %reduce_sum3A_314 : i32
      %scan3A_316 = arith.constant 2 : i32
      %scan3A_317 = arith.addi %scan3A_266, %scan3A_316 : i32
      %mul3A_318 = arith.constant 16 : i32
      %mul3A_319 = arith.muli %scan3A_317, %mul3A_318 : i32
      %get3A_320 = arith.index_cast %mul3A_319 : i32 to index
      %get3A_321 = tpu.vector_load %arg8[%get3A_320] {strides = array<i32>} : memref<2048xi32, #tpu.memory_space<vmem>>, vector<16xi32>,
      %mul3A_322 = arith.constant 16 : i32
      %mul3A_323 = arith.muli %scan3A_317, %mul3A_322 : i32
      %get3A_324 = arith.index_cast %mul3A_323 : i32 to index
      %get3A_325 = tpu.vector_load %arg9[%get3A_324] {strides = array<i32>} : memref<2048xi32, #tpu.memory_space<vmem>>, vector<16xi32>,
      %eq3A_326 = vector.broadcast %add3A_169 : i32 to vector<16xi32>
      %eq3A_327 = arith.cmpi eq, %get3A_321, %eq3A_326 : vector<16xi32>
      %ne3A_328 = arith.constant 0 : i32
      %ne3A_329 = vector.broadcast %ne3A_328 : i32 to vector<16xi32>
      %ne3A_330 = arith.cmpi ne, %get3A_325, %ne3A_329 : vector<16xi32>
      %and3A_331 = arith.andi %eq3A_327, %ne3A_330 : vector<16xi1>
      %jit3A_332 = arith.constant 1 : i32
      %jit3A_333 = arith.constant 0 : i32
      %broadcast_in_dim3A_334 = vector.broadcast %jit3A_332 : i32 to vector<16xi32>
      %broadcast_in_dim3A_335 = vector.broadcast %jit3A_333 : i32 to vector<16xi32>
      %select_n3A_336 = arith.select %and3A_331, %broadcast_in_dim3A_334, %broadcast_in_dim3A_335 : vector<16xi1>, vector<16xi32>
      %reduce_sum3A_337 = arith.constant true
      %reduce_sum3A_338 = vector.broadcast %reduce_sum3A_337 : i1 to vector<16xi1>
      %reduce_sum3A_339 = tpu.scan <sum>, %select_n3A_336 masked %reduce_sum3A_338 : vector<16xi32>, vector<16xi1> -> vector<16xi32>
      %reduce_sum3A_340 = vector.extract %reduce_sum3A_339[15] : i32 from vector<16xi32>
      %add3A_341 = arith.addi %add3A_315, %reduce_sum3A_340 : i32
      %scan3A_342 = arith.constant 3 : i32
      %scan3A_343 = arith.addi %scan3A_266, %scan3A_342 : i32
      %mul3A_344 = arith.constant 16 : i32
      %mul3A_345 = arith.muli %scan3A_343, %mul3A_344 : i32
      %get3A_346 = arith.index_cast %mul3A_345 : i32 to index
      %get3A_347 = tpu.vector_load %arg8[%get3A_346] {strides = array<i32>} : memref<2048xi32, #tpu.memory_space<vmem>>, vector<16xi32>,
      %mul3A_348 = arith.constant 16 : i32
      %mul3A_349 = arith.muli %scan3A_343, %mul3A_348 : i32
      %get3A_350 = arith.index_cast %mul3A_349 : i32 to index
      %get3A_351 = tpu.vector_load %arg9[%get3A_350] {strides = array<i32>} : memref<2048xi32, #tpu.memory_space<vmem>>, vector<16xi32>,
      %eq3A_352 = vector.broadcast %add3A_169 : i32 to vector<16xi32>
      %eq3A_353 = arith.cmpi eq, %get3A_347, %eq3A_352 : vector<16xi32>
      %ne3A_354 = arith.constant 0 : i32
      %ne3A_355 = vector.broadcast %ne3A_354 : i32 to vector<16xi32>
      %ne3A_356 = arith.cmpi ne, %get3A_351, %ne3A_355 : vector<16xi32>
      %and3A_357 = arith.andi %eq3A_353, %ne3A_356 : vector<16xi1>
      %jit3A_358 = arith.constant 1 : i32
      %jit3A_359 = arith.constant 0 : i32
      %broadcast_in_dim3A_360 = vector.broadcast %jit3A_358 : i32 to vector<16xi32>
      %broadcast_in_dim3A_361 = vector.broadcast %jit3A_359 : i32 to vector<16xi32>
      %select_n3A_362 = arith.select %and3A_357, %broadcast_in_dim3A_360, %broadcast_in_dim3A_361 : vector<16xi1>, vector<16xi32>
      %reduce_sum3A_363 = arith.constant true
      %reduce_sum3A_364 = vector.broadcast %reduce_sum3A_363 : i1 to vector<16xi1>
      %reduce_sum3A_365 = tpu.scan <sum>, %select_n3A_362 masked %reduce_sum3A_364 : vector<16xi32>, vector<16xi1> -> vector<16xi32>
      %reduce_sum3A_366 = vector.extract %reduce_sum3A_365[15] : i32 from vector<16xi32>
      %add3A_367 = arith.addi %add3A_341, %reduce_sum3A_366 : i32
      scf.yield %add3A_367 : i32
    }
    %scan3A_176 = arith.constant 128 : i32
    %sub3A_177 = arith.constant 512 : i32
    %sub3A_178 = arith.subi %scan3A_175, %sub3A_177 : i32
    %max3A_179 = arith.constant 0 : i32
    %max3A_180 = arith.maxsi %sub3A_178, %max3A_179 : i32
    %sub3A_181 = arith.subi %scan3A_175, %max3A_180 : i32
    %scan3A_182 = arith.constant 0 : i32
    %scan3A_183 = arith.constant 0 : i32
    %scan3A_184 = arith.constant 32 : i32
    %scan3A_185 = arith.addi %scan3A_183, %scan3A_184 : i32
    %scan3A_186 = arith.constant 1 : i32
    %scan3A_187 = scf.for %scan3A_266 = %scan3A_183 to %scan3A_185 step %scan3A_186 iter_args(%scan3A_267 = %scan3A_182) -> (i32)  : i32 {
      %mul3A_268 = arith.constant 16 : i32
      %mul3A_269 = arith.muli %scan3A_266, %mul3A_268 : i32
      %add3A_270 = vector.broadcast %mul3A_269 : i32 to vector<16xi32>
      %add3A_271 = arith.addi %add3A_270, %iota3A : vector<16xi32>
      %mul3A_272 = arith.constant 16 : i32
      %mul3A_273 = arith.muli %scan3A_266, %mul3A_272 : i32
      %swap3A = arith.index_cast %mul3A_273 : i32 to index
      %swap3A_274 = tpu.vector_load %arg10[%swap3A] {strides = array<i32>} : memref<512xi32, #tpu.memory_space<vmem>>, vector<16xi32>,
      tpu.vector_store %arg10[%swap3A], %add3A_271 {strides = array<i32>} : memref<512xi32, #tpu.memory_space<vmem>>, vector<16xi32>,
      %scan3A_275 = arith.constant 0 : i32
      scf.yield %scan3A_275 : i32
    }
    %scan3A_188 = arith.constant 32 : i32
    %scan3A_189 = arith.constant 0 : i32
    %scan3A_190 = arith.constant 0 : i32
    %scan3A_191 = arith.constant 128 : i32
    %scan3A_192 = arith.addi %scan3A_190, %scan3A_191 : i32
    %scan3A_193 = arith.constant 2 : i32
    %scan3A_194 = scf.for %scan3A_266 = %scan3A_190 to %scan3A_192 step %scan3A_193 iter_args(%scan3A_267 = %scan3A_189) -> (i32)  : i32 {
      %mul3A_268 = arith.constant 16 : i32
      %mul3A_269 = arith.muli %scan3A_266, %mul3A_268 : i32
      %get3A = arith.index_cast %mul3A_269 : i32 to index
      %get3A_270 = tpu.vector_load %arg8[%get3A] {strides = array<i32>} : memref<2048xi32, #tpu.memory_space<vmem>>, vector<16xi32>,
      %mul3A_271 = arith.constant 16 : i32
      %mul3A_272 = arith.muli %scan3A_266, %mul3A_271 : i32
      %get3A_273 = arith.index_cast %mul3A_272 : i32 to index
      %get3A_274 = tpu.vector_load %arg9[%get3A_273] {strides = array<i32>} : memref<2048xi32, #tpu.memory_space<vmem>>, vector<16xi32>,
      %eq3A_275 = vector.broadcast %add3A_169 : i32 to vector<16xi32>
      %eq3A_276 = arith.cmpi eq, %get3A_270, %eq3A_275 : vector<16xi32>
      %ne3A_277 = arith.constant 0 : i32
      %ne3A_278 = vector.broadcast %ne3A_277 : i32 to vector<16xi32>
      %ne3A_279 = arith.cmpi ne, %get3A_274, %ne3A_278 : vector<16xi32>
      %and3A_280 = arith.andi %eq3A_276, %ne3A_279 : vector<16xi1>
      %jit3A_281 = arith.constant 1 : i32
      %jit3A_282 = arith.constant 0 : i32
      %broadcast_in_dim3A_283 = vector.broadcast %jit3A_281 : i32 to vector<16xi32>
      %broadcast_in_dim3A_284 = vector.broadcast %jit3A_282 : i32 to vector<16xi32>
      %select_n3A_285 = arith.select %and3A_280, %broadcast_in_dim3A_283, %broadcast_in_dim3A_284 : vector<16xi1>, vector<16xi32>
      %broadcast_in_dim3A_286 = arith.constant true
      %broadcast_in_dim3A_287 = vector.broadcast %broadcast_in_dim3A_286 : i1 to vector<16xi1>
      %masked_cumsum3A = tpu.scan <sum>, %select_n3A_285 masked %broadcast_in_dim3A_287 : vector<16xi32>, vector<16xi1> -> vector<16xi32>
      %add3A_288 = vector.broadcast %scan3A_267 : i32 to vector<16xi32>
      %add3A_289 = arith.addi %masked_cumsum3A, %add3A_288 : vector<16xi32>
      %sub3A_290 = arith.constant 1 : i32
      %sub3A_291 = vector.broadcast %sub3A_290 : i32 to vector<16xi32>
      %sub3A_292 = arith.subi %add3A_289, %sub3A_291 : vector<16xi32>
      %sub3A_293 = vector.broadcast %max3A_180 : i32 to vector<16xi32>
      %sub3A_294 = arith.subi %sub3A_292, %sub3A_293 : vector<16xi32>
      %ge3A = arith.constant 0 : i32
      %ge3A_295 = vector.broadcast %ge3A : i32 to vector<16xi32>
      %ge3A_296 = arith.cmpi sge, %sub3A_294, %ge3A_295 : vector<16xi32>
      %and3A_297 = arith.andi %and3A_280, %ge3A_296 : vector<16xi1>
      %max3A_298 = arith.constant 0 : i32
      %max3A_299 = vector.broadcast %max3A_298 : i32 to vector<16xi32>
      %max3A_300 = arith.maxsi %sub3A_294, %max3A_299 : vector<16xi32>
      %mul3A_301 = arith.constant 2048 : i32
      %mul3A_302 = arith.muli %select_n3A_151, %mul3A_301 : i32
      %mul3A_303 = arith.constant 16 : i32
      %mul3A_304 = arith.muli %scan3A_266, %mul3A_303 : i32
      %add3A_305 = arith.addi %mul3A_302, %mul3A_304 : i32
      %add3A_306 = vector.broadcast %add3A_305 : i32 to vector<16xi32>
      %add3A_307 = arith.addi %add3A_306, %iota3A : vector<16xi32>
      tpu.vector_store_idx %arg10[%max3A_300], %add3A_307 masked %and3A_297 : memref<512xi32, #tpu.memory_space<vmem>>[vector<16xi32>], vector<16xi32>, vector<16xi1>
      %reduce_sum3A = arith.constant true
      %reduce_sum3A_308 = vector.broadcast %reduce_sum3A : i1 to vector<16xi1>
      %reduce_sum3A_309 = tpu.scan <sum>, %select_n3A_285 masked %reduce_sum3A_308 : vector<16xi32>, vector<16xi1> -> vector<16xi32>
      %reduce_sum3A_310 = vector.extract %reduce_sum3A_309[15] : i32 from vector<16xi32>
      %add3A_311 = arith.addi %scan3A_267, %reduce_sum3A_310 : i32
      %scan3A_312 = arith.constant 1 : i32
      %scan3A_313 = arith.addi %scan3A_266, %scan3A_312 : i32
      %mul3A_314 = arith.constant 16 : i32
      %mul3A_315 = arith.muli %scan3A_313, %mul3A_314 : i32
      %get3A_316 = arith.index_cast %mul3A_315 : i32 to index
      %get3A_317 = tpu.vector_load %arg8[%get3A_316] {strides = array<i32>} : memref<2048xi32, #tpu.memory_space<vmem>>, vector<16xi32>,
      %mul3A_318 = arith.constant 16 : i32
      %mul3A_319 = arith.muli %scan3A_313, %mul3A_318 : i32
      %get3A_320 = arith.index_cast %mul3A_319 : i32 to index
      %get3A_321 = tpu.vector_load %arg9[%get3A_320] {strides = array<i32>} : memref<2048xi32, #tpu.memory_space<vmem>>, vector<16xi32>,
      %eq3A_322 = vector.broadcast %add3A_169 : i32 to vector<16xi32>
      %eq3A_323 = arith.cmpi eq, %get3A_317, %eq3A_322 : vector<16xi32>
      %ne3A_324 = arith.constant 0 : i32
      %ne3A_325 = vector.broadcast %ne3A_324 : i32 to vector<16xi32>
      %ne3A_326 = arith.cmpi ne, %get3A_321, %ne3A_325 : vector<16xi32>
      %and3A_327 = arith.andi %eq3A_323, %ne3A_326 : vector<16xi1>
      %jit3A_328 = arith.constant 1 : i32
      %jit3A_329 = arith.constant 0 : i32
      %broadcast_in_dim3A_330 = vector.broadcast %jit3A_328 : i32 to vector<16xi32>
      %broadcast_in_dim3A_331 = vector.broadcast %jit3A_329 : i32 to vector<16xi32>
      %select_n3A_332 = arith.select %and3A_327, %broadcast_in_dim3A_330, %broadcast_in_dim3A_331 : vector<16xi1>, vector<16xi32>
      %broadcast_in_dim3A_333 = arith.constant true
      %broadcast_in_dim3A_334 = vector.broadcast %broadcast_in_dim3A_333 : i1 to vector<16xi1>
      %masked_cumsum3A_335 = tpu.scan <sum>, %select_n3A_332 masked %broadcast_in_dim3A_334 : vector<16xi32>, vector<16xi1> -> vector<16xi32>
      %add3A_336 = vector.broadcast %add3A_311 : i32 to vector<16xi32>
      %add3A_337 = arith.addi %masked_cumsum3A_335, %add3A_336 : vector<16xi32>
      %sub3A_338 = arith.constant 1 : i32
      %sub3A_339 = vector.broadcast %sub3A_338 : i32 to vector<16xi32>
      %sub3A_340 = arith.subi %add3A_337, %sub3A_339 : vector<16xi32>
      %sub3A_341 = vector.broadcast %max3A_180 : i32 to vector<16xi32>
      %sub3A_342 = arith.subi %sub3A_340, %sub3A_341 : vector<16xi32>
      %ge3A_343 = arith.constant 0 : i32
      %ge3A_344 = vector.broadcast %ge3A_343 : i32 to vector<16xi32>
      %ge3A_345 = arith.cmpi sge, %sub3A_342, %ge3A_344 : vector<16xi32>
      %and3A_346 = arith.andi %and3A_327, %ge3A_345 : vector<16xi1>
      %max3A_347 = arith.constant 0 : i32
      %max3A_348 = vector.broadcast %max3A_347 : i32 to vector<16xi32>
      %max3A_349 = arith.maxsi %sub3A_342, %max3A_348 : vector<16xi32>
      %mul3A_350 = arith.constant 2048 : i32
      %mul3A_351 = arith.muli %select_n3A_151, %mul3A_350 : i32
      %mul3A_352 = arith.constant 16 : i32
      %mul3A_353 = arith.muli %scan3A_313, %mul3A_352 : i32
      %add3A_354 = arith.addi %mul3A_351, %mul3A_353 : i32
      %add3A_355 = vector.broadcast %add3A_354 : i32 to vector<16xi32>
      %add3A_356 = arith.addi %add3A_355, %iota3A : vector<16xi32>
      tpu.vector_store_idx %arg10[%max3A_349], %add3A_356 masked %and3A_346 : memref<512xi32, #tpu.memory_space<vmem>>[vector<16xi32>], vector<16xi32>, vector<16xi1>
      %reduce_sum3A_357 = arith.constant true
      %reduce_sum3A_358 = vector.broadcast %reduce_sum3A_357 : i1 to vector<16xi1>
      %reduce_sum3A_359 = tpu.scan <sum>, %select_n3A_332 masked %reduce_sum3A_358 : vector<16xi32>, vector<16xi1> -> vector<16xi32>
      %reduce_sum3A_360 = vector.extract %reduce_sum3A_359[15] : i32 from vector<16xi32>
      %add3A_361 = arith.addi %add3A_311, %reduce_sum3A_360 : i32
      scf.yield %add3A_361 : i32
    }
    %scan3A_195 = arith.constant 128 : i32
    %gt3A_196 = arith.constant 0 : i32
    %gt3A_197 = arith.cmpi sgt, %sub3A_181, %gt3A_196 : i32
    %convert_element_type3A_198 = arith.extui %gt3A_197 : i1 to i32
    %cond3A_199 = arith.constant 0 : i32
    %cond3A_200 = arith.cmpi ne, %convert_element_type3A_198, %cond3A_199 : i32
    scf.if %cond3A_200 {
      %dma_start3A = arith.constant 0 : i32
      %dma_start3A_266 = arith.constant 0 : i32
      %dma_start3A_267 = arith.constant 0 : i32
      %dma_start3A_268 = tpu.memref_slice %arg11[%dma_start3A, %dma_start3A_266, %dma_start3A_267] : memref<4x128x128xf32, #tpu.memory_space<vmem>> -> memref<1x128x128xf32, #tpu.memory_space<vmem>>
      %dma_start3A_269 = tpu.memref_squeeze %dma_start3A_268 : memref<1x128x128xf32, #tpu.memory_space<vmem>> -> memref<128x128xf32, #tpu.memory_space<vmem>>
      %dma_start3A_270 = arith.constant 0 : i32
      %dma_start3A_271 = tpu.memref_slice %arg10[%dma_start3A_270] : memref<512xi32, #tpu.memory_space<vmem>> -> memref<128xi32, #tpu.memory_space<vmem>>
      %dma_start3A_272 = arith.constant 0 : i32
      %dma_start3A_273 = arith.constant 0 : i32
      %dma_start3A_274 = tpu.memref_slice %arg4[%dma_start3A_272, %dma_start3A_273] : memref<16384x128xf32, #tpu.memory_space<hbm>> -> memref<16384x128xf32, #tpu.memory_space<hbm>>
      tpu.enqueue_indirect_dma source(%dma_start3A_274 : memref<16384x128xf32, #tpu.memory_space<hbm>>) target(%dma_start3A_269 : memref<128x128xf32, #tpu.memory_space<vmem>>) offsets(%dma_start3A_271 : memref<128xi32, #tpu.memory_space<vmem>>) semaphore(%arg14 : memref<!tpu.dma_semaphore, #tpu.memory_space<semaphore_mem>>)
    } else {
    }
    %gt3A_201 = arith.constant 128 : i32
    %gt3A_202 = arith.cmpi sgt, %sub3A_181, %gt3A_201 : i32
    %convert_element_type3A_203 = arith.extui %gt3A_202 : i1 to i32
    %cond3A_204 = arith.constant 0 : i32
    %cond3A_205 = arith.cmpi ne, %convert_element_type3A_203, %cond3A_204 : i32
    scf.if %cond3A_205 {
      %dma_start3A = arith.constant 1 : i32
      %dma_start3A_266 = arith.constant 0 : i32
      %dma_start3A_267 = arith.constant 0 : i32
      %dma_start3A_268 = tpu.memref_slice %arg11[%dma_start3A, %dma_start3A_266, %dma_start3A_267] : memref<4x128x128xf32, #tpu.memory_space<vmem>> -> memref<1x128x128xf32, #tpu.memory_space<vmem>>
      %dma_start3A_269 = tpu.memref_squeeze %dma_start3A_268 : memref<1x128x128xf32, #tpu.memory_space<vmem>> -> memref<128x128xf32, #tpu.memory_space<vmem>>
      %dma_start3A_270 = arith.constant 128 : i32
      %dma_start3A_271 = tpu.memref_slice %arg10[%dma_start3A_270] : memref<512xi32, #tpu.memory_space<vmem>> -> memref<128xi32, #tpu.memory_space<vmem>>
      %dma_start3A_272 = arith.constant 0 : i32
      %dma_start3A_273 = arith.constant 0 : i32
      %dma_start3A_274 = tpu.memref_slice %arg4[%dma_start3A_272, %dma_start3A_273] : memref<16384x128xf32, #tpu.memory_space<hbm>> -> memref<16384x128xf32, #tpu.memory_space<hbm>>
      tpu.enqueue_indirect_dma source(%dma_start3A_274 : memref<16384x128xf32, #tpu.memory_space<hbm>>) target(%dma_start3A_269 : memref<128x128xf32, #tpu.memory_space<vmem>>) offsets(%dma_start3A_271 : memref<128xi32, #tpu.memory_space<vmem>>) semaphore(%arg14 : memref<!tpu.dma_semaphore, #tpu.memory_space<semaphore_mem>>)
    } else {
    }
    %gt3A_206 = arith.constant 256 : i32
    %gt3A_207 = arith.cmpi sgt, %sub3A_181, %gt3A_206 : i32
    %convert_element_type3A_208 = arith.extui %gt3A_207 : i1 to i32
    %cond3A_209 = arith.constant 0 : i32
    %cond3A_210 = arith.cmpi ne, %convert_element_type3A_208, %cond3A_209 : i32
    scf.if %cond3A_210 {
      %dma_start3A = arith.constant 2 : i32
      %dma_start3A_266 = arith.constant 0 : i32
      %dma_start3A_267 = arith.constant 0 : i32
      %dma_start3A_268 = tpu.memref_slice %arg11[%dma_start3A, %dma_start3A_266, %dma_start3A_267] : memref<4x128x128xf32, #tpu.memory_space<vmem>> -> memref<1x128x128xf32, #tpu.memory_space<vmem>>
      %dma_start3A_269 = tpu.memref_squeeze %dma_start3A_268 : memref<1x128x128xf32, #tpu.memory_space<vmem>> -> memref<128x128xf32, #tpu.memory_space<vmem>>
      %dma_start3A_270 = arith.constant 256 : i32
      %dma_start3A_271 = tpu.memref_slice %arg10[%dma_start3A_270] : memref<512xi32, #tpu.memory_space<vmem>> -> memref<128xi32, #tpu.memory_space<vmem>>
      %dma_start3A_272 = arith.constant 0 : i32
      %dma_start3A_273 = arith.constant 0 : i32
      %dma_start3A_274 = tpu.memref_slice %arg4[%dma_start3A_272, %dma_start3A_273] : memref<16384x128xf32, #tpu.memory_space<hbm>> -> memref<16384x128xf32, #tpu.memory_space<hbm>>
      tpu.enqueue_indirect_dma source(%dma_start3A_274 : memref<16384x128xf32, #tpu.memory_space<hbm>>) target(%dma_start3A_269 : memref<128x128xf32, #tpu.memory_space<vmem>>) offsets(%dma_start3A_271 : memref<128xi32, #tpu.memory_space<vmem>>) semaphore(%arg14 : memref<!tpu.dma_semaphore, #tpu.memory_space<semaphore_mem>>)
    } else {
    }
    %gt3A_211 = arith.constant 384 : i32
    %gt3A_212 = arith.cmpi sgt, %sub3A_181, %gt3A_211 : i32
    %convert_element_type3A_213 = arith.extui %gt3A_212 : i1 to i32
    %cond3A_214 = arith.constant 0 : i32
    %cond3A_215 = arith.cmpi ne, %convert_element_type3A_213, %cond3A_214 : i32
    scf.if %cond3A_215 {
      %dma_start3A = arith.constant 3 : i32
      %dma_start3A_266 = arith.constant 0 : i32
      %dma_start3A_267 = arith.constant 0 : i32
      %dma_start3A_268 = tpu.memref_slice %arg11[%dma_start3A, %dma_start3A_266, %dma_start3A_267] : memref<4x128x128xf32, #tpu.memory_space<vmem>> -> memref<1x128x128xf32, #tpu.memory_space<vmem>>
      %dma_start3A_269 = tpu.memref_squeeze %dma_start3A_268 : memref<1x128x128xf32, #tpu.memory_space<vmem>> -> memref<128x128xf32, #tpu.memory_space<vmem>>
      %dma_start3A_270 = arith.constant 384 : i32
      %dma_start3A_271 = tpu.memref_slice %arg10[%dma_start3A_270] : memref<512xi32, #tpu.memory_space<vmem>> -> memref<128xi32, #tpu.memory_space<vmem>>
      %dma_start3A_272 = arith.constant 0 : i32
      %dma_start3A_273 = arith.constant 0 : i32
      %dma_start3A_274 = tpu.memref_slice %arg4[%dma_start3A_272, %dma_start3A_273] : memref<16384x128xf32, #tpu.memory_space<hbm>> -> memref<16384x128xf32, #tpu.memory_space<hbm>>
      tpu.enqueue_indirect_dma source(%dma_start3A_274 : memref<16384x128xf32, #tpu.memory_space<hbm>>) target(%dma_start3A_269 : memref<128x128xf32, #tpu.memory_space<vmem>>) offsets(%dma_start3A_271 : memref<128xi32, #tpu.memory_space<vmem>>) semaphore(%arg14 : memref<!tpu.dma_semaphore, #tpu.memory_space<semaphore_mem>>)
    } else {
    }
    %gt3A_216 = arith.constant 0 : i32
    %gt3A_217 = arith.cmpi sgt, %sub3A_181, %gt3A_216 : i32
    %convert_element_type3A_218 = arith.extui %gt3A_217 : i1 to i32
    %cond3A_219 = arith.constant 0 : i32
    %cond3A_220 = arith.cmpi ne, %convert_element_type3A_218, %cond3A_219 : i32
    scf.if %cond3A_220 {
      %dma_wait3A = arith.constant 0 : i32
      %dma_wait3A_266 = arith.constant 0 : i32
      %dma_wait3A_267 = arith.constant 0 : i32
      %dma_wait3A_268 = tpu.memref_slice %arg11[%dma_wait3A, %dma_wait3A_266, %dma_wait3A_267] : memref<4x128x128xf32, #tpu.memory_space<vmem>> -> memref<1x128x128xf32, #tpu.memory_space<vmem>>
      %dma_wait3A_269 = tpu.memref_squeeze %dma_wait3A_268 : memref<1x128x128xf32, #tpu.memory_space<vmem>> -> memref<128x128xf32, #tpu.memory_space<vmem>>
      %dma_wait3A_270 = arith.constant 0 : i32
      %dma_wait3A_271 = tpu.memref_slice %arg10[%dma_wait3A_270] : memref<512xi32, #tpu.memory_space<vmem>> -> memref<128xi32, #tpu.memory_space<vmem>>
      %dma_wait3A_272 = arith.constant 0 : i32
      %dma_wait3A_273 = arith.constant 0 : i32
      %dma_wait3A_274 = tpu.memref_slice %arg4[%dma_wait3A_272, %dma_wait3A_273] : memref<16384x128xf32, #tpu.memory_space<hbm>> -> memref<16384x128xf32, #tpu.memory_space<hbm>>
      tpu.wait_indirect_dma semaphore(%arg14 : memref<!tpu.dma_semaphore, #tpu.memory_space<semaphore_mem>>) src(%dma_wait3A_274 : memref<16384x128xf32, #tpu.memory_space<hbm>>) dst(%dma_wait3A_269 : memref<128x128xf32, #tpu.memory_space<vmem>>)
    } else {
    }
    %eq3A_221 = arith.constant 0 : i32
    %eq3A_222 = arith.cmpi eq, %sub3A_181, %eq3A_221 : i32
    %convert_element_type3A_223 = arith.extui %eq3A_222 : i1 to i32
    %cond3A_224 = arith.constant 0 : i32
    %cond3A_225 = arith.cmpi ne, %convert_element_type3A_223, %cond3A_224 : i32
    scf.if %cond3A_225 {
      %get3A = arith.constant 0 : index
      %get3A_266 = tpu.vector_load %arg12[%get3A] {strides = array<i32>} : memref<128xf32, #tpu.memory_space<vmem>>, vector<16xf32>,
      %swap3A = arith.constant 0 : i32
      %swap3A_267 = arith.constant 0 : i32
      %swap3A_268 = arith.index_cast %swap3A : i32 to index
      %swap3A_269 = arith.index_cast %swap3A_267 : i32 to index
      %swap3A_270 = arith.constant 0 : index
      %swap3A_271 = tpu.vector_load %arg11[%swap3A_268, %swap3A_269, %swap3A_270] {strides = array<i32>} : memref<4x128x128xf32, #tpu.memory_space<vmem>>, vector<16xf32>,
      tpu.vector_store %arg11[%swap3A_268, %swap3A_269, %swap3A_270], %get3A_266 {strides = array<i32>} : memref<4x128x128xf32, #tpu.memory_space<vmem>>, vector<16xf32>,
      %get3A_272 = arith.constant 16 : index
      %get3A_273 = tpu.vector_load %arg12[%get3A_272] {strides = array<i32>} : memref<128xf32, #tpu.memory_space<vmem>>, vector<16xf32>,
      %swap3A_274 = arith.constant 0 : i32
      %swap3A_275 = arith.constant 0 : i32
      %swap3A_276 = arith.index_cast %swap3A_274 : i32 to index
      %swap3A_277 = arith.index_cast %swap3A_275 : i32 to index
      %swap3A_278 = arith.constant 16 : index
      %swap3A_279 = tpu.vector_load %arg11[%swap3A_276, %swap3A_277, %swap3A_278] {strides = array<i32>} : memref<4x128x128xf32, #tpu.memory_space<vmem>>, vector<16xf32>,
      tpu.vector_store %arg11[%swap3A_276, %swap3A_277, %swap3A_278], %get3A_273 {strides = array<i32>} : memref<4x128x128xf32, #tpu.memory_space<vmem>>, vector<16xf32>,
      %get3A_280 = arith.constant 32 : index
      %get3A_281 = tpu.vector_load %arg12[%get3A_280] {strides = array<i32>} : memref<128xf32, #tpu.memory_space<vmem>>, vector<16xf32>,
      %swap3A_282 = arith.constant 0 : i32
      %swap3A_283 = arith.constant 0 : i32
      %swap3A_284 = arith.index_cast %swap3A_282 : i32 to index
      %swap3A_285 = arith.index_cast %swap3A_283 : i32 to index
      %swap3A_286 = arith.constant 32 : index
      %swap3A_287 = tpu.vector_load %arg11[%swap3A_284, %swap3A_285, %swap3A_286] {strides = array<i32>} : memref<4x128x128xf32, #tpu.memory_space<vmem>>, vector<16xf32>,
      tpu.vector_store %arg11[%swap3A_284, %swap3A_285, %swap3A_286], %get3A_281 {strides = array<i32>} : memref<4x128x128xf32, #tpu.memory_space<vmem>>, vector<16xf32>,
      %get3A_288 = arith.constant 48 : index
      %get3A_289 = tpu.vector_load %arg12[%get3A_288] {strides = array<i32>} : memref<128xf32, #tpu.memory_space<vmem>>, vector<16xf32>,
      %swap3A_290 = arith.constant 0 : i32
      %swap3A_291 = arith.constant 0 : i32
      %swap3A_292 = arith.index_cast %swap3A_290 : i32 to index
      %swap3A_293 = arith.index_cast %swap3A_291 : i32 to index
      %swap3A_294 = arith.constant 48 : index
      %swap3A_295 = tpu.vector_load %arg11[%swap3A_292, %swap3A_293, %swap3A_294] {strides = array<i32>} : memref<4x128x128xf32, #tpu.memory_space<vmem>>, vector<16xf32>,
      tpu.vector_store %arg11[%swap3A_292, %swap3A_293, %swap3A_294], %get3A_289 {strides = array<i32>} : memref<4x128x128xf32, #tpu.memory_space<vmem>>, vector<16xf32>,
      %get3A_296 = arith.constant 64 : index
      %get3A_297 = tpu.vector_load %arg12[%get3A_296] {strides = array<i32>} : memref<128xf32, #tpu.memory_space<vmem>>, vector<16xf32>,
      %swap3A_298 = arith.constant 0 : i32
      %swap3A_299 = arith.constant 0 : i32
      %swap3A_300 = arith.index_cast %swap3A_298 : i32 to index
      %swap3A_301 = arith.index_cast %swap3A_299 : i32 to index
      %swap3A_302 = arith.constant 64 : index
      %swap3A_303 = tpu.vector_load %arg11[%swap3A_300, %swap3A_301, %swap3A_302] {strides = array<i32>} : memref<4x128x128xf32, #tpu.memory_space<vmem>>, vector<16xf32>,
      tpu.vector_store %arg11[%swap3A_300, %swap3A_301, %swap3A_302], %get3A_297 {strides = array<i32>} : memref<4x128x128xf32, #tpu.memory_space<vmem>>, vector<16xf32>,
      %get3A_304 = arith.constant 80 : index
      %get3A_305 = tpu.vector_load %arg12[%get3A_304] {strides = array<i32>} : memref<128xf32, #tpu.memory_space<vmem>>, vector<16xf32>,
      %swap3A_306 = arith.constant 0 : i32
      %swap3A_307 = arith.constant 0 : i32
      %swap3A_308 = arith.index_cast %swap3A_306 : i32 to index
      %swap3A_309 = arith.index_cast %swap3A_307 : i32 to index
      %swap3A_310 = arith.constant 80 : index
      %swap3A_311 = tpu.vector_load %arg11[%swap3A_308, %swap3A_309, %swap3A_310] {strides = array<i32>} : memref<4x128x128xf32, #tpu.memory_space<vmem>>, vector<16xf32>,
      tpu.vector_store %arg11[%swap3A_308, %swap3A_309, %swap3A_310], %get3A_305 {strides = array<i32>} : memref<4x128x128xf32, #tpu.memory_space<vmem>>, vector<16xf32>,
      %get3A_312 = arith.constant 96 : index
      %get3A_313 = tpu.vector_load %arg12[%get3A_312] {strides = array<i32>} : memref<128xf32, #tpu.memory_space<vmem>>, vector<16xf32>,
      %swap3A_314 = arith.constant 0 : i32
      %swap3A_315 = arith.constant 0 : i32
      %swap3A_316 = arith.index_cast %swap3A_314 : i32 to index
      %swap3A_317 = arith.index_cast %swap3A_315 : i32 to index
      %swap3A_318 = arith.constant 96 : index
      %swap3A_319 = tpu.vector_load %arg11[%swap3A_316, %swap3A_317, %swap3A_318] {strides = array<i32>} : memref<4x128x128xf32, #tpu.memory_space<vmem>>, vector<16xf32>,
      tpu.vector_store %arg11[%swap3A_316, %swap3A_317, %swap3A_318], %get3A_313 {strides = array<i32>} : memref<4x128x128xf32, #tpu.memory_space<vmem>>, vector<16xf32>,
      %get3A_320 = arith.constant 112 : index
      %get3A_321 = tpu.vector_load %arg12[%get3A_320] {strides = array<i32>} : memref<128xf32, #tpu.memory_space<vmem>>, vector<16xf32>,
      %swap3A_322 = arith.constant 0 : i32
      %swap3A_323 = arith.constant 0 : i32
      %swap3A_324 = arith.index_cast %swap3A_322 : i32 to index
      %swap3A_325 = arith.index_cast %swap3A_323 : i32 to index
      %swap3A_326 = arith.constant 112 : index
      %swap3A_327 = tpu.vector_load %arg11[%swap3A_324, %swap3A_325, %swap3A_326] {strides = array<i32>} : memref<4x128x128xf32, #tpu.memory_space<vmem>>, vector<16xf32>,
      tpu.vector_store %arg11[%swap3A_324, %swap3A_325, %swap3A_326], %get3A_321 {strides = array<i32>} : memref<4x128x128xf32, #tpu.memory_space<vmem>>, vector<16xf32>,
    } else {
    }
    %mul3A_226 = arith.constant 512 : i32
    %mul3A_227 = arith.muli %add3A_127, %mul3A_226 : i32
    %run_scoped3A_228 = arith.constant 0 : i32
    "tpu.region"() ({
      %run_scoped3A_266 = tpu.sem_alloc : memref<!tpu.dma_semaphore, #tpu.memory_space<semaphore_mem>>
      %dma_start3A = arith.constant 0 : i32
      %dma_start3A_267 = arith.constant 0 : i32
      %dma_start3A_268 = tpu.memref_slice %arg11[%run_scoped3A_228, %dma_start3A, %dma_start3A_267] : memref<4x128x128xf32, #tpu.memory_space<vmem>> -> memref<1x128x128xf32, #tpu.memory_space<vmem>>
      %dma_start3A_269 = tpu.memref_squeeze %dma_start3A_268 : memref<1x128x128xf32, #tpu.memory_space<vmem>> -> memref<128x128xf32, #tpu.memory_space<vmem>>
      %dma_start3A_270 = arith.constant 0 : i32
      %dma_start3A_271 = tpu.memref_slice %arg6[%mul3A_227, %dma_start3A_270] : memref<32768x128xf32, #tpu.memory_space<hbm>> -> memref<128x128xf32, #tpu.memory_space<hbm>>
      %dma_start3A_272 = arith.constant 0 : i32
      %dma_start3A_273 = tpu.memref_slice %arg6[%mul3A_227, %dma_start3A_272] : memref<32768x128xf32, #tpu.memory_space<hbm>> -> memref<128x128xf32, #tpu.memory_space<hbm>>
      %dma_start3A_274 = arith.constant 0 : i32
      %dma_start3A_275 = arith.constant 0 : i32
      %dma_start3A_276 = tpu.memref_slice %arg11[%run_scoped3A_228, %dma_start3A_274, %dma_start3A_275] : memref<4x128x128xf32, #tpu.memory_space<vmem>> -> memref<1x128x128xf32, #tpu.memory_space<vmem>>
      %dma_start3A_277 = tpu.memref_squeeze %dma_start3A_276 : memref<1x128x128xf32, #tpu.memory_space<vmem>> -> memref<128x128xf32, #tpu.memory_space<vmem>>
      tpu.enqueue_dma source(%dma_start3A_277 : memref<128x128xf32, #tpu.memory_space<vmem>>) target(%dma_start3A_273 : memref<128x128xf32, #tpu.memory_space<hbm>>) target_semaphore(%run_scoped3A_266 : memref<!tpu.dma_semaphore, #tpu.memory_space<semaphore_mem>>)
      %dma_wait3A = arith.constant 0 : i32
      %dma_wait3A_278 = arith.constant 0 : i32
      %dma_wait3A_279 = tpu.memref_slice %arg11[%run_scoped3A_228, %dma_wait3A, %dma_wait3A_278] : memref<4x128x128xf32, #tpu.memory_space<vmem>> -> memref<1x128x128xf32, #tpu.memory_space<vmem>>
      %dma_wait3A_280 = tpu.memref_squeeze %dma_wait3A_279 : memref<1x128x128xf32, #tpu.memory_space<vmem>> -> memref<128x128xf32, #tpu.memory_space<vmem>>
      %dma_wait3A_281 = arith.constant 0 : i32
      %dma_wait3A_282 = tpu.memref_slice %arg6[%mul3A_227, %dma_wait3A_281] : memref<32768x128xf32, #tpu.memory_space<hbm>> -> memref<128x128xf32, #tpu.memory_space<hbm>>
      %dma_wait3A_283 = arith.constant 0 : i32
      %dma_wait3A_284 = tpu.memref_slice %arg6[%mul3A_227, %dma_wait3A_283] : memref<32768x128xf32, #tpu.memory_space<hbm>> -> memref<128x128xf32, #tpu.memory_space<hbm>>
      %dma_wait3A_285 = arith.constant 0 : i32
      %dma_wait3A_286 = arith.constant 0 : i32
      %dma_wait3A_287 = tpu.memref_slice %arg11[%run_scoped3A_228, %dma_wait3A_285, %dma_wait3A_286] : memref<4x128x128xf32, #tpu.memory_space<vmem>> -> memref<1x128x128xf32, #tpu.memory_space<vmem>>
      %dma_wait3A_288 = tpu.memref_squeeze %dma_wait3A_287 : memref<1x128x128xf32, #tpu.memory_space<vmem>> -> memref<128x128xf32, #tpu.memory_space<vmem>>
      tpu.wait_dma2 semaphore(%run_scoped3A_266 : memref<!tpu.dma_semaphore, #tpu.memory_space<semaphore_mem>>) src(%dma_wait3A_288 : memref<128x128xf32, #tpu.memory_space<vmem>>) dst(%dma_wait3A_284 : memref<128x128xf32, #tpu.memory_space<hbm>>)
      tpu.yield
    }) : () -> ()
    %gt3A_229 = arith.constant 128 : i32
    %gt3A_230 = arith.cmpi sgt, %sub3A_181, %gt3A_229 : i32
    %convert_element_type3A_231 = arith.extui %gt3A_230 : i1 to i32
    %cond3A_232 = arith.constant 0 : i32
    %cond3A_233 = arith.cmpi ne, %convert_element_type3A_231, %cond3A_232 : i32
    scf.if %cond3A_233 {
      %dma_wait3A = arith.constant 1 : i32
      %dma_wait3A_266 = arith.constant 0 : i32
      %dma_wait3A_267 = arith.constant 0 : i32
      %dma_wait3A_268 = tpu.memref_slice %arg11[%dma_wait3A, %dma_wait3A_266, %dma_wait3A_267] : memref<4x128x128xf32, #tpu.memory_space<vmem>> -> memref<1x128x128xf32, #tpu.memory_space<vmem>>
      %dma_wait3A_269 = tpu.memref_squeeze %dma_wait3A_268 : memref<1x128x128xf32, #tpu.memory_space<vmem>> -> memref<128x128xf32, #tpu.memory_space<vmem>>
      %dma_wait3A_270 = arith.constant 128 : i32
      %dma_wait3A_271 = tpu.memref_slice %arg10[%dma_wait3A_270] : memref<512xi32, #tpu.memory_space<vmem>> -> memref<128xi32, #tpu.memory_space<vmem>>
      %dma_wait3A_272 = arith.constant 0 : i32
      %dma_wait3A_273 = arith.constant 0 : i32
      %dma_wait3A_274 = tpu.memref_slice %arg4[%dma_wait3A_272, %dma_wait3A_273] : memref<16384x128xf32, #tpu.memory_space<hbm>> -> memref<16384x128xf32, #tpu.memory_space<hbm>>
      tpu.wait_indirect_dma semaphore(%arg14 : memref<!tpu.dma_semaphore, #tpu.memory_space<semaphore_mem>>) src(%dma_wait3A_274 : memref<16384x128xf32, #tpu.memory_space<hbm>>) dst(%dma_wait3A_269 : memref<128x128xf32, #tpu.memory_space<vmem>>)
    } else {
    }
    %gt3A_234 = arith.constant 128 : i32
    %gt3A_235 = arith.cmpi sgt, %sub3A_181, %gt3A_234 : i32
    %convert_element_type3A_236 = arith.extui %gt3A_235 : i1 to i32
    %cond3A_237 = arith.constant 0 : i32
    %cond3A_238 = arith.cmpi ne, %convert_element_type3A_236, %cond3A_237 : i32
    scf.if %cond3A_238 {
      %mul3A_266 = arith.constant 512 : i32
      %mul3A_267 = arith.muli %add3A_127, %mul3A_266 : i32
      %add3A_268 = arith.constant 128 : i32
      %add3A_269 = arith.addi %mul3A_267, %add3A_268 : i32
      %run_scoped3A_270 = arith.constant 1 : i32
      "tpu.region"() ({
        %run_scoped3A_271 = tpu.sem_alloc : memref<!tpu.dma_semaphore, #tpu.memory_space<semaphore_mem>>
        %dma_start3A = arith.constant 0 : i32
        %dma_start3A_272 = arith.constant 0 : i32
        %dma_start3A_273 = tpu.memref_slice %arg11[%run_scoped3A_270, %dma_start3A, %dma_start3A_272] : memref<4x128x128xf32, #tpu.memory_space<vmem>> -> memref<1x128x128xf32, #tpu.memory_space<vmem>>
        %dma_start3A_274 = tpu.memref_squeeze %dma_start3A_273 : memref<1x128x128xf32, #tpu.memory_space<vmem>> -> memref<128x128xf32, #tpu.memory_space<vmem>>
        %dma_start3A_275 = arith.constant 0 : i32
        %dma_start3A_276 = tpu.memref_slice %arg6[%add3A_269, %dma_start3A_275] : memref<32768x128xf32, #tpu.memory_space<hbm>> -> memref<128x128xf32, #tpu.memory_space<hbm>>
        %dma_start3A_277 = arith.constant 0 : i32
        %dma_start3A_278 = tpu.memref_slice %arg6[%add3A_269, %dma_start3A_277] : memref<32768x128xf32, #tpu.memory_space<hbm>> -> memref<128x128xf32, #tpu.memory_space<hbm>>
        %dma_start3A_279 = arith.constant 0 : i32
        %dma_start3A_280 = arith.constant 0 : i32
        %dma_start3A_281 = tpu.memref_slice %arg11[%run_scoped3A_270, %dma_start3A_279, %dma_start3A_280] : memref<4x128x128xf32, #tpu.memory_space<vmem>> -> memref<1x128x128xf32, #tpu.memory_space<vmem>>
        %dma_start3A_282 = tpu.memref_squeeze %dma_start3A_281 : memref<1x128x128xf32, #tpu.memory_space<vmem>> -> memref<128x128xf32, #tpu.memory_space<vmem>>
        tpu.enqueue_dma source(%dma_start3A_282 : memref<128x128xf32, #tpu.memory_space<vmem>>) target(%dma_start3A_278 : memref<128x128xf32, #tpu.memory_space<hbm>>) target_semaphore(%run_scoped3A_271 : memref<!tpu.dma_semaphore, #tpu.memory_space<semaphore_mem>>)
        %dma_wait3A = arith.constant 0 : i32
        %dma_wait3A_283 = arith.constant 0 : i32
        %dma_wait3A_284 = tpu.memref_slice %arg11[%run_scoped3A_270, %dma_wait3A, %dma_wait3A_283] : memref<4x128x128xf32, #tpu.memory_space<vmem>> -> memref<1x128x128xf32, #tpu.memory_space<vmem>>
        %dma_wait3A_285 = tpu.memref_squeeze %dma_wait3A_284 : memref<1x128x128xf32, #tpu.memory_space<vmem>> -> memref<128x128xf32, #tpu.memory_space<vmem>>
        %dma_wait3A_286 = arith.constant 0 : i32
        %dma_wait3A_287 = tpu.memref_slice %arg6[%add3A_269, %dma_wait3A_286] : memref<32768x128xf32, #tpu.memory_space<hbm>> -> memref<128x128xf32, #tpu.memory_space<hbm>>
        %dma_wait3A_288 = arith.constant 0 : i32
        %dma_wait3A_289 = tpu.memref_slice %arg6[%add3A_269, %dma_wait3A_288] : memref<32768x128xf32, #tpu.memory_space<hbm>> -> memref<128x128xf32, #tpu.memory_space<hbm>>
        %dma_wait3A_290 = arith.constant 0 : i32
        %dma_wait3A_291 = arith.constant 0 : i32
        %dma_wait3A_292 = tpu.memref_slice %arg11[%run_scoped3A_270, %dma_wait3A_290, %dma_wait3A_291] : memref<4x128x128xf32, #tpu.memory_space<vmem>> -> memref<1x128x128xf32, #tpu.memory_space<vmem>>
        %dma_wait3A_293 = tpu.memref_squeeze %dma_wait3A_292 : memref<1x128x128xf32, #tpu.memory_space<vmem>> -> memref<128x128xf32, #tpu.memory_space<vmem>>
        tpu.wait_dma2 semaphore(%run_scoped3A_271 : memref<!tpu.dma_semaphore, #tpu.memory_space<semaphore_mem>>) src(%dma_wait3A_293 : memref<128x128xf32, #tpu.memory_space<vmem>>) dst(%dma_wait3A_289 : memref<128x128xf32, #tpu.memory_space<hbm>>)
        tpu.yield
      }) : () -> ()
    } else {
    }
    %gt3A_239 = arith.constant 256 : i32
    %gt3A_240 = arith.cmpi sgt, %sub3A_181, %gt3A_239 : i32
    %convert_element_type3A_241 = arith.extui %gt3A_240 : i1 to i32
    %cond3A_242 = arith.constant 0 : i32
    %cond3A_243 = arith.cmpi ne, %convert_element_type3A_241, %cond3A_242 : i32
    scf.if %cond3A_243 {
      %dma_wait3A = arith.constant 2 : i32
      %dma_wait3A_266 = arith.constant 0 : i32
      %dma_wait3A_267 = arith.constant 0 : i32
      %dma_wait3A_268 = tpu.memref_slice %arg11[%dma_wait3A, %dma_wait3A_266, %dma_wait3A_267] : memref<4x128x128xf32, #tpu.memory_space<vmem>> -> memref<1x128x128xf32, #tpu.memory_space<vmem>>
      %dma_wait3A_269 = tpu.memref_squeeze %dma_wait3A_268 : memref<1x128x128xf32, #tpu.memory_space<vmem>> -> memref<128x128xf32, #tpu.memory_space<vmem>>
      %dma_wait3A_270 = arith.constant 256 : i32
      %dma_wait3A_271 = tpu.memref_slice %arg10[%dma_wait3A_270] : memref<512xi32, #tpu.memory_space<vmem>> -> memref<128xi32, #tpu.memory_space<vmem>>
      %dma_wait3A_272 = arith.constant 0 : i32
      %dma_wait3A_273 = arith.constant 0 : i32
      %dma_wait3A_274 = tpu.memref_slice %arg4[%dma_wait3A_272, %dma_wait3A_273] : memref<16384x128xf32, #tpu.memory_space<hbm>> -> memref<16384x128xf32, #tpu.memory_space<hbm>>
      tpu.wait_indirect_dma semaphore(%arg14 : memref<!tpu.dma_semaphore, #tpu.memory_space<semaphore_mem>>) src(%dma_wait3A_274 : memref<16384x128xf32, #tpu.memory_space<hbm>>) dst(%dma_wait3A_269 : memref<128x128xf32, #tpu.memory_space<vmem>>)
    } else {
    }
    %gt3A_244 = arith.constant 256 : i32
    %gt3A_245 = arith.cmpi sgt, %sub3A_181, %gt3A_244 : i32
    %convert_element_type3A_246 = arith.extui %gt3A_245 : i1 to i32
    %cond3A_247 = arith.constant 0 : i32
    %cond3A_248 = arith.cmpi ne, %convert_element_type3A_246, %cond3A_247 : i32
    scf.if %cond3A_248 {
      %mul3A_266 = arith.constant 512 : i32
      %mul3A_267 = arith.muli %add3A_127, %mul3A_266 : i32
      %add3A_268 = arith.constant 256 : i32
      %add3A_269 = arith.addi %mul3A_267, %add3A_268 : i32
      %run_scoped3A_270 = arith.constant 2 : i32
      "tpu.region"() ({
        %run_scoped3A_271 = tpu.sem_alloc : memref<!tpu.dma_semaphore, #tpu.memory_space<semaphore_mem>>
        %dma_start3A = arith.constant 0 : i32
        %dma_start3A_272 = arith.constant 0 : i32
        %dma_start3A_273 = tpu.memref_slice %arg11[%run_scoped3A_270, %dma_start3A, %dma_start3A_272] : memref<4x128x128xf32, #tpu.memory_space<vmem>> -> memref<1x128x128xf32, #tpu.memory_space<vmem>>
        %dma_start3A_274 = tpu.memref_squeeze %dma_start3A_273 : memref<1x128x128xf32, #tpu.memory_space<vmem>> -> memref<128x128xf32, #tpu.memory_space<vmem>>
        %dma_start3A_275 = arith.constant 0 : i32
        %dma_start3A_276 = tpu.memref_slice %arg6[%add3A_269, %dma_start3A_275] : memref<32768x128xf32, #tpu.memory_space<hbm>> -> memref<128x128xf32, #tpu.memory_space<hbm>>
        %dma_start3A_277 = arith.constant 0 : i32
        %dma_start3A_278 = tpu.memref_slice %arg6[%add3A_269, %dma_start3A_277] : memref<32768x128xf32, #tpu.memory_space<hbm>> -> memref<128x128xf32, #tpu.memory_space<hbm>>
        %dma_start3A_279 = arith.constant 0 : i32
        %dma_start3A_280 = arith.constant 0 : i32
        %dma_start3A_281 = tpu.memref_slice %arg11[%run_scoped3A_270, %dma_start3A_279, %dma_start3A_280] : memref<4x128x128xf32, #tpu.memory_space<vmem>> -> memref<1x128x128xf32, #tpu.memory_space<vmem>>
        %dma_start3A_282 = tpu.memref_squeeze %dma_start3A_281 : memref<1x128x128xf32, #tpu.memory_space<vmem>> -> memref<128x128xf32, #tpu.memory_space<vmem>>
        tpu.enqueue_dma source(%dma_start3A_282 : memref<128x128xf32, #tpu.memory_space<vmem>>) target(%dma_start3A_278 : memref<128x128xf32, #tpu.memory_space<hbm>>) target_semaphore(%run_scoped3A_271 : memref<!tpu.dma_semaphore, #tpu.memory_space<semaphore_mem>>)
        %dma_wait3A = arith.constant 0 : i32
        %dma_wait3A_283 = arith.constant 0 : i32
        %dma_wait3A_284 = tpu.memref_slice %arg11[%run_scoped3A_270, %dma_wait3A, %dma_wait3A_283] : memref<4x128x128xf32, #tpu.memory_space<vmem>> -> memref<1x128x128xf32, #tpu.memory_space<vmem>>
        %dma_wait3A_285 = tpu.memref_squeeze %dma_wait3A_284 : memref<1x128x128xf32, #tpu.memory_space<vmem>> -> memref<128x128xf32, #tpu.memory_space<vmem>>
        %dma_wait3A_286 = arith.constant 0 : i32
        %dma_wait3A_287 = tpu.memref_slice %arg6[%add3A_269, %dma_wait3A_286] : memref<32768x128xf32, #tpu.memory_space<hbm>> -> memref<128x128xf32, #tpu.memory_space<hbm>>
        %dma_wait3A_288 = arith.constant 0 : i32
        %dma_wait3A_289 = tpu.memref_slice %arg6[%add3A_269, %dma_wait3A_288] : memref<32768x128xf32, #tpu.memory_space<hbm>> -> memref<128x128xf32, #tpu.memory_space<hbm>>
        %dma_wait3A_290 = arith.constant 0 : i32
        %dma_wait3A_291 = arith.constant 0 : i32
        %dma_wait3A_292 = tpu.memref_slice %arg11[%run_scoped3A_270, %dma_wait3A_290, %dma_wait3A_291] : memref<4x128x128xf32, #tpu.memory_space<vmem>> -> memref<1x128x128xf32, #tpu.memory_space<vmem>>
        %dma_wait3A_293 = tpu.memref_squeeze %dma_wait3A_292 : memref<1x128x128xf32, #tpu.memory_space<vmem>> -> memref<128x128xf32, #tpu.memory_space<vmem>>
        tpu.wait_dma2 semaphore(%run_scoped3A_271 : memref<!tpu.dma_semaphore, #tpu.memory_space<semaphore_mem>>) src(%dma_wait3A_293 : memref<128x128xf32, #tpu.memory_space<vmem>>) dst(%dma_wait3A_289 : memref<128x128xf32, #tpu.memory_space<hbm>>)
        tpu.yield
      }) : () -> ()
    } else {
    }
    %gt3A_249 = arith.constant 384 : i32
    %gt3A_250 = arith.cmpi sgt, %sub3A_181, %gt3A_249 : i32
    %convert_element_type3A_251 = arith.extui %gt3A_250 : i1 to i32
    %cond3A_252 = arith.constant 0 : i32
    %cond3A_253 = arith.cmpi ne, %convert_element_type3A_251, %cond3A_252 : i32
    scf.if %cond3A_253 {
      %dma_wait3A = arith.constant 3 : i32
      %dma_wait3A_266 = arith.constant 0 : i32
      %dma_wait3A_267 = arith.constant 0 : i32
      %dma_wait3A_268 = tpu.memref_slice %arg11[%dma_wait3A, %dma_wait3A_266, %dma_wait3A_267] : memref<4x128x128xf32, #tpu.memory_space<vmem>> -> memref<1x128x128xf32, #tpu.memory_space<vmem>>
      %dma_wait3A_269 = tpu.memref_squeeze %dma_wait3A_268 : memref<1x128x128xf32, #tpu.memory_space<vmem>> -> memref<128x128xf32, #tpu.memory_space<vmem>>
      %dma_wait3A_270 = arith.constant 384 : i32
      %dma_wait3A_271 = tpu.memref_slice %arg10[%dma_wait3A_270] : memref<512xi32, #tpu.memory_space<vmem>> -> memref<128xi32, #tpu.memory_space<vmem>>
      %dma_wait3A_272 = arith.constant 0 : i32
      %dma_wait3A_273 = arith.constant 0 : i32
      %dma_wait3A_274 = tpu.memref_slice %arg4[%dma_wait3A_272, %dma_wait3A_273] : memref<16384x128xf32, #tpu.memory_space<hbm>> -> memref<16384x128xf32, #tpu.memory_space<hbm>>
      tpu.wait_indirect_dma semaphore(%arg14 : memref<!tpu.dma_semaphore, #tpu.memory_space<semaphore_mem>>) src(%dma_wait3A_274 : memref<16384x128xf32, #tpu.memory_space<hbm>>) dst(%dma_wait3A_269 : memref<128x128xf32, #tpu.memory_space<vmem>>)
    } else {
    }
    %gt3A_254 = arith.constant 384 : i32
    %gt3A_255 = arith.cmpi sgt, %sub3A_181, %gt3A_254 : i32
    %convert_element_type3A_256 = arith.extui %gt3A_255 : i1 to i32
    %cond3A_257 = arith.constant 0 : i32
    %cond3A_258 = arith.cmpi ne, %convert_element_type3A_256, %cond3A_257 : i32
    scf.if %cond3A_258 {
      %mul3A_266 = arith.constant 512 : i32
      %mul3A_267 = arith.muli %add3A_127, %mul3A_266 : i32
      %add3A_268 = arith.constant 384 : i32
      %add3A_269 = arith.addi %mul3A_267, %add3A_268 : i32
      %run_scoped3A_270 = arith.constant 3 : i32
      "tpu.region"() ({
        %run_scoped3A_271 = tpu.sem_alloc : memref<!tpu.dma_semaphore, #tpu.memory_space<semaphore_mem>>
        %dma_start3A = arith.constant 0 : i32
        %dma_start3A_272 = arith.constant 0 : i32
        %dma_start3A_273 = tpu.memref_slice %arg11[%run_scoped3A_270, %dma_start3A, %dma_start3A_272] : memref<4x128x128xf32, #tpu.memory_space<vmem>> -> memref<1x128x128xf32, #tpu.memory_space<vmem>>
        %dma_start3A_274 = tpu.memref_squeeze %dma_start3A_273 : memref<1x128x128xf32, #tpu.memory_space<vmem>> -> memref<128x128xf32, #tpu.memory_space<vmem>>
        %dma_start3A_275 = arith.constant 0 : i32
        %dma_start3A_276 = tpu.memref_slice %arg6[%add3A_269, %dma_start3A_275] : memref<32768x128xf32, #tpu.memory_space<hbm>> -> memref<128x128xf32, #tpu.memory_space<hbm>>
        %dma_start3A_277 = arith.constant 0 : i32
        %dma_start3A_278 = tpu.memref_slice %arg6[%add3A_269, %dma_start3A_277] : memref<32768x128xf32, #tpu.memory_space<hbm>> -> memref<128x128xf32, #tpu.memory_space<hbm>>
        %dma_start3A_279 = arith.constant 0 : i32
        %dma_start3A_280 = arith.constant 0 : i32
        %dma_start3A_281 = tpu.memref_slice %arg11[%run_scoped3A_270, %dma_start3A_279, %dma_start3A_280] : memref<4x128x128xf32, #tpu.memory_space<vmem>> -> memref<1x128x128xf32, #tpu.memory_space<vmem>>
        %dma_start3A_282 = tpu.memref_squeeze %dma_start3A_281 : memref<1x128x128xf32, #tpu.memory_space<vmem>> -> memref<128x128xf32, #tpu.memory_space<vmem>>
        tpu.enqueue_dma source(%dma_start3A_282 : memref<128x128xf32, #tpu.memory_space<vmem>>) target(%dma_start3A_278 : memref<128x128xf32, #tpu.memory_space<hbm>>) target_semaphore(%run_scoped3A_271 : memref<!tpu.dma_semaphore, #tpu.memory_space<semaphore_mem>>)
        %dma_wait3A = arith.constant 0 : i32
        %dma_wait3A_283 = arith.constant 0 : i32
        %dma_wait3A_284 = tpu.memref_slice %arg11[%run_scoped3A_270, %dma_wait3A, %dma_wait3A_283] : memref<4x128x128xf32, #tpu.memory_space<vmem>> -> memref<1x128x128xf32, #tpu.memory_space<vmem>>
        %dma_wait3A_285 = tpu.memref_squeeze %dma_wait3A_284 : memref<1x128x128xf32, #tpu.memory_space<vmem>> -> memref<128x128xf32, #tpu.memory_space<vmem>>
        %dma_wait3A_286 = arith.constant 0 : i32
        %dma_wait3A_287 = tpu.memref_slice %arg6[%add3A_269, %dma_wait3A_286] : memref<32768x128xf32, #tpu.memory_space<hbm>> -> memref<128x128xf32, #tpu.memory_space<hbm>>
        %dma_wait3A_288 = arith.constant 0 : i32
        %dma_wait3A_289 = tpu.memref_slice %arg6[%add3A_269, %dma_wait3A_288] : memref<32768x128xf32, #tpu.memory_space<hbm>> -> memref<128x128xf32, #tpu.memory_space<hbm>>
        %dma_wait3A_290 = arith.constant 0 : i32
        %dma_wait3A_291 = arith.constant 0 : i32
        %dma_wait3A_292 = tpu.memref_slice %arg11[%run_scoped3A_270, %dma_wait3A_290, %dma_wait3A_291] : memref<4x128x128xf32, #tpu.memory_space<vmem>> -> memref<1x128x128xf32, #tpu.memory_space<vmem>>
        %dma_wait3A_293 = tpu.memref_squeeze %dma_wait3A_292 : memref<1x128x128xf32, #tpu.memory_space<vmem>> -> memref<128x128xf32, #tpu.memory_space<vmem>>
        tpu.wait_dma2 semaphore(%run_scoped3A_271 : memref<!tpu.dma_semaphore, #tpu.memory_space<semaphore_mem>>) src(%dma_wait3A_293 : memref<128x128xf32, #tpu.memory_space<vmem>>) dst(%dma_wait3A_289 : memref<128x128xf32, #tpu.memory_space<hbm>>)
        tpu.yield
      }) : () -> ()
    } else {
    }
    %scan3A_259 = arith.constant 0 : i32
    %scan3A_260 = arith.constant 0 : i32
    %scan3A_261 = arith.constant 32 : i32
    %scan3A_262 = arith.addi %scan3A_260, %scan3A_261 : i32
    %scan3A_263 = arith.constant 1 : i32
    %scan3A_264 = scf.for %scan3A_266 = %scan3A_260 to %scan3A_262 step %scan3A_263 iter_args(%scan3A_267 = %scan3A_259) -> (i32)  : i32 {
      %mul3A_268 = arith.constant 16 : i32
      %mul3A_269 = arith.muli %scan3A_266, %mul3A_268 : i32
      %add3A_270 = vector.broadcast %mul3A_269 : i32 to vector<16xi32>
      %add3A_271 = arith.addi %add3A_270, %iota3A : vector<16xi32>
      %lt3A_272 = vector.broadcast %sub3A_181 : i32 to vector<16xi32>
      %lt3A_273 = arith.cmpi slt, %add3A_271, %lt3A_272 : vector<16xi32>
      %eq3A_274 = arith.constant 0 : i32
      %eq3A_275 = vector.broadcast %eq3A_274 : i32 to vector<16xi32>
      %eq3A_276 = arith.cmpi eq, %add3A_271, %eq3A_275 : vector<16xi32>
      %eq3A_277 = arith.constant 0 : i32
      %eq3A_278 = arith.cmpi eq, %sub3A_181, %eq3A_277 : i32
      %and3A_279 = vector.broadcast %eq3A_278 : i1 to vector<16xi1>
      %and3A_280 = arith.andi %eq3A_276, %and3A_279 : vector<16xi1>
      %or3A = arith.ori %lt3A_273, %and3A_280 : vector<16xi1>
      %jit3A_281 = arith.constant 1 : i32
      %jit3A_282 = arith.constant 0 : i32
      %broadcast_in_dim3A_283 = vector.broadcast %jit3A_281 : i32 to vector<16xi32>
      %broadcast_in_dim3A_284 = vector.broadcast %jit3A_282 : i32 to vector<16xi32>
      %select_n3A_285 = arith.select %or3A, %broadcast_in_dim3A_283, %broadcast_in_dim3A_284 : vector<16xi1>, vector<16xi32>
      %mul3A_286 = arith.constant 16 : i32
      %mul3A_287 = arith.muli %scan3A_266, %mul3A_286 : i32
      %swap3A = arith.index_cast %mul3A_287 : i32 to index
      %swap3A_288 = tpu.vector_load %arg13[%swap3A] {strides = array<i32>} : memref<512xi32, #tpu.memory_space<vmem>>, vector<16xi32>,
      tpu.vector_store %arg13[%swap3A], %select_n3A_285 {strides = array<i32>} : memref<512xi32, #tpu.memory_space<vmem>>, vector<16xi32>,
      %scan3A_289 = arith.constant 0 : i32
      scf.yield %scan3A_289 : i32
    }
    %scan3A_265 = arith.constant 32 : i32
    "tpu.region"() ({
      %run_scoped3A_266 = tpu.sem_alloc : memref<!tpu.dma_semaphore, #tpu.memory_space<semaphore_mem>>
      %dma_start3A = arith.constant 0 : i32
      %dma_start3A_267 = tpu.memref_slice %arg7[%add3A_127, %dma_start3A] : memref<64x512xi32, #tpu.memory_space<hbm>> -> memref<1x512xi32, #tpu.memory_space<hbm>>
      %dma_start3A_268 = tpu.memref_squeeze %dma_start3A_267 : memref<1x512xi32, #tpu.memory_space<hbm>> -> memref<512xi32, #tpu.memory_space<hbm>>
      %dma_start3A_269 = arith.constant 0 : i32
      %dma_start3A_270 = tpu.memref_slice %arg7[%add3A_127, %dma_start3A_269] : memref<64x512xi32, #tpu.memory_space<hbm>> -> memref<1x512xi32, #tpu.memory_space<hbm>>
      %dma_start3A_271 = tpu.memref_squeeze %dma_start3A_270 : memref<1x512xi32, #tpu.memory_space<hbm>> -> memref<512xi32, #tpu.memory_space<hbm>>
      tpu.enqueue_dma source(%arg13 : memref<512xi32, #tpu.memory_space<vmem>>) target(%dma_start3A_271 : memref<512xi32, #tpu.memory_space<hbm>>) target_semaphore(%run_scoped3A_266 : memref<!tpu.dma_semaphore, #tpu.memory_space<semaphore_mem>>)
      %dma_wait3A = arith.constant 0 : i32
      %dma_wait3A_272 = tpu.memref_slice %arg7[%add3A_127, %dma_wait3A] : memref<64x512xi32, #tpu.memory_space<hbm>> -> memref<1x512xi32, #tpu.memory_space<hbm>>
      %dma_wait3A_273 = tpu.memref_squeeze %dma_wait3A_272 : memref<1x512xi32, #tpu.memory_space<hbm>> -> memref<512xi32, #tpu.memory_space<hbm>>
      %dma_wait3A_274 = arith.constant 0 : i32
      %dma_wait3A_275 = tpu.memref_slice %arg7[%add3A_127, %dma_wait3A_274] : memref<64x512xi32, #tpu.memory_space<hbm>> -> memref<1x512xi32, #tpu.memory_space<hbm>>
      %dma_wait3A_276 = tpu.memref_squeeze %dma_wait3A_275 : memref<1x512xi32, #tpu.memory_space<hbm>> -> memref<512xi32, #tpu.memory_space<hbm>>
      tpu.wait_dma2 semaphore(%run_scoped3A_266 : memref<!tpu.dma_semaphore, #tpu.memory_space<semaphore_mem>>) src(%arg13 : memref<512xi32, #tpu.memory_space<vmem>>) dst(%dma_wait3A_276 : memref<512xi32, #tpu.memory_space<hbm>>)
      tpu.yield
    }) : () -> ()
    return
  }
}

module attributes {stable_mosaic.version = 14 : i64} {
  func.func @_tc_mlp_body(%arg0: i32, %arg1: memref<2048x128xf32, #tpu.memory_space<vmem>>, %arg2: memref<2048x128xf32, #tpu.memory_space<vmem>>, %arg3: memref<2048x128xf32, #tpu.memory_space<vmem>>, %arg4: memref<2048x128xf32, #tpu.memory_space<vmem>>, %arg5: memref<2048x1xi32, #tpu.memory_space<vmem>>, %arg6: memref<128x128xf32, #tpu.memory_space<vmem>>, %arg7: memref<1x640xf32, #tpu.memory_space<vmem>>, %arg8: memref<1x640xf32, #tpu.memory_space<vmem>>, %arg9: memref<640x512xf32, #tpu.memory_space<vmem>>, %arg10: memref<1x512xf32, #tpu.memory_space<vmem>>, %arg11: memref<512x128xf32, #tpu.memory_space<vmem>>, %arg12: memref<1x128xf32, #tpu.memory_space<vmem>>, %arg13: memref<2048x128xf32, #tpu.memory_space<vmem>>) attributes {dimension_semantics = [#tpu.dimension_semantics<arbitrary>], iteration_bounds = array<i64: 8>, scalar_prefetch = 0 : i64, scratch_operands = 0 : i64, tpu.core_type = #tpu.core_type<tc>, window_params = [{transform_indices = @transform_0, window_bounds = array<i64: 2048, 128>}, {transform_indices = @transform_1, window_bounds = array<i64: 2048, 128>}, {transform_indices = @transform_2, window_bounds = array<i64: 2048, 128>}, {transform_indices = @transform_3, window_bounds = array<i64: 2048, 128>}, {transform_indices = @transform_4, window_bounds = array<i64: 2048, 1>}, {pipeline_mode = #tpu.pipeline_mode<synchronous>, transform_indices = @transform_5, window_bounds = array<i64: 128, 128>}, {pipeline_mode = #tpu.pipeline_mode<synchronous>, transform_indices = @transform_6, window_bounds = array<i64: 1, 640>}, {pipeline_mode = #tpu.pipeline_mode<synchronous>, transform_indices = @transform_7, window_bounds = array<i64: 1, 640>}, {pipeline_mode = #tpu.pipeline_mode<synchronous>, transform_indices = @transform_8, window_bounds = array<i64: 640, 512>}, {pipeline_mode = #tpu.pipeline_mode<synchronous>, transform_indices = @transform_9, window_bounds = array<i64: 1, 512>}, {pipeline_mode = #tpu.pipeline_mode<synchronous>, transform_indices = @transform_10, window_bounds = array<i64: 512, 128>}, {pipeline_mode = #tpu.pipeline_mode<synchronous>, transform_indices = @transform_11, window_bounds = array<i64: 1, 128>}, {transform_indices = @transform_12, window_bounds = array<i64: 2048, 128>}]} {
    %get3A = arith.constant 0 : index
    %get3A_0 = arith.constant 0 : index
    %get3A_1 = vector.load %arg5[%get3A, %get3A_0] : memref<2048x1xi32, #tpu.memory_space<vmem>>, vector<2048x1xi32>
    %iota3A = tpu.iota {dimensions = array<i32: 1>} : vector<2048x128xi32>
    %eq3A = vector.broadcast %get3A_1 : vector<2048x1xi32> to vector<2048x128xi32>
    %eq3A_2 = arith.cmpi eq, %eq3A, %iota3A : vector<2048x128xi32>
    %jit3A = arith.constant 1.000000e+00 : f32
    %jit3A_3 = arith.constant 0.000000e+00 : f32
    %broadcast_in_dim3A = vector.broadcast %jit3A : f32 to vector<2048x128xf32>
    %broadcast_in_dim3A_4 = vector.broadcast %jit3A_3 : f32 to vector<2048x128xf32>
    %select_n3A = arith.select %eq3A_2, %broadcast_in_dim3A, %broadcast_in_dim3A_4 : vector<2048x128xi1>, vector<2048x128xf32>
    %get3A_5 = arith.constant 0 : index
    %get3A_6 = arith.constant 0 : index
    %get3A_7 = vector.load %arg6[%get3A_5, %get3A_6] : memref<128x128xf32, #tpu.memory_space<vmem>>, vector<128x128xf32>
    %dot_general3A = arith.constant dense<0.000000e+00> : vector<2048x128xf32>
    %dot_general3A_8 = tpu.matmul %select_n3A, %get3A_7, %dot_general3A {dimension_numbers = #tpu.dot_dimension_numbers<[1], [0], [0], [1], [0, 0, 1, 1], [], []>, precision = #tpu.contract_precision<fp32>, transpose_lhs_hint = false} : vector<2048x128xf32>, vector<128x128xf32>, vector<2048x128xf32> -> vector<2048x128xf32>
    %get3A_9 = arith.constant 0 : index
    %get3A_10 = arith.constant 0 : index
    %get3A_11 = vector.load %arg1[%get3A_9, %get3A_10] : memref<2048x128xf32, #tpu.memory_space<vmem>>, vector<2048x128xf32>
    %get3A_12 = arith.constant 0 : index
    %get3A_13 = arith.constant 0 : index
    %get3A_14 = vector.load %arg2[%get3A_12, %get3A_13] : memref<2048x128xf32, #tpu.memory_space<vmem>>, vector<2048x128xf32>
    %get3A_15 = arith.constant 0 : index
    %get3A_16 = arith.constant 0 : index
    %get3A_17 = vector.load %arg3[%get3A_15, %get3A_16] : memref<2048x128xf32, #tpu.memory_space<vmem>>, vector<2048x128xf32>
    %get3A_18 = arith.constant 0 : index
    %get3A_19 = arith.constant 0 : index
    %get3A_20 = vector.load %arg4[%get3A_18, %get3A_19] : memref<2048x128xf32, #tpu.memory_space<vmem>>, vector<2048x128xf32>
    %concatenate3A = tpu.concatenate %get3A_11, %get3A_14, %get3A_17, %get3A_20, %dot_general3A_8 in 1 : vector<2048x128xf32>, vector<2048x128xf32>, vector<2048x128xf32>, vector<2048x128xf32>, vector<2048x128xf32> -> vector<2048x640xf32>
    %reduce_sum3A = arith.constant dense<0.000000e+00> : vector<2048xf32>
    %reduce_sum3A_21 = vector.multi_reduction <add>, %concatenate3A, %reduce_sum3A [1] : vector<2048x640xf32> to vector<2048xf32>
    %broadcast_in_dim3A_22 = vector.shape_cast %reduce_sum3A_21 : vector<2048xf32> to vector<2048x1xf32>
    %div3A = arith.constant 6.400000e+02 : f32
    %div3A_23 = vector.broadcast %div3A : f32 to vector<2048x1xf32>
    %div3A_24 = arith.divf %broadcast_in_dim3A_22, %div3A_23 : vector<2048x1xf32>
    %sub3A = vector.broadcast %div3A_24 : vector<2048x1xf32> to vector<2048x640xf32>
    %sub3A_25 = arith.subf %concatenate3A, %sub3A : vector<2048x640xf32>
    %integer_pow3A = arith.mulf %sub3A_25, %sub3A_25 : vector<2048x640xf32>
    %reduce_sum3A_26 = arith.constant dense<0.000000e+00> : vector<2048xf32>
    %reduce_sum3A_27 = vector.multi_reduction <add>, %integer_pow3A, %reduce_sum3A_26 [1] : vector<2048x640xf32> to vector<2048xf32>
    %broadcast_in_dim3A_28 = vector.shape_cast %reduce_sum3A_27 : vector<2048xf32> to vector<2048x1xf32>
    %div3A_29 = arith.constant 6.400000e+02 : f32
    %div3A_30 = vector.broadcast %div3A_29 : f32 to vector<2048x1xf32>
    %div3A_31 = arith.divf %broadcast_in_dim3A_28, %div3A_30 : vector<2048x1xf32>
    %sub3A_32 = vector.broadcast %div3A_24 : vector<2048x1xf32> to vector<2048x640xf32>
    %sub3A_33 = arith.subf %concatenate3A, %sub3A_32 : vector<2048x640xf32>
    %add3A = arith.constant 9.99999974E-6 : f32
    %add3A_34 = vector.broadcast %add3A : f32 to vector<2048x1xf32>
    %add3A_35 = arith.addf %div3A_31, %add3A_34 : vector<2048x1xf32>
    %rsqrt3A = math.rsqrt %add3A_35 : vector<2048x1xf32>
    %mul3A = vector.broadcast %rsqrt3A : vector<2048x1xf32> to vector<2048x640xf32>
    %mul3A_36 = arith.mulf %sub3A_33, %mul3A : vector<2048x640xf32>
    %get3A_37 = arith.constant 0 : index
    %get3A_38 = arith.constant 0 : index
    %get3A_39 = vector.load %arg7[%get3A_37, %get3A_38] : memref<1x640xf32, #tpu.memory_space<vmem>>, vector<1x640xf32>
    %mul3A_40 = vector.broadcast %get3A_39 : vector<1x640xf32> to vector<2048x640xf32>
    %mul3A_41 = arith.mulf %mul3A_36, %mul3A_40 : vector<2048x640xf32>
    %get3A_42 = arith.constant 0 : index
    %get3A_43 = arith.constant 0 : index
    %get3A_44 = vector.load %arg8[%get3A_42, %get3A_43] : memref<1x640xf32, #tpu.memory_space<vmem>>, vector<1x640xf32>
    %add3A_45 = vector.broadcast %get3A_44 : vector<1x640xf32> to vector<2048x640xf32>
    %add3A_46 = arith.addf %mul3A_41, %add3A_45 : vector<2048x640xf32>
    %get3A_47 = arith.constant 0 : index
    %get3A_48 = arith.constant 0 : index
    %get3A_49 = vector.load %arg9[%get3A_47, %get3A_48] : memref<640x512xf32, #tpu.memory_space<vmem>>, vector<640x512xf32>
    %dot_general3A_50 = arith.constant dense<0.000000e+00> : vector<2048x512xf32>
    %dot_general3A_51 = tpu.matmul %add3A_46, %get3A_49, %dot_general3A_50 {dimension_numbers = #tpu.dot_dimension_numbers<[1], [0], [0], [1], [0, 0, 1, 1], [], []>, transpose_lhs_hint = false} : vector<2048x640xf32>, vector<640x512xf32>, vector<2048x512xf32> -> vector<2048x512xf32>
    %get3A_52 = arith.constant 0 : index
    %get3A_53 = arith.constant 0 : index
    %get3A_54 = vector.load %arg10[%get3A_52, %get3A_53] : memref<1x512xf32, #tpu.memory_space<vmem>>, vector<1x512xf32>
    %add3A_55 = vector.broadcast %get3A_54 : vector<1x512xf32> to vector<2048x512xf32>
    %add3A_56 = arith.addf %dot_general3A_51, %add3A_55 : vector<2048x512xf32>
    %logistic3A = arith.negf %add3A_56 : vector<2048x512xf32>
    %logistic3A_57 = math.exp %logistic3A : vector<2048x512xf32>
    %logistic3A_58 = arith.constant 1.000000e+00 : f32
    %logistic3A_59 = vector.broadcast %logistic3A_58 : f32 to vector<2048x512xf32>
    %logistic3A_60 = arith.addf %logistic3A_59, %logistic3A_57 : vector<2048x512xf32>
    %logistic3A_61 = arith.divf %logistic3A_59, %logistic3A_60 : vector<2048x512xf32>
    %mul3A_62 = arith.mulf %add3A_56, %logistic3A_61 : vector<2048x512xf32>
    %get3A_63 = arith.constant 0 : index
    %get3A_64 = arith.constant 0 : index
    %get3A_65 = vector.load %arg11[%get3A_63, %get3A_64] : memref<512x128xf32, #tpu.memory_space<vmem>>, vector<512x128xf32>
    %dot_general3A_66 = arith.constant dense<0.000000e+00> : vector<2048x128xf32>
    %dot_general3A_67 = tpu.matmul %mul3A_62, %get3A_65, %dot_general3A_66 {dimension_numbers = #tpu.dot_dimension_numbers<[1], [0], [0], [1], [0, 0, 1, 1], [], []>, transpose_lhs_hint = false} : vector<2048x512xf32>, vector<512x128xf32>, vector<2048x128xf32> -> vector<2048x128xf32>
    %get3A_68 = arith.constant 0 : index
    %get3A_69 = arith.constant 0 : index
    %get3A_70 = vector.load %arg12[%get3A_68, %get3A_69] : memref<1x128xf32, #tpu.memory_space<vmem>>, vector<1x128xf32>
    %add3A_71 = vector.broadcast %get3A_70 : vector<1x128xf32> to vector<2048x128xf32>
    %add3A_72 = arith.addf %dot_general3A_67, %add3A_71 : vector<2048x128xf32>
    %swap3A = arith.constant 0 : index
    %swap3A_73 = arith.constant 0 : index
    %swap3A_74 = vector.load %arg13[%swap3A, %swap3A_73] : memref<2048x128xf32, #tpu.memory_space<vmem>>, vector<2048x128xf32>
    tpu.vector_store %arg13[%swap3A, %swap3A_73], %add3A_72 {strides = array<i32>} : memref<2048x128xf32, #tpu.memory_space<vmem>>, vector<2048x128xf32>,
    return
  }
  func.func @transform_0(%arg0: i32) -> (i32, i32) {
    %c0_i32 = arith.constant 0 : i32
    %c0_i32_0 = arith.constant 0 : i32
    return %arg0, %c0_i32 : i32, i32
  }
  func.func @transform_1(%arg0: i32) -> (i32, i32) {
    %c0_i32 = arith.constant 0 : i32
    %c0_i32_0 = arith.constant 0 : i32
    return %arg0, %c0_i32 : i32, i32
  }
  func.func @transform_2(%arg0: i32) -> (i32, i32) {
    %c0_i32 = arith.constant 0 : i32
    %c0_i32_0 = arith.constant 0 : i32
    return %arg0, %c0_i32 : i32, i32
  }
  func.func @transform_3(%arg0: i32) -> (i32, i32) {
    %c0_i32 = arith.constant 0 : i32
    %c0_i32_0 = arith.constant 0 : i32
    return %arg0, %c0_i32 : i32, i32
  }
  func.func @transform_4(%arg0: i32) -> (i32, i32) {
    %c0_i32 = arith.constant 0 : i32
    %c0_i32_0 = arith.constant 0 : i32
    return %arg0, %c0_i32 : i32, i32
  }
  func.func @transform_5(%arg0: i32) -> (i32, i32) {
    %c0_i32 = arith.constant 0 : i32
    %c0_i32_0 = arith.constant 0 : i32
    %c0_i32_1 = arith.constant 0 : i32
    return %c0_i32, %c0_i32_0 : i32, i32
  }
  func.func @transform_6(%arg0: i32) -> (i32, i32) {
    %c0_i32 = arith.constant 0 : i32
    %c0_i32_0 = arith.constant 0 : i32
    %c0_i32_1 = arith.constant 0 : i32
    return %c0_i32, %c0_i32_0 : i32, i32
  }
  func.func @transform_7(%arg0: i32) -> (i32, i32) {
    %c0_i32 = arith.constant 0 : i32
    %c0_i32_0 = arith.constant 0 : i32
    %c0_i32_1 = arith.constant 0 : i32
    return %c0_i32, %c0_i32_0 : i32, i32
  }
  func.func @transform_8(%arg0: i32) -> (i32, i32) {
    %c0_i32 = arith.constant 0 : i32
    %c0_i32_0 = arith.constant 0 : i32
    %c0_i32_1 = arith.constant 0 : i32
    return %c0_i32, %c0_i32_0 : i32, i32
  }
  func.func @transform_9(%arg0: i32) -> (i32, i32) {
    %c0_i32 = arith.constant 0 : i32
    %c0_i32_0 = arith.constant 0 : i32
    %c0_i32_1 = arith.constant 0 : i32
    return %c0_i32, %c0_i32_0 : i32, i32
  }
  func.func @transform_10(%arg0: i32) -> (i32, i32) {
    %c0_i32 = arith.constant 0 : i32
    %c0_i32_0 = arith.constant 0 : i32
    %c0_i32_1 = arith.constant 0 : i32
    return %c0_i32, %c0_i32_0 : i32, i32
  }
  func.func @transform_11(%arg0: i32) -> (i32, i32) {
    %c0_i32 = arith.constant 0 : i32
    %c0_i32_0 = arith.constant 0 : i32
    %c0_i32_1 = arith.constant 0 : i32
    return %c0_i32, %c0_i32_0 : i32, i32
  }
  func.func @transform_12(%arg0: i32) -> (i32, i32) {
    %c0_i32 = arith.constant 0 : i32
    %c0_i32_0 = arith.constant 0 : i32
    return %arg0, %c0_i32 : i32, i32
  }
}

module attributes {stable_mosaic.version = 14 : i64} {
  func.func @_tc_final_body(%arg0: i32, %arg1: memref<1x8x512x128xf32, #tpu.memory_space<vmem>>, %arg2: memref<1x8x512x1xf32, #tpu.memory_space<vmem>>, %arg3: memref<512x128xf32, #tpu.memory_space<vmem>>, %arg4: memref<8x128xf32, #tpu.memory_space<vmem>>, %arg5: memref<1x8x512x128xf32, #tpu.memory_space<vmem>>) attributes {dimension_semantics = [#tpu.dimension_semantics<arbitrary>], iteration_bounds = array<i64: 8>, scalar_prefetch = 0 : i64, scratch_operands = 0 : i64, tpu.core_type = #tpu.core_type<tc>, window_params = [{transform_indices = @transform_0, window_bounds = array<i64: 1, 8, 512, 128>}, {transform_indices = @transform_1, window_bounds = array<i64: 1, 8, 512, 1>}, {pipeline_mode = #tpu.pipeline_mode<synchronous>, transform_indices = @transform_2, window_bounds = array<i64: 512, 128>}, {pipeline_mode = #tpu.pipeline_mode<synchronous>, transform_indices = @transform_3, window_bounds = array<i64: 8, 128>}, {transform_indices = @transform_4, window_bounds = array<i64: 1, 8, 512, 128>}]} {
    %get3A = arith.constant 0 : index
    %get3A_0 = arith.constant 0 : index
    %get3A_1 = arith.constant 0 : index
    %get3A_2 = arith.constant 0 : index
    %get3A_3 = vector.load %arg1[%get3A, %get3A_0, %get3A_1, %get3A_2] : memref<1x8x512x128xf32, #tpu.memory_space<vmem>>, vector<1x8x512x128xf32>
    %get3A_4 = vector.shape_cast %get3A_3 : vector<1x8x512x128xf32> to vector<8x512x128xf32>
    %get3A_5 = arith.constant 0 : index
    %get3A_6 = arith.constant 0 : index
    %get3A_7 = arith.constant 0 : index
    %get3A_8 = arith.constant 0 : index
    %get3A_9 = vector.load %arg2[%get3A_5, %get3A_6, %get3A_7, %get3A_8] : memref<1x8x512x1xf32, #tpu.memory_space<vmem>>, vector<1x8x512x1xf32>
    %get3A_10 = vector.shape_cast %get3A_9 : vector<1x8x512x1xf32> to vector<8x512x1xf32>
    %get3A_11 = arith.constant 0 : index
    %get3A_12 = arith.constant 0 : index
    %get3A_13 = vector.load %arg3[%get3A_11, %get3A_12] : memref<512x128xf32, #tpu.memory_space<vmem>>, vector<512x128xf32>
    %broadcast_in_dim3A = vector.shape_cast %get3A_13 : vector<512x128xf32> to vector<1x512x128xf32>
    %add3A = vector.broadcast %broadcast_in_dim3A : vector<1x512x128xf32> to vector<8x512x128xf32>
    %add3A_14 = arith.addf %get3A_4, %add3A : vector<8x512x128xf32>
    %get3A_15 = arith.constant 0 : index
    %get3A_16 = arith.constant 0 : index
    %get3A_17 = vector.load %arg4[%get3A_15, %get3A_16] : memref<8x128xf32, #tpu.memory_space<vmem>>, vector<8x128xf32>
    %broadcast_in_dim3A_18 = vector.shape_cast %get3A_17 : vector<8x128xf32> to vector<8x1x128xf32>
    %add3A_19 = vector.broadcast %broadcast_in_dim3A_18 : vector<8x1x128xf32> to vector<8x512x128xf32>
    %add3A_20 = arith.addf %add3A_14, %add3A_19 : vector<8x512x128xf32>
    %gt3A = arith.constant 0.000000e+00 : f32
    %gt3A_21 = vector.broadcast %gt3A : f32 to vector<8x512x1xf32>
    %gt3A_22 = arith.cmpf ogt, %get3A_10, %gt3A_21 : vector<8x512x1xf32>
    %jit3A = arith.constant 0.000000e+00 : f32
    %broadcast_in_dim3A_23 = vector.shape_cast %gt3A_22 : vector<8x512x1xi1> to vector<8x512x1xi1>
    %broadcast_in_dim3A_24 = vector.broadcast %broadcast_in_dim3A_23 : vector<8x512x1xi1> to vector<8x512x128xi1>
    %broadcast_in_dim3A_25 = vector.broadcast %jit3A : f32 to vector<8x512x128xf32>
    %select_n3A = arith.select %broadcast_in_dim3A_24, %add3A_20, %broadcast_in_dim3A_25 : vector<8x512x128xi1>, vector<8x512x128xf32>
    %swap3A = arith.constant 0 : index
    %swap3A_26 = arith.constant 0 : index
    %swap3A_27 = arith.constant 0 : index
    %swap3A_28 = arith.constant 0 : index
    %swap3A_29 = vector.load %arg5[%swap3A, %swap3A_26, %swap3A_27, %swap3A_28] : memref<1x8x512x128xf32, #tpu.memory_space<vmem>>, vector<1x8x512x128xf32>
    %swap3A_30 = vector.shape_cast %swap3A_29 : vector<1x8x512x128xf32> to vector<8x512x128xf32>
    %swap3A_31 = vector.shape_cast %select_n3A : vector<8x512x128xf32> to vector<1x8x512x128xf32>
    tpu.vector_store %arg5[%swap3A, %swap3A_26, %swap3A_27, %swap3A_28], %swap3A_31 {strides = array<i32>} : memref<1x8x512x128xf32, #tpu.memory_space<vmem>>, vector<1x8x512x128xf32>,
    return
  }
  func.func @transform_0(%arg0: i32) -> (i32, i32, i32, i32) {
    %c0_i32 = arith.constant 0 : i32
    %c0_i32_0 = arith.constant 0 : i32
    %c0_i32_1 = arith.constant 0 : i32
    %c0_i32_2 = arith.constant 0 : i32
    return %arg0, %c0_i32, %c0_i32_0, %c0_i32_1 : i32, i32, i32, i32
  }
  func.func @transform_1(%arg0: i32) -> (i32, i32, i32, i32) {
    %c0_i32 = arith.constant 0 : i32
    %c0_i32_0 = arith.constant 0 : i32
    %c0_i32_1 = arith.constant 0 : i32
    %c0_i32_2 = arith.constant 0 : i32
    return %arg0, %c0_i32, %c0_i32_0, %c0_i32_1 : i32, i32, i32, i32
  }
  func.func @transform_2(%arg0: i32) -> (i32, i32) {
    %c0_i32 = arith.constant 0 : i32
    %c0_i32_0 = arith.constant 0 : i32
    %c0_i32_1 = arith.constant 0 : i32
    return %c0_i32, %c0_i32_0 : i32, i32
  }
  func.func @transform_3(%arg0: i32) -> (i32, i32) {
    %c0_i32 = arith.constant 0 : i32
    %c0_i32_0 = arith.constant 0 : i32
    %c0_i32_1 = arith.constant 0 : i32
    return %c0_i32, %c0_i32_0 : i32, i32
  }
  func.func @transform_4(%arg0: i32) -> (i32, i32, i32, i32) {
    %c0_i32 = arith.constant 0 : i32
    %c0_i32_0 = arith.constant 0 : i32
    %c0_i32_1 = arith.constant 0 : i32
    %c0_i32_2 = arith.constant 0 : i32
    return %arg0, %c0_i32, %c0_i32_0, %c0_i32_1 : i32, i32, i32, i32
  }
}

</mosaic_0001>

<sc_bundles>
// kernel: kernel.6.cloned.1.call-start
scs
__scs_entry_jumppad:
0x0: {  	(pc) =	sbr.rel $0x88, $3  }
0x1: {  	(tag) =	ssettag $0x0;
	lr =	simm.s32 $0x1  }
0x2: {  	[smem:$0x3F8F] =	sst lr;
	_ =	strace $0xD0000000  }
0x3: {  	_ = 	snop  }
0x4: {  	_ = 	snop  }
0x5: {  	_ = 	snop  }
0x6: {  	_ = 	snop  }
0x7: {  	_ = 	snop  }
__scs_overlays_trampoline_lowered:
0x8: {  	[smem:$0x3F9E] =	sst s0  }
0x9: {  	[smem:$0x3F9F] =	sst s1  }
0xa: {  	[smem:$0x3FA0] =	sst s2  }
0xb: {  	[smem:$0x3FA1] =	sst s3  }
0xc: {  	[smem:$0x3FA2] =	sst s4  }
0xd: {  	[smem:$0x3FA3] =	sst s5  }
0xe: {  	[smem:$0x3FA4] =	sst s6  }
0xf: {  	[smem:$0x3FA5] =	sst s7  }
0x10: {  	[smem:$0x3FA6] =	sst s8  }
0x11: {  	[smem:$0x3FA7] =	sst s9;
	s0 =	simm.s32 @!p0 $0x0  }
0x12: {  	s1 =	sld [smem:$0x3F8D];
	s0 =	simm.s32 @p0 $0x1  }
0x13: {  	[smem:$0x3FA8] =	sst s0;
	s0 =	simm.s32 @!p1 $0x0  }
0x14: {  	s2 =	sld [smem:$0x3F8C];
	s0 =	simm.s32 @p1 $0x1  }
0x15: {  	[smem:$0x3FA9] =	sst s0;
	s0 =	simm.s32 @!p2 $0x0  }
0x16: {  	s3 =	sld [smem:$0x3FDB];
	s0 =	simm.s32 @p2 $0x1  }
0x17: {  	s4 =	simm.s32 $0x1BF5;
	[smem:$0x3FAB] =	sst s0  }
0x18: {  	s0 =	sld [smem:$0x3F8E];
	_ =	swait.ge [sflag:s4], $0x0  }
0x19: {  	s7 =	sld [smem:$0x3F8F]  }
0x1a: {  	s8 =	sadd.s32 $0xFFFFE003, lr  }
0x1b: {  	s9 =	sadd.s32 $0xFFFFFEF7, lr;
	s5 =	simm.s32 $0xFFFFFFFF;
	p2 =	slt.u32 s8, $0xFFFFF086  }
0x1c: {  	p1 =	slt.u32 s9, $0xF7A;
	s5 =	simm.s32 @!p2 $0x0  }
0x1d: {  	s5 =	simm.s32 @p1 $0x1;
	p0 =	seq.s32 s7, s2  }
0x1e: {  	s7 =	smul.u32 @!p0 $0xF7A, s2;
	p2 =	seq.s32 @!p0 s5, $0x0  }
0x1f: {  	s9 =	smul.u32 $0xF7A, s1;
	s8 =	simm.s32 @!p0 $0x1BF5;
	p2 =	por !p2, p0  }
0x20: {  	[sflag:s8] =	ssyncset.s32 @!p0 $0xFFFFF086;
	s6 =	sadd.s32 @!p0 s3, s7;
	s7 =	simm.s32 @!p0 $0x108  }
0x21: {  	s3 =	sadd.s32 s3, s9;
	s6 =	sadd.s32 @!p0 $0x88, s6;
	s7 =	simm.s32 @p2 $0x1082  }
0x22: {  	[simem:s7], [sflag:s8] =	dma.local @!p0 [hbm:s6], $0xF7A  }
0x23: {  	s9 =	sor.u32 $0xD0000000, s2;
	s6 =	simm.s32 $0x108;
	_ =	swait.ge @!p0 [sflag:s8], $0x0  }
0x24: {  	s3 =	sadd.s32 $0x88, s3;
	s6 =	simm.s32 @!p1 $0x1082;
	[sflag:s4] =	ssyncset.s32 $0xFFFFF086  }
0x25: {  	[simem:s6], [sflag:s4] =	dma.local [hbm:s3], $0xF7A  }
0x26: {  	[smem:$0x3F8F] =	sst s1;
	(tag) =	ssettag s2;
	_ =	strace s9  }
0x27: {  	s1 =	sld [smem:$0x3F9F]  }
0x28: {  	s2 =	sld [smem:$0x3FA0]  }
0x29: {  	s4 =	sld [smem:$0x3FA2]  }
0x2a: {  	p0 =	seq.s32 s5, $0x0;
	s5 =	sld [smem:$0x3FA3]  }
0x2b: {  	s6 =	sld [smem:$0x3FA4]  }
0x2c: {  	s7 =	sld [smem:$0x3FA5]  }
0x2d: {  	s3 =	simm.s32 $0x108;
	s8 =	sld [smem:$0x3FA6]  }
0x2e: {  	s3 =	simm.s32 @!p0 $0x1082;
	s9 =	sld [smem:$0x3FA7]  }
0x2f: {  	lr =	sadd.s32 s0, s3;
	s0 =	sld [smem:$0x3F9E]  }
0x30: {  	s3 =	sld [smem:$0x3FA1]  }
0x31: {  	[smem:$0x3FAA] =	sst s10  }
0x32: {  	s10 =	sld [smem:$0x3FA8];
	_ =	sdelay $0x3  }
0x33: {  	p0 =	seq.s32 s10, $0x1;
	s10 =	sld [smem:$0x3FAA];
	_ =	sdelay $0x3  }
0x34: {  	[smem:$0x3FAA] =	sst s10  }
0x35: {  	s10 =	sld [smem:$0x3FA9];
	_ =	sdelay $0x3  }
0x36: {  	p1 =	seq.s32 s10, $0x1;
	s10 =	sld [smem:$0x3FAA];
	_ =	sdelay $0x3  }
0x37: {  	[smem:$0x3FAA] =	sst s10  }
0x38: {  	s10 =	sld [smem:$0x3FAB]  }
0x39: {  	_ = 	snop;
	(pc) =	sbr.ind lr, $3  }
0x3a: {  	_ = 	snop  }
0x3b: {  	_ = 	snop  }
0x3c: {  	p2 =	seq.s32 s10, $0x1;
	s10 =	sld [smem:$0x3FAA]  }
0x3d: {  	_ =	shalt  }
0x3e: {  	_ =	shalt  }
0x3f: {  	_ =	shalt  }
0x40: {  	_ =	shalt  }
0x41: {  	_ =	shalt  }
0x42: {  	_ =	shalt  }
0x43: {  	_ =	shalt  }
0x44: {  	_ =	shalt  }
0x45: {  	_ =	shalt  }
0x46: {  	_ =	shalt  }
0x47: {  	_ =	shalt  }
0x48: {  	_ =	shalt  }
0x49: {  	_ =	shalt  }
0x4a: {  	_ =	shalt  }
0x4b: {  	_ =	shalt  }
0x4c: {  	_ =	shalt  }
0x4d: {  	_ =	shalt  }
0x4e: {  	_ =	shalt  }
0x4f: {  	_ =	shalt  }
0x50: {  	_ =	shalt  }
0x51: {  	_ =	shalt  }
0x52: {  	_ =	shalt  }
0x53: {  	_ =	shalt  }
0x54: {  	_ =	shalt  }
0x55: {  	_ =	shalt  }
0x56: {  	_ =	shalt  }
0x57: {  	_ =	shalt  }
0x58: {  	_ =	shalt  }
0x59: {  	_ =	shalt  }
0x5a: {  	_ =	shalt  }
0x5b: {  	_ =	shalt  }
0x5c: {  	_ =	shalt  }
0x5d: {  	_ =	shalt  }
0x5e: {  	_ =	shalt  }
0x5f: {  	_ =	shalt  }
0x60: {  	_ =	shalt  }
0x61: {  	_ =	shalt  }
0x62: {  	_ =	shalt  }
0x63: {  	_ =	shalt  }
0x64: {  	_ =	shalt  }
0x65: {  	_ =	shalt  }
0x66: {  	_ =	shalt  }
0x67: {  	_ =	shalt  }
0x68: {  	_ =	shalt  }
0x69: {  	_ =	shalt  }
0x6a: {  	_ =	shalt  }
0x6b: {  	_ =	shalt  }
0x6c: {  	_ =	shalt  }
0x6d: {  	_ =	shalt  }
0x6e: {  	_ =	shalt  }
0x6f: {  	_ =	shalt  }
0x70: {  	_ =	shalt  }
0x71: {  	_ =	shalt  }
0x72: {  	_ =	shalt  }
0x73: {  	_ =	shalt  }
0x74: {  	_ =	shalt  }
0x75: {  	_ =	shalt  }
0x76: {  	_ =	shalt  }
0x77: {  	_ =	shalt  }
0x78: {  	_ =	shalt  }
0x79: {  	_ =	shalt  }
0x7a: {  	_ =	shalt  }
0x7b: {  	_ =	shalt  }
0x7c: {  	_ =	shalt  }
0x7d: {  	_ =	shalt  }
0x7e: {  	_ =	shalt  }
0x7f: {  	_ =	shalt  }
0x80: {  	_ =	shalt  }
0x81: {  	_ =	shalt  }
0x82: {  	_ =	shalt  }
0x83: {  	_ =	shalt  }
0x84: {  	_ =	shalt  }
0x85: {  	_ =	shalt  }
0x86: {  	_ =	shalt  }
0x87: {  	_ =	shalt  }
.Lfunc_end0:
.L_simem_size_0:
called_computation_lowered:
.L_overlay_start_0:
0x88: {  	s2 =	sld [smem:$0x3FD9]  }
0x89: {  	s3 =	sld [smem:$0x3FFE];
	_ =	sdelay $0x1  }
0x8a: {  	s1 =	srdreg.scid  }
0x8b: {  	s0 =	sand.u32 $0x1, s1  }
0x8c: {  	s17 =	sshll.u32 s0, $0xA;
	s2 =	sadd.s32 s3, s2  }
0x8d: {  	s2 =	sadd.s32 s2, s17  }
0x8e: {  	[smem:$0x3FB6] =	sst s2  }
0x8f: {  	_ = 	snop  }
0x90: {  	s2 =	sld [smem:$0x3FC2];
	(tm) =	ssettm $0x1  }
0x91: {  	s18 =	sld [smem:$0x3FFB];
	_ =	sdelay $0x3  }
0x92: {  	_ =	strace s18  }
0x93: {  	s3 =	sld [smem:$0x3FFC];
	_ =	sdelay $0x3  }
0x94: {  	_ =	strace s3  }
0x95: {  	s3 =	sld [smem:$0x3FFD];
	_ =	sdelay $0x3  }
0x96: {  	_ =	strace s3  }
0x97: {  	_ =	strace $0x8FFFFFFF  }
0x98: {  	s19 =	sld [smem:$0x3FDB];
	_ =	sdelay $0x1  }
0x99: {  	s4 =	simm.s32 $_scs_section_size  }
0x9a: {  	s5 =	simm.s32 $_size__tile_overlayer_lowered;
	s6 =	simm.s32 $_tile_overlayer_lowered  }
0x9b: {  	s22 =	simm.s32 $0x1BFF;
	s21 =	sshll.u32 s6, $0x1;
	s3 =	sadd.s32 s4, s19  }
0x9c: {  	s7 =	simm.s32 $0x0;
	s20 =	sshll.u32 s5, $0x1;
	s5 =	sadd.s32 s21, s3  }
0x9d: {  	[timem:s7], [sflag:s22] =	dma.local [hbm:s5], s20  }
0x9e: {  	_ =	swait.ge [sflag:s22], s20  }
0x9f: {  	s4 =	ssub.s32 $0x0, s20;
	[sflag:s22] =	ssyncset.done $0x0  }
0xa0: {  	[sflag:s22] =	ssyncadd.s32 s4;
	_ =	sdelay $0x1  }
0xa1: {  	s23 =	simm.s32 $0x1B8B  }
0xa2: {  	_ =	swait.ge [sflag:s23], $0x1  }
0xa3: {  	[sflag:s23] =	ssyncset.done $0x0  }
0xa4: {  	s25 =	simm.s32 $0x1B8E;
	s24 =	sld [smem:$0x3FFE];
	[sflag:s23] =	ssyncadd.s32 $0xFFFFFFFF  }
0xa5: {  	s26 =	simm.s32 $execute0_lowered;
	[smem:$0x3FD2] =	sst s25  }
0xa6: {  	s5 =	sshll.u32 s26, $0x1;
	_ =	strace $0x80000046;
	[dreg:$0x1] =	wrdreg $0xFFFFFFFF  }
0xa7: {  	s28 =	simm.s32 $_size_execute0_lowered;
	s3 =	sadd.s32 s3, s5;
	[dreg:$0x0] =	wrdreg $0x0  }
0xa8: {  	s5 =	sshll.u32 s28, $0x1;
	[dreg:$0x2] =	wrdreg s3  }
0xa9: {  	[dreg:$0x3] =	wrdreg s5  }
0xaa: {  	[dreg:$0x4] =	wrdreg $0xC0  }
0xab: {  	_ =	task [dreg:s7], $0x5FFFF  }
0xac: {  	[dreg:$0x1] =	wrdreg $0xFFFFFFFF  }
0xad: {  	[dreg:$0x0] =	wrdreg $0x60  }
0xae: {  	[dreg:$0x2] =	wrdreg s2  }
0xaf: {  	[dreg:$0x3] =	wrdreg s24  }
0xb0: {  	[dreg:$0x4] =	wrdreg $0x9  }
0xb1: {  	_ =	task.clear_ibuf [dreg:s7], $0x5FFFF;
	_ =	strace $0x90000046  }
0xb2: {  	s29 =	simm.s32 $0x9;
	_ =	strace $0x80000048  }
0xb3: {  	_ =	swait.ge [sflag:s29], $0x1  }
0xb4: {  	[sflag:s29] =	ssyncadd.s32 $0xFFFFFFFF  }
0xb5: {  	_ =	strace $0x90000048  }
0xb6: {  	_ =	sfence  }
0xb7: {  	s30 =	sld [smem:$0x0];
	_ =	sdelay $0x2  }
0xb8: {  	s31 =	sshll.u32 s1, $0xD;
	s1 =	sshrl.u32 s1, $0x2  }
0xb9: {  	s3 =	sand.u32 $0x4000, s31;
	s1 =	sadd.s32 s1, s30  }
0xba: {  	s0 =	sor.u32 s3, s0;
	s1 =	sshll.u32 s1, $0x11  }
0xbb: {  	s0 =	sor.u32 s1, s0  }
0xbc: {  	s0 =	sadd.s32 $0x8F2B, s0  }
0xbd: {  	[sflag:s0] =	ssyncadd.remote.s32 $0x1  }
0xbe: {  	_ =	sfence.sel $0xFFFF  }
0xbf: {  	[dreg:$0x0] =	wrdreg $0xFFFFFFFF;
	(pc) =	sbr.abs _section_cstart, $3  }
0xc0: {  	[dreg:$0x1] =	wrdreg $0xFFFFFFFF  }
0xc1: {  	_ =	task.clear_ibuf [dreg:s7], $0x2FFFF;
	_ =	strace $0x9FFFFFFF  }
0xc2: {  	(tm) =	ssettm $0x7FFFFFFF  }
0xc3: {  	_ =	shalt  }
tec
execute0_lowered:
.L_overlay_start_1:
0x0: {  	(tag) =	ssettag $0x1  }
0x1: {  	s0 =	srdreg.scid;
	s3 =	rddreg [dreg:$0x0]  }
0x2: {  	s2 =	stileid.u32;
	s1 =	rddreg [dreg:$0x1];
	s30 =	simm.s32 $0x200  }
0x3: {  	s31 =	simm.s32 $0x400;
	s29 =	simm.s32 $0x280;
	s0 =	sand.u32 $0x1, s0  }
0x4: {  	s28 =	simm.s32 $0x480;
	s4 =	sshll.u32 s2, $0xA;
	s5 =	sshll.u32 s0, $0x9  }
0x5: {  	s2 =	simm.s32 $0x0;
	s6 =	sadd.s32 $0x4C00, s1;
	s4 =	sor.u32 s5, s4  }
0x6: {  	s11 =	sadd.s32 $0x44C00, s1;
	s5 =	sshrl.u32 s4, $0x3;
	s4 =	sshll.u32 s4, $0x4  }
0x7: {  	s13 =	sadd.s32 $0x84C00, s1;
	[smem:$0x7FF] =	sst s2;
	s23 =	sadd.s32 s6, s4  }
0x8: {  	_ =	strace $0x80000047;
	s26 =	sadd.s32 s11, s4;
	[dreg:$0x3] =	wrdreg s23  }
0x9: {  	s5 =	sadd.s32 s5, s1;
	s15 =	sadd.s32 s13, s4;
	[dreg:$0x7] =	wrdreg s26  }
0xa: {  	s8 =	sor.u32 $0x800, s4;
	s7 =	sadd.s32 $0x3C00, s5;
	[dreg:$0xb] =	wrdreg s15  }
0xb: {  	s9 =	sor.u32 $0x1000, s4;
	s24 =	sadd.s32 s6, s8;
	[dreg:$0x13] =	wrdreg s7  }
0xc: {  	s10 =	sor.u32 $0x1800, s4;
	s25 =	sadd.s32 s6, s9;
	[dreg:$0x4] =	wrdreg s24  }
0xd: {  	p0 =	por $0x0, $0x0;
	s6 =	sadd.s32 s6, s10;
	[dreg:$0x5] =	wrdreg s25  }
0xe: {  	s0 =	ssub.s32 $0x2, s0;
	s12 =	sadd.s32 s11, s9;
	[dreg:$0x6] =	wrdreg s6  }
0xf: {  	s20 =	sshrl.u32 s0, $0x1;
	s14 =	sadd.s32 s11, s10;
	[dreg:$0x9] =	wrdreg s12  }
0x10: {  	s0 =	ssub.s32 s0, s20;
	s16 =	sadd.s32 s13, s8;
	[dreg:$0xa] =	wrdreg s14  }
0x11: {  	s1 =	sadd.s32 $0xC4C00, s1;
	s17 =	sadd.s32 s13, s9;
	[dreg:$0xc] =	wrdreg s16  }
0x12: {  	s0 =	smax.u32 s0, $0x1;
	s18 =	sadd.s32 s13, s10;
	[dreg:$0xd] =	wrdreg s17  }
0x13: {  	s4 =	sadd.s32 s1, s4;
	s19 =	sadd.s32 s1, s8;
	[dreg:$0xe] =	wrdreg s18  }
0x14: {  	s21 =	sadd.s32 s1, s9;
	s1 =	sadd.s32 s1, s10;
	[dreg:$0xf] =	wrdreg s4  }
0x15: {  	s20 =	sadd.s32 $0x4400, s5;
	s22 =	sadd.s32 $0x3C10, s5;
	[dreg:$0x10] =	wrdreg s19  }
0x16: {  	s23 =	sadd.s32 $0x2C00, s5;
	s26 =	sadd.s32 $0x3C30, s5;
	[dreg:$0x11] =	wrdreg s21  }
0x17: {  	s13 =	simm.s32 $0x580;
	s9 =	simm.s32 $0x4800;
	[dreg:$0x12] =	wrdreg s1  }
0x18: {  	p1 =	sne.s32 s0, $0x1;
	s10 =	simm.s32 $0x3;
	[dreg:$0x17] =	wrdreg s23  }
0x19: {  	s7 =	sadd.s32 s11, s8;
	[dreg:$0x14] =	wrdreg s22;
	s24 =	sadd.s32 $0x3C20, s5  }
0x1a: {  	s25 =	sadd.s32 $0x3400, s5;
	[dreg:$0x16] =	wrdreg s26;
	s4 =	simm.s32 $0x5  }
0x1b: {  	s8 =	simm.s32 $0x80;
	s26 =	simm.s32 $0x680;
	s16 =	simm.s32 $0x300  }
0x1c: {  	s17 =	simm.s32 $0x500;
	s18 =	simm.s32 $0x180;
	s19 =	simm.s32 $0x380  }
.Ltmp0:
0x1d: {  	s23 =	simm.s32 $0x780;
	s11 =	simm.s32 $0x800;
	(pc) =	sbr.rel @!p1 .LBB2_1-.Ltmp0, $4  }
0x1e: {  	s21 =	sadd.s32 $0xFFFFFFFF, s0;
	s5 =	simm.s32 $0xC800;
	[dreg:$0x8] =	wrdreg s7  }
0x1f: {  	s14 =	simm.s32 $0x1;
	s12 =	simm.s32 $0x2;
	[dreg:$0x18] =	wrdreg s25  }
0x20: {  	s6 =	simm.s32 $0x4;
	[dreg:$0x15] =	wrdreg s24;
	s25 =	simm.s32 $0x100  }
0x21: {  	s24 =	simm.s32 $0x700;
	s7 =	simm.s32 $0x8800;
	s22 =	rddreg [dreg:$0x13]  }
0x22: {  	[tilespmem:s2], [sflag:$0x5] =	stream.linear.gather [hbm4b:s22+s2], $0x80, $0x38;
	[tilespmem:$0x10800] =	vst v63  }
0x23: {  	s0 =	rddreg [dreg:$0x14]  }
0x24: {  	[tilespmem:s30], [sflag:$0x5] =	stream.linear.gather [hbm4b:s0+s2], $0x80, $0x38;
	[tilespmem:$0x10800] =	vst v63  }
0x25: {  	s1 =	rddreg [dreg:$0x15]  }
0x26: {  	[tilespmem:s31], [sflag:$0x5] =	stream.linear.gather [hbm4b:s1+s2], $0x80, $0x38;
	[tilespmem:$0x10800] =	vst v63  }
0x27: {  	s15 =	rddreg [dreg:$0x16];
	s22 =	simm.s32 $0x600  }
0x28: {  	[tilespmem:s22], [sflag:$0x5] =	stream.linear.gather [hbm4b:s15+s2], $0x80, $0x38;
	[tilespmem:$0x10800] =	vst v63  }
0x29: {  	_ =	swait.ge [sflag:s4], $0x200  }
0x2a: {  	[sflag:s4] =	ssyncset.done $0x0  }
0x2b: {  	s30 =	sadd.s32 $0x10, s20;
	[sflag:s4] =	ssyncadd.s32 $0xFFFFFE00  }
0x2c: {  	[tilespmem:s8], [sflag:$0x5] =	stream.linear.gather [hbm4b:s20+s2], $0x80, $0x38;
	[tilespmem:$0x10800] =	vst v63  }
0x2d: {  	s1 =	sadd.s32 $0x20, s20;
	[dreg:$0x19] =	wrdreg s30  }
0x2e: {  	[tilespmem:s29], [sflag:$0x5] =	stream.linear.gather [hbm4b:s30+s2], $0x80, $0x38;
	[tilespmem:$0x10800] =	vst v63  }
0x2f: {  	s15 =	sadd.s32 $0x30, s20;
	[dreg:$0x1a] =	wrdreg s1  }
0x30: {  	[tilespmem:s28], [sflag:$0x5] =	stream.linear.gather [hbm4b:s1+s2], $0x80, $0x38;
	[tilespmem:$0x10800] =	vst v63  }
0x31: {  	[dreg:$0x1b] =	wrdreg s15  }
0x32: {  	[tilespmem:s26], [sflag:$0x5] =	stream.linear.gather [hbm4b:s15+s2], $0x80, $0x38;
	[tilespmem:$0x10800] =	vst v63  }
0x33: {  	_ =	swait.ge [sflag:s4], $0x200  }
0x34: {  	[sflag:s4] =	ssyncset.done $0x0;
	s28 =	rddreg [dreg:$0x17]  }
0x35: {  	[dreg:$0x1e] =	wrdreg s20;
	[sflag:s4] =	ssyncadd.s32 $0xFFFFFE00;
	s15 =	sadd.s32 $0x10, s28  }
0x36: {  	[tilespmem:s25], [sflag:$0x5] =	stream.linear.gather [hbm4b:s28+s2], $0x80, $0x38;
	[tilespmem:$0x10800] =	vst v63  }
0x37: {  	s0 =	sadd.s32 $0x30, s28;
	[dreg:$0x1c] =	wrdreg s15  }
0x38: {  	[tilespmem:s16], [sflag:$0x5] =	stream.linear.gather [hbm4b:s15+s2], $0x80, $0x38;
	[tilespmem:$0x10800] =	vst v63  }
0x39: {  	[dreg:$0x1f] =	wrdreg s0;
	s16 =	sadd.s32 $0x20, s28  }
0x3a: {  	[tilespmem:s17], [sflag:$0x5] =	stream.linear.gather [hbm4b:s16+s2], $0x80, $0x38;
	[tilespmem:$0x10800] =	vst v63  }
0x3b: {  	[dreg:$0x1d] =	wrdreg s16  }
0x3c: {  	[tilespmem:s24], [sflag:$0x5] =	stream.linear.gather [hbm4b:s0+s2], $0x80, $0x38;
	[tilespmem:$0x10800] =	vst v63  }
0x3d: {  	_ =	swait.ge [sflag:s4], $0x200  }
0x3e: {  	[sflag:s4] =	ssyncset.done $0x0  }
0x3f: {  	s20 =	rddreg [dreg:$0x18];
	[sflag:s4] =	ssyncadd.s32 $0xFFFFFE00  }
0x40: {  	[tilespmem:s18], [sflag:$0x5] =	stream.linear.gather [hbm4b:s20+s2], $0x80, $0x38;
	[tilespmem:$0x10800] =	vst v63  }
0x41: {  	s25 =	sadd.s32 $0x10, s20  }
0x42: {  	[tilespmem:s19], [sflag:$0x5] =	stream.linear.gather [hbm4b:s25+s2], $0x80, $0x38;
	[tilespmem:$0x10800] =	vst v63  }
0x43: {  	s0 =	sadd.s32 $0x20, s20  }
0x44: {  	[tilespmem:s13], [sflag:$0x5] =	stream.linear.gather [hbm4b:s0+s2], $0x80, $0x38;
	[tilespmem:$0x10800] =	vst v63  }
0x45: {  	s20 =	sadd.s32 $0x30, s20  }
0x46: {  	[tilespmem:s23], [sflag:$0x5] =	stream.linear.gather [hbm4b:s20+s2], $0x80, $0x38;
	[tilespmem:$0x10800] =	vst v63  }
0x47: {  	_ =	swait.ge [sflag:s4], $0x200  }
0x48: {  	[sflag:s4] =	ssyncset.done $0x0  }
0x49: {  	[sflag:s4] =	ssyncadd.s32 $0xFFFFFE00  }
0x4a: {  	[tilespmem:s11], [sflag:$0x1] =	stream.indirect.gather [hbm4b:s3+s8], $0x80, s2, s8, $0xb8;
	[tilespmem:$0x10800] =	vst v63  }
0x4b: {  	s29 =	simm.s32 $0x200  }
0x4c: {  	[tilespmem:s9], [sflag:$0x2] =	stream.indirect.gather [hbm4b:s3+s8], $0x80, s29, s8, $0xb8;
	[tilespmem:$0x10800] =	vst v63  }
0x4d: {  	s28 =	simm.s32 $0x400  }
0x4e: {  	[tilespmem:s7], [sflag:$0x3] =	stream.indirect.gather [hbm4b:s3+s8], $0x80, s28, s8, $0xb8;
	[tilespmem:$0x10800] =	vst v63  }
0x4f: {  	_ = 	snop  }
0x50: {  	[tilespmem:s5], [sflag:$0x4] =	stream.indirect.gather [hbm4b:s3+s8], $0x80, s22, s8, $0xb8;
	[tilespmem:$0x10800] =	vst v63  }
0x51: {  	_ =	swait.ge [sflag:s14], $0x4000  }
0x52: {  	[sflag:s14] =	ssyncset.done $0x0  }
0x53: {  	s28 =	rddreg [dreg:$0x3];
	[sflag:s14] =	ssyncadd.s32 $0xFFFFC000  }
0x54: {  	[hbm4b:s28+s2] =	stream.linear.scatter [tilespmem:s11], [sflag:$0x5], $0x4000, $0x38;
	[tilespmem:$0x10800] =	vst v63  }
0x55: {  	_ =	swait.ge [sflag:s4], $0x4000  }
0x56: {  	[sflag:s4] =	ssyncset.done $0x0  }
0x57: {  	[sflag:s4] =	ssyncadd.s32 $0xFFFFC000  }
0x58: {  	[tilespmem:s11], [sflag:$0x1] =	stream.indirect.gather [hbm4b:s3+s8], $0x80, s8, s8, $0xb8;
	[tilespmem:$0x10800] =	vst v63  }
0x59: {  	_ =	swait.ge [sflag:s12], $0x4000  }
0x5a: {  	[sflag:s12] =	ssyncset.done $0x0  }
0x5b: {  	s29 =	rddreg [dreg:$0x4];
	[sflag:s12] =	ssyncadd.s32 $0xFFFFC000  }
0x5c: {  	[hbm4b:s29+s2] =	stream.linear.scatter [tilespmem:s9], [sflag:$0x5], $0x4000, $0x38;
	[tilespmem:$0x10800] =	vst v63  }
0x5d: {  	_ =	swait.ge [sflag:s4], $0x4000  }
0x5e: {  	[sflag:s4] =	ssyncset.done $0x0  }
0x5f: {  	s17 =	simm.s32 $0x280;
	[sflag:s4] =	ssyncadd.s32 $0xFFFFC000  }
0x60: {  	[tilespmem:s9], [sflag:$0x2] =	stream.indirect.gather [hbm4b:s3+s8], $0x80, s17, s8, $0xb8;
	[tilespmem:$0x10800] =	vst v63  }
0x61: {  	_ =	swait.ge [sflag:s10], $0x4000  }
0x62: {  	[sflag:s10] =	ssyncset.done $0x0  }
0x63: {  	s17 =	rddreg [dreg:$0x5];
	[sflag:s10] =	ssyncadd.s32 $0xFFFFC000  }
0x64: {  	[hbm4b:s17+s2] =	stream.linear.scatter [tilespmem:s7], [sflag:$0x5], $0x4000, $0x38;
	[tilespmem:$0x10800] =	vst v63  }
0x65: {  	_ =	swait.ge [sflag:s4], $0x4000  }
0x66: {  	[sflag:s4] =	ssyncset.done $0x0  }
0x67: {  	s1 =	simm.s32 $0x480;
	[sflag:s4] =	ssyncadd.s32 $0xFFFFC000  }
0x68: {  	[tilespmem:s7], [sflag:$0x3] =	stream.indirect.gather [hbm4b:s3+s8], $0x80, s1, s8, $0xb8;
	[tilespmem:$0x10800] =	vst v63  }
0x69: {  	_ =	swait.ge [sflag:s6], $0x4000  }
0x6a: {  	[sflag:s6] =	ssyncset.done $0x0  }
0x6b: {  	s31 =	smov.u32 s25;
	s25 =	rddreg [dreg:$0x6];
	[sflag:s6] =	ssyncadd.s32 $0xFFFFC000  }
0x6c: {  	[hbm4b:s25+s2] =	stream.linear.scatter [tilespmem:s5], [sflag:$0x5], $0x4000, $0x38;
	[tilespmem:$0x10800] =	vst v63  }
0x6d: {  	_ =	swait.ge [sflag:s4], $0x4000  }
0x6e: {  	[sflag:s4] =	ssyncset.done $0x0  }
0x6f: {  	s18 =	simm.s32 $0x680;
	[sflag:s4] =	ssyncadd.s32 $0xFFFFC000  }
0x70: {  	[tilespmem:s5], [sflag:$0x4] =	stream.indirect.gather [hbm4b:s3+s8], $0x80, s18, s8, $0xb8;
	[tilespmem:$0x10800] =	vst v63  }
0x71: {  	_ =	swait.ge [sflag:s14], $0x4000  }
0x72: {  	[sflag:s14] =	ssyncset.done $0x0  }
0x73: {  	s28 =	rddreg [dreg:$0x7];
	[sflag:s14] =	ssyncadd.s32 $0xFFFFC000  }
0x74: {  	[hbm4b:s28+s2] =	stream.linear.scatter [tilespmem:s11], [sflag:$0x5], $0x4000, $0x38;
	[tilespmem:$0x10800] =	vst v63  }
0x75: {  	_ =	swait.ge [sflag:s4], $0x4000  }
0x76: {  	[sflag:s4] =	ssyncset.done $0x0  }
0x77: {  	s15 =	simm.s32 $0x100;
	[sflag:s4] =	ssyncadd.s32 $0xFFFFC000  }
0x78: {  	[tilespmem:s11], [sflag:$0x1] =	stream.indirect.gather [hbm4b:s3+s8], $0x80, s15, s8, $0xb8;
	[tilespmem:$0x10800] =	vst v63  }
0x79: {  	_ =	swait.ge [sflag:s12], $0x4000  }
0x7a: {  	[sflag:s12] =	ssyncset.done $0x0  }
0x7b: {  	s29 =	rddreg [dreg:$0x8];
	[sflag:s12] =	ssyncadd.s32 $0xFFFFC000  }
0x7c: {  	[hbm4b:s29+s2] =	stream.linear.scatter [tilespmem:s9], [sflag:$0x5], $0x4000, $0x38;
	[tilespmem:$0x10800] =	vst v63  }
0x7d: {  	_ =	swait.ge [sflag:s4], $0x4000  }
0x7e: {  	[sflag:s4] =	ssyncset.done $0x0  }
0x7f: {  	s30 =	simm.s32 $0x300;
	[sflag:s4] =	ssyncadd.s32 $0xFFFFC000  }
0x80: {  	[tilespmem:s9], [sflag:$0x2] =	stream.indirect.gather [hbm4b:s3+s8], $0x80, s30, s8, $0xb8;
	[tilespmem:$0x10800] =	vst v63  }
0x81: {  	_ =	swait.ge [sflag:s10], $0x4000  }
0x82: {  	[sflag:s10] =	ssyncset.done $0x0  }
0x83: {  	s1 =	rddreg [dreg:$0x9];
	[sflag:s10] =	ssyncadd.s32 $0xFFFFC000  }
0x84: {  	[hbm4b:s1+s2] =	stream.linear.scatter [tilespmem:s7], [sflag:$0x5], $0x4000, $0x38;
	[tilespmem:$0x10800] =	vst v63  }
0x85: {  	_ =	swait.ge [sflag:s4], $0x4000  }
0x86: {  	[sflag:s4] =	ssyncset.done $0x0  }
0x87: {  	s26 =	simm.s32 $0x500;
	[sflag:s4] =	ssyncadd.s32 $0xFFFFC000  }
0x88: {  	[tilespmem:s7], [sflag:$0x3] =	stream.indirect.gather [hbm4b:s3+s8], $0x80, s26, s8, $0xb8;
	[tilespmem:$0x10800] =	vst v63  }
0x89: {  	_ =	swait.ge [sflag:s6], $0x4000  }
0x8a: {  	[sflag:s6] =	ssyncset.done $0x0  }
0x8b: {  	s15 =	rddreg [dreg:$0xa];
	[sflag:s6] =	ssyncadd.s32 $0xFFFFC000  }
0x8c: {  	[hbm4b:s15+s2] =	stream.linear.scatter [tilespmem:s5], [sflag:$0x5], $0x4000, $0x38;
	[tilespmem:$0x10800] =	vst v63  }
0x8d: {  	_ =	swait.ge [sflag:s4], $0x4000  }
0x8e: {  	[sflag:s4] =	ssyncset.done $0x0  }
0x8f: {  	s13 =	simm.s32 $0x700;
	[sflag:s4] =	ssyncadd.s32 $0xFFFFC000  }
0x90: {  	[tilespmem:s5], [sflag:$0x4] =	stream.indirect.gather [hbm4b:s3+s8], $0x80, s13, s8, $0xb8;
	[tilespmem:$0x10800] =	vst v63  }
0x91: {  	_ =	swait.ge [sflag:s14], $0x4000  }
0x92: {  	[sflag:s14] =	ssyncset.done $0x0  }
0x93: {  	s17 =	rddreg [dreg:$0xb];
	[sflag:s14] =	ssyncadd.s32 $0xFFFFC000  }
0x94: {  	[hbm4b:s17+s2] =	stream.linear.scatter [tilespmem:s11], [sflag:$0x5], $0x4000, $0x38;
	[tilespmem:$0x10800] =	vst v63  }
0x95: {  	_ =	swait.ge [sflag:s4], $0x4000  }
0x96: {  	[sflag:s4] =	ssyncset.done $0x0  }
0x97: {  	s24 =	simm.s32 $0x180;
	[sflag:s4] =	ssyncadd.s32 $0xFFFFC000  }
0x98: {  	[tilespmem:s11], [sflag:$0x1] =	stream.indirect.gather [hbm4b:s3+s8], $0x80, s24, s8, $0xb8;
	[tilespmem:$0x10800] =	vst v63  }
0x99: {  	_ =	swait.ge [sflag:s12], $0x4000  }
0x9a: {  	[sflag:s12] =	ssyncset.done $0x0  }
0x9b: {  	s18 =	rddreg [dreg:$0xc];
	[sflag:s12] =	ssyncadd.s32 $0xFFFFC000  }
0x9c: {  	[hbm4b:s18+s2] =	stream.linear.scatter [tilespmem:s9], [sflag:$0x5], $0x4000, $0x38;
	[tilespmem:$0x10800] =	vst v63  }
0x9d: {  	_ =	swait.ge [sflag:s4], $0x4000  }
0x9e: {  	[sflag:s4] =	ssyncset.done $0x0  }
0x9f: {  	s19 =	simm.s32 $0x380;
	[sflag:s4] =	ssyncadd.s32 $0xFFFFC000  }
0xa0: {  	[tilespmem:s9], [sflag:$0x2] =	stream.indirect.gather [hbm4b:s3+s8], $0x80, s19, s8, $0xb8;
	[tilespmem:$0x10800] =	vst v63  }
0xa1: {  	_ =	swait.ge [sflag:s10], $0x4000  }
0xa2: {  	[sflag:s10] =	ssyncset.done $0x0  }
0xa3: {  	s24 =	rddreg [dreg:$0xd];
	[sflag:s10] =	ssyncadd.s32 $0xFFFFC000  }
0xa4: {  	[hbm4b:s24+s2] =	stream.linear.scatter [tilespmem:s7], [sflag:$0x5], $0x4000, $0x38;
	[tilespmem:$0x10800] =	vst v63  }
0xa5: {  	_ =	swait.ge [sflag:s4], $0x4000  }
0xa6: {  	[sflag:s4] =	ssyncset.done $0x0  }
0xa7: {  	s16 =	simm.s32 $0x580;
	[sflag:s4] =	ssyncadd.s32 $0xFFFFC000  }
0xa8: {  	[tilespmem:s7], [sflag:$0x3] =	stream.indirect.gather [hbm4b:s3+s8], $0x80, s16, s8, $0xb8;
	[tilespmem:$0x10800] =	vst v63  }
0xa9: {  	_ =	swait.ge [sflag:s6], $0x4000  }
0xaa: {  	[sflag:s6] =	ssyncset.done $0x0  }
0xab: {  	s25 =	rddreg [dreg:$0xe];
	[sflag:s6] =	ssyncadd.s32 $0xFFFFC000  }
0xac: {  	[hbm4b:s25+s2] =	stream.linear.scatter [tilespmem:s5], [sflag:$0x5], $0x4000, $0x38;
	[tilespmem:$0x10800] =	vst v63  }
0xad: {  	_ =	swait.ge [sflag:s4], $0x4000  }
0xae: {  	[sflag:s4] =	ssyncset.done $0x0  }
0xaf: {  	[sflag:s4] =	ssyncadd.s32 $0xFFFFC000  }
0xb0: {  	[tilespmem:s5], [sflag:$0x4] =	stream.indirect.gather [hbm4b:s3+s8], $0x80, s23, s8, $0xb8;
	[tilespmem:$0x10800] =	vst v63  }
0xb1: {  	_ =	swait.ge [sflag:s14], $0x4000  }
0xb2: {  	[sflag:s14] =	ssyncset.done $0x0  }
0xb3: {  	s26 =	rddreg [dreg:$0xf];
	[sflag:s14] =	ssyncadd.s32 $0xFFFFC000  }
0xb4: {  	[hbm4b:s26+s2] =	stream.linear.scatter [tilespmem:s11], [sflag:$0x5], $0x4000, $0x38;
	[tilespmem:$0x10800] =	vst v63  }
0xb5: {  	_ =	swait.ge [sflag:s4], $0x4000  }
0xb6: {  	[sflag:s4] =	ssyncset.done $0x0  }
0xb7: {  	[sflag:s4] =	ssyncadd.s32 $0xFFFFC000  }
0xb8: {  	_ =	swait.ge [sflag:s12], $0x4000  }
0xb9: {  	[sflag:s12] =	ssyncset.done $0x0  }
0xba: {  	s28 =	rddreg [dreg:$0x10];
	[sflag:s12] =	ssyncadd.s32 $0xFFFFC000  }
0xbb: {  	[hbm4b:s28+s2] =	stream.linear.scatter [tilespmem:s9], [sflag:$0x5], $0x4000, $0x38;
	[tilespmem:$0x10800] =	vst v63  }
0xbc: {  	_ =	swait.ge [sflag:s4], $0x4000  }
0xbd: {  	[sflag:s4] =	ssyncset.done $0x0  }
0xbe: {  	[sflag:s4] =	ssyncadd.s32 $0xFFFFC000  }
0xbf: {  	_ =	swait.ge [sflag:s10], $0x4000  }
0xc0: {  	[sflag:s10] =	ssyncset.done $0x0  }
0xc1: {  	s29 =	rddreg [dreg:$0x11];
	[sflag:s10] =	ssyncadd.s32 $0xFFFFC000  }
0xc2: {  	[hbm4b:s29+s2] =	stream.linear.scatter [tilespmem:s7], [sflag:$0x5], $0x4000, $0x38;
	[tilespmem:$0x10800] =	vst v63  }
0xc3: {  	_ =	swait.ge [sflag:s4], $0x4000  }
0xc4: {  	[sflag:s4] =	ssyncset.done $0x0  }
0xc5: {  	[sflag:s4] =	ssyncadd.s32 $0xFFFFC000  }
0xc6: {  	p1 =	sne.s32 s21, $0x1;
	_ =	swait.ge [sflag:s6], $0x4000  }
.Ltmp1:
0xc7: {  	[sflag:s6] =	ssyncset.done $0x0;
	(pc) =	sbr.rel @!p1 .LBB2_7-.Ltmp1, $4  }
0xc8: {  	s30 =	rddreg [dreg:$0x12];
	[sflag:s6] =	ssyncadd.s32 $0xFFFFC000  }
0xc9: {  	[hbm4b:s30+s2] =	stream.linear.scatter [tilespmem:s5], [sflag:$0x5], $0x4000, $0x38;
	[tilespmem:$0x10800] =	vst v63  }
0xca: {  	s21 =	sadd.s32 $0xFFFFFFFF, s21;
	_ =	swait.ge [sflag:s4], $0x4000  }
0xcb: {  	p0 =	por $0x1, $0x1;
	s22 =	rddreg [dreg:$0x13];
	[sflag:s4] =	ssyncset.done $0x0  }
0xcc: {  	s28 =	smov.u32 s0;
	s0 =	smov.u32 s20;
	s29 =	simm.s32 $0x200  }
0xcd: {  	s30 =	simm.s32 $0x400;
	s17 =	simm.s32 $0x600;
	s26 =	simm.s32 $0x280  }
0xce: {  	s1 =	simm.s32 $0x480;
	s25 =	simm.s32 $0x680;
	s15 =	simm.s32 $0x100  }
0xcf: {  	s18 =	simm.s32 $0x300;
	s24 =	simm.s32 $0x180;
	s20 =	simm.s32 $0x380  }
.LBB2_4:
0xd0: {  	[sflag:s4] =	ssyncadd.s32 $0xFFFFC000  }
0xd1: {  	[tilespmem:s2], [sflag:$0x5] =	stream.linear.gather [hbm4b:s22+s2], $0x80, $0x38;
	[tilespmem:$0x10800] =	vst v63  }
0xd2: {  	s23 =	rddreg [dreg:$0x14]  }
0xd3: {  	[tilespmem:s29], [sflag:$0x5] =	stream.linear.gather [hbm4b:s23+s2], $0x80, $0x38;
	[tilespmem:$0x10800] =	vst v63  }
0xd4: {  	s13 =	rddreg [dreg:$0x15]  }
0xd5: {  	[tilespmem:s30], [sflag:$0x5] =	stream.linear.gather [hbm4b:s13+s2], $0x80, $0x38;
	[tilespmem:$0x10800] =	vst v63  }
0xd6: {  	s16 =	rddreg [dreg:$0x16]  }
0xd7: {  	[tilespmem:s17], [sflag:$0x5] =	stream.linear.gather [hbm4b:s16+s2], $0x80, $0x38;
	[tilespmem:$0x10800] =	vst v63  }
0xd8: {  	_ =	swait.ge [sflag:s4], $0x200  }
0xd9: {  	[sflag:s4] =	ssyncset.done $0x0  }
0xda: {  	s13 =	rddreg [dreg:$0x1e];
	[sflag:s4] =	ssyncadd.s32 $0xFFFFFE00  }
0xdb: {  	[tilespmem:s8], [sflag:$0x5] =	stream.linear.gather [hbm4b:s13+s2], $0x80, $0x38;
	[tilespmem:$0x10800] =	vst v63  }
0xdc: {  	s19 =	rddreg [dreg:$0x19]  }
0xdd: {  	[tilespmem:s26], [sflag:$0x5] =	stream.linear.gather [hbm4b:s19+s2], $0x80, $0x38;
	[tilespmem:$0x10800] =	vst v63  }
0xde: {  	s13 =	rddreg [dreg:$0x1a]  }
0xdf: {  	[tilespmem:s1], [sflag:$0x5] =	stream.linear.gather [hbm4b:s13+s2], $0x80, $0x38;
	[tilespmem:$0x10800] =	vst v63  }
0xe0: {  	s16 =	rddreg [dreg:$0x1b]  }
0xe1: {  	[tilespmem:s25], [sflag:$0x5] =	stream.linear.gather [hbm4b:s16+s2], $0x80, $0x38;
	[tilespmem:$0x10800] =	vst v63  }
0xe2: {  	_ =	swait.ge [sflag:s4], $0x200  }
0xe3: {  	[sflag:s4] =	ssyncset.done $0x0  }
0xe4: {  	s19 =	rddreg [dreg:$0x17];
	[sflag:s4] =	ssyncadd.s32 $0xFFFFFE00  }
0xe5: {  	[tilespmem:s15], [sflag:$0x5] =	stream.linear.gather [hbm4b:s19+s2], $0x80, $0x38;
	[tilespmem:$0x10800] =	vst v63  }
0xe6: {  	s19 =	rddreg [dreg:$0x1c]  }
0xe7: {  	[tilespmem:s18], [sflag:$0x5] =	stream.linear.gather [hbm4b:s19+s2], $0x80, $0x38;
	[tilespmem:$0x10800] =	vst v63  }
0xe8: {  	s22 =	rddreg [dreg:$0x1d];
	s19 =	simm.s32 $0x500  }
0xe9: {  	[tilespmem:s19], [sflag:$0x5] =	stream.linear.gather [hbm4b:s22+s2], $0x80, $0x38;
	[tilespmem:$0x10800] =	vst v63  }
0xea: {  	s13 =	simm.s32 $0x700;
	s16 =	rddreg [dreg:$0x1f]  }
0xeb: {  	[tilespmem:s13], [sflag:$0x5] =	stream.linear.gather [hbm4b:s16+s2], $0x80, $0x38;
	[tilespmem:$0x10800] =	vst v63  }
0xec: {  	_ =	swait.ge [sflag:s4], $0x200  }
0xed: {  	[sflag:s4] =	ssyncset.done $0x0  }
0xee: {  	s16 =	rddreg [dreg:$0x18];
	[sflag:s4] =	ssyncadd.s32 $0xFFFFFE00  }
0xef: {  	[tilespmem:s24], [sflag:$0x5] =	stream.linear.gather [hbm4b:s16+s2], $0x80, $0x38;
	[tilespmem:$0x10800] =	vst v63  }
0xf0: {  	_ = 	snop  }
0xf1: {  	[tilespmem:s20], [sflag:$0x5] =	stream.linear.gather [hbm4b:s31+s2], $0x80, $0x38;
	[tilespmem:$0x10800] =	vst v63  }
0xf2: {  	s16 =	simm.s32 $0x580  }
0xf3: {  	[tilespmem:s16], [sflag:$0x5] =	stream.linear.gather [hbm4b:s28+s2], $0x80, $0x38;
	[tilespmem:$0x10800] =	vst v63  }
0xf4: {  	s23 =	simm.s32 $0x780  }
0xf5: {  	[tilespmem:s23], [sflag:$0x5] =	stream.linear.gather [hbm4b:s0+s2], $0x80, $0x38;
	[tilespmem:$0x10800] =	vst v63  }
0xf6: {  	_ =	swait.ge [sflag:s4], $0x200  }
0xf7: {  	[sflag:s4] =	ssyncset.done $0x0  }
0xf8: {  	[sflag:s4] =	ssyncadd.s32 $0xFFFFFE00  }
0xf9: {  	[tilespmem:s11], [sflag:$0x1] =	stream.indirect.gather [hbm4b:s3+s8], $0x80, s2, s8, $0xb8;
	[tilespmem:$0x10800] =	vst v63  }
0xfa: {  	_ = 	snop  }
0xfb: {  	[tilespmem:s9], [sflag:$0x2] =	stream.indirect.gather [hbm4b:s3+s8], $0x80, s29, s8, $0xb8;
	[tilespmem:$0x10800] =	vst v63  }
0xfc: {  	_ = 	snop  }
0xfd: {  	[tilespmem:s7], [sflag:$0x3] =	stream.indirect.gather [hbm4b:s3+s8], $0x80, s30, s8, $0xb8;
	[tilespmem:$0x10800] =	vst v63  }
0xfe: {  	_ = 	snop  }
0xff: {  	[tilespmem:s5], [sflag:$0x4] =	stream.indirect.gather [hbm4b:s3+s8], $0x80, s17, s8, $0xb8;
	[tilespmem:$0x10800] =	vst v63  }
0x100: {  	_ =	swait.ge [sflag:s14], $0x4000  }
0x101: {  	[sflag:s14] =	ssyncset.done $0x0  }
0x102: {  	s22 =	rddreg [dreg:$0x3];
	[sflag:s14] =	ssyncadd.s32 $0xFFFFC000  }
0x103: {  	[hbm4b:s22+s2] =	stream.linear.scatter [tilespmem:s11], [sflag:$0x5], $0x4000, $0x38;
	[tilespmem:$0x10800] =	vst v63  }
0x104: {  	_ =	swait.ge [sflag:s4], $0x4000  }
0x105: {  	[sflag:s4] =	ssyncset.done $0x0  }
0x106: {  	[sflag:s4] =	ssyncadd.s32 $0xFFFFC000  }
0x107: {  	[tilespmem:s11], [sflag:$0x1] =	stream.indirect.gather [hbm4b:s3+s8], $0x80, s8, s8, $0xb8;
	[tilespmem:$0x10800] =	vst v63  }
0x108: {  	_ =	swait.ge [sflag:s12], $0x4000  }
0x109: {  	[sflag:s12] =	ssyncset.done $0x0  }
0x10a: {  	s22 =	rddreg [dreg:$0x4];
	[sflag:s12] =	ssyncadd.s32 $0xFFFFC000  }
0x10b: {  	[hbm4b:s22+s2] =	stream.linear.scatter [tilespmem:s9], [sflag:$0x5], $0x4000, $0x38;
	[tilespmem:$0x10800] =	vst v63  }
0x10c: {  	_ =	swait.ge [sflag:s4], $0x4000  }
0x10d: {  	[sflag:s4] =	ssyncset.done $0x0  }
0x10e: {  	[sflag:s4] =	ssyncadd.s32 $0xFFFFC000  }
0x10f: {  	[tilespmem:s9], [sflag:$0x2] =	stream.indirect.gather [hbm4b:s3+s8], $0x80, s26, s8, $0xb8;
	[tilespmem:$0x10800] =	vst v63  }
0x110: {  	_ =	swait.ge [sflag:s10], $0x4000  }
0x111: {  	[sflag:s10] =	ssyncset.done $0x0  }
0x112: {  	s22 =	rddreg [dreg:$0x5];
	[sflag:s10] =	ssyncadd.s32 $0xFFFFC000  }
0x113: {  	[hbm4b:s22+s2] =	stream.linear.scatter [tilespmem:s7], [sflag:$0x5], $0x4000, $0x38;
	[tilespmem:$0x10800] =	vst v63  }
0x114: {  	_ =	swait.ge [sflag:s4], $0x4000  }
0x115: {  	[sflag:s4] =	ssyncset.done $0x0  }
0x116: {  	[sflag:s4] =	ssyncadd.s32 $0xFFFFC000  }
0x117: {  	[tilespmem:s7], [sflag:$0x3] =	stream.indirect.gather [hbm4b:s3+s8], $0x80, s1, s8, $0xb8;
	[tilespmem:$0x10800] =	vst v63  }
0x118: {  	_ =	swait.ge [sflag:s6], $0x4000  }
0x119: {  	[sflag:s6] =	ssyncset.done $0x0  }
0x11a: {  	s22 =	rddreg [dreg:$0x6];
	[sflag:s6] =	ssyncadd.s32 $0xFFFFC000  }
0x11b: {  	[hbm4b:s22+s2] =	stream.linear.scatter [tilespmem:s5], [sflag:$0x5], $0x4000, $0x38;
	[tilespmem:$0x10800] =	vst v63  }
0x11c: {  	_ =	swait.ge [sflag:s4], $0x4000  }
0x11d: {  	[sflag:s4] =	ssyncset.done $0x0  }
0x11e: {  	[sflag:s4] =	ssyncadd.s32 $0xFFFFC000  }
0x11f: {  	[tilespmem:s5], [sflag:$0x4] =	stream.indirect.gather [hbm4b:s3+s8], $0x80, s25, s8, $0xb8;
	[tilespmem:$0x10800] =	vst v63  }
0x120: {  	_ =	swait.ge [sflag:s14], $0x4000  }
0x121: {  	[sflag:s14] =	ssyncset.done $0x0  }
0x122: {  	s22 =	rddreg [dreg:$0x7];
	[sflag:s14] =	ssyncadd.s32 $0xFFFFC000  }
0x123: {  	[hbm4b:s22+s2] =	stream.linear.scatter [tilespmem:s11], [sflag:$0x5], $0x4000, $0x38;
	[tilespmem:$0x10800] =	vst v63  }
0x124: {  	_ =	swait.ge [sflag:s4], $0x4000  }
0x125: {  	[sflag:s4] =	ssyncset.done $0x0  }
0x126: {  	[sflag:s4] =	ssyncadd.s32 $0xFFFFC000  }
0x127: {  	[tilespmem:s11], [sflag:$0x1] =	stream.indirect.gather [hbm4b:s3+s8], $0x80, s15, s8, $0xb8;
	[tilespmem:$0x10800] =	vst v63  }
0x128: {  	_ =	swait.ge [sflag:s12], $0x4000  }
0x129: {  	[sflag:s12] =	ssyncset.done $0x0  }
0x12a: {  	s22 =	rddreg [dreg:$0x8];
	[sflag:s12] =	ssyncadd.s32 $0xFFFFC000  }
0x12b: {  	[hbm4b:s22+s2] =	stream.linear.scatter [tilespmem:s9], [sflag:$0x5], $0x4000, $0x38;
	[tilespmem:$0x10800] =	vst v63  }
0x12c: {  	_ =	swait.ge [sflag:s4], $0x4000  }
0x12d: {  	[sflag:s4] =	ssyncset.done $0x0  }
0x12e: {  	[sflag:s4] =	ssyncadd.s32 $0xFFFFC000  }
0x12f: {  	[tilespmem:s9], [sflag:$0x2] =	stream.indirect.gather [hbm4b:s3+s8], $0x80, s18, s8, $0xb8;
	[tilespmem:$0x10800] =	vst v63  }
0x130: {  	_ =	swait.ge [sflag:s10], $0x4000  }
0x131: {  	[sflag:s10] =	ssyncset.done $0x0  }
0x132: {  	s22 =	rddreg [dreg:$0x9];
	[sflag:s10] =	ssyncadd.s32 $0xFFFFC000  }
0x133: {  	[hbm4b:s22+s2] =	stream.linear.scatter [tilespmem:s7], [sflag:$0x5], $0x4000, $0x38;
	[tilespmem:$0x10800] =	vst v63  }
0x134: {  	_ =	swait.ge [sflag:s4], $0x4000  }
0x135: {  	[sflag:s4] =	ssyncset.done $0x0  }
0x136: {  	[sflag:s4] =	ssyncadd.s32 $0xFFFFC000  }
0x137: {  	[tilespmem:s7], [sflag:$0x3] =	stream.indirect.gather [hbm4b:s3+s8], $0x80, s19, s8, $0xb8;
	[tilespmem:$0x10800] =	vst v63  }
0x138: {  	_ =	swait.ge [sflag:s6], $0x4000  }
0x139: {  	[sflag:s6] =	ssyncset.done $0x0  }
0x13a: {  	s19 =	rddreg [dreg:$0xa];
	[sflag:s6] =	ssyncadd.s32 $0xFFFFC000  }
0x13b: {  	[hbm4b:s19+s2] =	stream.linear.scatter [tilespmem:s5], [sflag:$0x5], $0x4000, $0x38;
	[tilespmem:$0x10800] =	vst v63  }
0x13c: {  	_ =	swait.ge [sflag:s4], $0x4000  }
0x13d: {  	[sflag:s4] =	ssyncset.done $0x0  }
0x13e: {  	[sflag:s4] =	ssyncadd.s32 $0xFFFFC000  }
0x13f: {  	[tilespmem:s5], [sflag:$0x4] =	stream.indirect.gather [hbm4b:s3+s8], $0x80, s13, s8, $0xb8;
	[tilespmem:$0x10800] =	vst v63  }
0x140: {  	_ =	swait.ge [sflag:s14], $0x4000  }
0x141: {  	[sflag:s14] =	ssyncset.done $0x0  }
0x142: {  	s13 =	rddreg [dreg:$0xb];
	[sflag:s14] =	ssyncadd.s32 $0xFFFFC000  }
0x143: {  	[hbm4b:s13+s2] =	stream.linear.scatter [tilespmem:s11], [sflag:$0x5], $0x4000, $0x38;
	[tilespmem:$0x10800] =	vst v63  }
0x144: {  	_ =	swait.ge [sflag:s4], $0x4000  }
0x145: {  	[sflag:s4] =	ssyncset.done $0x0  }
0x146: {  	[sflag:s4] =	ssyncadd.s32 $0xFFFFC000  }
0x147: {  	[tilespmem:s11], [sflag:$0x1] =	stream.indirect.gather [hbm4b:s3+s8], $0x80, s24, s8, $0xb8;
	[tilespmem:$0x10800] =	vst v63  }
0x148: {  	_ =	swait.ge [sflag:s12], $0x4000  }
0x149: {  	[sflag:s12] =	ssyncset.done $0x0  }
0x14a: {  	s19 =	rddreg [dreg:$0xc];
	[sflag:s12] =	ssyncadd.s32 $0xFFFFC000  }
0x14b: {  	[hbm4b:s19+s2] =	stream.linear.scatter [tilespmem:s9], [sflag:$0x5], $0x4000, $0x38;
	[tilespmem:$0x10800] =	vst v63  }
0x14c: {  	_ =	swait.ge [sflag:s4], $0x4000  }
0x14d: {  	[sflag:s4] =	ssyncset.done $0x0  }
0x14e: {  	[sflag:s4] =	ssyncadd.s32 $0xFFFFC000  }
0x14f: {  	[tilespmem:s9], [sflag:$0x2] =	stream.indirect.gather [hbm4b:s3+s8], $0x80, s20, s8, $0xb8;
	[tilespmem:$0x10800] =	vst v63  }
0x150: {  	_ =	swait.ge [sflag:s10], $0x4000  }
0x151: {  	[sflag:s10] =	ssyncset.done $0x0  }
0x152: {  	s13 =	rddreg [dreg:$0xd];
	[sflag:s10] =	ssyncadd.s32 $0xFFFFC000  }
0x153: {  	[hbm4b:s13+s2] =	stream.linear.scatter [tilespmem:s7], [sflag:$0x5], $0x4000, $0x38;
	[tilespmem:$0x10800] =	vst v63  }
0x154: {  	_ =	swait.ge [sflag:s4], $0x4000  }
0x155: {  	[sflag:s4] =	ssyncset.done $0x0  }
0x156: {  	[sflag:s4] =	ssyncadd.s32 $0xFFFFC000  }
0x157: {  	[tilespmem:s7], [sflag:$0x3] =	stream.indirect.gather [hbm4b:s3+s8], $0x80, s16, s8, $0xb8;
	[tilespmem:$0x10800] =	vst v63  }
0x158: {  	_ =	swait.ge [sflag:s6], $0x4000  }
0x159: {  	[sflag:s6] =	ssyncset.done $0x0  }
0x15a: {  	s16 =	rddreg [dreg:$0xe];
	[sflag:s6] =	ssyncadd.s32 $0xFFFFC000  }
0x15b: {  	[hbm4b:s16+s2] =	stream.linear.scatter [tilespmem:s5], [sflag:$0x5], $0x4000, $0x38;
	[tilespmem:$0x10800] =	vst v63  }
0x15c: {  	_ =	swait.ge [sflag:s4], $0x4000  }
0x15d: {  	[sflag:s4] =	ssyncset.done $0x0  }
0x15e: {  	[sflag:s4] =	ssyncadd.s32 $0xFFFFC000  }
0x15f: {  	[tilespmem:s5], [sflag:$0x4] =	stream.indirect.gather [hbm4b:s3+s8], $0x80, s23, s8, $0xb8;
	[tilespmem:$0x10800] =	vst v63  }
0x160: {  	_ =	swait.ge [sflag:s14], $0x4000  }
0x161: {  	[sflag:s14] =	ssyncset.done $0x0  }
0x162: {  	s19 =	rddreg [dreg:$0xf];
	[sflag:s14] =	ssyncadd.s32 $0xFFFFC000  }
0x163: {  	[hbm4b:s19+s2] =	stream.linear.scatter [tilespmem:s11], [sflag:$0x5], $0x4000, $0x38;
	[tilespmem:$0x10800] =	vst v63  }
0x164: {  	_ =	swait.ge [sflag:s4], $0x4000  }
0x165: {  	[sflag:s4] =	ssyncset.done $0x0  }
0x166: {  	[sflag:s4] =	ssyncadd.s32 $0xFFFFC000  }
0x167: {  	_ =	swait.ge [sflag:s12], $0x4000  }
0x168: {  	[sflag:s12] =	ssyncset.done $0x0  }
0x169: {  	s13 =	rddreg [dreg:$0x10];
	[sflag:s12] =	ssyncadd.s32 $0xFFFFC000  }
0x16a: {  	[hbm4b:s13+s2] =	stream.linear.scatter [tilespmem:s9], [sflag:$0x5], $0x4000, $0x38;
	[tilespmem:$0x10800] =	vst v63  }
0x16b: {  	_ =	swait.ge [sflag:s4], $0x4000  }
0x16c: {  	[sflag:s4] =	ssyncset.done $0x0  }
0x16d: {  	[sflag:s4] =	ssyncadd.s32 $0xFFFFC000  }
0x16e: {  	_ =	swait.ge [sflag:s10], $0x4000  }
0x16f: {  	[sflag:s10] =	ssyncset.done $0x0  }
0x170: {  	s16 =	rddreg [dreg:$0x11];
	[sflag:s10] =	ssyncadd.s32 $0xFFFFC000  }
0x171: {  	[hbm4b:s16+s2] =	stream.linear.scatter [tilespmem:s7], [sflag:$0x5], $0x4000, $0x38;
	[tilespmem:$0x10800] =	vst v63  }
0x172: {  	_ =	swait.ge [sflag:s4], $0x4000  }
0x173: {  	[sflag:s4] =	ssyncset.done $0x0  }
0x174: {  	[sflag:s4] =	ssyncadd.s32 $0xFFFFC000  }
0x175: {  	p1 =	sne.s32 s21, $0x1;
	_ =	swait.ge [sflag:s6], $0x4000  }
.Ltmp2:
0x176: {  	[sflag:s6] =	ssyncset.done $0x0;
	(pc) =	sbr.rel @p1 .LBB2_4-.Ltmp2, $4  }
0x177: {  	s19 =	rddreg [dreg:$0x12];
	[sflag:s6] =	ssyncadd.s32 $0xFFFFC000  }
0x178: {  	[hbm4b:s19+s2] =	stream.linear.scatter [tilespmem:s5], [sflag:$0x5], $0x4000, $0x38;
	[tilespmem:$0x10800] =	vst v63  }
0x179: {  	_ =	swait.ge [sflag:s4], $0x4000  }
0x17a: {  	s21 =	sadd.s32 $0xFFFFFFFF, s21;
	s22 =	rddreg [dreg:$0x13];
	[sflag:s4] =	ssyncset.done $0x0  }
0x17b: {  	s13 =	rddreg [dreg:$0x1e]  }
0x17c: {  	s20 =	rddreg [dreg:$0x17]  }
0x17d: {  	s21 =	rddreg [dreg:$0x18]  }
0x17e: {  	s15 =	simm.s32 $0x580;
	s19 =	simm.s32 $0x380;
	s18 =	simm.s32 $0x180  }
0x17f: {  	s24 =	simm.s32 $0x700;
	s17 =	simm.s32 $0x500;
	s16 =	simm.s32 $0x300  }
0x180: {  	s25 =	simm.s32 $0x100;
	s26 =	simm.s32 $0x680;
	s28 =	simm.s32 $0x480  }
0x181: {  	s29 =	simm.s32 $0x280;
	s30 =	simm.s32 $0x200;
	s31 =	simm.s32 $0x400  }
.LBB2_6:
0x182: {  	[sflag:s4] =	ssyncadd.s32 @p0 $0xFFFFC000  }
0x183: {  	[tilespmem:s2], [sflag:$0x5] =	stream.linear.gather [hbm4b:s22+s2], $0x80, $0x38;
	[tilespmem:$0x10800] =	vst v63  }
0x184: {  	s0 =	rddreg [dreg:$0x14]  }
0x185: {  	[tilespmem:s30], [sflag:$0x5] =	stream.linear.gather [hbm4b:s0+s2], $0x80, $0x38;
	[tilespmem:$0x10800] =	vst v63  }
0x186: {  	s1 =	rddreg [dreg:$0x15]  }
0x187: {  	[tilespmem:s31], [sflag:$0x5] =	stream.linear.gather [hbm4b:s1+s2], $0x80, $0x38;
	[tilespmem:$0x10800] =	vst v63  }
0x188: {  	s22 =	rddreg [dreg:$0x16];
	s1 =	simm.s32 $0x600  }
0x189: {  	[tilespmem:s1], [sflag:$0x5] =	stream.linear.gather [hbm4b:s22+s2], $0x80, $0x38;
	[tilespmem:$0x10800] =	vst v63  }
0x18a: {  	_ =	swait.ge [sflag:s4], $0x200  }
0x18b: {  	[sflag:s4] =	ssyncset.done $0x0  }
0x18c: {  	[sflag:s4] =	ssyncadd.s32 $0xFFFFFE00  }
0x18d: {  	[tilespmem:s8], [sflag:$0x5] =	stream.linear.gather [hbm4b:s13+s2], $0x80, $0x38;
	[tilespmem:$0x10800] =	vst v63  }
0x18e: {  	s22 =	sadd.s32 $0x10, s13  }
0x18f: {  	[tilespmem:s29], [sflag:$0x5] =	stream.linear.gather [hbm4b:s22+s2], $0x80, $0x38;
	[tilespmem:$0x10800] =	vst v63  }
0x190: {  	s22 =	sadd.s32 $0x20, s13  }
0x191: {  	[tilespmem:s28], [sflag:$0x5] =	stream.linear.gather [hbm4b:s22+s2], $0x80, $0x38;
	[tilespmem:$0x10800] =	vst v63  }
0x192: {  	s13 =	sadd.s32 $0x30, s13  }
0x193: {  	[tilespmem:s26], [sflag:$0x5] =	stream.linear.gather [hbm4b:s13+s2], $0x80, $0x38;
	[tilespmem:$0x10800] =	vst v63  }
0x194: {  	_ =	swait.ge [sflag:s4], $0x200  }
0x195: {  	[sflag:s4] =	ssyncset.done $0x0  }
0x196: {  	[sflag:s4] =	ssyncadd.s32 $0xFFFFFE00  }
0x197: {  	[tilespmem:s25], [sflag:$0x5] =	stream.linear.gather [hbm4b:s20+s2], $0x80, $0x38;
	[tilespmem:$0x10800] =	vst v63  }
0x198: {  	s22 =	sadd.s32 $0x10, s20  }
0x199: {  	[tilespmem:s16], [sflag:$0x5] =	stream.linear.gather [hbm4b:s22+s2], $0x80, $0x38;
	[tilespmem:$0x10800] =	vst v63  }
0x19a: {  	s13 =	sadd.s32 $0x20, s20  }
0x19b: {  	[tilespmem:s17], [sflag:$0x5] =	stream.linear.gather [hbm4b:s13+s2], $0x80, $0x38;
	[tilespmem:$0x10800] =	vst v63  }
0x19c: {  	s20 =	sadd.s32 $0x30, s20  }
0x19d: {  	[tilespmem:s24], [sflag:$0x5] =	stream.linear.gather [hbm4b:s20+s2], $0x80, $0x38;
	[tilespmem:$0x10800] =	vst v63  }
0x19e: {  	_ =	swait.ge [sflag:s4], $0x200  }
0x19f: {  	[sflag:s4] =	ssyncset.done $0x0  }
0x1a0: {  	[sflag:s4] =	ssyncadd.s32 $0xFFFFFE00  }
0x1a1: {  	[tilespmem:s18], [sflag:$0x5] =	stream.linear.gather [hbm4b:s21+s2], $0x80, $0x38;
	[tilespmem:$0x10800] =	vst v63  }
0x1a2: {  	s22 =	sadd.s32 $0x10, s21  }
0x1a3: {  	[tilespmem:s19], [sflag:$0x5] =	stream.linear.gather [hbm4b:s22+s2], $0x80, $0x38;
	[tilespmem:$0x10800] =	vst v63  }
0x1a4: {  	s13 =	sadd.s32 $0x20, s21  }
0x1a5: {  	[tilespmem:s15], [sflag:$0x5] =	stream.linear.gather [hbm4b:s13+s2], $0x80, $0x38;
	[tilespmem:$0x10800] =	vst v63  }
0x1a6: {  	s20 =	sadd.s32 $0x30, s21  }
0x1a7: {  	[tilespmem:s23], [sflag:$0x5] =	stream.linear.gather [hbm4b:s20+s2], $0x80, $0x38;
	[tilespmem:$0x10800] =	vst v63  }
0x1a8: {  	_ =	swait.ge [sflag:s4], $0x200  }
0x1a9: {  	[sflag:s4] =	ssyncset.done $0x0  }
0x1aa: {  	[sflag:s4] =	ssyncadd.s32 $0xFFFFFE00  }
0x1ab: {  	[tilespmem:s11], [sflag:$0x1] =	stream.indirect.gather [hbm4b:s3+s8], $0x80, s2, s8, $0xb8;
	[tilespmem:$0x10800] =	vst v63  }
0x1ac: {  	_ = 	snop  }
0x1ad: {  	[tilespmem:s9], [sflag:$0x2] =	stream.indirect.gather [hbm4b:s3+s8], $0x80, s30, s8, $0xb8;
	[tilespmem:$0x10800] =	vst v63  }
0x1ae: {  	_ = 	snop  }
0x1af: {  	[tilespmem:s7], [sflag:$0x3] =	stream.indirect.gather [hbm4b:s3+s8], $0x80, s31, s8, $0xb8;
	[tilespmem:$0x10800] =	vst v63  }
0x1b0: {  	_ = 	snop  }
0x1b1: {  	[tilespmem:s5], [sflag:$0x4] =	stream.indirect.gather [hbm4b:s3+s8], $0x80, s1, s8, $0xb8;
	[tilespmem:$0x10800] =	vst v63  }
0x1b2: {  	_ =	swait.ge [sflag:s14], $0x4000  }
0x1b3: {  	[sflag:s14] =	ssyncset.done $0x0  }
0x1b4: {  	s21 =	rddreg [dreg:$0x3];
	[sflag:s14] =	ssyncadd.s32 $0xFFFFC000  }
0x1b5: {  	[hbm4b:s21+s2] =	stream.linear.scatter [tilespmem:s11], [sflag:$0x5], $0x4000, $0x38;
	[tilespmem:$0x10800] =	vst v63  }
0x1b6: {  	_ =	swait.ge [sflag:s4], $0x4000  }
0x1b7: {  	[sflag:s4] =	ssyncset.done $0x0  }
0x1b8: {  	[sflag:s4] =	ssyncadd.s32 $0xFFFFC000  }
0x1b9: {  	[tilespmem:s11], [sflag:$0x1] =	stream.indirect.gather [hbm4b:s3+s8], $0x80, s8, s8, $0xb8;
	[tilespmem:$0x10800] =	vst v63  }
0x1ba: {  	_ =	swait.ge [sflag:s12], $0x4000  }
0x1bb: {  	[sflag:s12] =	ssyncset.done $0x0  }
0x1bc: {  	s22 =	rddreg [dreg:$0x4];
	[sflag:s12] =	ssyncadd.s32 $0xFFFFC000  }
0x1bd: {  	[hbm4b:s22+s2] =	stream.linear.scatter [tilespmem:s9], [sflag:$0x5], $0x4000, $0x38;
	[tilespmem:$0x10800] =	vst v63  }
0x1be: {  	_ =	swait.ge [sflag:s4], $0x4000  }
0x1bf: {  	[sflag:s4] =	ssyncset.done $0x0  }
0x1c0: {  	[sflag:s4] =	ssyncadd.s32 $0xFFFFC000  }
0x1c1: {  	[tilespmem:s9], [sflag:$0x2] =	stream.indirect.gather [hbm4b:s3+s8], $0x80, s29, s8, $0xb8;
	[tilespmem:$0x10800] =	vst v63  }
0x1c2: {  	_ =	swait.ge [sflag:s10], $0x4000  }
0x1c3: {  	[sflag:s10] =	ssyncset.done $0x0  }
0x1c4: {  	s30 =	rddreg [dreg:$0x5];
	[sflag:s10] =	ssyncadd.s32 $0xFFFFC000  }
0x1c5: {  	[hbm4b:s30+s2] =	stream.linear.scatter [tilespmem:s7], [sflag:$0x5], $0x4000, $0x38;
	[tilespmem:$0x10800] =	vst v63  }
0x1c6: {  	_ =	swait.ge [sflag:s4], $0x4000  }
0x1c7: {  	[sflag:s4] =	ssyncset.done $0x0  }
0x1c8: {  	[sflag:s4] =	ssyncadd.s32 $0xFFFFC000  }
0x1c9: {  	[tilespmem:s7], [sflag:$0x3] =	stream.indirect.gather [hbm4b:s3+s8], $0x80, s28, s8, $0xb8;
	[tilespmem:$0x10800] =	vst v63  }
0x1ca: {  	_ =	swait.ge [sflag:s6], $0x4000  }
0x1cb: {  	[sflag:s6] =	ssyncset.done $0x0  }
0x1cc: {  	s31 =	rddreg [dreg:$0x6];
	[sflag:s6] =	ssyncadd.s32 $0xFFFFC000  }
0x1cd: {  	[hbm4b:s31+s2] =	stream.linear.scatter [tilespmem:s5], [sflag:$0x5], $0x4000, $0x38;
	[tilespmem:$0x10800] =	vst v63  }
0x1ce: {  	_ =	swait.ge [sflag:s4], $0x4000  }
0x1cf: {  	[sflag:s4] =	ssyncset.done $0x0  }
0x1d0: {  	[sflag:s4] =	ssyncadd.s32 $0xFFFFC000  }
0x1d1: {  	[tilespmem:s5], [sflag:$0x4] =	stream.indirect.gather [hbm4b:s3+s8], $0x80, s26, s8, $0xb8;
	[tilespmem:$0x10800] =	vst v63  }
0x1d2: {  	_ =	swait.ge [sflag:s14], $0x4000  }
0x1d3: {  	[sflag:s14] =	ssyncset.done $0x0  }
0x1d4: {  	s1 =	rddreg [dreg:$0x7];
	[sflag:s14] =	ssyncadd.s32 $0xFFFFC000  }
0x1d5: {  	[hbm4b:s1+s2] =	stream.linear.scatter [tilespmem:s11], [sflag:$0x5], $0x4000, $0x38;
	[tilespmem:$0x10800] =	vst v63  }
0x1d6: {  	_ =	swait.ge [sflag:s4], $0x4000  }
0x1d7: {  	[sflag:s4] =	ssyncset.done $0x0  }
0x1d8: {  	[sflag:s4] =	ssyncadd.s32 $0xFFFFC000  }
0x1d9: {  	[tilespmem:s11], [sflag:$0x1] =	stream.indirect.gather [hbm4b:s3+s8], $0x80, s25, s8, $0xb8;
	[tilespmem:$0x10800] =	vst v63  }
0x1da: {  	_ =	swait.ge [sflag:s12], $0x4000  }
0x1db: {  	[sflag:s12] =	ssyncset.done $0x0  }
0x1dc: {  	s13 =	rddreg [dreg:$0x8];
	[sflag:s12] =	ssyncadd.s32 $0xFFFFC000  }
0x1dd: {  	[hbm4b:s13+s2] =	stream.linear.scatter [tilespmem:s9], [sflag:$0x5], $0x4000, $0x38;
	[tilespmem:$0x10800] =	vst v63  }
0x1de: {  	_ =	swait.ge [sflag:s4], $0x4000  }
0x1df: {  	[sflag:s4] =	ssyncset.done $0x0  }
0x1e0: {  	[sflag:s4] =	ssyncadd.s32 $0xFFFFC000  }
0x1e1: {  	[tilespmem:s9], [sflag:$0x2] =	stream.indirect.gather [hbm4b:s3+s8], $0x80, s16, s8, $0xb8;
	[tilespmem:$0x10800] =	vst v63  }
0x1e2: {  	_ =	swait.ge [sflag:s10], $0x4000  }
0x1e3: {  	[sflag:s10] =	ssyncset.done $0x0  }
0x1e4: {  	s16 =	rddreg [dreg:$0x9];
	[sflag:s10] =	ssyncadd.s32 $0xFFFFC000  }
0x1e5: {  	[hbm4b:s16+s2] =	stream.linear.scatter [tilespmem:s7], [sflag:$0x5], $0x4000, $0x38;
	[tilespmem:$0x10800] =	vst v63  }
0x1e6: {  	_ =	swait.ge [sflag:s4], $0x4000  }
0x1e7: {  	[sflag:s4] =	ssyncset.done $0x0  }
0x1e8: {  	[sflag:s4] =	ssyncadd.s32 $0xFFFFC000  }
0x1e9: {  	[tilespmem:s7], [sflag:$0x3] =	stream.indirect.gather [hbm4b:s3+s8], $0x80, s17, s8, $0xb8;
	[tilespmem:$0x10800] =	vst v63  }
0x1ea: {  	_ =	swait.ge [sflag:s6], $0x4000  }
0x1eb: {  	[sflag:s6] =	ssyncset.done $0x0  }
0x1ec: {  	s20 =	rddreg [dreg:$0xa];
	[sflag:s6] =	ssyncadd.s32 $0xFFFFC000  }
0x1ed: {  	[hbm4b:s20+s2] =	stream.linear.scatter [tilespmem:s5], [sflag:$0x5], $0x4000, $0x38;
	[tilespmem:$0x10800] =	vst v63  }
0x1ee: {  	_ =	swait.ge [sflag:s4], $0x4000  }
0x1ef: {  	[sflag:s4] =	ssyncset.done $0x0  }
0x1f0: {  	[sflag:s4] =	ssyncadd.s32 $0xFFFFC000  }
0x1f1: {  	[tilespmem:s5], [sflag:$0x4] =	stream.indirect.gather [hbm4b:s3+s8], $0x80, s24, s8, $0xb8;
	[tilespmem:$0x10800] =	vst v63  }
0x1f2: {  	_ =	swait.ge [sflag:s14], $0x4000  }
0x1f3: {  	[sflag:s14] =	ssyncset.done $0x0  }
0x1f4: {  	s21 =	rddreg [dreg:$0xb];
	[sflag:s14] =	ssyncadd.s32 $0xFFFFC000  }
0x1f5: {  	[hbm4b:s21+s2] =	stream.linear.scatter [tilespmem:s11], [sflag:$0x5], $0x4000, $0x38;
	[tilespmem:$0x10800] =	vst v63  }
0x1f6: {  	_ =	swait.ge [sflag:s4], $0x4000  }
0x1f7: {  	[sflag:s4] =	ssyncset.done $0x0  }
0x1f8: {  	[sflag:s4] =	ssyncadd.s32 $0xFFFFC000  }
0x1f9: {  	[tilespmem:s11], [sflag:$0x1] =	stream.indirect.gather [hbm4b:s3+s8], $0x80, s18, s8, $0xb8;
	[tilespmem:$0x10800] =	vst v63  }
0x1fa: {  	_ =	swait.ge [sflag:s12], $0x4000  }
0x1fb: {  	[sflag:s12] =	ssyncset.done $0x0  }
0x1fc: {  	s22 =	rddreg [dreg:$0xc];
	[sflag:s12] =	ssyncadd.s32 $0xFFFFC000  }
0x1fd: {  	[hbm4b:s22+s2] =	stream.linear.scatter [tilespmem:s9], [sflag:$0x5], $0x4000, $0x38;
	[tilespmem:$0x10800] =	vst v63  }
0x1fe: {  	_ =	swait.ge [sflag:s4], $0x4000  }
0x1ff: {  	[sflag:s4] =	ssyncset.done $0x0  }
0x200: {  	[sflag:s4] =	ssyncadd.s32 $0xFFFFC000  }
0x201: {  	[tilespmem:s9], [sflag:$0x2] =	stream.indirect.gather [hbm4b:s3+s8], $0x80, s19, s8, $0xb8;
	[tilespmem:$0x10800] =	vst v63  }
0x202: {  	_ =	swait.ge [sflag:s10], $0x4000  }
0x203: {  	[sflag:s10] =	ssyncset.done $0x0  }
0x204: {  	s24 =	rddreg [dreg:$0xd];
	[sflag:s10] =	ssyncadd.s32 $0xFFFFC000  }
0x205: {  	[hbm4b:s24+s2] =	stream.linear.scatter [tilespmem:s7], [sflag:$0x5], $0x4000, $0x38;
	[tilespmem:$0x10800] =	vst v63  }
0x206: {  	_ =	swait.ge [sflag:s4], $0x4000  }
0x207: {  	[sflag:s4] =	ssyncset.done $0x0  }
0x208: {  	[sflag:s4] =	ssyncadd.s32 $0xFFFFC000  }
0x209: {  	[tilespmem:s7], [sflag:$0x3] =	stream.indirect.gather [hbm4b:s3+s8], $0x80, s15, s8, $0xb8;
	[tilespmem:$0x10800] =	vst v63  }
0x20a: {  	_ =	swait.ge [sflag:s6], $0x4000  }
0x20b: {  	[sflag:s6] =	ssyncset.done $0x0  }
0x20c: {  	s25 =	rddreg [dreg:$0xe];
	[sflag:s6] =	ssyncadd.s32 $0xFFFFC000  }
0x20d: {  	[hbm4b:s25+s2] =	stream.linear.scatter [tilespmem:s5], [sflag:$0x5], $0x4000, $0x38;
	[tilespmem:$0x10800] =	vst v63  }
0x20e: {  	_ =	swait.ge [sflag:s4], $0x4000  }
0x20f: {  	[sflag:s4] =	ssyncset.done $0x0  }
0x210: {  	[sflag:s4] =	ssyncadd.s32 $0xFFFFC000  }
0x211: {  	[tilespmem:s5], [sflag:$0x4] =	stream.indirect.gather [hbm4b:s3+s8], $0x80, s23, s8, $0xb8;
	[tilespmem:$0x10800] =	vst v63  }
0x212: {  	_ =	swait.ge [sflag:s14], $0x4000  }
0x213: {  	[sflag:s14] =	ssyncset.done $0x0  }
0x214: {  	s26 =	rddreg [dreg:$0xf];
	[sflag:s14] =	ssyncadd.s32 $0xFFFFC000  }
0x215: {  	[hbm4b:s26+s2] =	stream.linear.scatter [tilespmem:s11], [sflag:$0x5], $0x4000, $0x38;
	[tilespmem:$0x10800] =	vst v63  }
0x216: {  	_ =	swait.ge [sflag:s4], $0x4000  }
0x217: {  	[sflag:s4] =	ssyncset.done $0x0  }
0x218: {  	[sflag:s4] =	ssyncadd.s32 $0xFFFFC000  }
0x219: {  	_ =	swait.ge [sflag:s12], $0x4000  }
0x21a: {  	[sflag:s12] =	ssyncset.done $0x0  }
0x21b: {  	s28 =	rddreg [dreg:$0x10];
	[sflag:s12] =	ssyncadd.s32 $0xFFFFC000  }
0x21c: {  	[hbm4b:s28+s2] =	stream.linear.scatter [tilespmem:s9], [sflag:$0x5], $0x4000, $0x38;
	[tilespmem:$0x10800] =	vst v63  }
0x21d: {  	_ =	swait.ge [sflag:s4], $0x4000  }
0x21e: {  	[sflag:s4] =	ssyncset.done $0x0  }
0x21f: {  	[sflag:s4] =	ssyncadd.s32 $0xFFFFC000  }
0x220: {  	_ =	swait.ge [sflag:s10], $0x4000  }
0x221: {  	[sflag:s10] =	ssyncset.done $0x0  }
0x222: {  	s29 =	rddreg [dreg:$0x11];
	[sflag:s10] =	ssyncadd.s32 $0xFFFFC000  }
0x223: {  	[hbm4b:s29+s2] =	stream.linear.scatter [tilespmem:s7], [sflag:$0x5], $0x4000, $0x38;
	[tilespmem:$0x10800] =	vst v63  }
0x224: {  	_ =	swait.ge [sflag:s4], $0x4000  }
0x225: {  	[sflag:s4] =	ssyncset.done $0x0  }
0x226: {  	[sflag:s4] =	ssyncadd.s32 $0xFFFFC000  }
0x227: {  	_ =	swait.ge [sflag:s6], $0x4000  }
0x228: {  	[sflag:s6] =	ssyncset.done $0x0  }
0x229: {  	s30 =	rddreg [dreg:$0x12];
	[sflag:s6] =	ssyncadd.s32 $0xFFFFC000  }
0x22a: {  	[hbm4b:s30+s2] =	stream.linear.scatter [tilespmem:s5], [sflag:$0x5], $0x4000, $0x38;
	[tilespmem:$0x10800] =	vst v63  }
0x22b: {  	_ =	swait.ge [sflag:s4], $0x4000  }
0x22c: {  	[sflag:s4] =	ssyncset.done $0x0  }
0x22d: {  	[sflag:s4] =	ssyncadd.s32 $0xFFFFC000  }
0x22e: {  	_ =	sfence.sel $0x180000  }
0x22f: {  	[bflag:$0x0] =	sbarrier.arrive $0xFFFF  }
0x230: {  	_ =	strace $0x90000047  }
0x231: {  	s31 =	stileid.u32;
	[bflag:$0x2] =	sbarrier.arrive $0xFFFF  }
0x232: {  	p0 =	sne.s32 s31, $0x0;
	s0 =	rddreg [dreg:$0x2]  }
0x233: {  	s0 =	sadd.s32 @!p0 $0x100000, s0  }
0x234: {  	[sflag:s0] =	ssyncadd.tile.s32 @!p0 $0x1;
	_ =	shalt  }
.LBB2_1:
.Ltmp3:
0x235: {  	(pc) =	sbr.rel .LBB2_6-.Ltmp3, $3  }
0x236: {  	_ =	sdelay $0x1  }
0x237: {  	s13 =	smov.u32 s20;
	s20 =	rddreg [dreg:$0x17]  }
0x238: {  	s15 =	simm.s32 $0x580;
	s21 =	rddreg [dreg:$0x18]  }
.LBB2_7:
0x239: {  	s13 =	rddreg [dreg:$0x1e]  }
0x23a: {  	s20 =	rddreg [dreg:$0x17]  }
.Ltmp4:
0x23b: {  	s21 =	rddreg [dreg:$0x18];
	(pc) =	sbr.rel .LBB2_6-.Ltmp4, $4  }
0x23c: {  	s15 =	simm.s32 $0x580;
	s19 =	simm.s32 $0x380;
	s18 =	simm.s32 $0x180  }
0x23d: {  	s24 =	simm.s32 $0x700;
	s17 =	simm.s32 $0x500;
	s16 =	simm.s32 $0x300  }
0x23e: {  	s25 =	simm.s32 $0x100;
	s26 =	simm.s32 $0x680;
	s28 =	simm.s32 $0x480  }
0x23f: {  	s29 =	simm.s32 $0x280;
	s30 =	simm.s32 $0x200;
	s31 =	simm.s32 $0x400  }
.Lfunc_end2:
_tile_overlayer_lowered:
.L_overlay_start_2:
0x240: {  	(tag) =	ssettag $0x2  }
0x241: {  	s0 =	rddreg [dreg:$0x0];
	s2 =	stileid.u32  }
0x242: {  	s1 =	rddreg [dreg:$0x1];
	p0 =	sne.s32 s2, $0x0  }
0x243: {  	s3 =	rddreg [dreg:$0x2];
	[bflag:$0x3] =	sbarrier.arrive $0xFFFF;
	s2 =	simm.s32 @!p0 $0x1C05  }
0x244: {  	[timem:s3], [sflag:s2] =	dma.local @!p0 [hbm:s0], s1  }
0x245: {  	s0 =	simm.s32 @!p0 $0x5  }
0x246: {  	_ =	swait.ge @!p0 [sflag:s0], s1  }
0x247: {  	s1 =	ssub.s32 @!p0 $0x0, s1;
	[sflag:s0] =	ssyncset.done @!p0 $0x0  }
0x248: {  	[sflag:s0] =	ssyncadd.s32 @!p0 s1  }
0x249: {  	[bflag:$0x3] =	sbarrier.arrive $0xFFFF  }
0x24a: {  	_ =	shalt  }

// kernel: kernel.9.cloned.1.call-start
scs
__scs_entry_jumppad:
0x0: {  	(pc) =	sbr.rel $0x88, $3  }
0x1: {  	(tag) =	ssettag $0x0;
	lr =	simm.s32 $0x1  }
0x2: {  	[smem:$0x3F8F] =	sst lr;
	_ =	strace $0xD0000000  }
0x3: {  	_ = 	snop  }
0x4: {  	_ = 	snop  }
0x5: {  	_ = 	snop  }
0x6: {  	_ = 	snop  }
0x7: {  	_ = 	snop  }
__scs_overlays_trampoline_lowered:
0x8: {  	[smem:$0x3F9E] =	sst s0  }
0x9: {  	[smem:$0x3F9F] =	sst s1  }
0xa: {  	[smem:$0x3FA0] =	sst s2  }
0xb: {  	[smem:$0x3FA1] =	sst s3  }
0xc: {  	[smem:$0x3FA2] =	sst s4  }
0xd: {  	[smem:$0x3FA3] =	sst s5  }
0xe: {  	[smem:$0x3FA4] =	sst s6  }
0xf: {  	[smem:$0x3FA5] =	sst s7  }
0x10: {  	[smem:$0x3FA6] =	sst s8  }
0x11: {  	[smem:$0x3FA7] =	sst s9;
	s0 =	simm.s32 @!p0 $0x0  }
0x12: {  	s1 =	sld [smem:$0x3F8D];
	s0 =	simm.s32 @p0 $0x1  }
0x13: {  	[smem:$0x3FA8] =	sst s0;
	s0 =	simm.s32 @!p1 $0x0  }
0x14: {  	s2 =	sld [smem:$0x3F8C];
	s0 =	simm.s32 @p1 $0x1  }
0x15: {  	[smem:$0x3FA9] =	sst s0;
	s0 =	simm.s32 @!p2 $0x0  }
0x16: {  	s3 =	sld [smem:$0x3FDB];
	s0 =	simm.s32 @p2 $0x1  }
0x17: {  	s4 =	simm.s32 $0x1BF5;
	[smem:$0x3FAB] =	sst s0  }
0x18: {  	s0 =	sld [smem:$0x3F8E];
	_ =	swait.ge [sflag:s4], $0x0  }
0x19: {  	s7 =	sld [smem:$0x3F8F]  }
0x1a: {  	s8 =	sadd.s32 $0xFFFFE003, lr  }
0x1b: {  	s9 =	sadd.s32 $0xFFFFFEF7, lr;
	s5 =	simm.s32 $0xFFFFFFFF;
	p2 =	slt.u32 s8, $0xFFFFF086  }
0x1c: {  	p1 =	slt.u32 s9, $0xF7A;
	s5 =	simm.s32 @!p2 $0x0  }
0x1d: {  	s5 =	simm.s32 @p1 $0x1;
	p0 =	seq.s32 s7, s2  }
0x1e: {  	s7 =	smul.u32 @!p0 $0xF7A, s2;
	p2 =	seq.s32 @!p0 s5, $0x0  }
0x1f: {  	s9 =	smul.u32 $0xF7A, s1;
	s8 =	simm.s32 @!p0 $0x1BF5;
	p2 =	por !p2, p0  }
0x20: {  	[sflag:s8] =	ssyncset.s32 @!p0 $0xFFFFF086;
	s6 =	sadd.s32 @!p0 s3, s7;
	s7 =	simm.s32 @!p0 $0x108  }
0x21: {  	s3 =	sadd.s32 s3, s9;
	s6 =	sadd.s32 @!p0 $0x88, s6;
	s7 =	simm.s32 @p2 $0x1082  }
0x22: {  	[simem:s7], [sflag:s8] =	dma.local @!p0 [hbm:s6], $0xF7A  }
0x23: {  	s9 =	sor.u32 $0xD0000000, s2;
	s6 =	simm.s32 $0x108;
	_ =	swait.ge @!p0 [sflag:s8], $0x0  }
0x24: {  	s3 =	sadd.s32 $0x88, s3;
	s6 =	simm.s32 @!p1 $0x1082;
	[sflag:s4] =	ssyncset.s32 $0xFFFFF086  }
0x25: {  	[simem:s6], [sflag:s4] =	dma.local [hbm:s3], $0xF7A  }
0x26: {  	[smem:$0x3F8F] =	sst s1;
	(tag) =	ssettag s2;
	_ =	strace s9  }
0x27: {  	s1 =	sld [smem:$0x3F9F]  }
0x28: {  	s2 =	sld [smem:$0x3FA0]  }
0x29: {  	s4 =	sld [smem:$0x3FA2]  }
0x2a: {  	p0 =	seq.s32 s5, $0x0;
	s5 =	sld [smem:$0x3FA3]  }
0x2b: {  	s6 =	sld [smem:$0x3FA4]  }
0x2c: {  	s7 =	sld [smem:$0x3FA5]  }
0x2d: {  	s3 =	simm.s32 $0x108;
	s8 =	sld [smem:$0x3FA6]  }
0x2e: {  	s3 =	simm.s32 @!p0 $0x1082;
	s9 =	sld [smem:$0x3FA7]  }
0x2f: {  	lr =	sadd.s32 s0, s3;
	s0 =	sld [smem:$0x3F9E]  }
0x30: {  	s3 =	sld [smem:$0x3FA1]  }
0x31: {  	[smem:$0x3FAA] =	sst s10  }
0x32: {  	s10 =	sld [smem:$0x3FA8];
	_ =	sdelay $0x3  }
0x33: {  	p0 =	seq.s32 s10, $0x1;
	s10 =	sld [smem:$0x3FAA];
	_ =	sdelay $0x3  }
0x34: {  	[smem:$0x3FAA] =	sst s10  }
0x35: {  	s10 =	sld [smem:$0x3FA9];
	_ =	sdelay $0x3  }
0x36: {  	p1 =	seq.s32 s10, $0x1;
	s10 =	sld [smem:$0x3FAA];
	_ =	sdelay $0x3  }
0x37: {  	[smem:$0x3FAA] =	sst s10  }
0x38: {  	s10 =	sld [smem:$0x3FAB]  }
0x39: {  	_ = 	snop;
	(pc) =	sbr.ind lr, $3  }
0x3a: {  	_ = 	snop  }
0x3b: {  	_ = 	snop  }
0x3c: {  	p2 =	seq.s32 s10, $0x1;
	s10 =	sld [smem:$0x3FAA]  }
0x3d: {  	_ =	shalt  }
0x3e: {  	_ =	shalt  }
0x3f: {  	_ =	shalt  }
0x40: {  	_ =	shalt  }
0x41: {  	_ =	shalt  }
0x42: {  	_ =	shalt  }
0x43: {  	_ =	shalt  }
0x44: {  	_ =	shalt  }
0x45: {  	_ =	shalt  }
0x46: {  	_ =	shalt  }
0x47: {  	_ =	shalt  }
0x48: {  	_ =	shalt  }
0x49: {  	_ =	shalt  }
0x4a: {  	_ =	shalt  }
0x4b: {  	_ =	shalt  }
0x4c: {  	_ =	shalt  }
0x4d: {  	_ =	shalt  }
0x4e: {  	_ =	shalt  }
0x4f: {  	_ =	shalt  }
0x50: {  	_ =	shalt  }
0x51: {  	_ =	shalt  }
0x52: {  	_ =	shalt  }
0x53: {  	_ =	shalt  }
0x54: {  	_ =	shalt  }
0x55: {  	_ =	shalt  }
0x56: {  	_ =	shalt  }
0x57: {  	_ =	shalt  }
0x58: {  	_ =	shalt  }
0x59: {  	_ =	shalt  }
0x5a: {  	_ =	shalt  }
0x5b: {  	_ =	shalt  }
0x5c: {  	_ =	shalt  }
0x5d: {  	_ =	shalt  }
0x5e: {  	_ =	shalt  }
0x5f: {  	_ =	shalt  }
0x60: {  	_ =	shalt  }
0x61: {  	_ =	shalt  }
0x62: {  	_ =	shalt  }
0x63: {  	_ =	shalt  }
0x64: {  	_ =	shalt  }
0x65: {  	_ =	shalt  }
0x66: {  	_ =	shalt  }
0x67: {  	_ =	shalt  }
0x68: {  	_ =	shalt  }
0x69: {  	_ =	shalt  }
0x6a: {  	_ =	shalt  }
0x6b: {  	_ =	shalt  }
0x6c: {  	_ =	shalt  }
0x6d: {  	_ =	shalt  }
0x6e: {  	_ =	shalt  }
0x6f: {  	_ =	shalt  }
0x70: {  	_ =	shalt  }
0x71: {  	_ =	shalt  }
0x72: {  	_ =	shalt  }
0x73: {  	_ =	shalt  }
0x74: {  	_ =	shalt  }
0x75: {  	_ =	shalt  }
0x76: {  	_ =	shalt  }
0x77: {  	_ =	shalt  }
0x78: {  	_ =	shalt  }
0x79: {  	_ =	shalt  }
0x7a: {  	_ =	shalt  }
0x7b: {  	_ =	shalt  }
0x7c: {  	_ =	shalt  }
0x7d: {  	_ =	shalt  }
0x7e: {  	_ =	shalt  }
0x7f: {  	_ =	shalt  }
0x80: {  	_ =	shalt  }
0x81: {  	_ =	shalt  }
0x82: {  	_ =	shalt  }
0x83: {  	_ =	shalt  }
0x84: {  	_ =	shalt  }
0x85: {  	_ =	shalt  }
0x86: {  	_ =	shalt  }
0x87: {  	_ =	shalt  }
.Lfunc_end0:
.L_simem_size_0:
called_computation.1_lowered:
.L_overlay_start_0:
0x88: {  	s2 =	sld [smem:$0x3FD9]  }
0x89: {  	s3 =	sld [smem:$0x3FFE];
	_ =	sdelay $0x1  }
0x8a: {  	s1 =	srdreg.scid  }
0x8b: {  	s0 =	sand.u32 $0x1, s1  }
0x8c: {  	s14 =	sshll.u32 s0, $0xA;
	s2 =	sadd.s32 s3, s2  }
0x8d: {  	s2 =	sadd.s32 s2, s14  }
0x8e: {  	[smem:$0x3FB6] =	sst s2  }
0x8f: {  	_ = 	snop  }
0x90: {  	s2 =	sld [smem:$0x3FD0];
	_ =	sdelay $0x1  }
0x91: {  	s15 =	sld [smem:$0x3FC4]  }
0x92: {  	s5 =	simm.s32 $0xA;
	s6 =	simm.s32 $0x10;
	s4 =	sld [smem:$0x3FB8]  }
0x93: {  	[smem:s6], [sflag:s5] =	dma.local [hbm:s2], $0x1  }
0x94: {  	_ =	swait.eq [sflag:s5], $0x1  }
0x95: {  	[sflag:s5] =	ssyncset.done $0x0  }
0x96: {  	[sflag:s5] =	ssyncadd.s32 $0xFFFFFFFF  }
0x97: {  	s16 =	sld [smem:$0x10];
	(tm) =	ssettm $0x1  }
0x98: {  	s17 =	sld [smem:$0x3FFB];
	_ =	sdelay $0x3  }
0x99: {  	_ =	strace s17  }
0x9a: {  	s5 =	sld [smem:$0x3FFC];
	_ =	sdelay $0x3  }
0x9b: {  	_ =	strace s5  }
0x9c: {  	s5 =	sld [smem:$0x3FFD];
	_ =	sdelay $0x3  }
0x9d: {  	_ =	strace s5  }
0x9e: {  	_ =	strace $0x8FFFFFFF  }
0x9f: {  	s18 =	sld [smem:$0x3FDB];
	_ =	sdelay $0x1  }
0xa0: {  	s19 =	simm.s32 $_scs_section_size  }
0xa1: {  	s7 =	simm.s32 $_size__tile_overlayer_lowered;
	s8 =	simm.s32 $_tile_overlayer_lowered  }
0xa2: {  	s22 =	simm.s32 $0x1BFF;
	s21 =	sshll.u32 s8, $0x1;
	s5 =	sadd.s32 s19, s18  }
0xa3: {  	s9 =	simm.s32 $0x0;
	s20 =	sshll.u32 s7, $0x1;
	s7 =	sadd.s32 s21, s5  }
0xa4: {  	[timem:s9], [sflag:s22] =	dma.local [hbm:s7], s20  }
0xa5: {  	_ =	swait.ge [sflag:s22], s20  }
0xa6: {  	s6 =	ssub.s32 $0x0, s20;
	[sflag:s22] =	ssyncset.done $0x0  }
0xa7: {  	[sflag:s22] =	ssyncadd.s32 s6;
	_ =	sdelay $0x1  }
0xa8: {  	s23 =	simm.s32 $0x1B8B  }
0xa9: {  	_ =	swait.ge [sflag:s23], $0x1  }
0xaa: {  	[sflag:s23] =	ssyncset.done $0x0  }
0xab: {  	s25 =	simm.s32 $0x1B8E;
	s24 =	sld [smem:$0x3FFE];
	[sflag:s23] =	ssyncadd.s32 $0xFFFFFFFF  }
0xac: {  	s26 =	simm.s32 $execute0_lowered;
	[smem:$0x3FD2] =	sst s25  }
0xad: {  	s7 =	sshll.u32 s26, $0x1;
	_ =	strace $0x80000049;
	[dreg:$0x1] =	wrdreg $0xFFFFFFFF  }
0xae: {  	s28 =	simm.s32 $_size_execute0_lowered;
	s5 =	sadd.s32 s5, s7;
	[dreg:$0x0] =	wrdreg $0x0  }
0xaf: {  	s7 =	sshll.u32 s28, $0x1;
	[dreg:$0x2] =	wrdreg s5  }
0xb0: {  	[dreg:$0x3] =	wrdreg s7  }
0xb1: {  	[dreg:$0x4] =	wrdreg $0xC0  }
0xb2: {  	_ =	task [dreg:s9], $0x5FFFF  }
0xb3: {  	[dreg:$0x1] =	wrdreg $0xFFFFFFFF  }
0xb4: {  	[dreg:$0x0] =	wrdreg $0x60  }
0xb5: {  	[dreg:$0x2] =	wrdreg s15  }
0xb6: {  	[dreg:$0x3] =	wrdreg s24  }
0xb7: {  	[dreg:$0x4] =	wrdreg s4  }
0xb8: {  	[dreg:$0x5] =	wrdreg s16  }
0xb9: {  	[dreg:$0x6] =	wrdreg $0x9  }
0xba: {  	_ =	task.clear_ibuf [dreg:s9], $0x7FFFF;
	_ =	strace $0x90000049  }
0xbb: {  	s29 =	simm.s32 $0x9;
	_ =	strace $0x8000004B  }
0xbc: {  	_ =	swait.ge [sflag:s29], $0x1  }
0xbd: {  	[sflag:s29] =	ssyncadd.s32 $0xFFFFFFFF  }
0xbe: {  	_ =	strace $0x9000004B  }
0xbf: {  	_ =	sfence  }
0xc0: {  	s30 =	sld [smem:$0x0];
	_ =	sdelay $0x2  }
0xc1: {  	s31 =	sshll.u32 s1, $0xD;
	s1 =	sshrl.u32 s1, $0x2  }
0xc2: {  	s3 =	sand.u32 $0x4000, s31;
	s1 =	sadd.s32 s1, s30  }
0xc3: {  	s0 =	sor.u32 s3, s0;
	s1 =	sshll.u32 s1, $0x11  }
0xc4: {  	s0 =	sor.u32 s1, s0  }
0xc5: {  	s0 =	sadd.s32 $0x8F2B, s0  }
0xc6: {  	[sflag:s0] =	ssyncadd.remote.s32 $0x1  }
0xc7: {  	_ =	sfence.sel $0xFFFF  }
0xc8: {  	[dreg:$0x0] =	wrdreg $0xFFFFFFFF;
	(pc) =	sbr.abs _section_cstart, $3  }
0xc9: {  	[dreg:$0x1] =	wrdreg $0xFFFFFFFF  }
0xca: {  	_ =	task.clear_ibuf [dreg:s9], $0x2FFFF;
	_ =	strace $0x9FFFFFFF  }
0xcb: {  	(tm) =	ssettm $0x7FFFFFFF  }
tec
execute0_lowered:
.L_overlay_start_1:
0x0: {  	(tag) =	ssettag $0x1  }
0x1: {  	s0 =	rddreg [dreg:$0x0]  }
0x2: {  	s2 =	rddreg [dreg:$0x1]  }
0x3: {  	s4 =	rddreg [dreg:$0x2]  }
0x4: {  	s5 =	rddreg [dreg:$0x3];
	s1 =	simm.s32 $0x0;
	s6 =	srdreg.scid  }
0x5: {  	s19 =	stileid.u32;
	s28 =	simm.s32 $0x1000;
	s29 =	simm.s32 $0x1200  }
0x6: {  	s30 =	simm.s32 $0x11280;
	s31 =	simm.s32 $0x0;
	[smem:$0x7FF] =	sst s1  }
0x7: {  	s7 =	sadd.s32 $0x104C00, s2;
	s3 =	sadd.s32 $0x2C00, s2;
	s6 =	sand.u32 $0x1, s6  }
0x8: {  	s2 =	sadd.s32 $0x42C00, s2;
	s9 =	sshll.u32 s19, $0x1;
	s11 =	sshrl.u32 s19, $0x2  }
0x9: {  	s15 =	sadd.s32 $0x800, s5;
	s17 =	sshll.u32 s19, $0xA;
	_ =	strace $0x8000004A  }
0xa: {  	s8 =	ssub.s32 $0x2, s6;
	s9 =	sor.u32 s6, s9;
	s26 =	sshll.u32 s11, $0x4  }
0xb: {  	s20 =	sshll.u32 s11, $0xB;
	s10 =	sshrl.u32 s8, $0x1;
	s25 =	sand.u32 $0x7, s9  }
0xc: {  	s12 =	sadd.s32 s0, s26;
	s6 =	sadd.s32 s7, s26;
	s14 =	sshll.u32 s9, $0xD  }
0xd: {  	s18 =	sshll.u32 s9, $0x7;
	s9 =	sor.u32 $0x20, s9;
	[dreg:$0x5] =	wrdreg s12  }
0xe: {  	s8 =	ssub.s32 s8, s10;
	[dreg:$0x6] =	wrdreg s6;
	s13 =	sshll.u32 s25, $0x4  }
0xf: {  	s16 =	sadd.s32 s5, s14;
	s11 =	sor.u32 s17, s18;
	s17 =	sadd.s32 $0x1800, s5  }
0x10: {  	s22 =	sshll.u32 s9, $0x1;
	s18 =	sand.u32 $0x380, s18;
	s23 =	sshll.u32 s9, $0xD  }
0x11: {  	s9 =	sshll.u32 s9, $0x9;
	s6 =	sadd.s32 s4, s13;
	s4 =	sadd.s32 $0x1, s25  }
0x12: {  	[dreg:$0x7] =	wrdreg s16;
	s16 =	sadd.s32 $0x1000, s5;
	s13 =	sadd.s32 s14, s15  }
0x13: {  	s11 =	sand.u32 $0x3380, s11;
	s10 =	sadd.s32 s14, s17;
	s24 =	sand.u32 $0x7000, s9  }
0x14: {  	s15 =	sadd.s32 s23, s15;
	s25 =	sshll.u32 s19, $0x9;
	s17 =	sadd.s32 s23, s17  }
0x15: {  	s19 =	smax.u32 s8, $0x1;
	[dreg:$0x8] =	wrdreg s13;
	s21 =	sadd.s32 s14, s16  }
0x16: {  	[dreg:$0xa] =	wrdreg s10;
	s11 =	sshrl.u32 s11, $0x3;
	s13 =	sand.u32 $0x70, s22  }
0x17: {  	s14 =	sadd.s32 s5, s23;
	s5 =	sor.u32 s18, s24;
	s16 =	sadd.s32 s23, s16  }
0x18: {  	s22 =	simm.s32 $0x80;
	s23 =	simm.s32 $0x400;
	s24 =	simm.s32 $0x2  }
0x19: {  	[dreg:$0x9] =	wrdreg s21;
	s11 =	sadd.s32 s2, s11;
	s12 =	sadd.s32 s0, s13  }
0x1a: {  	s13 =	sadd.s32 s7, s13;
	s5 =	sshrl.u32 s5, $0x3;
	s7 =	sor.u32 $0x2000, s25  }
0x1b: {  	v1 =	vimm.s32 $0x0;
	s25 =	simm.s32 $0x800;
	s18 =	sadd.s32 s2, s5;
	s26 =	sand.u32 $0x3800, s7  }
0x1c: {  	v2 =	vlaneseq.u32;
	vm0 =	vmxor vm0, vm0;
	v0 =	vmov s4;
	s7 =	sor.u32 $0x10, s20;
	s21 =	sor.u32 $0x10, s26;
	s26 =	simm.s32 $0x11200  }
.LBB2_1:
0x1d: {  	s0 =	rddreg [dreg:$0x5]  }
0x1e: {  	[tilespmem:s1], [sflag:$0x2] =	stream.strided.gather [hbm4b:s0+s22], $0x800, s23, s22, $0x38;
	[tilespmem:$0x11480] =	vst v63  }
0x1f: {  	_ =	swait.ge [sflag:s24], $0x800  }
0x20: {  	[sflag:s24] =	ssyncset.done $0x0  }
0x21: {  	s8 =	rddreg [dreg:$0x6];
	[sflag:s24] =	ssyncadd.s32 $0xFFFFF800  }
0x22: {  	[tilespmem:s25], [sflag:$0x2] =	stream.strided.gather [hbm4b:s8+s22], $0x800, s23, s22, $0x38;
	[tilespmem:$0x11480] =	vst v63  }
0x23: {  	_ =	swait.ge [sflag:s24], $0x800  }
0x24: {  	[sflag:s24] =	ssyncset.done $0x0  }
0x25: {  	[sflag:s24] =	ssyncadd.s32 $0xFFFFF800  }
0x26: {  	[tilespmem:s26], [sflag:$0x2] =	stream.linear.gather [hbm4b:s6+s1], $0x80, $0x38;
	[tilespmem:$0x11480] =	vst v63  }
0x27: {  	_ =	swait.ge [sflag:s24], $0x80  }
0x28: {  	[sflag:s24] =	ssyncset.done $0x0  }
0x29: {  	s9 =	simm.s32 $0x20;
	[sflag:s24] =	ssyncadd.s32 $0xFFFFFF80  }
0x2a: {  	s2 =	simm.s32 $0x820;
	v3 =	vld [tilespmem:s9+$0x10]  }
0x2b: {  	v4 =	vld [tilespmem:s2+$0x10]  }
0x2c: {  	v5 =	vld [tilespmem:s9+$0x0]  }
0x2d: {  	v6 =	vld [tilespmem:s2+$0x0]  }
0x2e: {  	v7 =	vld [tilespmem:s9+$0xFFFFFFF0]  }
0x2f: {  	v8 =	vld [tilespmem:s9+$0xFFFFFFE0]  }
0x30: {  	v9 =	vld [tilespmem:s2+$0xFFFFFFE0]  }
0x31: {  	s10 =	simm.s32 $0x60;
	v10 =	vld [tilespmem:s2+$0xFFFFFFF0]  }
0x32: {  	s20 =	simm.s32 $0x860;
	v11 =	vld [tilespmem:s10+$0x10]  }
0x33: {  	v12 =	vld [tilespmem:s20+$0x10]  }
0x34: {  	v13 =	vld [tilespmem:s10+$0x0];
	vm1 =	veq.s32 v5, v0  }
0x35: {  	vm2 =	veq.s32 v3, v0;
	v3 =	vld [tilespmem:s20+$0x0];
	vm3 =	veq.s32 v8, v0;
	vm4 =	vne.s32 v9, $0x0  }
0x36: {  	v5 =	vld [tilespmem:s10+$0xFFFFFFF0];
	vm12 =	veq.s32 v7, v0;
	vm5 =	vne.s32 v10, $0x0;
	vm3 =	vmand vm3, vm4  }
0x37: {  	vm6 =	vne.s32 v6, $0x0;
	v6 =	vld [tilespmem:s10+$0xFFFFFFE0];
	v7 =	vsel vm3, $0x1, v1;
	vm3 =	vmand vm12, vm5  }
0x38: {  	vm13 =	vne.s32 v4, $0x0;
	v4 =	vld [tilespmem:s20+$0xFFFFFFE0];
	vm1 =	vmand vm1, vm6;
	v8 =	vsel vm3, $0x1, v1;
	(xrf0) =	vadd.scan.msk.s32 $0xffff, v7  }
0x39: {  	v9 =	vsel vm1, $0x1, v1;
	vm1 =	vmand vm2, vm13;
	v7 =	vld [tilespmem:s20+$0xFFFFFFF0];
	(xrf0) =	vadd.scan.msk.s32 $0xffff, v8  }
0x3a: {  	v10 =	vsel vm1, $0x1, v1;
	(xrf0) =	vadd.scan.msk.s32 $0xffff, v9  }
0x3b: {  	s5 =	simm.s32 $0x8A0;
	(xrf0) =	vadd.scan.msk.s32 $0xffff, v10  }
0x3c: {  	s4 =	simm.s32 $0xA0;
	vm15 =	vne.s32 v12, $0x0;
	vm2 =	veq.s32 v11, v0;
	v11 =	vld [tilespmem:s5+$0x0];
	vm1 =	veq.s32 v13, v0  }
0x3d: {  	vm3 =	veq.s32 v6, v0;
	vm14 =	vne.s32 v4, $0x0;
	vm9 =	vne.s32 v3, $0x0;
	v3 =	vld [tilespmem:s4+$0xFFFFFFF0]  }
0x3e: {  	vm10 =	veq.s32 v5, v0;
	v5 =	vld [tilespmem:s4+$0xFFFFFFE0];
	vm3 =	vmand vm3, vm14;
	vm7 =	vne.s32 v7, $0x0;
	v4, _, _ =	vpop (xrf0)  }
0x3f: {  	v6 =	vsel vm3, $0x1, v1;
	v7 =	vld [tilespmem:s5+$0xFFFFFFE0];
	vm3 =	vmand vm10, vm7;
	(v2sf) =	vpush v4, $0xF;
	v4, _, _ =	vpop (xrf0)  }
0x40: {  	vm1 =	vmand vm1, vm9;
	(xrf0) =	vadd.scan.msk.s32 $0xffff, v6;
	v6 =	vld [tilespmem:s5+$0xFFFFFFF0];
	v12 =	vsel vm3, $0x1, v1;
	(v2sf) =	vpush v4, $0xF;
	v4, _, _ =	vpop (xrf0)  }
0x41: {  	v10 =	vld [tilespmem:s4+$0x0];
	v13 =	vsel vm1, $0x1, v1;
	vm1 =	vmand vm2, vm15;
	(xrf0) =	vadd.scan.msk.s32 $0xffff, v12;
	(v2sf) =	vpush v4, $0xF;
	v4, _, _ =	vpop (xrf0)  }
0x42: {  	(xrf0) =	vadd.scan.msk.s32 $0xffff, v13;
	(v2sf) =	vpush v4, $0xF;
	v4 =	vsel vm1, $0x1, v1  }
0x43: {  	v9 =	vld [tilespmem:s5+$0x10];
	(xrf0) =	vadd.scan.msk.s32 $0xffff, v4  }
0x44: {  	vm15 =	vne.s32 v11, $0x0;
	vm11 =	veq.s32 v5, v0;
	vm12 =	vne.s32 v7, $0x0  }
0x45: {  	vm13 =	veq.s32 v3, v0;
	vm4 =	vmand vm11, vm12;
	vm14 =	vne.s32 v6, $0x0  }
0x46: {  	v8 =	vld [tilespmem:s4+$0x10];
	vm1 =	veq.s32 v10, v0;
	v3, _, _ =	vpop (xrf0);
	v4 =	vsel vm4, $0x1, v1;
	vm9 =	vmand vm13, vm14  }
0x47: {  	s8 =	simm.s32 $0xE0;
	vm1 =	vmand vm1, vm15;
	(v2sf) =	vpush v3, $0xF;
	v5 =	vsel vm9, $0x1, v1;
	(xrf0) =	vadd.scan.msk.s32 $0xffff, v4;
	v3, _, _ =	vpop (xrf0)  }
0x48: {  	s9 =	simm.s32 $0x8E0;
	vm3 =	vne.s32 v9, $0x0;
	v9 =	vld [tilespmem:s8+$0xFFFFFFF0];
	v6 =	vsel vm1, $0x1, v1;
	(xrf0) =	vadd.scan.msk.s32 $0xffff, v5;
	(v2sf) =	vpush v3, $0xF;
	v3, _, _ =	vpop (xrf0)  }
0x49: {  	v11 =	vld [tilespmem:s9+$0xFFFFFFF0];
	(v2sf) =	vpush v3, $0xF;
	v3, _, _ =	vpop (xrf0);
	(xrf0) =	vadd.scan.msk.s32 $0xffff, v6  }
0x4a: {  	v14 =	vld [tilespmem:s8+$0x0]  }
0x4b: {  	vm2 =	veq.s32 v8, v0;
	v8 =	vld [tilespmem:s9+$0x0]  }
0x4c: {  	v12 =	vld [tilespmem:s8+$0x10]  }
0x4d: {  	v7 =	vld [tilespmem:s8+$0xFFFFFFE0];
	vm13 =	veq.s32 v9, v0;
	(v2sf) =	vpush v3, $0xF;
	v9, _, _ =	vpop (xrf0)  }
0x4e: {  	v10 =	vld [tilespmem:s9+$0xFFFFFFE0];
	vm14 =	vne.s32 v11, $0x0;
	v11, _, _ =	vpop (xrf0);
	s10 =	spop (v2sf);
	(v2sf) =	vpush v9, $0xF  }
0x4f: {  	s4 =	simm.s32 $0x120;
	v13 =	vld [tilespmem:s9+$0x10];
	vm1 =	vmand vm2, vm3;
	s5 =	spop (v2sf);
	(v2sf) =	vpush v11, $0xF;
	v11, _, _ =	vpop (xrf0)  }
0x50: {  	vm12 =	vne.s32 v8, $0x0;
	v8 =	vld [tilespmem:s4+$0xFFFFFFE0];
	v5 =	vsel vm1, $0x1, v1;
	s8 =	spop (v2sf);
	(v2sf) =	vpush v11, $0xF  }
0x51: {  	v4 =	vld [tilespmem:s4+$0x10];
	(xrf0) =	vadd.scan.msk.s32 $0xffff, v5  }
0x52: {  	s0 =	simm.s32 $0x920;
	vm10 =	veq.s32 v7, v0;
	v7 =	vld [tilespmem:s4+$0xFFFFFFF0]  }
0x53: {  	vm11 =	vne.s32 v10, $0x0;
	v3 =	vld [tilespmem:s0+$0x10]  }
0x54: {  	vm2 =	veq.s32 v12, v0;
	vm4 =	vmand vm10, vm11;
	v6 =	vld [tilespmem:s4+$0x0]  }
0x55: {  	vm15 =	vmand vm13, vm14;
	vm1 =	veq.s32 v14, v0;
	v10 =	vsel vm4, $0x1, v1;
	v5 =	vld [tilespmem:s0+$0x0];
	s20 =	sadd.s32 $0x0, s10  }
0x56: {  	s2 =	simm.s32 $0x160;
	vm3 =	vne.s32 v13, $0x0;
	v13 =	vsel vm15, $0x1, v1;
	vm1 =	vmand vm1, vm12;
	(xrf0) =	vadd.scan.msk.s32 $0xffff, v10;
	v9 =	vld [tilespmem:s0+$0xFFFFFFE0];
	s5 =	sadd.s32 s5, s20  }
0x57: {  	v12 =	vsel vm1, $0x1, v1;
	vm1 =	vmand vm2, vm3;
	s4 =	simm.s32 $0x10;
	v10 =	vld [tilespmem:s0+$0xFFFFFFF0];
	(xrf0) =	vadd.scan.msk.s32 $0xffff, v13;
	v11, _, _ =	vpop (xrf0);
	s5 =	sadd.s32 s8, s5;
	s8 =	spop (v2sf)  }
.LBB2_2:
0x58: {  	s0 =	sadd.s32 $0x40, s0;
	v13 =	vsel vm1, $0x1, v1;
	(xrf0) =	vadd.scan.msk.s32 $0xffff, v12;
	(v2sf) =	vpush v11, $0xF;
	s5 =	sadd.s32 s8, s5;
	v11 =	vmovc v4;
	v4 =	vld [tilespmem:s2+$0x10];
	v12 =	vmov v3  }
0x59: {  	s4 =	sadd.s32 $0x4, s4;
	v3 =	vld [tilespmem:s0+$0x10];
	(xrf0) =	vadd.scan.msk.s32 $0xffff, v13  }
0x5a: {  	vm3 =	veq.s32 v6, v0;
	vm1 =	veq.s32 v11, v0;
	vm2 =	vne.s32 v12, $0x0;
	p0 =	slt.u32 s4, $0x7C;
	v6 =	vld [tilespmem:s2+$0x0]  }
.Ltmp0:
0x5b: {  	vm6 =	vne.s32 v5, $0x0;
	vm4 =	veq.s32 v8, v0;
	vm5 =	vne.s32 v9, $0x0;
	v5 =	vld [tilespmem:s0+$0x0];
	(pc) =	sbr.rel @p0 .LBB2_2-.Ltmp0, $4  }
0x5c: {  	vm4 =	vmand vm4, vm5;
	vm5 =	veq.s32 v7, v0;
	v7 =	vld [tilespmem:s2+$0xFFFFFFF0];
	vm7 =	vne.s32 v10, $0x0;
	v9, _, _ =	vpop (xrf0);
	s8 =	spop (v2sf)  }
0x5d: {  	v8 =	vld [tilespmem:s2+$0xFFFFFFE0];
	s2 =	sadd.s32 $0x40, s2;
	v10 =	vsel vm4, $0x1, v1;
	vm4 =	vmand vm5, vm7;
	(v2sf) =	vpush v9, $0xF;
	v11, _, _ =	vpop (xrf0);
	s5 =	sadd.s32 s5, s8;
	s8 =	spop (v2sf)  }
0x5e: {  	vm3 =	vmand vm3, vm6;
	v9 =	vld [tilespmem:s0+$0xFFFFFFE0];
	v13 =	vsel vm4, $0x1, v1;
	(xrf0) =	vadd.scan.msk.s32 $0xffff, v10;
	(v2sf) =	vpush v11, $0xF;
	v11, _, _ =	vpop (xrf0);
	s5 =	sadd.s32 s8, s5;
	s8 =	spop (v2sf)  }
0x5f: {  	v12 =	vsel vm3, $0x1, v1;
	vm1 =	vmand vm1, vm2;
	v10 =	vld [tilespmem:s0+$0xFFFFFFF0];
	(xrf0) =	vadd.scan.msk.s32 $0xffff, v13;
	(v2sf) =	vpush v11, $0xF;
	v11, _, _ =	vpop (xrf0);
	s5 =	sadd.s32 s8, s5;
	s8 =	spop (v2sf)  }
0x60: {  	_ =	sdelay $0x2  }
0x61: {  	v13 =	vsel vm1, $0x1, v1;
	vm3 =	veq.s32 v8, v0;
	vm4 =	vne.s32 v9, $0x0  }
0x62: {  	vm14 =	veq.s32 v7, v0;
	vm3 =	vmand vm3, vm4;
	vm5 =	vne.s32 v10, $0x0  }
0x63: {  	vm1 =	veq.s32 v6, v0;
	(xrf0) =	vadd.scan.msk.s32 $0xffff, v12;
	v60 =	vsel vm3, $0x1, v1;
	vm3 =	vmand vm14, vm5  }
0x64: {  	vm6 =	vne.s32 v5, $0x0;
	vm15 =	vne.s32 v3, $0x0;
	(xrf0) =	vadd.scan.msk.s32 $0xffff, v13;
	v3 =	vsel vm3, $0x1, v1  }
0x65: {  	vm2 =	veq.s32 v4, v0;
	vm1 =	vmand vm1, vm6;
	(xrf0) =	vadd.scan.msk.s32 $0xffff, v60  }
0x66: {  	v61 =	vsel vm1, $0x1, v1;
	vm1 =	vmand vm2, vm15;
	(xrf0) =	vadd.scan.msk.s32 $0xffff, v3  }
0x67: {  	(v2sf) =	vpush v11, $0xF;
	v62 =	vsel vm1, $0x1, v1;
	v3, _, _ =	vpop (xrf0);
	(xrf0) =	vadd.scan.msk.s32 $0xffff, v61  }
0x68: {  	(v2sf) =	vpush v3, $0xF;
	v3, _, _ =	vpop (xrf0);
	(xrf0) =	vadd.scan.msk.s32 $0xffff, v62  }
0x69: {  	v63, _, _ =	vpop (xrf0);
	(v2sf) =	vpush v3, $0xF  }
0x6a: {  	v3, _, _ =	vpop (xrf0);
	(v2sf) =	vpush v63, $0xF  }
0x6b: {  	(v2sf) =	vpush v3, $0xF;
	v3, _, _ =	vpop (xrf0)  }
0x6c: {  	(v2sf) =	vpush v3, $0xF;
	v3, _, _ =	vpop (xrf0)  }
0x6d: {  	(v2sf) =	vpush v3, $0xF;
	v3, _, _ =	vpop (xrf0)  }
0x6e: {  	(v2sf) =	vpush v3, $0xF;
	v3, _, _ =	vpop (xrf0)  }
0x6f: {  	s0 =	sadd.s32 s8, s5;
	s2 =	spop (v2sf);
	(v2sf) =	vpush v3, $0xF  }
0x70: {  	s4 =	spop (v2sf);
	s0 =	sadd.s32 s0, s2  }
0x71: {  	s8 =	spop (v2sf);
	s0 =	sadd.s32 s4, s0  }
0x72: {  	s0 =	sadd.s32 s8, s0;
	s9 =	spop (v2sf)  }
0x73: {  	s0 =	sadd.s32 s9, s0;
	s10 =	spop (v2sf)  }
0x74: {  	s20 =	spop (v2sf);
	s0 =	sadd.s32 s0, s10  }
0x75: {  	s5 =	spop (v2sf);
	s0 =	sadd.s32 s20, s0  }
0x76: {  	s8 =	spop (v2sf);
	s0 =	sadd.s32 s5, s0  }
0x77: {  	s0 =	sadd.s32 s8, s0;
	s9 =	spop (v2sf)  }
0x78: {  	s0 =	sadd.s32 s0, s9;
	s10 =	spop (v2sf)  }
0x79: {  	s0 =	sadd.s32 s10, s0;
	s20 =	spop (v2sf)  }
0x7a: {  	s0 =	sadd.s32 s20, s0;
	s4 =	spop (v2sf)  }
0x7b: {  	s0 =	sadd.s32 s4, s0;
	s5 =	spop (v2sf)  }
0x7c: {  	s0 =	sadd.s32 s0, s5;
	s8 =	spop (v2sf)  }
0x7d: {  	s20 =	simm.s32 $0x0;
	s0 =	sadd.s32 s8, s0;
	s9 =	spop (v2sf)  }
0x7e: {  	s2 =	simm.s32 $0x1000;
	v3 =	vor.u32 s20, v2;
	s0 =	sadd.s32 s9, s0;
	s10 =	spop (v2sf)  }
0x7f: {  	s4 =	simm.s32 $0x10;
	[tilespmem:s2+$0x0] =	vst v3;
	s0 =	sadd.s32 s10, s0  }
.LBB2_4:
0x80: {  	p0 =	seq.s32 s4, $0x1F0  }
.Ltmp1:
0x81: {  	_ = 	snop;
	(pc) =	sbr.rel @!p0 .LBB2_4-.Ltmp1, $3  }
0x82: {  	_ =	sdelay $0x1  }
0x83: {  	v3 =	vor.u32 s4, v2;
	s4 =	sadd.s32 $0x10, s4;
	s2 =	sadd.s32 $0x10, s2  }
0x84: {  	[tilespmem:s2+$0x0] =	vst v3  }
0x85: {  	s5 =	simm.s32 $0x10  }
0x86: {  	s4 =	simm.s32 $0x810;
	v4 =	vld [tilespmem:s5+$0xFFFFFFF0]  }
0x87: {  	v5 =	vld [tilespmem:s4+$0xFFFFFFF0];
	_ =	sdelay $0x4  }
0x88: {  	vm1 =	veq.s32 v4, v0;
	vm2 =	vne.s32 v5, $0x0  }
0x89: {  	vm1 =	vmand vm1, vm2  }
0x8a: {  	s2 =	sadd.s32 $0xFFFFFE00, s0;
	v4 =	vsel vm1, $0x1, v1  }
0x8b: {  	p0 =	sgt.s32 s2, $0x0;
	(xrf0) =	vadd.scan.msk.s32 $0xffff, v4  }
0x8c: {  	s2 =	simm.s32 @!p0 $0x0  }
0x8d: {  	v3 =	vmov s2  }
0x8e: {  	s8 =	simm.s32 $0x0;
	v3 =	vxor.u32 $0xFFFFFFFF, v3  }
0x8f: {  	v4 =	vadd.s32 s8, v3  }
0x90: {  	v4 =	vbroadcast v4, $0x0  }
0x91: {  	v5, _, _ =	vpop (xrf0)  }
0x92: {  	v4 =	vadd.s32 v5, v4  }
0x93: {  	vm2 =	vgt.s32 v4, $0xFFFFFFFF  }
0x94: {  	vm1 =	vmand vm1, vm2;
	vm2 =	vgt.s32 v4, $0x0  }
0x95: {  	v4 =	vnsel vm2, $0x0, v4;
	_ =	sdelay $0x1  }
0x96: {  	(v2sf) =	vpush v5, $0xF  }
0x97: {  	s10 =	sadd.s32 $0xFFFFFFF0, s7  }
0x98: {  	v5 =	vor.u32 s10, v2  }
0x99: {  	[tilespmem:v4+s28+$0x0] =	vst.idx.msk vm1, v5  }
0x9a: {  	v4 =	vld [tilespmem:s5+$0x0]  }
0x9b: {  	v5 =	vld [tilespmem:s4+$0x0];
	_ =	sdelay $0x4  }
0x9c: {  	vm1 =	veq.s32 v4, v0;
	vm2 =	vne.s32 v5, $0x0  }
0x9d: {  	vm1 =	vmand vm1, vm2  }
0x9e: {  	v4 =	vsel vm1, $0x1, v1  }
0x9f: {  	(xrf0) =	vadd.scan.msk.s32 $0xffff, v4;
	_ =	sdelay $0x1  }
0xa0: {  	s20 =	spop (v2sf)  }
0xa1: {  	s9 =	sadd.s32 $0x0, s20  }
0xa2: {  	v4 =	vadd.s32 s9, v3  }
0xa3: {  	v4 =	vbroadcast v4, $0x0  }
0xa4: {  	v5, _, _ =	vpop (xrf0)  }
0xa5: {  	v4 =	vadd.s32 v5, v4;
	(v2sf) =	vpush v5, $0xF  }
0xa6: {  	vm2 =	vgt.s32 v4, $0xFFFFFFFF  }
0xa7: {  	vm1 =	vmand vm1, vm2;
	vm2 =	vgt.s32 v4, $0x0  }
0xa8: {  	v4 =	vnsel vm2, $0x0, v4;
	_ =	sdelay $0x3  }
0xa9: {  	v6 =	vor.u32 s7, v2  }
0xaa: {  	s4 =	simm.s32 $0x30;
	[tilespmem:v4+s28+$0x0] =	vst.idx.msk vm1, v6  }
0xab: {  	s5 =	simm.s32 $0x830;
	v6 =	vld [tilespmem:s4+$0xFFFFFFF0]  }
0xac: {  	v4 =	vld [tilespmem:s5+$0xFFFFFFF0];
	_ =	sdelay $0x3  }
0xad: {  	s8 =	simm.s32 $0x2;
	s20 =	smov.u32 s7;
	vm1 =	veq.s32 v6, v0  }
.LBB2_6:
0xae: {  	s8 =	sadd.s32 $0x2, s8;
	vm2 =	vne.s32 v4, $0x0;
	s20 =	sadd.s32 $0x20, s20;
	s10 =	spop (v2sf)  }
0xaf: {  	p0 =	slt.u32 s8, $0x7E;
	vm1 =	vmand vm1, vm2;
	s9 =	sadd.s32 s9, s10  }
0xb0: {  	v4 =	vsel vm1, $0x1, v1;
	v5 =	vadd.s32 s9, v3  }
0xb1: {  	(xrf0) =	vadd.scan.msk.s32 $0xffff, v4;
	_ =	sdelay $0x4  }
0xb2: {  	v4 =	vbroadcast v5, $0x0  }
0xb3: {  	v5, _, _ =	vpop (xrf0)  }
0xb4: {  	v4 =	vadd.s32 v5, v4;
	(v2sf) =	vpush v5, $0xF  }
0xb5: {  	vm2 =	vgt.s32 v4, $0xFFFFFFFF;
	vm3 =	vgt.s32 v4, $0x0  }
0xb6: {  	vm1 =	vmand vm1, vm2;
	v4 =	vnsel vm3, $0x0, v4;
	_ =	sdelay $0x3  }
0xb7: {  	s10 =	sadd.s32 $0xFFFFFFF0, s20  }
0xb8: {  	v5 =	vor.u32 s10, v2  }
0xb9: {  	[tilespmem:v4+s28+$0x0] =	vst.idx.msk vm1, v5  }
0xba: {  	v4 =	vld [tilespmem:s4+$0x0]  }
0xbb: {  	v5 =	vld [tilespmem:s5+$0x0];
	_ =	sdelay $0x3  }
0xbc: {  	vm1 =	veq.s32 v4, v0  }
0xbd: {  	vm2 =	vne.s32 v5, $0x0;
	s10 =	spop (v2sf)  }
0xbe: {  	vm1 =	vmand vm1, vm2  }
0xbf: {  	v4 =	vsel vm1, $0x1, v1  }
0xc0: {  	(xrf0) =	vadd.scan.msk.s32 $0xffff, v4;
	_ =	sdelay $0x1  }
0xc1: {  	s9 =	sadd.s32 s9, s10  }
0xc2: {  	v4 =	vadd.s32 s9, v3  }
0xc3: {  	v4 =	vbroadcast v4, $0x0;
	_ =	sdelay $0x1  }
0xc4: {  	v5, _, _ =	vpop (xrf0)  }
0xc5: {  	v4 =	vadd.s32 v5, v4;
	(v2sf) =	vpush v5, $0xF  }
0xc6: {  	vm2 =	vgt.s32 v4, $0xFFFFFFFF;
	vm3 =	vgt.s32 v4, $0x0  }
0xc7: {  	vm1 =	vmand vm1, vm2;
	v4 =	vnsel vm3, $0x0, v4;
	_ =	sdelay $0x3  }
0xc8: {  	v5 =	vor.u32 s20, v2  }
0xc9: {  	s4 =	sadd.s32 $0x20, s4  }
0xca: {  	[tilespmem:v4+s28+$0x0] =	vst.idx.msk vm1, v5  }
0xcb: {  	s5 =	sadd.s32 $0x20, s5;
	v5 =	vld [tilespmem:s4+$0xFFFFFFF0]  }
.Ltmp2:
0xcc: {  	v4 =	vld [tilespmem:s5+$0xFFFFFFF0];
	(pc) =	sbr.rel @p0 .LBB2_6-.Ltmp2, $2  }
0xcd: {  	_ =	sdelay $0x2  }
0xce: {  	vm1 =	veq.s32 v5, v0  }
0xcf: {  	vm2 =	vne.s32 v4, $0x0  }
0xd0: {  	vm1 =	vmand vm1, vm2  }
0xd1: {  	v4 =	vsel vm1, $0x1, v1  }
0xd2: {  	(xrf0) =	vadd.scan.msk.s32 $0xffff, v4;
	_ =	sdelay $0x1  }
0xd3: {  	s8 =	spop (v2sf)  }
0xd4: {  	s8 =	sadd.s32 s9, s8  }
0xd5: {  	v4 =	vadd.s32 s8, v3  }
0xd6: {  	v4 =	vbroadcast v4, $0x0  }
0xd7: {  	v5, _, _ =	vpop (xrf0)  }
0xd8: {  	v4 =	vadd.s32 v5, v4  }
0xd9: {  	vm2 =	vgt.s32 v4, $0xFFFFFFFF  }
0xda: {  	vm1 =	vmand vm1, vm2;
	vm2 =	vgt.s32 v4, $0x0  }
0xdb: {  	v4 =	vnsel vm2, $0x0, v4;
	_ =	sdelay $0x1  }
0xdc: {  	s20 =	sadd.s32 $0x20, s20;
	(v2sf) =	vpush v5, $0xF  }
0xdd: {  	s10 =	sadd.s32 $0xFFFFFFF0, s20  }
0xde: {  	v5 =	vor.u32 s10, v2  }
0xdf: {  	[tilespmem:v4+s28+$0x0] =	vst.idx.msk vm1, v5  }
0xe0: {  	v4 =	vld [tilespmem:s4+$0x0]  }
0xe1: {  	v5 =	vld [tilespmem:s5+$0x0];
	_ =	sdelay $0x4  }
0xe2: {  	vm1 =	veq.s32 v4, v0;
	vm2 =	vne.s32 v5, $0x0  }
0xe3: {  	vm1 =	vmand vm1, vm2  }
0xe4: {  	v4 =	vsel vm1, $0x1, v1  }
0xe5: {  	(xrf0) =	vadd.scan.msk.s32 $0xffff, v4;
	_ =	sdelay $0x1  }
0xe6: {  	s5 =	spop (v2sf)  }
0xe7: {  	s4 =	sadd.s32 s8, s5  }
0xe8: {  	v3 =	vadd.s32 s4, v3  }
0xe9: {  	v3 =	vbroadcast v3, $0x0  }
0xea: {  	v4, _, _ =	vpop (xrf0)  }
0xeb: {  	v3 =	vadd.s32 v4, v3  }
0xec: {  	vm2 =	vgt.s32 v3, $0xFFFFFFFF  }
0xed: {  	vm3 =	vgt.s32 v3, $0x0;
	vm1 =	vmand vm1, vm2  }
0xee: {  	v3 =	vnsel vm3, $0x0, v3  }
0xef: {  	s4 =	ssub.s32 s0, s2  }
0xf0: {  	p2 =	slt.s32 s4, $0x1  }
0xf1: {  	p3 =	slt.u32 @!p2 s4, $0x81  }
0xf2: {  	v5 =	vor.u32 s20, v2;
	s5 =	simm.s32 @!p2 $0x80;
	p4 =	por p3, p2  }
0xf3: {  	s8 =	simm.s32 @!p2 $0x1000;
	s9 =	simm.s32 @!p2 $0x1200;
	p1 =	slt.u32 @!p4 s4, $0x101;
	[tilespmem:v3+s28+$0x0] =	vst.idx.msk vm1, v5  }
0xf4: {  	[tilespmem:s9], [sflag:$0x1] =	stream.indirect.gather @!p2 [hbm4b:s3+s5], $0x80, s8, s5, $0xb8;
	[tilespmem:$0x11480] =	vst v63  }
0xf5: {  	(v2sf) =	vpush v4, $0xF;
	s5 =	simm.s32 @!p4 $0x80;
	s8 =	simm.s32 @!p4 $0x1080;
	s9 =	simm.s32 @!p4 $0x5200  }
0xf6: {  	[tilespmem:s9], [sflag:$0x1] =	stream.indirect.gather @!p4 [hbm4b:s3+s5], $0x80, s8, s5, $0xb8;
	[tilespmem:$0x11480] =	vst v63  }
0xf7: {  	p0 =	por @!p2 p1, p3;
	s5 =	simm.s32 @!p1 $0x0  }
0xf8: {  	p0 =	por p0, p2;
	s5 =	simm.s32 @p1 $0x1  }
0xf9: {  	[smem:$0x7F7] =	sst s5;
	s5 =	simm.s32 @!p0 $0x0  }
0xfa: {  	s8 =	simm.s32 @!p0 $0x1100;
	s5 =	simm.s32 @p0 $0x1  }
0xfb: {  	s9 =	simm.s32 @!p0 $0x9200;
	[smem:$0x7FA] =	sst s5;
	s5 =	simm.s32 @!p0 $0x80  }
0xfc: {  	[tilespmem:s9], [sflag:$0x1] =	stream.indirect.gather @!p0 [hbm4b:s3+s5], $0x80, s8, s5, $0xb8;
	[tilespmem:$0x11480] =	vst v63  }
0xfd: {  	p0 =	slt.u32 @!p0 s4, $0x181  }
0xfe: {  	s5 =	simm.s32 @!p0 $0x0  }
0xff: {  	s5 =	simm.s32 @p0 $0x1;
	p0 =	por @!p4 p0, p1  }
0x100: {  	p0 =	por @!p2 p0, p3  }
0x101: {  	[smem:$0x7F6] =	sst s5;
	p1 =	por p0, p2  }
0x102: {  	s5 =	simm.s32 @!p1 $0x80;
	s8 =	simm.s32 @!p1 $0x1180;
	s9 =	simm.s32 @!p1 $0xD200  }
0x103: {  	[tilespmem:s9], [sflag:$0x1] =	stream.indirect.gather @!p1 [hbm4b:s3+s5], $0x80, s8, s5, $0xb8;
	[tilespmem:$0x11480] =	vst v63  }
0x104: {  	s10 =	spop (v2sf);
	s5 =	simm.s32 @!p2 $0x1  }
0x105: {  	_ =	swait.ge @!p2 [sflag:s5], $0x4000  }
0x106: {  	[sflag:s5] =	ssyncset.done @!p2 $0x0  }
0x107: {  	p0 =	sne.s32 s0, s2;
	[sflag:s5] =	ssyncadd.s32 @!p2 $0xFFFFC000  }
0x108: {  	v3 =	vld @!p0 [tilespmem:$0x11200]  }
0x109: {  	v4 =	vld @!p0 [tilespmem:$0x11210]  }
0x10a: {  	v5 =	vld @!p0 [tilespmem:$0x11220]  }
0x10b: {  	p6 =	sgt.u32 @!p2 s4, $0x80;
	v6 =	vld @!p0 [tilespmem:$0x11230]  }
0x10c: {  	s5 =	simm.s32 @!p6 $0x0;
	v7 =	vld @!p0 [tilespmem:$0x11240]  }
0x10d: {  	s5 =	simm.s32 @p6 $0x1;
	[tilespmem:$0x1200] =	vst @!p0 v3;
	v3 =	vld @!p0 [tilespmem:$0x11250]  }
0x10e: {  	[smem:$0x7F5] =	sst s5;
	[tilespmem:$0x1210] =	vst @!p0 v4;
	v4 =	vld @!p0 [tilespmem:$0x11260]  }
0x10f: {  	s5 =	sld [smem:$0x7F5];
	[tilespmem:$0x1220] =	vst @!p0 v5;
	v5 =	vld @!p0 [tilespmem:$0x11270]  }
0x110: {  	[tilespmem:$0x1230] =	vst @!p0 v6  }
0x111: {  	p1 =	por @!p1 $0x1, $0x1;
	s20 =	sld [smem:$0x7F6];
	[tilespmem:$0x1240] =	vst @!p0 v7  }
0x112: {  	s8 =	sld [smem:$0x7F7];
	p5 =	seq.s32 s5, $0x1;
	s5 =	simm.s32 @!p1 $0x0;
	[tilespmem:$0x1250] =	vst @!p0 v3  }
0x113: {  	s9 =	rddreg [dreg:$0x7];
	p6 =	por $0x0, $0x0;
	s5 =	simm.s32 @p1 $0x1;
	[tilespmem:$0x1260] =	vst @!p0 v4  }
0x114: {  	p6 =	por @!p2 p5, p5;
	[smem:$0x7FB] =	sst s5;
	[tilespmem:$0x1270] =	vst @!p0 v5  }
0x115: {  	[hbm4b:s9+s1] =	stream.linear.scatter [tilespmem:s29], [sflag:$0x2], $0x4000, $0x38;
	[tilespmem:$0x11480] =	vst v63  }
0x116: {  	p5 =	seq.s32 s8, $0x1;
	p0 =	seq.s32 s20, $0x1;
	_ =	swait.ge [sflag:s24], $0x4000  }
0x117: {  	p0 =	por @!p4 !p0, p5;
	s10 =	sld [smem:$0x7F7]  }
0x118: {  	p0 =	por @!p2 !p0, p3  }
0x119: {  	p5 =	por @!p4 $0x0, $0x0;
	p4 =	por !p0, p2  }
0x11a: {  	s20 =	sld [smem:$0x7FA];
	s5 =	simm.s32 @!p4 $0x0;
	p0 =	seq.s32 s10, $0x1  }
0x11b: {  	s5 =	simm.s32 @p4 $0x1;
	p0 =	por @!p2 !p0, p3  }
0x11c: {  	[smem:$0x7FC] =	sst s5;
	s5 =	simm.s32 @!p0 $0x0  }
0x11d: {  	s5 =	simm.s32 @p0 $0x1;
	p0 =	seq.s32 s20, $0x1  }
0x11e: {  	p0 =	por @!p0 $0x1, $0x1  }
0x11f: {  	s8 =	simm.s32 @!p0 $0x0  }
0x120: {  	[smem:$0x7F9] =	sst s5;
	s8 =	simm.s32 @p0 $0x1  }
0x121: {  	[smem:$0x7F8] =	sst s8  }
0x122: {  	s8 =	sld [smem:$0x7F8]  }
0x123: {  	s9 =	sld [smem:$0x7F9];
	_ =	sdelay $0x1  }
0x124: {  	p0 =	por p1, p1;
	p1 =	seq.s32 s8, $0x1  }
0x125: {  	p0 =	por @!p4 p1, p1;
	p4 =	seq.s32 s9, $0x1  }
0x126: {  	p1 =	por !p4, p2  }
0x127: {  	s8 =	simm.s32 @!p1 $0x0  }
0x128: {  	[sflag:s24] =	ssyncset.done $0x0;
	s8 =	simm.s32 @p1 $0x1  }
0x129: {  	[sflag:s24] =	ssyncadd.s32 $0xFFFFC000;
	s5 =	simm.s32 @p6 $0x1;
	[smem:$0x7FD] =	sst s8  }
0x12a: {  	p4 =	por p5, p5;
	_ =	swait.ge @p6 [sflag:s5], $0x4000  }
0x12b: {  	p4 =	por @!p1 p0, p0;
	s8 =	simm.s32 @p6 $0x5200;
	[sflag:s5] =	ssyncset.done @p6 $0x0  }
0x12c: {  	s9 =	rddreg [dreg:$0x8];
	[sflag:s5] =	ssyncadd.s32 @p6 $0xFFFFC000;
	s5 =	simm.s32 @p6 $0x0  }
0x12d: {  	[hbm4b:s9+s5] =	stream.linear.scatter @p6 [tilespmem:s8], [sflag:$0x2], $0x4000, $0x38;
	[tilespmem:$0x11480] =	vst v63  }
0x12e: {  	p0 =	por !p3, p2;
	p1 =	por @!p2 $0x0, $0x0;
	s5 =	simm.s32 @p6 $0x2  }
0x12f: {  	p3 =	por $0x0, $0x0;
	p4 =	por @!p0 p1, p1;
	_ =	swait.ge @p6 [sflag:s5], $0x4000  }
0x130: {  	p3 =	por @!p2 p4, p4;
	[sflag:s5] =	ssyncset.done @p6 $0x0  }
0x131: {  	[sflag:s5] =	ssyncadd.s32 @p6 $0xFFFFC000;
	s5 =	simm.s32 @p3 $0x1  }
0x132: {  	s10 =	sld [smem:$0x7FA];
	_ =	swait.ge @p3 [sflag:s5], $0x4000  }
0x133: {  	s20 =	sld [smem:$0x7FB]  }
0x134: {  	s8 =	simm.s32 @p3 $0x9200;
	s9 =	sld [smem:$0x7FC]  }
0x135: {  	p4 =	seq.s32 s10, $0x1;
	[sflag:s5] =	ssyncset.done @p3 $0x0;
	s10 =	sld [smem:$0x7FD]  }
0x136: {  	p4 =	por @!p4 $0x0, $0x0;
	[sflag:s5] =	ssyncadd.s32 @p3 $0xFFFFC000;
	s5 =	simm.s32 @p3 $0x0  }
0x137: {  	p1 =	seq.s32 s20, $0x1;
	p6 =	seq.s32 s9, $0x1;
	s9 =	rddreg [dreg:$0x9]  }
0x138: {  	[hbm4b:s9+s5] =	stream.linear.scatter @p3 [tilespmem:s8], [sflag:$0x2], $0x4000, $0x38;
	[tilespmem:$0x11480] =	vst v63  }
0x139: {  	p1 =	por @!p6 p4, p4;
	p4 =	seq.s32 s10, $0x1  }
0x13a: {  	s5 =	simm.s32 @p3 $0x2;
	p5 =	por @!p4 p1, p1;
	p1 =	por @!p2 $0x0, $0x0  }
0x13b: {  	_ =	swait.ge @p3 [sflag:s5], $0x4000;
	p5 =	por @!p0 p1, p1;
	p1 =	por $0x0, $0x0  }
0x13c: {  	[sflag:s5] =	ssyncset.done @p3 $0x0;
	p1 =	por @!p2 p5, p5  }
0x13d: {  	[sflag:s5] =	ssyncadd.s32 @p3 $0xFFFFC000;
	s5 =	simm.s32 @p1 $0x1  }
0x13e: {  	s20 =	simm.s32 $0x0;
	_ =	swait.ge @p1 [sflag:s5], $0x4000  }
0x13f: {  	p0 =	seq.s32 s0, s2;
	s8 =	simm.s32 @p1 $0xD200;
	[sflag:s5] =	ssyncset.done @p1 $0x0  }
0x140: {  	s2 =	rddreg [dreg:$0xa];
	[sflag:s5] =	ssyncadd.s32 @p1 $0xFFFFC000;
	s5 =	simm.s32 @p1 $0x0  }
0x141: {  	vm1 =	vmmov vm0;
	v3 =	vmov s4;
	v4 =	vmov s20;
	[hbm4b:s2+s5] =	stream.linear.scatter @p1 [tilespmem:s8], [sflag:$0x2], $0x4000, $0x38;
	[tilespmem:$0x11480] =	vst v63  }
0x142: {  	v5 =	vor.u32 s20, v2;
	vm2 =	veq.s32 v4, v2;
	vm1 =	vmneg @p0 vm1;
	s2 =	simm.s32 @p1 $0x2  }
0x143: {  	vm3 =	vlt.s32 v5, v3;
	vm2 =	vmand vm1, vm2;
	_ =	swait.ge @p1 [sflag:s2], $0x4000  }
0x144: {  	vm2 =	vmor vm3, vm2;
	[sflag:s2] =	ssyncset.done @p1 $0x0  }
0x145: {  	s0 =	simm.s32 $0x11280;
	v4 =	vsel vm2, $0x1, v1;
	[sflag:s2] =	ssyncadd.s32 @p1 $0xFFFFC000  }
0x146: {  	s2 =	simm.s32 $0x10;
	[tilespmem:s0+$0x0] =	vst v4  }
.LBB2_8:
0x147: {  	v4 =	vmov s2;
	p0 =	sne.s32 s2, $0x1F0;
	s4 =	smov.u32 s2;
	s2 =	sadd.s32 $0x10, s2  }
.Ltmp3:
0x148: {  	v5 =	vor.u32 s4, v2;
	vm2 =	veq.s32 v4, v2;
	(pc) =	sbr.rel @p0 .LBB2_8-.Ltmp3, $4  }
0x149: {  	vm3 =	vlt.s32 v5, v3;
	vm2 =	vmand vm1, vm2  }
0x14a: {  	vm2 =	vmor vm3, vm2  }
0x14b: {  	s0 =	sadd.s32 $0x10, s0;
	v4 =	vsel vm2, $0x1, v1  }
0x14c: {  	[tilespmem:s0+$0x0] =	vst v4  }
0x14d: {  	[hbm4b:s11+s22] =	stream.strided.scatter [tilespmem:s30], [sflag:$0x2], $0x200, s23, s22, $0x38;
	[tilespmem:$0x11480] =	vst v63  }
0x14e: {  	_ =	swait.ge [sflag:s24], $0x200  }
0x14f: {  	[sflag:s24] =	ssyncset.done $0x0  }
0x150: {  	s2 =	simm.s32 $0x0;
	[sflag:s24] =	ssyncadd.s32 $0xFFFFFE00  }
0x151: {  	[tilespmem:s2], [sflag:$0x2] =	stream.strided.gather [hbm4b:s12+s22], $0x800, s23, s22, $0x38;
	[tilespmem:$0x11480] =	vst v63  }
0x152: {  	_ =	swait.ge [sflag:s24], $0x800  }
0x153: {  	[sflag:s24] =	ssyncset.done $0x0  }
0x154: {  	[sflag:s24] =	ssyncadd.s32 $0xFFFFF800  }
0x155: {  	[tilespmem:s25], [sflag:$0x2] =	stream.strided.gather [hbm4b:s13+s22], $0x800, s23, s22, $0x38;
	[tilespmem:$0x11480] =	vst v63  }
0x156: {  	_ =	swait.ge [sflag:s24], $0x800  }
0x157: {  	[sflag:s24] =	ssyncset.done $0x0  }
0x158: {  	[sflag:s24] =	ssyncadd.s32 $0xFFFFF800  }
0x159: {  	[tilespmem:s26], [sflag:$0x2] =	stream.linear.gather [hbm4b:s6+s2], $0x80, $0x38;
	[tilespmem:$0x11480] =	vst v63  }
0x15a: {  	_ =	swait.ge [sflag:s24], $0x80  }
0x15b: {  	[sflag:s24] =	ssyncset.done $0x0  }
0x15c: {  	s0 =	simm.s32 $0x20;
	[sflag:s24] =	ssyncadd.s32 $0xFFFFFF80  }
0x15d: {  	s4 =	simm.s32 $0x820;
	v3 =	vld [tilespmem:s0+$0x10]  }
0x15e: {  	v4 =	vld [tilespmem:s4+$0x10]  }
0x15f: {  	v5 =	vld [tilespmem:s0+$0x0]  }
0x160: {  	v6 =	vld [tilespmem:s4+$0x0]  }
0x161: {  	v7 =	vld [tilespmem:s0+$0xFFFFFFF0]  }
0x162: {  	v8 =	vld [tilespmem:s0+$0xFFFFFFE0]  }
0x163: {  	v9 =	vld [tilespmem:s4+$0xFFFFFFE0]  }
0x164: {  	s9 =	simm.s32 $0x60;
	v10 =	vld [tilespmem:s4+$0xFFFFFFF0]  }
0x165: {  	s10 =	simm.s32 $0x860;
	v11 =	vld [tilespmem:s9+$0x10]  }
0x166: {  	v12 =	vld [tilespmem:s10+$0x10]  }
0x167: {  	v13 =	vld [tilespmem:s9+$0x0];
	vm1 =	veq.s32 v5, v0  }
0x168: {  	vm2 =	veq.s32 v3, v0;
	v3 =	vld [tilespmem:s10+$0x0];
	vm3 =	veq.s32 v8, v0;
	vm4 =	vne.s32 v9, $0x0  }
0x169: {  	v5 =	vld [tilespmem:s9+$0xFFFFFFF0];
	vm12 =	veq.s32 v7, v0;
	vm5 =	vne.s32 v10, $0x0;
	vm3 =	vmand vm3, vm4  }
0x16a: {  	vm6 =	vne.s32 v6, $0x0;
	v6 =	vld [tilespmem:s9+$0xFFFFFFE0];
	v7 =	vsel vm3, $0x1, v1;
	vm3 =	vmand vm12, vm5  }
0x16b: {  	vm13 =	vne.s32 v4, $0x0;
	v4 =	vld [tilespmem:s10+$0xFFFFFFE0];
	vm1 =	vmand vm1, vm6;
	v8 =	vsel vm3, $0x1, v1;
	(xrf0) =	vadd.scan.msk.s32 $0xffff, v7  }
0x16c: {  	v9 =	vsel vm1, $0x1, v1;
	vm1 =	vmand vm2, vm13;
	v7 =	vld [tilespmem:s10+$0xFFFFFFF0];
	(xrf0) =	vadd.scan.msk.s32 $0xffff, v8  }
0x16d: {  	v10 =	vsel vm1, $0x1, v1;
	(xrf0) =	vadd.scan.msk.s32 $0xffff, v9  }
0x16e: {  	s5 =	simm.s32 $0x8A0;
	(xrf0) =	vadd.scan.msk.s32 $0xffff, v10  }
0x16f: {  	s20 =	simm.s32 $0xA0;
	vm15 =	vne.s32 v12, $0x0;
	vm2 =	veq.s32 v11, v0;
	v11 =	vld [tilespmem:s5+$0x0];
	vm1 =	veq.s32 v13, v0  }
0x170: {  	vm3 =	veq.s32 v6, v0;
	vm14 =	vne.s32 v4, $0x0;
	vm9 =	vne.s32 v3, $0x0;
	v3 =	vld [tilespmem:s20+$0xFFFFFFF0]  }
0x171: {  	vm10 =	veq.s32 v5, v0;
	v5 =	vld [tilespmem:s20+$0xFFFFFFE0];
	vm3 =	vmand vm3, vm14;
	vm7 =	vne.s32 v7, $0x0;
	v4, _, _ =	vpop (xrf0)  }
0x172: {  	v6 =	vsel vm3, $0x1, v1;
	v7 =	vld [tilespmem:s5+$0xFFFFFFE0];
	vm3 =	vmand vm10, vm7;
	(v2sf) =	vpush v4, $0xF;
	v4, _, _ =	vpop (xrf0)  }
0x173: {  	vm1 =	vmand vm1, vm9;
	(xrf0) =	vadd.scan.msk.s32 $0xffff, v6;
	v6 =	vld [tilespmem:s5+$0xFFFFFFF0];
	v12 =	vsel vm3, $0x1, v1;
	(v2sf) =	vpush v4, $0xF;
	v4, _, _ =	vpop (xrf0)  }
0x174: {  	v10 =	vld [tilespmem:s20+$0x0];
	v13 =	vsel vm1, $0x1, v1;
	vm1 =	vmand vm2, vm15;
	(xrf0) =	vadd.scan.msk.s32 $0xffff, v12;
	(v2sf) =	vpush v4, $0xF;
	v4, _, _ =	vpop (xrf0)  }
0x175: {  	(xrf0) =	vadd.scan.msk.s32 $0xffff, v13;
	(v2sf) =	vpush v4, $0xF;
	v4 =	vsel vm1, $0x1, v1  }
0x176: {  	v9 =	vld [tilespmem:s5+$0x10];
	(xrf0) =	vadd.scan.msk.s32 $0xffff, v4  }
0x177: {  	vm15 =	vne.s32 v11, $0x0;
	vm11 =	veq.s32 v5, v0;
	vm12 =	vne.s32 v7, $0x0  }
0x178: {  	vm13 =	veq.s32 v3, v0;
	vm4 =	vmand vm11, vm12;
	vm14 =	vne.s32 v6, $0x0  }
0x179: {  	v8 =	vld [tilespmem:s20+$0x10];
	vm1 =	veq.s32 v10, v0;
	v3, _, _ =	vpop (xrf0);
	v4 =	vsel vm4, $0x1, v1;
	vm9 =	vmand vm13, vm14  }
0x17a: {  	s8 =	simm.s32 $0xE0;
	vm1 =	vmand vm1, vm15;
	(v2sf) =	vpush v3, $0xF;
	v5 =	vsel vm9, $0x1, v1;
	(xrf0) =	vadd.scan.msk.s32 $0xffff, v4;
	v3, _, _ =	vpop (xrf0)  }
0x17b: {  	s9 =	simm.s32 $0x8E0;
	vm3 =	vne.s32 v9, $0x0;
	v9 =	vld [tilespmem:s8+$0xFFFFFFF0];
	v6 =	vsel vm1, $0x1, v1;
	(xrf0) =	vadd.scan.msk.s32 $0xffff, v5;
	(v2sf) =	vpush v3, $0xF;
	v3, _, _ =	vpop (xrf0)  }
0x17c: {  	v11 =	vld [tilespmem:s9+$0xFFFFFFF0];
	(v2sf) =	vpush v3, $0xF;
	v3, _, _ =	vpop (xrf0);
	(xrf0) =	vadd.scan.msk.s32 $0xffff, v6  }
0x17d: {  	v14 =	vld [tilespmem:s8+$0x0]  }
0x17e: {  	vm2 =	veq.s32 v8, v0;
	v8 =	vld [tilespmem:s9+$0x0]  }
0x17f: {  	v12 =	vld [tilespmem:s8+$0x10]  }
0x180: {  	v7 =	vld [tilespmem:s8+$0xFFFFFFE0];
	vm13 =	veq.s32 v9, v0;
	(v2sf) =	vpush v3, $0xF;
	v9, _, _ =	vpop (xrf0)  }
0x181: {  	v10 =	vld [tilespmem:s9+$0xFFFFFFE0];
	vm14 =	vne.s32 v11, $0x0;
	v11, _, _ =	vpop (xrf0);
	s10 =	spop (v2sf);
	(v2sf) =	vpush v9, $0xF  }
0x182: {  	s5 =	simm.s32 $0x120;
	v13 =	vld [tilespmem:s9+$0x10];
	vm1 =	vmand vm2, vm3;
	s8 =	spop (v2sf);
	(v2sf) =	vpush v11, $0xF;
	v11, _, _ =	vpop (xrf0)  }
0x183: {  	vm12 =	vne.s32 v8, $0x0;
	v8 =	vld [tilespmem:s5+$0xFFFFFFE0];
	v5 =	vsel vm1, $0x1, v1;
	s9 =	spop (v2sf);
	(v2sf) =	vpush v11, $0xF  }
0x184: {  	v4 =	vld [tilespmem:s5+$0x10];
	(xrf0) =	vadd.scan.msk.s32 $0xffff, v5  }
0x185: {  	s0 =	simm.s32 $0x920;
	vm10 =	veq.s32 v7, v0;
	v7 =	vld [tilespmem:s5+$0xFFFFFFF0]  }
0x186: {  	vm11 =	vne.s32 v10, $0x0;
	v3 =	vld [tilespmem:s0+$0x10]  }
0x187: {  	vm2 =	veq.s32 v12, v0;
	vm4 =	vmand vm10, vm11;
	v6 =	vld [tilespmem:s5+$0x0]  }
0x188: {  	vm15 =	vmand vm13, vm14;
	vm1 =	veq.s32 v14, v0;
	v10 =	vsel vm4, $0x1, v1;
	v5 =	vld [tilespmem:s0+$0x0];
	s20 =	sadd.s32 $0x0, s10  }
0x189: {  	s4 =	simm.s32 $0x160;
	vm3 =	vne.s32 v13, $0x0;
	v13 =	vsel vm15, $0x1, v1;
	vm1 =	vmand vm1, vm12;
	(xrf0) =	vadd.scan.msk.s32 $0xffff, v10;
	v9 =	vld [tilespmem:s0+$0xFFFFFFE0];
	s8 =	sadd.s32 s8, s20  }
0x18a: {  	v12 =	vsel vm1, $0x1, v1;
	vm1 =	vmand vm2, vm3;
	s5 =	simm.s32 $0x10;
	v10 =	vld [tilespmem:s0+$0xFFFFFFF0];
	(xrf0) =	vadd.scan.msk.s32 $0xffff, v13;
	v11, _, _ =	vpop (xrf0);
	s8 =	sadd.s32 s9, s8;
	s9 =	spop (v2sf)  }
.LBB2_10:
0x18b: {  	s0 =	sadd.s32 $0x40, s0;
	v13 =	vsel vm1, $0x1, v1;
	(xrf0) =	vadd.scan.msk.s32 $0xffff, v12;
	(v2sf) =	vpush v11, $0xF;
	s8 =	sadd.s32 s9, s8;
	v11 =	vmovc v4;
	v4 =	vld [tilespmem:s4+$0x10];
	v12 =	vmov v3  }
0x18c: {  	s5 =	sadd.s32 $0x4, s5;
	v3 =	vld [tilespmem:s0+$0x10];
	(xrf0) =	vadd.scan.msk.s32 $0xffff, v13  }
0x18d: {  	vm3 =	veq.s32 v6, v0;
	vm1 =	veq.s32 v11, v0;
	vm2 =	vne.s32 v12, $0x0;
	p0 =	slt.u32 s5, $0x7C;
	v6 =	vld [tilespmem:s4+$0x0]  }
.Ltmp4:
0x18e: {  	vm6 =	vne.s32 v5, $0x0;
	vm4 =	veq.s32 v8, v0;
	vm5 =	vne.s32 v9, $0x0;
	v5 =	vld [tilespmem:s0+$0x0];
	(pc) =	sbr.rel @p0 .LBB2_10-.Ltmp4, $4  }
0x18f: {  	vm4 =	vmand vm4, vm5;
	vm5 =	veq.s32 v7, v0;
	v7 =	vld [tilespmem:s4+$0xFFFFFFF0];
	vm7 =	vne.s32 v10, $0x0;
	v9, _, _ =	vpop (xrf0);
	s9 =	spop (v2sf)  }
0x190: {  	v8 =	vld [tilespmem:s4+$0xFFFFFFE0];
	s4 =	sadd.s32 $0x40, s4;
	v10 =	vsel vm4, $0x1, v1;
	vm4 =	vmand vm5, vm7;
	(v2sf) =	vpush v9, $0xF;
	v11, _, _ =	vpop (xrf0);
	s8 =	sadd.s32 s8, s9;
	s9 =	spop (v2sf)  }
0x191: {  	vm3 =	vmand vm3, vm6;
	v9 =	vld [tilespmem:s0+$0xFFFFFFE0];
	v13 =	vsel vm4, $0x1, v1;
	(xrf0) =	vadd.scan.msk.s32 $0xffff, v10;
	(v2sf) =	vpush v11, $0xF;
	v11, _, _ =	vpop (xrf0);
	s8 =	sadd.s32 s9, s8;
	s9 =	spop (v2sf)  }
0x192: {  	v12 =	vsel vm3, $0x1, v1;
	vm1 =	vmand vm1, vm2;
	v10 =	vld [tilespmem:s0+$0xFFFFFFF0];
	(xrf0) =	vadd.scan.msk.s32 $0xffff, v13;
	(v2sf) =	vpush v11, $0xF;
	v11, _, _ =	vpop (xrf0);
	s8 =	sadd.s32 s9, s8;
	s9 =	spop (v2sf)  }
0x193: {  	_ =	sdelay $0x2  }
0x194: {  	v13 =	vsel vm1, $0x1, v1;
	vm3 =	veq.s32 v8, v0;
	vm4 =	vne.s32 v9, $0x0  }
0x195: {  	vm14 =	veq.s32 v7, v0;
	vm3 =	vmand vm3, vm4;
	vm5 =	vne.s32 v10, $0x0  }
0x196: {  	vm1 =	veq.s32 v6, v0;
	(xrf0) =	vadd.scan.msk.s32 $0xffff, v12;
	v60 =	vsel vm3, $0x1, v1;
	vm3 =	vmand vm14, vm5  }
0x197: {  	vm6 =	vne.s32 v5, $0x0;
	vm15 =	vne.s32 v3, $0x0;
	(xrf0) =	vadd.scan.msk.s32 $0xffff, v13;
	v3 =	vsel vm3, $0x1, v1  }
0x198: {  	vm2 =	veq.s32 v4, v0;
	vm1 =	vmand vm1, vm6;
	(xrf0) =	vadd.scan.msk.s32 $0xffff, v60  }
0x199: {  	v61 =	vsel vm1, $0x1, v1;
	vm1 =	vmand vm2, vm15;
	(xrf0) =	vadd.scan.msk.s32 $0xffff, v3  }
0x19a: {  	(v2sf) =	vpush v11, $0xF;
	v62 =	vsel vm1, $0x1, v1;
	v3, _, _ =	vpop (xrf0);
	(xrf0) =	vadd.scan.msk.s32 $0xffff, v61  }
0x19b: {  	(v2sf) =	vpush v3, $0xF;
	v3, _, _ =	vpop (xrf0);
	(xrf0) =	vadd.scan.msk.s32 $0xffff, v62  }
0x19c: {  	v63, _, _ =	vpop (xrf0);
	(v2sf) =	vpush v3, $0xF  }
0x19d: {  	v3, _, _ =	vpop (xrf0);
	(v2sf) =	vpush v63, $0xF  }
0x19e: {  	(v2sf) =	vpush v3, $0xF;
	v3, _, _ =	vpop (xrf0)  }
0x19f: {  	(v2sf) =	vpush v3, $0xF;
	v3, _, _ =	vpop (xrf0)  }
0x1a0: {  	(v2sf) =	vpush v3, $0xF;
	v3, _, _ =	vpop (xrf0)  }
0x1a1: {  	(v2sf) =	vpush v3, $0xF;
	v3, _, _ =	vpop (xrf0)  }
0x1a2: {  	s0 =	sadd.s32 s9, s8;
	s4 =	spop (v2sf);
	(v2sf) =	vpush v3, $0xF  }
0x1a3: {  	s0 =	sadd.s32 s0, s4;
	s5 =	spop (v2sf)  }
0x1a4: {  	s0 =	sadd.s32 s5, s0;
	s8 =	spop (v2sf)  }
0x1a5: {  	s0 =	sadd.s32 s8, s0;
	s9 =	spop (v2sf)  }
0x1a6: {  	s0 =	sadd.s32 s9, s0;
	s10 =	spop (v2sf)  }
0x1a7: {  	s0 =	sadd.s32 s0, s10;
	s20 =	spop (v2sf)  }
0x1a8: {  	s0 =	sadd.s32 s20, s0;
	s5 =	spop (v2sf)  }
0x1a9: {  	s0 =	sadd.s32 s5, s0;
	s8 =	spop (v2sf)  }
0x1aa: {  	s0 =	sadd.s32 s8, s0;
	s9 =	spop (v2sf)  }
0x1ab: {  	s0 =	sadd.s32 s0, s9;
	s10 =	spop (v2sf)  }
0x1ac: {  	s0 =	sadd.s32 s10, s0;
	s20 =	spop (v2sf)  }
0x1ad: {  	s0 =	sadd.s32 s20, s0;
	s5 =	spop (v2sf)  }
0x1ae: {  	s0 =	sadd.s32 s5, s0;
	s8 =	spop (v2sf)  }
0x1af: {  	s0 =	sadd.s32 s0, s8;
	s9 =	spop (v2sf)  }
0x1b0: {  	s0 =	sadd.s32 s9, s0;
	s10 =	spop (v2sf)  }
0x1b1: {  	s4 =	simm.s32 $0x1000;
	v3 =	vor.u32 s2, v2;
	s0 =	sadd.s32 s10, s0;
	s20 =	spop (v2sf)  }
0x1b2: {  	s2 =	simm.s32 $0x10;
	[tilespmem:s4+$0x0] =	vst v3;
	s0 =	sadd.s32 s20, s0  }
.LBB2_12:
0x1b3: {  	p0 =	seq.s32 s2, $0x1F0  }
.Ltmp5:
0x1b4: {  	_ = 	snop;
	(pc) =	sbr.rel @!p0 .LBB2_12-.Ltmp5, $3  }
0x1b5: {  	_ =	sdelay $0x1  }
0x1b6: {  	v3 =	vor.u32 s2, v2;
	s2 =	sadd.s32 $0x10, s2;
	s4 =	sadd.s32 $0x10, s4  }
0x1b7: {  	[tilespmem:s4+$0x0] =	vst v3  }
0x1b8: {  	s5 =	simm.s32 $0x10  }
0x1b9: {  	s4 =	simm.s32 $0x810;
	v4 =	vld [tilespmem:s5+$0xFFFFFFF0]  }
0x1ba: {  	v5 =	vld [tilespmem:s4+$0xFFFFFFF0];
	_ =	sdelay $0x4  }
0x1bb: {  	vm1 =	veq.s32 v4, v0;
	vm2 =	vne.s32 v5, $0x0  }
0x1bc: {  	vm1 =	vmand vm1, vm2  }
0x1bd: {  	s2 =	sadd.s32 $0xFFFFFE00, s0;
	v4 =	vsel vm1, $0x1, v1  }
0x1be: {  	p0 =	sgt.s32 s2, $0x0;
	(xrf0) =	vadd.scan.msk.s32 $0xffff, v4  }
0x1bf: {  	s2 =	simm.s32 @!p0 $0x0  }
0x1c0: {  	v3 =	vmov s2  }
0x1c1: {  	s8 =	simm.s32 $0x0;
	v3 =	vxor.u32 $0xFFFFFFFF, v3  }
0x1c2: {  	v4 =	vadd.s32 s8, v3  }
0x1c3: {  	v4 =	vbroadcast v4, $0x0  }
0x1c4: {  	v5, _, _ =	vpop (xrf0)  }
0x1c5: {  	v4 =	vadd.s32 v5, v4  }
0x1c6: {  	vm2 =	vgt.s32 v4, $0xFFFFFFFF  }
0x1c7: {  	vm1 =	vmand vm1, vm2;
	vm2 =	vgt.s32 v4, $0x0  }
0x1c8: {  	v4 =	vnsel vm2, $0x0, v4;
	_ =	sdelay $0x1  }
0x1c9: {  	(v2sf) =	vpush v5, $0xF  }
0x1ca: {  	s10 =	sadd.s32 $0xFFFFFFF0, s21  }
0x1cb: {  	v5 =	vor.u32 s10, v2  }
0x1cc: {  	[tilespmem:v4+s28+$0x0] =	vst.idx.msk vm1, v5  }
0x1cd: {  	v4 =	vld [tilespmem:s5+$0x0]  }
0x1ce: {  	v5 =	vld [tilespmem:s4+$0x0];
	_ =	sdelay $0x4  }
0x1cf: {  	vm1 =	veq.s32 v4, v0;
	vm2 =	vne.s32 v5, $0x0  }
0x1d0: {  	vm1 =	vmand vm1, vm2  }
0x1d1: {  	v4 =	vsel vm1, $0x1, v1  }
0x1d2: {  	(xrf0) =	vadd.scan.msk.s32 $0xffff, v4;
	_ =	sdelay $0x1  }
0x1d3: {  	s20 =	spop (v2sf)  }
0x1d4: {  	s9 =	sadd.s32 $0x0, s20  }
0x1d5: {  	v4 =	vadd.s32 s9, v3  }
0x1d6: {  	v4 =	vbroadcast v4, $0x0  }
0x1d7: {  	v5, _, _ =	vpop (xrf0)  }
0x1d8: {  	v4 =	vadd.s32 v5, v4;
	(v2sf) =	vpush v5, $0xF  }
0x1d9: {  	vm2 =	vgt.s32 v4, $0xFFFFFFFF  }
0x1da: {  	vm1 =	vmand vm1, vm2;
	vm2 =	vgt.s32 v4, $0x0  }
0x1db: {  	v4 =	vnsel vm2, $0x0, v4;
	_ =	sdelay $0x3  }
0x1dc: {  	v6 =	vor.u32 s21, v2  }
0x1dd: {  	s4 =	simm.s32 $0x30;
	[tilespmem:v4+s28+$0x0] =	vst.idx.msk vm1, v6  }
0x1de: {  	s5 =	simm.s32 $0x830;
	v6 =	vld [tilespmem:s4+$0xFFFFFFF0]  }
0x1df: {  	v4 =	vld [tilespmem:s5+$0xFFFFFFF0];
	_ =	sdelay $0x3  }
0x1e0: {  	s8 =	simm.s32 $0x2;
	s20 =	smov.u32 s21;
	vm1 =	veq.s32 v6, v0  }
.LBB2_14:
0x1e1: {  	s8 =	sadd.s32 $0x2, s8;
	vm2 =	vne.s32 v4, $0x0;
	s20 =	sadd.s32 $0x20, s20;
	s10 =	spop (v2sf)  }
0x1e2: {  	p0 =	slt.u32 s8, $0x7E;
	vm1 =	vmand vm1, vm2;
	s9 =	sadd.s32 s9, s10  }
0x1e3: {  	v4 =	vsel vm1, $0x1, v1;
	v5 =	vadd.s32 s9, v3  }
0x1e4: {  	(xrf0) =	vadd.scan.msk.s32 $0xffff, v4;
	_ =	sdelay $0x4  }
0x1e5: {  	v4 =	vbroadcast v5, $0x0  }
0x1e6: {  	v5, _, _ =	vpop (xrf0)  }
0x1e7: {  	v4 =	vadd.s32 v5, v4;
	(v2sf) =	vpush v5, $0xF  }
0x1e8: {  	vm2 =	vgt.s32 v4, $0xFFFFFFFF;
	vm3 =	vgt.s32 v4, $0x0  }
0x1e9: {  	vm1 =	vmand vm1, vm2;
	v4 =	vnsel vm3, $0x0, v4;
	_ =	sdelay $0x3  }
0x1ea: {  	s10 =	sadd.s32 $0xFFFFFFF0, s20  }
0x1eb: {  	v5 =	vor.u32 s10, v2  }
0x1ec: {  	[tilespmem:v4+s28+$0x0] =	vst.idx.msk vm1, v5  }
0x1ed: {  	v4 =	vld [tilespmem:s4+$0x0]  }
0x1ee: {  	v5 =	vld [tilespmem:s5+$0x0];
	_ =	sdelay $0x3  }
0x1ef: {  	vm1 =	veq.s32 v4, v0  }
0x1f0: {  	vm2 =	vne.s32 v5, $0x0;
	s10 =	spop (v2sf)  }
0x1f1: {  	vm1 =	vmand vm1, vm2  }
0x1f2: {  	v4 =	vsel vm1, $0x1, v1  }
0x1f3: {  	(xrf0) =	vadd.scan.msk.s32 $0xffff, v4;
	_ =	sdelay $0x1  }
0x1f4: {  	s9 =	sadd.s32 s9, s10  }
0x1f5: {  	v4 =	vadd.s32 s9, v3  }
0x1f6: {  	v4 =	vbroadcast v4, $0x0;
	_ =	sdelay $0x1  }
0x1f7: {  	v5, _, _ =	vpop (xrf0)  }
0x1f8: {  	v4 =	vadd.s32 v5, v4;
	(v2sf) =	vpush v5, $0xF  }
0x1f9: {  	vm2 =	vgt.s32 v4, $0xFFFFFFFF;
	vm3 =	vgt.s32 v4, $0x0  }
0x1fa: {  	vm1 =	vmand vm1, vm2;
	v4 =	vnsel vm3, $0x0, v4;
	_ =	sdelay $0x3  }
0x1fb: {  	v5 =	vor.u32 s20, v2  }
0x1fc: {  	s4 =	sadd.s32 $0x20, s4  }
0x1fd: {  	[tilespmem:v4+s28+$0x0] =	vst.idx.msk vm1, v5  }
0x1fe: {  	s5 =	sadd.s32 $0x20, s5;
	v5 =	vld [tilespmem:s4+$0xFFFFFFF0]  }
.Ltmp6:
0x1ff: {  	v4 =	vld [tilespmem:s5+$0xFFFFFFF0];
	(pc) =	sbr.rel @p0 .LBB2_14-.Ltmp6, $2  }
0x200: {  	_ =	sdelay $0x2  }
0x201: {  	vm1 =	veq.s32 v5, v0  }
0x202: {  	vm2 =	vne.s32 v4, $0x0  }
0x203: {  	vm1 =	vmand vm1, vm2  }
0x204: {  	v4 =	vsel vm1, $0x1, v1  }
0x205: {  	(xrf0) =	vadd.scan.msk.s32 $0xffff, v4;
	_ =	sdelay $0x1  }
0x206: {  	s8 =	spop (v2sf)  }
0x207: {  	s8 =	sadd.s32 s9, s8  }
0x208: {  	v4 =	vadd.s32 s8, v3  }
0x209: {  	v4 =	vbroadcast v4, $0x0  }
0x20a: {  	v5, _, _ =	vpop (xrf0)  }
0x20b: {  	v4 =	vadd.s32 v5, v4  }
0x20c: {  	vm2 =	vgt.s32 v4, $0xFFFFFFFF  }
0x20d: {  	vm1 =	vmand vm1, vm2;
	vm2 =	vgt.s32 v4, $0x0  }
0x20e: {  	v4 =	vnsel vm2, $0x0, v4;
	_ =	sdelay $0x1  }
0x20f: {  	s20 =	sadd.s32 $0x20, s20;
	(v2sf) =	vpush v5, $0xF  }
0x210: {  	s10 =	sadd.s32 $0xFFFFFFF0, s20  }
0x211: {  	v5 =	vor.u32 s10, v2  }
0x212: {  	[tilespmem:v4+s28+$0x0] =	vst.idx.msk vm1, v5  }
0x213: {  	v4 =	vld [tilespmem:s4+$0x0]  }
0x214: {  	v5 =	vld [tilespmem:s5+$0x0];
	_ =	sdelay $0x4  }
0x215: {  	vm1 =	veq.s32 v4, v0;
	vm2 =	vne.s32 v5, $0x0  }
0x216: {  	vm1 =	vmand vm1, vm2  }
0x217: {  	v4 =	vsel vm1, $0x1, v1  }
0x218: {  	(xrf0) =	vadd.scan.msk.s32 $0xffff, v4;
	_ =	sdelay $0x1  }
0x219: {  	s10 =	spop (v2sf)  }
0x21a: {  	s4 =	sadd.s32 s8, s10  }
0x21b: {  	v3 =	vadd.s32 s4, v3  }
0x21c: {  	v3 =	vbroadcast v3, $0x0  }
0x21d: {  	v4, _, _ =	vpop (xrf0)  }
0x21e: {  	v3 =	vadd.s32 v4, v3  }
0x21f: {  	vm2 =	vgt.s32 v3, $0xFFFFFFFF  }
0x220: {  	vm3 =	vgt.s32 v3, $0x0;
	vm1 =	vmand vm1, vm2  }
0x221: {  	v3 =	vnsel vm3, $0x0, v3  }
0x222: {  	s4 =	ssub.s32 s0, s2  }
0x223: {  	p2 =	slt.s32 s4, $0x1  }
0x224: {  	p3 =	slt.u32 @!p2 s4, $0x81  }
0x225: {  	v5 =	vor.u32 s20, v2;
	s5 =	simm.s32 @!p2 $0x80;
	p4 =	por p3, p2  }
0x226: {  	s8 =	simm.s32 @!p2 $0x1000;
	s9 =	simm.s32 @!p2 $0x1200;
	p1 =	slt.u32 @!p4 s4, $0x101;
	[tilespmem:v3+s28+$0x0] =	vst.idx.msk vm1, v5  }
0x227: {  	[tilespmem:s9], [sflag:$0x1] =	stream.indirect.gather @!p2 [hbm4b:s3+s5], $0x80, s8, s5, $0xb8;
	[tilespmem:$0x11480] =	vst v63  }
0x228: {  	(v2sf) =	vpush v4, $0xF;
	s5 =	simm.s32 @!p4 $0x80;
	s8 =	simm.s32 @!p4 $0x1080;
	s9 =	simm.s32 @!p4 $0x5200  }
0x229: {  	[tilespmem:s9], [sflag:$0x1] =	stream.indirect.gather @!p4 [hbm4b:s3+s5], $0x80, s8, s5, $0xb8;
	[tilespmem:$0x11480] =	vst v63  }
0x22a: {  	p0 =	por @!p2 p1, p3;
	s5 =	simm.s32 @!p1 $0x0  }
0x22b: {  	p0 =	por p0, p2;
	s5 =	simm.s32 @p1 $0x1  }
0x22c: {  	[smem:$0x7EE] =	sst s5;
	s5 =	simm.s32 @!p0 $0x0  }
0x22d: {  	s8 =	simm.s32 @!p0 $0x1100;
	s5 =	simm.s32 @p0 $0x1  }
0x22e: {  	s9 =	simm.s32 @!p0 $0x9200;
	[smem:$0x7F1] =	sst s5;
	s5 =	simm.s32 @!p0 $0x80  }
0x22f: {  	[tilespmem:s9], [sflag:$0x1] =	stream.indirect.gather @!p0 [hbm4b:s3+s5], $0x80, s8, s5, $0xb8;
	[tilespmem:$0x11480] =	vst v63  }
0x230: {  	p0 =	slt.u32 @!p0 s4, $0x181  }
0x231: {  	s5 =	simm.s32 @!p0 $0x0  }
0x232: {  	s5 =	simm.s32 @p0 $0x1;
	p0 =	por @!p4 p0, p1  }
0x233: {  	p0 =	por @!p2 p0, p3  }
0x234: {  	[smem:$0x7ED] =	sst s5;
	p1 =	por p0, p2  }
0x235: {  	s5 =	simm.s32 @!p1 $0x80;
	s8 =	simm.s32 @!p1 $0x1180;
	s9 =	simm.s32 @!p1 $0xD200  }
0x236: {  	[tilespmem:s9], [sflag:$0x1] =	stream.indirect.gather @!p1 [hbm4b:s3+s5], $0x80, s8, s5, $0xb8;
	[tilespmem:$0x11480] =	vst v63  }
0x237: {  	s20 =	spop (v2sf);
	s5 =	simm.s32 @!p2 $0x1  }
0x238: {  	_ =	swait.ge @!p2 [sflag:s5], $0x4000  }
0x239: {  	[sflag:s5] =	ssyncset.done @!p2 $0x0  }
0x23a: {  	p0 =	sne.s32 s0, s2;
	[sflag:s5] =	ssyncadd.s32 @!p2 $0xFFFFC000  }
0x23b: {  	v3 =	vld @!p0 [tilespmem:$0x11200]  }
0x23c: {  	v4 =	vld @!p0 [tilespmem:$0x11210]  }
0x23d: {  	v5 =	vld @!p0 [tilespmem:$0x11220]  }
0x23e: {  	p6 =	sgt.u32 @!p2 s4, $0x80;
	v6 =	vld @!p0 [tilespmem:$0x11230]  }
0x23f: {  	s5 =	simm.s32 @!p6 $0x0;
	v7 =	vld @!p0 [tilespmem:$0x11240]  }
0x240: {  	s5 =	simm.s32 @p6 $0x1;
	[tilespmem:$0x1200] =	vst @!p0 v3;
	v3 =	vld @!p0 [tilespmem:$0x11250]  }
0x241: {  	[smem:$0x7EC] =	sst s5;
	[tilespmem:$0x1210] =	vst @!p0 v4;
	v4 =	vld @!p0 [tilespmem:$0x11260]  }
0x242: {  	s5 =	sld [smem:$0x7EC];
	[tilespmem:$0x1220] =	vst @!p0 v5;
	v5 =	vld @!p0 [tilespmem:$0x11270]  }
0x243: {  	[tilespmem:$0x1230] =	vst @!p0 v6  }
0x244: {  	p1 =	por @!p1 $0x1, $0x1;
	[tilespmem:$0x1240] =	vst @!p0 v7  }
0x245: {  	s8 =	sld [smem:$0x7ED];
	p5 =	seq.s32 s5, $0x1;
	s5 =	simm.s32 @!p1 $0x0;
	[tilespmem:$0x1250] =	vst @!p0 v3  }
0x246: {  	s9 =	sld [smem:$0x7EE];
	p6 =	por $0x0, $0x0;
	s5 =	simm.s32 @p1 $0x1;
	[tilespmem:$0x1260] =	vst @!p0 v4  }
0x247: {  	p6 =	por @!p2 p5, p5;
	[smem:$0x7F2] =	sst s5;
	[tilespmem:$0x1270] =	vst @!p0 v5  }
0x248: {  	[hbm4b:s14+s1] =	stream.linear.scatter [tilespmem:s29], [sflag:$0x2], $0x4000, $0x38;
	[tilespmem:$0x11480] =	vst v63  }
0x249: {  	p5 =	seq.s32 s9, $0x1;
	p0 =	seq.s32 s8, $0x1;
	_ =	swait.ge [sflag:s24], $0x4000  }
0x24a: {  	p0 =	por @!p4 !p0, p5;
	s10 =	sld [smem:$0x7EE]  }
0x24b: {  	p0 =	por @!p2 !p0, p3  }
0x24c: {  	p5 =	por @!p4 $0x0, $0x0;
	p4 =	por !p0, p2  }
0x24d: {  	s20 =	sld [smem:$0x7F1];
	s5 =	simm.s32 @!p4 $0x0;
	p0 =	seq.s32 s10, $0x1  }
0x24e: {  	s5 =	simm.s32 @p4 $0x1;
	p0 =	por @!p2 !p0, p3  }
0x24f: {  	[smem:$0x7F3] =	sst s5;
	s5 =	simm.s32 @!p0 $0x0  }
0x250: {  	s5 =	simm.s32 @p0 $0x1;
	p0 =	seq.s32 s20, $0x1  }
0x251: {  	p0 =	por @!p0 $0x1, $0x1  }
0x252: {  	s8 =	simm.s32 @!p0 $0x0  }
0x253: {  	[smem:$0x7F0] =	sst s5;
	s8 =	simm.s32 @p0 $0x1  }
0x254: {  	[smem:$0x7EF] =	sst s8  }
0x255: {  	s8 =	sld [smem:$0x7EF]  }
0x256: {  	s9 =	sld [smem:$0x7F0];
	_ =	sdelay $0x1  }
0x257: {  	p0 =	por p1, p1;
	p1 =	seq.s32 s8, $0x1  }
0x258: {  	p0 =	por @!p4 p1, p1;
	p4 =	seq.s32 s9, $0x1  }
0x259: {  	p1 =	por !p4, p2  }
0x25a: {  	s8 =	simm.s32 @!p1 $0x0  }
0x25b: {  	[sflag:s24] =	ssyncset.done $0x0;
	s8 =	simm.s32 @p1 $0x1  }
0x25c: {  	[sflag:s24] =	ssyncadd.s32 $0xFFFFC000;
	s5 =	simm.s32 @p6 $0x1;
	[smem:$0x7F4] =	sst s8  }
0x25d: {  	p4 =	por p5, p5;
	_ =	swait.ge @p6 [sflag:s5], $0x4000  }
0x25e: {  	p4 =	por @!p1 p0, p0;
	[sflag:s5] =	ssyncset.done @p6 $0x0  }
0x25f: {  	s8 =	simm.s32 @p6 $0x5200;
	[sflag:s5] =	ssyncadd.s32 @p6 $0xFFFFC000;
	s5 =	simm.s32 @p6 $0x0  }
0x260: {  	[hbm4b:s15+s5] =	stream.linear.scatter @p6 [tilespmem:s8], [sflag:$0x2], $0x4000, $0x38;
	[tilespmem:$0x11480] =	vst v63  }
0x261: {  	p0 =	por !p3, p2;
	p1 =	por @!p2 $0x0, $0x0;
	s5 =	simm.s32 @p6 $0x2  }
0x262: {  	p3 =	por $0x0, $0x0;
	p4 =	por @!p0 p1, p1;
	_ =	swait.ge @p6 [sflag:s5], $0x4000  }
0x263: {  	p3 =	por @!p2 p4, p4;
	[sflag:s5] =	ssyncset.done @p6 $0x0  }
0x264: {  	s10 =	sld [smem:$0x7F1];
	[sflag:s5] =	ssyncadd.s32 @p6 $0xFFFFC000;
	s5 =	simm.s32 @p3 $0x1  }
0x265: {  	_ =	swait.ge @p3 [sflag:s5], $0x4000  }
0x266: {  	s8 =	simm.s32 @p3 $0x9200;
	s20 =	sld [smem:$0x7F2]  }
0x267: {  	p4 =	seq.s32 s10, $0x1;
	s9 =	sld [smem:$0x7F3];
	[sflag:s5] =	ssyncset.done @p3 $0x0  }
0x268: {  	s10 =	sld [smem:$0x7F4];
	[sflag:s5] =	ssyncadd.s32 @p3 $0xFFFFC000;
	s5 =	simm.s32 @p3 $0x0  }
0x269: {  	[hbm4b:s16+s5] =	stream.linear.scatter @p3 [tilespmem:s8], [sflag:$0x2], $0x4000, $0x38;
	[tilespmem:$0x11480] =	vst v63  }
0x26a: {  	p4 =	por @!p4 $0x0, $0x0;
	p1 =	seq.s32 s20, $0x1;
	p6 =	seq.s32 s9, $0x1  }
0x26b: {  	p1 =	por @!p6 p4, p4;
	p4 =	seq.s32 s10, $0x1  }
0x26c: {  	s5 =	simm.s32 @p3 $0x2;
	p5 =	por @!p4 p1, p1;
	p1 =	por @!p2 $0x0, $0x0  }
0x26d: {  	_ =	swait.ge @p3 [sflag:s5], $0x4000;
	p5 =	por @!p0 p1, p1;
	p1 =	por $0x0, $0x0  }
0x26e: {  	[sflag:s5] =	ssyncset.done @p3 $0x0;
	p1 =	por @!p2 p5, p5  }
0x26f: {  	[sflag:s5] =	ssyncadd.s32 @p3 $0xFFFFC000;
	s5 =	simm.s32 @p1 $0x1  }
0x270: {  	s20 =	simm.s32 $0x0;
	_ =	swait.ge @p1 [sflag:s5], $0x4000  }
0x271: {  	p0 =	seq.s32 s0, s2;
	s8 =	simm.s32 @p1 $0xD200;
	[sflag:s5] =	ssyncset.done @p1 $0x0  }
0x272: {  	vm1 =	vmmov vm0;
	v3 =	vmov s4;
	v4 =	vmov s20;
	s2 =	simm.s32 @p1 $0x2;
	[sflag:s5] =	ssyncadd.s32 @p1 $0xFFFFC000;
	s5 =	simm.s32 @p1 $0x0  }
0x273: {  	v5 =	vor.u32 s20, v2;
	vm2 =	veq.s32 v4, v2;
	vm1 =	vmneg @p0 vm1;
	[hbm4b:s17+s5] =	stream.linear.scatter @p1 [tilespmem:s8], [sflag:$0x2], $0x4000, $0x38;
	[tilespmem:$0x11480] =	vst v63  }
0x274: {  	vm3 =	vlt.s32 v5, v3;
	vm2 =	vmand vm1, vm2;
	_ =	swait.ge @p1 [sflag:s2], $0x4000  }
0x275: {  	vm2 =	vmor vm3, vm2;
	[sflag:s2] =	ssyncset.done @p1 $0x0  }
0x276: {  	s0 =	simm.s32 $0x11280;
	v4 =	vsel vm2, $0x1, v1;
	[sflag:s2] =	ssyncadd.s32 @p1 $0xFFFFC000  }
0x277: {  	s2 =	simm.s32 $0x10;
	[tilespmem:s0+$0x0] =	vst v4  }
.LBB2_16:
0x278: {  	v4 =	vmov s2;
	p0 =	sne.s32 s2, $0x1F0;
	s4 =	smov.u32 s2;
	s2 =	sadd.s32 $0x10, s2  }
.Ltmp7:
0x279: {  	v5 =	vor.u32 s4, v2;
	vm2 =	veq.s32 v4, v2;
	(pc) =	sbr.rel @p0 .LBB2_16-.Ltmp7, $4  }
0x27a: {  	vm3 =	vlt.s32 v5, v3;
	vm2 =	vmand vm1, vm2  }
0x27b: {  	vm2 =	vmor vm3, vm2  }
0x27c: {  	s0 =	sadd.s32 $0x10, s0;
	v4 =	vsel vm2, $0x1, v1  }
0x27d: {  	[tilespmem:s0+$0x0] =	vst v4  }
0x27e: {  	s31 =	sadd.s32 $0x1, s31  }
0x27f: {  	p0 =	sne.s32 s31, s19  }
.Ltmp8:
0x280: {  	_ = 	snop;
	(pc) =	sbr.rel @p0 .LBB2_1-.Ltmp8, $4  }
0x281: {  	[hbm4b:s18+s22] =	stream.strided.scatter [tilespmem:s30], [sflag:$0x2], $0x200, s23, s22, $0x38;
	[tilespmem:$0x11480] =	vst v63  }
0x282: {  	_ =	swait.ge [sflag:s24], $0x200  }
0x283: {  	[sflag:s24] =	ssyncset.done $0x0  }
0x284: {  	[sflag:s24] =	ssyncadd.s32 $0xFFFFFE00  }
0x285: {  	_ =	sfence.sel $0x180000  }
0x286: {  	[bflag:$0x0] =	sbarrier.arrive $0xFFFF  }
0x287: {  	_ =	strace $0x9000004A  }
0x288: {  	s0 =	stileid.u32;
	[bflag:$0x2] =	sbarrier.arrive $0xFFFF  }
0x289: {  	p0 =	sne.s32 s0, $0x0;
	s0 =	rddreg [dreg:$0x4]  }
0x28a: {  	s0 =	sadd.s32 @!p0 $0x100000, s0  }
0x28b: {  	[sflag:s0] =	ssyncadd.tile.s32 @!p0 $0x1;
	_ =	shalt  }
.Lfunc_end2:
_tile_overlayer_lowered:
.L_overlay_start_2:
0x28c: {  	(tag) =	ssettag $0x2  }
0x28d: {  	s0 =	rddreg [dreg:$0x0];
	s2 =	stileid.u32  }
0x28e: {  	s1 =	rddreg [dreg:$0x1];
	p0 =	sne.s32 s2, $0x0  }
0x28f: {  	s3 =	rddreg [dreg:$0x2];
	[bflag:$0x3] =	sbarrier.arrive $0xFFFF;
	s2 =	simm.s32 @!p0 $0x1C02  }
0x290: {  	[timem:s3], [sflag:s2] =	dma.local @!p0 [hbm:s0], s1  }
0x291: {  	s0 =	simm.s32 @!p0 $0x2  }
0x292: {  	_ =	swait.ge @!p0 [sflag:s0], s1  }
0x293: {  	s1 =	ssub.s32 @!p0 $0x0, s1;
	[sflag:s0] =	ssyncset.done @!p0 $0x0  }
0x294: {  	[sflag:s0] =	ssyncadd.s32 @!p0 s1  }
0x295: {  	[bflag:$0x3] =	sbarrier.arrive $0xFFFF  }
0x296: {  	_ =	shalt  }

</sc_bundles>
